<compile_context>
chip_gen: v7x
topology: tpu7x:2x2x1
jax: 0.10.2.dev20260603
libtpu: 0.0.44.dev20260713+nightly
codegen_flags: <defaults>
</compile_context>

<pallas_src>
import functools

import jax
import jax.numpy as jnp
from jax import lax
from jax.experimental import pallas as pl
from jax.experimental.pallas import tpu as pltpu
from jax.experimental.pallas import tpu_sc as plsc

B = 1024
N = 100000
D = 64
DP = 128
C = 3000
TEMP = 0.05

NC = 2
NS = 16
NW = NC * NS
CHUNK = 128
CPW = 25
NP = NW * CPW * CHUNK
C_PAD = 3072
CNT_W = 16
STRIPE = C_PAD // NS
TB = B // NW

NBUF = 8
DEPTH = 4

BB = 256
GRID = B // BB


_sc_mesh = plsc.VectorSubcoreMesh(core_axis_name="c", subcore_axis_name="s")


@functools.partial(
    pl.kernel,
    out_type=[
        jax.ShapeDtypeStruct((NC, C_PAD, D), jnp.float32),
        jax.ShapeDtypeStruct((NC, C_PAD, CNT_W), jnp.float32),
        jax.ShapeDtypeStruct((B,), jnp.int32),
    ],
    mesh=_sc_mesh,
    scratch_types=[
        pltpu.VMEM((CPW * CHUNK,), jnp.int32),
        pltpu.VMEM((NBUF, CHUNK, D), jnp.float32),
        pltpu.VMEM((CHUNK, CNT_W), jnp.float32),
        pltpu.VMEM((STRIPE, D), jnp.float32),
        pltpu.VMEM((STRIPE, CNT_W), jnp.float32),
        pltpu.VMEM((TB,), jnp.int32),
        pltpu.VMEM((TB,), jnp.int32),
        pltpu.SemaphoreType.DMA,
        pltpu.SemaphoreType.DMA,
        pltpu.SemaphoreType.DMA,
    ] + [pltpu.SemaphoreType.DMA] * NBUF
      + [pltpu.SemaphoreType.DMA] * NBUF
      + [
        pltpu.VMEM_SHARED((C_PAD, D), jnp.float32),
        pltpu.VMEM_SHARED((C_PAD, CNT_W), jnp.float32),
    ],
    compiler_params=pltpu.CompilerParams(use_tc_tiling_on_sc=False),
)
def _sc_segment_sum(feat_hbm, lbl_hbm, idxs_hbm, featout, cntout, tgtout,
                    lbl_v, feat_v, ones_v, zf_v, zc_v, tidx_v, tgt_v,
                    sem_l, sem_c, sem_t, *rest):
    sem_ld = rest[:NBUF]
    sem_sc = rest[NBUF:2 * NBUF]
    acc_f, acc_c = rest[2 * NBUF:]
    cid = lax.axis_index("c")
    sid = lax.axis_index("s")
    wid = sid * NC + cid
    iota16 = lax.iota(jnp.int32, 16)
    zero16 = jnp.zeros((16,), jnp.float32)
    one0 = jnp.where(iota16 == 0, 1.0, 0.0).astype(jnp.float32)

    def chunk_rows(j):
        return pl.ds((wid + j * NW) * CHUNK, CHUNK)

    def lbl_idx(j):
        return lbl_v.at[pl.ds(j * CHUNK, CHUNK)]

    lbl_loads = [
        pltpu.async_copy(lbl_hbm.at[chunk_rows(j)],
                         lbl_v.at[pl.ds(j * CHUNK, CHUNK)], sem_l)
        for j in range(CPW)
    ]
    load_h = [None] * CPW
    for j in range(DEPTH):
        load_h[j] = pltpu.async_copy(
            feat_hbm.at[chunk_rows(j), pl.ds(0, D)],
            feat_v.at[j % NBUF], sem_ld[j % NBUF])

    def _fill(r, carry):
        for c4 in range(D // 16):
            zf_v[r, pl.ds(c4 * 16, 16)] = zero16
        zc_v[r, pl.ds(0, 16)] = zero16
        return carry
    lax.fori_loop(0, STRIPE, _fill, 0)

    def _fill_ones(r, carry):
        ones_v[r, pl.ds(0, 16)] = one0
        return carry
    lax.fori_loop(0, CHUNK, _fill_ones, 0)

    row0 = sid * STRIPE
    pltpu.sync_copy(zf_v, acc_f.at[pl.ds(row0, STRIPE)])
    pltpu.sync_copy(zc_v, acc_c.at[pl.ds(row0, STRIPE)])
    plsc.subcore_barrier()

    tb0 = wid * TB
    pltpu.sync_copy(idxs_hbm.at[pl.ds(tb0, TB)], tidx_v)
    tgt_gather = pltpu.async_copy(lbl_hbm.at[tidx_v], tgt_v, sem_t)

    for h in lbl_loads:
        h.wait()

    scat_h = [None] * CPW
    scat_done = [False] * CPW
    cnt_h = []
    for j in range(CPW):
        load_h[j].wait()
        scat_h[j] = pltpu.async_copy(
            feat_v.at[j % NBUF], acc_f.at[lbl_idx(j)],
            sem_sc[j % NBUF], add=True)
        cnt_h.append(
            pltpu.async_copy(ones_v, acc_c.at[lbl_idx(j)], sem_c, add=True))
        nxt = j + DEPTH
        if nxt < CPW:
            prev = nxt - NBUF
            if prev >= 0:
                scat_h[prev].wait()
                scat_done[prev] = True
            load_h[nxt] = pltpu.async_copy(
                feat_hbm.at[chunk_rows(nxt), pl.ds(0, D)],
                feat_v.at[nxt % NBUF], sem_ld[nxt % NBUF])
    for j in range(CPW):
        if not scat_done[j]:
            scat_h[j].wait()
    for h in cnt_h:
        h.wait()

    tgt_gather.wait()
    pltpu.sync_copy(tgt_v, tgtout.at[pl.ds(tb0, TB)])

    plsc.subcore_barrier()
    pltpu.sync_copy(acc_f.at[pl.ds(row0, STRIPE)],
                    featout.at[cid, pl.ds(row0, STRIPE)])
    pltpu.sync_copy(acc_c.at[pl.ds(row0, STRIPE)],
                    cntout.at[cid, pl.ds(row0, STRIPE)])


def _tc_body(x_ref, fp_ref, cp_ref, t_ref, out_ref):
    i = pl.program_id(0)
    fp = fp_ref[...]
    cs = fp[0] + fp[1]
    cp = cp_ref[...]
    cnt = jnp.sum(cp[0] + cp[1], axis=1, keepdims=True)
    rowid = lax.broadcasted_iota(jnp.int32, (C_PAD, 1), 0)
    nonempty = cnt > 0.0
    valid = jnp.logical_and(nonempty, rowid < C)
    denom = jnp.where(nonempty, cnt, 1.0)
    csw = cs * ((1.0 / TEMP) / denom)
    x = x_ref[...]
    vt = lax.dot_general(csw, x, (((1,), (1,)), ((), ())),
                         preferred_element_type=jnp.float32)
    et = jnp.exp(vt) * valid.astype(jnp.float32)
    s = jnp.sum(et, axis=0, keepdims=True)
    t = t_ref[0]
    cid2 = lax.broadcasted_iota(jnp.int32, (C_PAD, BB), 0)
    oh = (cid2 == t).astype(jnp.float32)
    val_t = jnp.sum(et * oh, axis=0, keepdims=True)
    lp = jnp.log(val_t / (s + 1e-6) + 1e-6)
    part = jnp.sum(lp, axis=1, keepdims=True)

    @pl.when(i == 0)
    def _():
        out_ref[...] = jnp.zeros_like(out_ref)

    out_ref[...] += part

    @pl.when(i == GRID - 1)
    def _():
        out_ref[...] = out_ref[...] * (-1.0 / B)


def _tc_loss(x, fp, cp, t3):
    return pl.pallas_call(
        _tc_body,
        grid=(GRID,),
        in_specs=[
            pl.BlockSpec((BB, D), lambda i: (i, 0)),
            pl.BlockSpec((NC, C_PAD, D), lambda i: (0, 0, 0)),
            pl.BlockSpec((NC, C_PAD, CNT_W), lambda i: (0, 0, 0)),
            pl.BlockSpec((1, 1, BB), lambda i: (i, 0, 0)),
        ],
        out_specs=pl.BlockSpec((1, 1), lambda i: (0, 0)),
        out_shape=jax.ShapeDtypeStruct((1, 1), jnp.float32),
    )(x, fp, cp, t3)


def kernel(inputs, indexes, features, labels, domain=0):
    featp = jnp.pad(features, ((0, NP - N), (0, DP - D)))
    lblp = jnp.pad(labels, (0, NP - N), constant_values=C)
    feat_p, cnt_p, targets = _sc_segment_sum(featp, lblp, indexes)
    t3 = jnp.reshape(targets, (GRID, 1, BB))
    loss = _tc_loss(inputs, feat_p, cnt_p, t3)
    return jnp.reshape(loss, ())

# --- scband reference (transcript-rebuilt; emitter-appended) ---
"""Pipeline reference for scband-hybrid-memory-63745904607628 (READ-ONLY COPY).

The authoritative reference and input builder live on the scoring server;
editing this copy changes nothing except your own understanding.
"""

import jax, jax.numpy as jnp
import numpy as np

B = 1024
N = 100000
D = 64
NUM_CLUSTERS = 3000
TEMP = 0.05


def _l2norm(x):
    return x / (jnp.linalg.norm(x, axis=1, keepdims=True) + 1e-12)


def setup_inputs(seed: int = 0) -> dict:
    key = jax.random.key(seed)
    k1, k2, k3, k4 = jax.random.split(key, 4)
    # inputs and memory-bank features are L2-normalized embeddings, as in the
    # real contrastive-memory usage (keeps exp(sim/temp) finite).
    inputs = _l2norm(jax.random.normal(k1, (B, D), dtype=jnp.float32))
    indexes = jax.random.randint(k2, (B,), 0, N, dtype=jnp.int32)
    features = _l2norm(jax.random.normal(k3, (N, D), dtype=jnp.float32))
    labels = jax.random.randint(k4, (N,), 0, NUM_CLUSTERS, dtype=jnp.int32)
    return {"inputs": inputs, "indexes": indexes, "features": features, "labels": labels, "domain": 0}


def reference(inputs, indexes, features, labels, domain=0) -> jnp.ndarray:
    # HM.forward: similarity vs full memory bank
    out = inputs @ features.T  # [B, N]
    out = out / TEMP
    b = inputs.shape[0]
    C = NUM_CLUSTERS
    # sim.index_add_(0, labels, inputs.t()) -> segment sum of out.T over labels
    sim = jax.ops.segment_sum(out.T, labels, num_segments=C)  # [C, B]
    nums = jax.ops.segment_sum(jnp.ones((labels.shape[0], 1), jnp.float32), labels, num_segments=C)  # [C,1]
    mask = (nums > 0).astype(jnp.float32)
    sim = sim / (mask * nums + (1.0 - mask))
    mask_b = jnp.broadcast_to(mask, sim.shape)
    # masked_softmax over clusters (dim=1 after transpose)
    vec = sim.T  # [B, C]
    m = mask_b.T  # [B, C]
    exps = jnp.exp(vec)
    masked_exps = exps * m
    masked_sums = jnp.sum(masked_exps, axis=1, keepdims=True) + 1e-06
    masked_sim = masked_exps / masked_sums
    targets = labels[indexes]  # [B]
    logp = jnp.log(masked_sim + 1e-06)
    loss = -jnp.mean(logp[jnp.arange(b), targets])
    return loss

if __name__ == "__main__":
    import jax
    _d = setup_inputs()
    print(jax.jit(kernel)(*tuple(_d.values())))

</pallas_src>

<mosaic_0001>
#map = affine_map<(d0, d1) -> (0, 0)>
#map1 = affine_map<(d0, d1) -> (0)>
#map2 = affine_map<(d0, d1) -> (0, 0, 0)>
module attributes {stable_mosaic.version = 14 : i64} {
  func.func @_sc_segment_sum(%arg0: i32, %arg1: i32, %arg2: memref<102400x128xf32, #tpu.memory_space<hbm>>, %arg3: memref<102400xi32, #tpu.memory_space<hbm>>, %arg4: memref<1024xi32, #tpu.memory_space<hbm>>, %arg5: memref<2x3072x64xf32, #tpu.memory_space<hbm>>, %arg6: memref<2x3072x16xf32, #tpu.memory_space<hbm>>, %arg7: memref<1024xi32, #tpu.memory_space<hbm>>, %arg8: memref<3200xi32, #tpu.memory_space<vmem>>, %arg9: memref<8x128x64xf32, #tpu.memory_space<vmem>>, %arg10: memref<128x16xf32, #tpu.memory_space<vmem>>, %arg11: memref<192x64xf32, #tpu.memory_space<vmem>>, %arg12: memref<192x16xf32, #tpu.memory_space<vmem>>, %arg13: memref<32xi32, #tpu.memory_space<vmem>>, %arg14: memref<32xi32, #tpu.memory_space<vmem>>, %arg15: memref<!tpu.dma_semaphore, #tpu.memory_space<semaphore_mem>>, %arg16: memref<!tpu.dma_semaphore, #tpu.memory_space<semaphore_mem>>, %arg17: memref<!tpu.dma_semaphore, #tpu.memory_space<semaphore_mem>>, %arg18: memref<!tpu.dma_semaphore, #tpu.memory_space<semaphore_mem>>, %arg19: memref<!tpu.dma_semaphore, #tpu.memory_space<semaphore_mem>>, %arg20: memref<!tpu.dma_semaphore, #tpu.memory_space<semaphore_mem>>, %arg21: memref<!tpu.dma_semaphore, #tpu.memory_space<semaphore_mem>>, %arg22: memref<!tpu.dma_semaphore, #tpu.memory_space<semaphore_mem>>, %arg23: memref<!tpu.dma_semaphore, #tpu.memory_space<semaphore_mem>>, %arg24: memref<!tpu.dma_semaphore, #tpu.memory_space<semaphore_mem>>, %arg25: memref<!tpu.dma_semaphore, #tpu.memory_space<semaphore_mem>>, %arg26: memref<!tpu.dma_semaphore, #tpu.memory_space<semaphore_mem>>, %arg27: memref<!tpu.dma_semaphore, #tpu.memory_space<semaphore_mem>>, %arg28: memref<!tpu.dma_semaphore, #tpu.memory_space<semaphore_mem>>, %arg29: memref<!tpu.dma_semaphore, #tpu.memory_space<semaphore_mem>>, %arg30: memref<!tpu.dma_semaphore, #tpu.memory_space<semaphore_mem>>, %arg31: memref<!tpu.dma_semaphore, #tpu.memory_space<semaphore_mem>>, %arg32: memref<!tpu.dma_semaphore, #tpu.memory_space<semaphore_mem>>, %arg33: memref<!tpu.dma_semaphore, #tpu.memory_space<semaphore_mem>>, %arg34: memref<3072x64xf32, #tpu.memory_space<vmem_shared>>, %arg35: memref<3072x16xf32, #tpu.memory_space<vmem_shared>>) attributes {dimension_semantics = [#tpu.dimension_semantics<core_parallel>, #tpu.dimension_semantics<subcore_parallel>], iteration_bounds = array<i64: 2, 16>, scalar_prefetch = 0 : i64, scratch_operands = 28 : i64, tpu.core_type = #tpu.core_type<sc_vector_subcore>, window_params = [{transform_indices = #map}, {transform_indices = #map1}, {transform_indices = #map1}, {transform_indices = #map2}, {transform_indices = #map2}, {transform_indices = #map1}]} {
    %mul3A = arith.constant 2 : i32
    %mul3A_0 = arith.muli %arg1, %mul3A : i32
    %add3A = arith.addi %mul3A_0, %arg0 : i32
    %iota3A = tpu.iota {dimensions = array<i32: 0>} : vector<16xi32>
    %broadcast_in_dim3A = arith.constant 0.000000e+00 : f32
    %broadcast_in_dim3A_1 = vector.broadcast %broadcast_in_dim3A : f32 to vector<16xf32>
    %eq3A = arith.constant 0 : i32
    %eq3A_2 = vector.broadcast %eq3A : i32 to vector<16xi32>
    %eq3A_3 = arith.cmpi eq, %iota3A, %eq3A_2 : vector<16xi32>
    %jit3A = arith.constant 1.000000e+00 : f32
    %jit3A_4 = arith.constant 0.000000e+00 : f32
    %broadcast_in_dim3A_5 = vector.broadcast %jit3A : f32 to vector<16xf32>
    %broadcast_in_dim3A_6 = vector.broadcast %jit3A_4 : f32 to vector<16xf32>
    %select_n3A = arith.select %eq3A_3, %broadcast_in_dim3A_5, %broadcast_in_dim3A_6 : vector<16xi1>, vector<16xf32>
    %add3A_7 = arith.constant 0 : i32
    %add3A_8 = arith.addi %add3A, %add3A_7 : i32
    %mul3A_9 = arith.constant 128 : i32
    %mul3A_10 = arith.muli %add3A_8, %mul3A_9 : i32
    %dma_start3A = arith.constant 0 : i32
    %dma_start3A_11 = tpu.memref_slice %arg8[%dma_start3A] : memref<3200xi32, #tpu.memory_space<vmem>> -> memref<128xi32, #tpu.memory_space<vmem>>
    %dma_start3A_12 = tpu.memref_slice %arg3[%mul3A_10] : memref<102400xi32, #tpu.memory_space<hbm>> -> memref<128xi32, #tpu.memory_space<hbm>>
    %dma_start3A_13 = arith.constant 0 : i32
    %dma_start3A_14 = tpu.memref_slice %arg8[%dma_start3A_13] : memref<3200xi32, #tpu.memory_space<vmem>> -> memref<128xi32, #tpu.memory_space<vmem>>
    %dma_start3A_15 = tpu.memref_slice %arg3[%mul3A_10] : memref<102400xi32, #tpu.memory_space<hbm>> -> memref<128xi32, #tpu.memory_space<hbm>>
    tpu.enqueue_dma source(%dma_start3A_15 : memref<128xi32, #tpu.memory_space<hbm>>) target(%dma_start3A_14 : memref<128xi32, #tpu.memory_space<vmem>>) target_semaphore(%arg15 : memref<!tpu.dma_semaphore, #tpu.memory_space<semaphore_mem>>)
    %add3A_16 = arith.constant 32 : i32
    %add3A_17 = arith.addi %add3A, %add3A_16 : i32
    %mul3A_18 = arith.constant 128 : i32
    %mul3A_19 = arith.muli %add3A_17, %mul3A_18 : i32
    %dma_start3A_20 = arith.constant 128 : i32
    %dma_start3A_21 = tpu.memref_slice %arg8[%dma_start3A_20] : memref<3200xi32, #tpu.memory_space<vmem>> -> memref<128xi32, #tpu.memory_space<vmem>>
    %dma_start3A_22 = tpu.memref_slice %arg3[%mul3A_19] : memref<102400xi32, #tpu.memory_space<hbm>> -> memref<128xi32, #tpu.memory_space<hbm>>
    %dma_start3A_23 = arith.constant 128 : i32
    %dma_start3A_24 = tpu.memref_slice %arg8[%dma_start3A_23] : memref<3200xi32, #tpu.memory_space<vmem>> -> memref<128xi32, #tpu.memory_space<vmem>>
    %dma_start3A_25 = tpu.memref_slice %arg3[%mul3A_19] : memref<102400xi32, #tpu.memory_space<hbm>> -> memref<128xi32, #tpu.memory_space<hbm>>
    tpu.enqueue_dma source(%dma_start3A_25 : memref<128xi32, #tpu.memory_space<hbm>>) target(%dma_start3A_24 : memref<128xi32, #tpu.memory_space<vmem>>) target_semaphore(%arg15 : memref<!tpu.dma_semaphore, #tpu.memory_space<semaphore_mem>>)
    %add3A_26 = arith.constant 64 : i32
    %add3A_27 = arith.addi %add3A, %add3A_26 : i32
    %mul3A_28 = arith.constant 128 : i32
    %mul3A_29 = arith.muli %add3A_27, %mul3A_28 : i32
    %dma_start3A_30 = arith.constant 256 : i32
    %dma_start3A_31 = tpu.memref_slice %arg8[%dma_start3A_30] : memref<3200xi32, #tpu.memory_space<vmem>> -> memref<128xi32, #tpu.memory_space<vmem>>
    %dma_start3A_32 = tpu.memref_slice %arg3[%mul3A_29] : memref<102400xi32, #tpu.memory_space<hbm>> -> memref<128xi32, #tpu.memory_space<hbm>>
    %dma_start3A_33 = arith.constant 256 : i32
    %dma_start3A_34 = tpu.memref_slice %arg8[%dma_start3A_33] : memref<3200xi32, #tpu.memory_space<vmem>> -> memref<128xi32, #tpu.memory_space<vmem>>
    %dma_start3A_35 = tpu.memref_slice %arg3[%mul3A_29] : memref<102400xi32, #tpu.memory_space<hbm>> -> memref<128xi32, #tpu.memory_space<hbm>>
    tpu.enqueue_dma source(%dma_start3A_35 : memref<128xi32, #tpu.memory_space<hbm>>) target(%dma_start3A_34 : memref<128xi32, #tpu.memory_space<vmem>>) target_semaphore(%arg15 : memref<!tpu.dma_semaphore, #tpu.memory_space<semaphore_mem>>)
    %add3A_36 = arith.constant 96 : i32
    %add3A_37 = arith.addi %add3A, %add3A_36 : i32
    %mul3A_38 = arith.constant 128 : i32
    %mul3A_39 = arith.muli %add3A_37, %mul3A_38 : i32
    %dma_start3A_40 = arith.constant 384 : i32
    %dma_start3A_41 = tpu.memref_slice %arg8[%dma_start3A_40] : memref<3200xi32, #tpu.memory_space<vmem>> -> memref<128xi32, #tpu.memory_space<vmem>>
    %dma_start3A_42 = tpu.memref_slice %arg3[%mul3A_39] : memref<102400xi32, #tpu.memory_space<hbm>> -> memref<128xi32, #tpu.memory_space<hbm>>
    %dma_start3A_43 = arith.constant 384 : i32
    %dma_start3A_44 = tpu.memref_slice %arg8[%dma_start3A_43] : memref<3200xi32, #tpu.memory_space<vmem>> -> memref<128xi32, #tpu.memory_space<vmem>>
    %dma_start3A_45 = tpu.memref_slice %arg3[%mul3A_39] : memref<102400xi32, #tpu.memory_space<hbm>> -> memref<128xi32, #tpu.memory_space<hbm>>
    tpu.enqueue_dma source(%dma_start3A_45 : memref<128xi32, #tpu.memory_space<hbm>>) target(%dma_start3A_44 : memref<128xi32, #tpu.memory_space<vmem>>) target_semaphore(%arg15 : memref<!tpu.dma_semaphore, #tpu.memory_space<semaphore_mem>>)
    %add3A_46 = arith.constant 128 : i32
    %add3A_47 = arith.addi %add3A, %add3A_46 : i32
    %mul3A_48 = arith.constant 128 : i32
    %mul3A_49 = arith.muli %add3A_47, %mul3A_48 : i32
    %dma_start3A_50 = arith.constant 512 : i32
    %dma_start3A_51 = tpu.memref_slice %arg8[%dma_start3A_50] : memref<3200xi32, #tpu.memory_space<vmem>> -> memref<128xi32, #tpu.memory_space<vmem>>
    %dma_start3A_52 = tpu.memref_slice %arg3[%mul3A_49] : memref<102400xi32, #tpu.memory_space<hbm>> -> memref<128xi32, #tpu.memory_space<hbm>>
    %dma_start3A_53 = arith.constant 512 : i32
    %dma_start3A_54 = tpu.memref_slice %arg8[%dma_start3A_53] : memref<3200xi32, #tpu.memory_space<vmem>> -> memref<128xi32, #tpu.memory_space<vmem>>
    %dma_start3A_55 = tpu.memref_slice %arg3[%mul3A_49] : memref<102400xi32, #tpu.memory_space<hbm>> -> memref<128xi32, #tpu.memory_space<hbm>>
    tpu.enqueue_dma source(%dma_start3A_55 : memref<128xi32, #tpu.memory_space<hbm>>) target(%dma_start3A_54 : memref<128xi32, #tpu.memory_space<vmem>>) target_semaphore(%arg15 : memref<!tpu.dma_semaphore, #tpu.memory_space<semaphore_mem>>)
    %add3A_56 = arith.constant 160 : i32
    %add3A_57 = arith.addi %add3A, %add3A_56 : i32
    %mul3A_58 = arith.constant 128 : i32
    %mul3A_59 = arith.muli %add3A_57, %mul3A_58 : i32
    %dma_start3A_60 = arith.constant 640 : i32
    %dma_start3A_61 = tpu.memref_slice %arg8[%dma_start3A_60] : memref<3200xi32, #tpu.memory_space<vmem>> -> memref<128xi32, #tpu.memory_space<vmem>>
    %dma_start3A_62 = tpu.memref_slice %arg3[%mul3A_59] : memref<102400xi32, #tpu.memory_space<hbm>> -> memref<128xi32, #tpu.memory_space<hbm>>
    %dma_start3A_63 = arith.constant 640 : i32
    %dma_start3A_64 = tpu.memref_slice %arg8[%dma_start3A_63] : memref<3200xi32, #tpu.memory_space<vmem>> -> memref<128xi32, #tpu.memory_space<vmem>>
    %dma_start3A_65 = tpu.memref_slice %arg3[%mul3A_59] : memref<102400xi32, #tpu.memory_space<hbm>> -> memref<128xi32, #tpu.memory_space<hbm>>
    tpu.enqueue_dma source(%dma_start3A_65 : memref<128xi32, #tpu.memory_space<hbm>>) target(%dma_start3A_64 : memref<128xi32, #tpu.memory_space<vmem>>) target_semaphore(%arg15 : memref<!tpu.dma_semaphore, #tpu.memory_space<semaphore_mem>>)
    %add3A_66 = arith.constant 192 : i32
    %add3A_67 = arith.addi %add3A, %add3A_66 : i32
    %mul3A_68 = arith.constant 128 : i32
    %mul3A_69 = arith.muli %add3A_67, %mul3A_68 : i32
    %dma_start3A_70 = arith.constant 768 : i32
    %dma_start3A_71 = tpu.memref_slice %arg8[%dma_start3A_70] : memref<3200xi32, #tpu.memory_space<vmem>> -> memref<128xi32, #tpu.memory_space<vmem>>
    %dma_start3A_72 = tpu.memref_slice %arg3[%mul3A_69] : memref<102400xi32, #tpu.memory_space<hbm>> -> memref<128xi32, #tpu.memory_space<hbm>>
    %dma_start3A_73 = arith.constant 768 : i32
    %dma_start3A_74 = tpu.memref_slice %arg8[%dma_start3A_73] : memref<3200xi32, #tpu.memory_space<vmem>> -> memref<128xi32, #tpu.memory_space<vmem>>
    %dma_start3A_75 = tpu.memref_slice %arg3[%mul3A_69] : memref<102400xi32, #tpu.memory_space<hbm>> -> memref<128xi32, #tpu.memory_space<hbm>>
    tpu.enqueue_dma source(%dma_start3A_75 : memref<128xi32, #tpu.memory_space<hbm>>) target(%dma_start3A_74 : memref<128xi32, #tpu.memory_space<vmem>>) target_semaphore(%arg15 : memref<!tpu.dma_semaphore, #tpu.memory_space<semaphore_mem>>)
    %add3A_76 = arith.constant 224 : i32
    %add3A_77 = arith.addi %add3A, %add3A_76 : i32
    %mul3A_78 = arith.constant 128 : i32
    %mul3A_79 = arith.muli %add3A_77, %mul3A_78 : i32
    %dma_start3A_80 = arith.constant 896 : i32
    %dma_start3A_81 = tpu.memref_slice %arg8[%dma_start3A_80] : memref<3200xi32, #tpu.memory_space<vmem>> -> memref<128xi32, #tpu.memory_space<vmem>>
    %dma_start3A_82 = tpu.memref_slice %arg3[%mul3A_79] : memref<102400xi32, #tpu.memory_space<hbm>> -> memref<128xi32, #tpu.memory_space<hbm>>
    %dma_start3A_83 = arith.constant 896 : i32
    %dma_start3A_84 = tpu.memref_slice %arg8[%dma_start3A_83] : memref<3200xi32, #tpu.memory_space<vmem>> -> memref<128xi32, #tpu.memory_space<vmem>>
    %dma_start3A_85 = tpu.memref_slice %arg3[%mul3A_79] : memref<102400xi32, #tpu.memory_space<hbm>> -> memref<128xi32, #tpu.memory_space<hbm>>
    tpu.enqueue_dma source(%dma_start3A_85 : memref<128xi32, #tpu.memory_space<hbm>>) target(%dma_start3A_84 : memref<128xi32, #tpu.memory_space<vmem>>) target_semaphore(%arg15 : memref<!tpu.dma_semaphore, #tpu.memory_space<semaphore_mem>>)
    %add3A_86 = arith.constant 256 : i32
    %add3A_87 = arith.addi %add3A, %add3A_86 : i32
    %mul3A_88 = arith.constant 128 : i32
    %mul3A_89 = arith.muli %add3A_87, %mul3A_88 : i32
    %dma_start3A_90 = arith.constant 1024 : i32
    %dma_start3A_91 = tpu.memref_slice %arg8[%dma_start3A_90] : memref<3200xi32, #tpu.memory_space<vmem>> -> memref<128xi32, #tpu.memory_space<vmem>>
    %dma_start3A_92 = tpu.memref_slice %arg3[%mul3A_89] : memref<102400xi32, #tpu.memory_space<hbm>> -> memref<128xi32, #tpu.memory_space<hbm>>
    %dma_start3A_93 = arith.constant 1024 : i32
    %dma_start3A_94 = tpu.memref_slice %arg8[%dma_start3A_93] : memref<3200xi32, #tpu.memory_space<vmem>> -> memref<128xi32, #tpu.memory_space<vmem>>
    %dma_start3A_95 = tpu.memref_slice %arg3[%mul3A_89] : memref<102400xi32, #tpu.memory_space<hbm>> -> memref<128xi32, #tpu.memory_space<hbm>>
    tpu.enqueue_dma source(%dma_start3A_95 : memref<128xi32, #tpu.memory_space<hbm>>) target(%dma_start3A_94 : memref<128xi32, #tpu.memory_space<vmem>>) target_semaphore(%arg15 : memref<!tpu.dma_semaphore, #tpu.memory_space<semaphore_mem>>)
    %add3A_96 = arith.constant 288 : i32
    %add3A_97 = arith.addi %add3A, %add3A_96 : i32
    %mul3A_98 = arith.constant 128 : i32
    %mul3A_99 = arith.muli %add3A_97, %mul3A_98 : i32
    %dma_start3A_100 = arith.constant 1152 : i32
    %dma_start3A_101 = tpu.memref_slice %arg8[%dma_start3A_100] : memref<3200xi32, #tpu.memory_space<vmem>> -> memref<128xi32, #tpu.memory_space<vmem>>
    %dma_start3A_102 = tpu.memref_slice %arg3[%mul3A_99] : memref<102400xi32, #tpu.memory_space<hbm>> -> memref<128xi32, #tpu.memory_space<hbm>>
    %dma_start3A_103 = arith.constant 1152 : i32
    %dma_start3A_104 = tpu.memref_slice %arg8[%dma_start3A_103] : memref<3200xi32, #tpu.memory_space<vmem>> -> memref<128xi32, #tpu.memory_space<vmem>>
    %dma_start3A_105 = tpu.memref_slice %arg3[%mul3A_99] : memref<102400xi32, #tpu.memory_space<hbm>> -> memref<128xi32, #tpu.memory_space<hbm>>
    tpu.enqueue_dma source(%dma_start3A_105 : memref<128xi32, #tpu.memory_space<hbm>>) target(%dma_start3A_104 : memref<128xi32, #tpu.memory_space<vmem>>) target_semaphore(%arg15 : memref<!tpu.dma_semaphore, #tpu.memory_space<semaphore_mem>>)
    %add3A_106 = arith.constant 320 : i32
    %add3A_107 = arith.addi %add3A, %add3A_106 : i32
    %mul3A_108 = arith.constant 128 : i32
    %mul3A_109 = arith.muli %add3A_107, %mul3A_108 : i32
    %dma_start3A_110 = arith.constant 1280 : i32
    %dma_start3A_111 = tpu.memref_slice %arg8[%dma_start3A_110] : memref<3200xi32, #tpu.memory_space<vmem>> -> memref<128xi32, #tpu.memory_space<vmem>>
    %dma_start3A_112 = tpu.memref_slice %arg3[%mul3A_109] : memref<102400xi32, #tpu.memory_space<hbm>> -> memref<128xi32, #tpu.memory_space<hbm>>
    %dma_start3A_113 = arith.constant 1280 : i32
    %dma_start3A_114 = tpu.memref_slice %arg8[%dma_start3A_113] : memref<3200xi32, #tpu.memory_space<vmem>> -> memref<128xi32, #tpu.memory_space<vmem>>
    %dma_start3A_115 = tpu.memref_slice %arg3[%mul3A_109] : memref<102400xi32, #tpu.memory_space<hbm>> -> memref<128xi32, #tpu.memory_space<hbm>>
    tpu.enqueue_dma source(%dma_start3A_115 : memref<128xi32, #tpu.memory_space<hbm>>) target(%dma_start3A_114 : memref<128xi32, #tpu.memory_space<vmem>>) target_semaphore(%arg15 : memref<!tpu.dma_semaphore, #tpu.memory_space<semaphore_mem>>)
    %add3A_116 = arith.constant 352 : i32
    %add3A_117 = arith.addi %add3A, %add3A_116 : i32
    %mul3A_118 = arith.constant 128 : i32
    %mul3A_119 = arith.muli %add3A_117, %mul3A_118 : i32
    %dma_start3A_120 = arith.constant 1408 : i32
    %dma_start3A_121 = tpu.memref_slice %arg8[%dma_start3A_120] : memref<3200xi32, #tpu.memory_space<vmem>> -> memref<128xi32, #tpu.memory_space<vmem>>
    %dma_start3A_122 = tpu.memref_slice %arg3[%mul3A_119] : memref<102400xi32, #tpu.memory_space<hbm>> -> memref<128xi32, #tpu.memory_space<hbm>>
    %dma_start3A_123 = arith.constant 1408 : i32
    %dma_start3A_124 = tpu.memref_slice %arg8[%dma_start3A_123] : memref<3200xi32, #tpu.memory_space<vmem>> -> memref<128xi32, #tpu.memory_space<vmem>>
    %dma_start3A_125 = tpu.memref_slice %arg3[%mul3A_119] : memref<102400xi32, #tpu.memory_space<hbm>> -> memref<128xi32, #tpu.memory_space<hbm>>
    tpu.enqueue_dma source(%dma_start3A_125 : memref<128xi32, #tpu.memory_space<hbm>>) target(%dma_start3A_124 : memref<128xi32, #tpu.memory_space<vmem>>) target_semaphore(%arg15 : memref<!tpu.dma_semaphore, #tpu.memory_space<semaphore_mem>>)
    %add3A_126 = arith.constant 384 : i32
    %add3A_127 = arith.addi %add3A, %add3A_126 : i32
    %mul3A_128 = arith.constant 128 : i32
    %mul3A_129 = arith.muli %add3A_127, %mul3A_128 : i32
    %dma_start3A_130 = arith.constant 1536 : i32
    %dma_start3A_131 = tpu.memref_slice %arg8[%dma_start3A_130] : memref<3200xi32, #tpu.memory_space<vmem>> -> memref<128xi32, #tpu.memory_space<vmem>>
    %dma_start3A_132 = tpu.memref_slice %arg3[%mul3A_129] : memref<102400xi32, #tpu.memory_space<hbm>> -> memref<128xi32, #tpu.memory_space<hbm>>
    %dma_start3A_133 = arith.constant 1536 : i32
    %dma_start3A_134 = tpu.memref_slice %arg8[%dma_start3A_133] : memref<3200xi32, #tpu.memory_space<vmem>> -> memref<128xi32, #tpu.memory_space<vmem>>
    %dma_start3A_135 = tpu.memref_slice %arg3[%mul3A_129] : memref<102400xi32, #tpu.memory_space<hbm>> -> memref<128xi32, #tpu.memory_space<hbm>>
    tpu.enqueue_dma source(%dma_start3A_135 : memref<128xi32, #tpu.memory_space<hbm>>) target(%dma_start3A_134 : memref<128xi32, #tpu.memory_space<vmem>>) target_semaphore(%arg15 : memref<!tpu.dma_semaphore, #tpu.memory_space<semaphore_mem>>)
    %add3A_136 = arith.constant 416 : i32
    %add3A_137 = arith.addi %add3A, %add3A_136 : i32
    %mul3A_138 = arith.constant 128 : i32
    %mul3A_139 = arith.muli %add3A_137, %mul3A_138 : i32
    %dma_start3A_140 = arith.constant 1664 : i32
    %dma_start3A_141 = tpu.memref_slice %arg8[%dma_start3A_140] : memref<3200xi32, #tpu.memory_space<vmem>> -> memref<128xi32, #tpu.memory_space<vmem>>
    %dma_start3A_142 = tpu.memref_slice %arg3[%mul3A_139] : memref<102400xi32, #tpu.memory_space<hbm>> -> memref<128xi32, #tpu.memory_space<hbm>>
    %dma_start3A_143 = arith.constant 1664 : i32
    %dma_start3A_144 = tpu.memref_slice %arg8[%dma_start3A_143] : memref<3200xi32, #tpu.memory_space<vmem>> -> memref<128xi32, #tpu.memory_space<vmem>>
    %dma_start3A_145 = tpu.memref_slice %arg3[%mul3A_139] : memref<102400xi32, #tpu.memory_space<hbm>> -> memref<128xi32, #tpu.memory_space<hbm>>
    tpu.enqueue_dma source(%dma_start3A_145 : memref<128xi32, #tpu.memory_space<hbm>>) target(%dma_start3A_144 : memref<128xi32, #tpu.memory_space<vmem>>) target_semaphore(%arg15 : memref<!tpu.dma_semaphore, #tpu.memory_space<semaphore_mem>>)
    %add3A_146 = arith.constant 448 : i32
    %add3A_147 = arith.addi %add3A, %add3A_146 : i32
    %mul3A_148 = arith.constant 128 : i32
    %mul3A_149 = arith.muli %add3A_147, %mul3A_148 : i32
    %dma_start3A_150 = arith.constant 1792 : i32
    %dma_start3A_151 = tpu.memref_slice %arg8[%dma_start3A_150] : memref<3200xi32, #tpu.memory_space<vmem>> -> memref<128xi32, #tpu.memory_space<vmem>>
    %dma_start3A_152 = tpu.memref_slice %arg3[%mul3A_149] : memref<102400xi32, #tpu.memory_space<hbm>> -> memref<128xi32, #tpu.memory_space<hbm>>
    %dma_start3A_153 = arith.constant 1792 : i32
    %dma_start3A_154 = tpu.memref_slice %arg8[%dma_start3A_153] : memref<3200xi32, #tpu.memory_space<vmem>> -> memref<128xi32, #tpu.memory_space<vmem>>
    %dma_start3A_155 = tpu.memref_slice %arg3[%mul3A_149] : memref<102400xi32, #tpu.memory_space<hbm>> -> memref<128xi32, #tpu.memory_space<hbm>>
    tpu.enqueue_dma source(%dma_start3A_155 : memref<128xi32, #tpu.memory_space<hbm>>) target(%dma_start3A_154 : memref<128xi32, #tpu.memory_space<vmem>>) target_semaphore(%arg15 : memref<!tpu.dma_semaphore, #tpu.memory_space<semaphore_mem>>)
    %add3A_156 = arith.constant 480 : i32
    %add3A_157 = arith.addi %add3A, %add3A_156 : i32
    %mul3A_158 = arith.constant 128 : i32
    %mul3A_159 = arith.muli %add3A_157, %mul3A_158 : i32
    %dma_start3A_160 = arith.constant 1920 : i32
    %dma_start3A_161 = tpu.memref_slice %arg8[%dma_start3A_160] : memref<3200xi32, #tpu.memory_space<vmem>> -> memref<128xi32, #tpu.memory_space<vmem>>
    %dma_start3A_162 = tpu.memref_slice %arg3[%mul3A_159] : memref<102400xi32, #tpu.memory_space<hbm>> -> memref<128xi32, #tpu.memory_space<hbm>>
    %dma_start3A_163 = arith.constant 1920 : i32
    %dma_start3A_164 = tpu.memref_slice %arg8[%dma_start3A_163] : memref<3200xi32, #tpu.memory_space<vmem>> -> memref<128xi32, #tpu.memory_space<vmem>>
    %dma_start3A_165 = tpu.memref_slice %arg3[%mul3A_159] : memref<102400xi32, #tpu.memory_space<hbm>> -> memref<128xi32, #tpu.memory_space<hbm>>
    tpu.enqueue_dma source(%dma_start3A_165 : memref<128xi32, #tpu.memory_space<hbm>>) target(%dma_start3A_164 : memref<128xi32, #tpu.memory_space<vmem>>) target_semaphore(%arg15 : memref<!tpu.dma_semaphore, #tpu.memory_space<semaphore_mem>>)
    %add3A_166 = arith.constant 512 : i32
    %add3A_167 = arith.addi %add3A, %add3A_166 : i32
    %mul3A_168 = arith.constant 128 : i32
    %mul3A_169 = arith.muli %add3A_167, %mul3A_168 : i32
    %dma_start3A_170 = arith.constant 2048 : i32
    %dma_start3A_171 = tpu.memref_slice %arg8[%dma_start3A_170] : memref<3200xi32, #tpu.memory_space<vmem>> -> memref<128xi32, #tpu.memory_space<vmem>>
    %dma_start3A_172 = tpu.memref_slice %arg3[%mul3A_169] : memref<102400xi32, #tpu.memory_space<hbm>> -> memref<128xi32, #tpu.memory_space<hbm>>
    %dma_start3A_173 = arith.constant 2048 : i32
    %dma_start3A_174 = tpu.memref_slice %arg8[%dma_start3A_173] : memref<3200xi32, #tpu.memory_space<vmem>> -> memref<128xi32, #tpu.memory_space<vmem>>
    %dma_start3A_175 = tpu.memref_slice %arg3[%mul3A_169] : memref<102400xi32, #tpu.memory_space<hbm>> -> memref<128xi32, #tpu.memory_space<hbm>>
    tpu.enqueue_dma source(%dma_start3A_175 : memref<128xi32, #tpu.memory_space<hbm>>) target(%dma_start3A_174 : memref<128xi32, #tpu.memory_space<vmem>>) target_semaphore(%arg15 : memref<!tpu.dma_semaphore, #tpu.memory_space<semaphore_mem>>)
    %add3A_176 = arith.constant 544 : i32
    %add3A_177 = arith.addi %add3A, %add3A_176 : i32
    %mul3A_178 = arith.constant 128 : i32
    %mul3A_179 = arith.muli %add3A_177, %mul3A_178 : i32
    %dma_start3A_180 = arith.constant 2176 : i32
    %dma_start3A_181 = tpu.memref_slice %arg8[%dma_start3A_180] : memref<3200xi32, #tpu.memory_space<vmem>> -> memref<128xi32, #tpu.memory_space<vmem>>
    %dma_start3A_182 = tpu.memref_slice %arg3[%mul3A_179] : memref<102400xi32, #tpu.memory_space<hbm>> -> memref<128xi32, #tpu.memory_space<hbm>>
    %dma_start3A_183 = arith.constant 2176 : i32
    %dma_start3A_184 = tpu.memref_slice %arg8[%dma_start3A_183] : memref<3200xi32, #tpu.memory_space<vmem>> -> memref<128xi32, #tpu.memory_space<vmem>>
    %dma_start3A_185 = tpu.memref_slice %arg3[%mul3A_179] : memref<102400xi32, #tpu.memory_space<hbm>> -> memref<128xi32, #tpu.memory_space<hbm>>
    tpu.enqueue_dma source(%dma_start3A_185 : memref<128xi32, #tpu.memory_space<hbm>>) target(%dma_start3A_184 : memref<128xi32, #tpu.memory_space<vmem>>) target_semaphore(%arg15 : memref<!tpu.dma_semaphore, #tpu.memory_space<semaphore_mem>>)
    %add3A_186 = arith.constant 576 : i32
    %add3A_187 = arith.addi %add3A, %add3A_186 : i32
    %mul3A_188 = arith.constant 128 : i32
    %mul3A_189 = arith.muli %add3A_187, %mul3A_188 : i32
    %dma_start3A_190 = arith.constant 2304 : i32
    %dma_start3A_191 = tpu.memref_slice %arg8[%dma_start3A_190] : memref<3200xi32, #tpu.memory_space<vmem>> -> memref<128xi32, #tpu.memory_space<vmem>>
    %dma_start3A_192 = tpu.memref_slice %arg3[%mul3A_189] : memref<102400xi32, #tpu.memory_space<hbm>> -> memref<128xi32, #tpu.memory_space<hbm>>
    %dma_start3A_193 = arith.constant 2304 : i32
    %dma_start3A_194 = tpu.memref_slice %arg8[%dma_start3A_193] : memref<3200xi32, #tpu.memory_space<vmem>> -> memref<128xi32, #tpu.memory_space<vmem>>
    %dma_start3A_195 = tpu.memref_slice %arg3[%mul3A_189] : memref<102400xi32, #tpu.memory_space<hbm>> -> memref<128xi32, #tpu.memory_space<hbm>>
    tpu.enqueue_dma source(%dma_start3A_195 : memref<128xi32, #tpu.memory_space<hbm>>) target(%dma_start3A_194 : memref<128xi32, #tpu.memory_space<vmem>>) target_semaphore(%arg15 : memref<!tpu.dma_semaphore, #tpu.memory_space<semaphore_mem>>)
    %add3A_196 = arith.constant 608 : i32
    %add3A_197 = arith.addi %add3A, %add3A_196 : i32
    %mul3A_198 = arith.constant 128 : i32
    %mul3A_199 = arith.muli %add3A_197, %mul3A_198 : i32
    %dma_start3A_200 = arith.constant 2432 : i32
    %dma_start3A_201 = tpu.memref_slice %arg8[%dma_start3A_200] : memref<3200xi32, #tpu.memory_space<vmem>> -> memref<128xi32, #tpu.memory_space<vmem>>
    %dma_start3A_202 = tpu.memref_slice %arg3[%mul3A_199] : memref<102400xi32, #tpu.memory_space<hbm>> -> memref<128xi32, #tpu.memory_space<hbm>>
    %dma_start3A_203 = arith.constant 2432 : i32
    %dma_start3A_204 = tpu.memref_slice %arg8[%dma_start3A_203] : memref<3200xi32, #tpu.memory_space<vmem>> -> memref<128xi32, #tpu.memory_space<vmem>>
    %dma_start3A_205 = tpu.memref_slice %arg3[%mul3A_199] : memref<102400xi32, #tpu.memory_space<hbm>> -> memref<128xi32, #tpu.memory_space<hbm>>
    tpu.enqueue_dma source(%dma_start3A_205 : memref<128xi32, #tpu.memory_space<hbm>>) target(%dma_start3A_204 : memref<128xi32, #tpu.memory_space<vmem>>) target_semaphore(%arg15 : memref<!tpu.dma_semaphore, #tpu.memory_space<semaphore_mem>>)
    %add3A_206 = arith.constant 640 : i32
    %add3A_207 = arith.addi %add3A, %add3A_206 : i32
    %mul3A_208 = arith.constant 128 : i32
    %mul3A_209 = arith.muli %add3A_207, %mul3A_208 : i32
    %dma_start3A_210 = arith.constant 2560 : i32
    %dma_start3A_211 = tpu.memref_slice %arg8[%dma_start3A_210] : memref<3200xi32, #tpu.memory_space<vmem>> -> memref<128xi32, #tpu.memory_space<vmem>>
    %dma_start3A_212 = tpu.memref_slice %arg3[%mul3A_209] : memref<102400xi32, #tpu.memory_space<hbm>> -> memref<128xi32, #tpu.memory_space<hbm>>
    %dma_start3A_213 = arith.constant 2560 : i32
    %dma_start3A_214 = tpu.memref_slice %arg8[%dma_start3A_213] : memref<3200xi32, #tpu.memory_space<vmem>> -> memref<128xi32, #tpu.memory_space<vmem>>
    %dma_start3A_215 = tpu.memref_slice %arg3[%mul3A_209] : memref<102400xi32, #tpu.memory_space<hbm>> -> memref<128xi32, #tpu.memory_space<hbm>>
    tpu.enqueue_dma source(%dma_start3A_215 : memref<128xi32, #tpu.memory_space<hbm>>) target(%dma_start3A_214 : memref<128xi32, #tpu.memory_space<vmem>>) target_semaphore(%arg15 : memref<!tpu.dma_semaphore, #tpu.memory_space<semaphore_mem>>)
    %add3A_216 = arith.constant 672 : i32
    %add3A_217 = arith.addi %add3A, %add3A_216 : i32
    %mul3A_218 = arith.constant 128 : i32
    %mul3A_219 = arith.muli %add3A_217, %mul3A_218 : i32
    %dma_start3A_220 = arith.constant 2688 : i32
    %dma_start3A_221 = tpu.memref_slice %arg8[%dma_start3A_220] : memref<3200xi32, #tpu.memory_space<vmem>> -> memref<128xi32, #tpu.memory_space<vmem>>
    %dma_start3A_222 = tpu.memref_slice %arg3[%mul3A_219] : memref<102400xi32, #tpu.memory_space<hbm>> -> memref<128xi32, #tpu.memory_space<hbm>>
    %dma_start3A_223 = arith.constant 2688 : i32
    %dma_start3A_224 = tpu.memref_slice %arg8[%dma_start3A_223] : memref<3200xi32, #tpu.memory_space<vmem>> -> memref<128xi32, #tpu.memory_space<vmem>>
    %dma_start3A_225 = tpu.memref_slice %arg3[%mul3A_219] : memref<102400xi32, #tpu.memory_space<hbm>> -> memref<128xi32, #tpu.memory_space<hbm>>
    tpu.enqueue_dma source(%dma_start3A_225 : memref<128xi32, #tpu.memory_space<hbm>>) target(%dma_start3A_224 : memref<128xi32, #tpu.memory_space<vmem>>) target_semaphore(%arg15 : memref<!tpu.dma_semaphore, #tpu.memory_space<semaphore_mem>>)
    %add3A_226 = arith.constant 704 : i32
    %add3A_227 = arith.addi %add3A, %add3A_226 : i32
    %mul3A_228 = arith.constant 128 : i32
    %mul3A_229 = arith.muli %add3A_227, %mul3A_228 : i32
    %dma_start3A_230 = arith.constant 2816 : i32
    %dma_start3A_231 = tpu.memref_slice %arg8[%dma_start3A_230] : memref<3200xi32, #tpu.memory_space<vmem>> -> memref<128xi32, #tpu.memory_space<vmem>>
    %dma_start3A_232 = tpu.memref_slice %arg3[%mul3A_229] : memref<102400xi32, #tpu.memory_space<hbm>> -> memref<128xi32, #tpu.memory_space<hbm>>
    %dma_start3A_233 = arith.constant 2816 : i32
    %dma_start3A_234 = tpu.memref_slice %arg8[%dma_start3A_233] : memref<3200xi32, #tpu.memory_space<vmem>> -> memref<128xi32, #tpu.memory_space<vmem>>
    %dma_start3A_235 = tpu.memref_slice %arg3[%mul3A_229] : memref<102400xi32, #tpu.memory_space<hbm>> -> memref<128xi32, #tpu.memory_space<hbm>>
    tpu.enqueue_dma source(%dma_start3A_235 : memref<128xi32, #tpu.memory_space<hbm>>) target(%dma_start3A_234 : memref<128xi32, #tpu.memory_space<vmem>>) target_semaphore(%arg15 : memref<!tpu.dma_semaphore, #tpu.memory_space<semaphore_mem>>)
    %add3A_236 = arith.constant 736 : i32
    %add3A_237 = arith.addi %add3A, %add3A_236 : i32
    %mul3A_238 = arith.constant 128 : i32
    %mul3A_239 = arith.muli %add3A_237, %mul3A_238 : i32
    %dma_start3A_240 = arith.constant 2944 : i32
    %dma_start3A_241 = tpu.memref_slice %arg8[%dma_start3A_240] : memref<3200xi32, #tpu.memory_space<vmem>> -> memref<128xi32, #tpu.memory_space<vmem>>
    %dma_start3A_242 = tpu.memref_slice %arg3[%mul3A_239] : memref<102400xi32, #tpu.memory_space<hbm>> -> memref<128xi32, #tpu.memory_space<hbm>>
    %dma_start3A_243 = arith.constant 2944 : i32
    %dma_start3A_244 = tpu.memref_slice %arg8[%dma_start3A_243] : memref<3200xi32, #tpu.memory_space<vmem>> -> memref<128xi32, #tpu.memory_space<vmem>>
    %dma_start3A_245 = tpu.memref_slice %arg3[%mul3A_239] : memref<102400xi32, #tpu.memory_space<hbm>> -> memref<128xi32, #tpu.memory_space<hbm>>
    tpu.enqueue_dma source(%dma_start3A_245 : memref<128xi32, #tpu.memory_space<hbm>>) target(%dma_start3A_244 : memref<128xi32, #tpu.memory_space<vmem>>) target_semaphore(%arg15 : memref<!tpu.dma_semaphore, #tpu.memory_space<semaphore_mem>>)
    %add3A_246 = arith.constant 768 : i32
    %add3A_247 = arith.addi %add3A, %add3A_246 : i32
    %mul3A_248 = arith.constant 128 : i32
    %mul3A_249 = arith.muli %add3A_247, %mul3A_248 : i32
    %dma_start3A_250 = arith.constant 3072 : i32
    %dma_start3A_251 = tpu.memref_slice %arg8[%dma_start3A_250] : memref<3200xi32, #tpu.memory_space<vmem>> -> memref<128xi32, #tpu.memory_space<vmem>>
    %dma_start3A_252 = tpu.memref_slice %arg3[%mul3A_249] : memref<102400xi32, #tpu.memory_space<hbm>> -> memref<128xi32, #tpu.memory_space<hbm>>
    %dma_start3A_253 = arith.constant 3072 : i32
    %dma_start3A_254 = tpu.memref_slice %arg8[%dma_start3A_253] : memref<3200xi32, #tpu.memory_space<vmem>> -> memref<128xi32, #tpu.memory_space<vmem>>
    %dma_start3A_255 = tpu.memref_slice %arg3[%mul3A_249] : memref<102400xi32, #tpu.memory_space<hbm>> -> memref<128xi32, #tpu.memory_space<hbm>>
    tpu.enqueue_dma source(%dma_start3A_255 : memref<128xi32, #tpu.memory_space<hbm>>) target(%dma_start3A_254 : memref<128xi32, #tpu.memory_space<vmem>>) target_semaphore(%arg15 : memref<!tpu.dma_semaphore, #tpu.memory_space<semaphore_mem>>)
    %add3A_256 = arith.constant 0 : i32
    %add3A_257 = arith.addi %add3A, %add3A_256 : i32
    %mul3A_258 = arith.constant 128 : i32
    %mul3A_259 = arith.muli %add3A_257, %mul3A_258 : i32
    %dma_start3A_260 = arith.constant 0 : i32
    %dma_start3A_261 = arith.constant 0 : i32
    %dma_start3A_262 = arith.constant 0 : i32
    %dma_start3A_263 = tpu.memref_slice %arg9[%dma_start3A_260, %dma_start3A_261, %dma_start3A_262] : memref<8x128x64xf32, #tpu.memory_space<vmem>> -> memref<1x128x64xf32, #tpu.memory_space<vmem>>
    %dma_start3A_264 = tpu.memref_squeeze %dma_start3A_263 : memref<1x128x64xf32, #tpu.memory_space<vmem>> -> memref<128x64xf32, #tpu.memory_space<vmem>>
    %dma_start3A_265 = arith.constant 0 : i32
    %dma_start3A_266 = tpu.memref_slice %arg2[%mul3A_259, %dma_start3A_265] : memref<102400x128xf32, #tpu.memory_space<hbm>> -> memref<128x64xf32, #tpu.memory_space<hbm>>
    %dma_start3A_267 = arith.constant 0 : i32
    %dma_start3A_268 = arith.constant 0 : i32
    %dma_start3A_269 = tpu.memref_slice %arg9[%dma_start3A_260, %dma_start3A_267, %dma_start3A_268] : memref<8x128x64xf32, #tpu.memory_space<vmem>> -> memref<1x128x64xf32, #tpu.memory_space<vmem>>
    %dma_start3A_270 = tpu.memref_squeeze %dma_start3A_269 : memref<1x128x64xf32, #tpu.memory_space<vmem>> -> memref<128x64xf32, #tpu.memory_space<vmem>>
    %dma_start3A_271 = arith.constant 0 : i32
    %dma_start3A_272 = tpu.memref_slice %arg2[%mul3A_259, %dma_start3A_271] : memref<102400x128xf32, #tpu.memory_space<hbm>> -> memref<128x64xf32, #tpu.memory_space<hbm>>
    tpu.enqueue_dma source(%dma_start3A_272 : memref<128x64xf32, #tpu.memory_space<hbm>>) target(%dma_start3A_270 : memref<128x64xf32, #tpu.memory_space<vmem>>) target_semaphore(%arg18 : memref<!tpu.dma_semaphore, #tpu.memory_space<semaphore_mem>>)
    %add3A_273 = arith.constant 32 : i32
    %add3A_274 = arith.addi %add3A, %add3A_273 : i32
    %mul3A_275 = arith.constant 128 : i32
    %mul3A_276 = arith.muli %add3A_274, %mul3A_275 : i32
    %dma_start3A_277 = arith.constant 1 : i32
    %dma_start3A_278 = arith.constant 0 : i32
    %dma_start3A_279 = arith.constant 0 : i32
    %dma_start3A_280 = tpu.memref_slice %arg9[%dma_start3A_277, %dma_start3A_278, %dma_start3A_279] : memref<8x128x64xf32, #tpu.memory_space<vmem>> -> memref<1x128x64xf32, #tpu.memory_space<vmem>>
    %dma_start3A_281 = tpu.memref_squeeze %dma_start3A_280 : memref<1x128x64xf32, #tpu.memory_space<vmem>> -> memref<128x64xf32, #tpu.memory_space<vmem>>
    %dma_start3A_282 = arith.constant 0 : i32
    %dma_start3A_283 = tpu.memref_slice %arg2[%mul3A_276, %dma_start3A_282] : memref<102400x128xf32, #tpu.memory_space<hbm>> -> memref<128x64xf32, #tpu.memory_space<hbm>>
    %dma_start3A_284 = arith.constant 0 : i32
    %dma_start3A_285 = arith.constant 0 : i32
    %dma_start3A_286 = tpu.memref_slice %arg9[%dma_start3A_277, %dma_start3A_284, %dma_start3A_285] : memref<8x128x64xf32, #tpu.memory_space<vmem>> -> memref<1x128x64xf32, #tpu.memory_space<vmem>>
    %dma_start3A_287 = tpu.memref_squeeze %dma_start3A_286 : memref<1x128x64xf32, #tpu.memory_space<vmem>> -> memref<128x64xf32, #tpu.memory_space<vmem>>
    %dma_start3A_288 = arith.constant 0 : i32
    %dma_start3A_289 = tpu.memref_slice %arg2[%mul3A_276, %dma_start3A_288] : memref<102400x128xf32, #tpu.memory_space<hbm>> -> memref<128x64xf32, #tpu.memory_space<hbm>>
    tpu.enqueue_dma source(%dma_start3A_289 : memref<128x64xf32, #tpu.memory_space<hbm>>) target(%dma_start3A_287 : memref<128x64xf32, #tpu.memory_space<vmem>>) target_semaphore(%arg19 : memref<!tpu.dma_semaphore, #tpu.memory_space<semaphore_mem>>)
    %add3A_290 = arith.constant 64 : i32
    %add3A_291 = arith.addi %add3A, %add3A_290 : i32
    %mul3A_292 = arith.constant 128 : i32
    %mul3A_293 = arith.muli %add3A_291, %mul3A_292 : i32
    %dma_start3A_294 = arith.constant 2 : i32
    %dma_start3A_295 = arith.constant 0 : i32
    %dma_start3A_296 = arith.constant 0 : i32
    %dma_start3A_297 = tpu.memref_slice %arg9[%dma_start3A_294, %dma_start3A_295, %dma_start3A_296] : memref<8x128x64xf32, #tpu.memory_space<vmem>> -> memref<1x128x64xf32, #tpu.memory_space<vmem>>
    %dma_start3A_298 = tpu.memref_squeeze %dma_start3A_297 : memref<1x128x64xf32, #tpu.memory_space<vmem>> -> memref<128x64xf32, #tpu.memory_space<vmem>>
    %dma_start3A_299 = arith.constant 0 : i32
    %dma_start3A_300 = tpu.memref_slice %arg2[%mul3A_293, %dma_start3A_299] : memref<102400x128xf32, #tpu.memory_space<hbm>> -> memref<128x64xf32, #tpu.memory_space<hbm>>
    %dma_start3A_301 = arith.constant 0 : i32
    %dma_start3A_302 = arith.constant 0 : i32
    %dma_start3A_303 = tpu.memref_slice %arg9[%dma_start3A_294, %dma_start3A_301, %dma_start3A_302] : memref<8x128x64xf32, #tpu.memory_space<vmem>> -> memref<1x128x64xf32, #tpu.memory_space<vmem>>
    %dma_start3A_304 = tpu.memref_squeeze %dma_start3A_303 : memref<1x128x64xf32, #tpu.memory_space<vmem>> -> memref<128x64xf32, #tpu.memory_space<vmem>>
    %dma_start3A_305 = arith.constant 0 : i32
    %dma_start3A_306 = tpu.memref_slice %arg2[%mul3A_293, %dma_start3A_305] : memref<102400x128xf32, #tpu.memory_space<hbm>> -> memref<128x64xf32, #tpu.memory_space<hbm>>
    tpu.enqueue_dma source(%dma_start3A_306 : memref<128x64xf32, #tpu.memory_space<hbm>>) target(%dma_start3A_304 : memref<128x64xf32, #tpu.memory_space<vmem>>) target_semaphore(%arg20 : memref<!tpu.dma_semaphore, #tpu.memory_space<semaphore_mem>>)
    %add3A_307 = arith.constant 96 : i32
    %add3A_308 = arith.addi %add3A, %add3A_307 : i32
    %mul3A_309 = arith.constant 128 : i32
    %mul3A_310 = arith.muli %add3A_308, %mul3A_309 : i32
    %dma_start3A_311 = arith.constant 3 : i32
    %dma_start3A_312 = arith.constant 0 : i32
    %dma_start3A_313 = arith.constant 0 : i32
    %dma_start3A_314 = tpu.memref_slice %arg9[%dma_start3A_311, %dma_start3A_312, %dma_start3A_313] : memref<8x128x64xf32, #tpu.memory_space<vmem>> -> memref<1x128x64xf32, #tpu.memory_space<vmem>>
    %dma_start3A_315 = tpu.memref_squeeze %dma_start3A_314 : memref<1x128x64xf32, #tpu.memory_space<vmem>> -> memref<128x64xf32, #tpu.memory_space<vmem>>
    %dma_start3A_316 = arith.constant 0 : i32
    %dma_start3A_317 = tpu.memref_slice %arg2[%mul3A_310, %dma_start3A_316] : memref<102400x128xf32, #tpu.memory_space<hbm>> -> memref<128x64xf32, #tpu.memory_space<hbm>>
    %dma_start3A_318 = arith.constant 0 : i32
    %dma_start3A_319 = arith.constant 0 : i32
    %dma_start3A_320 = tpu.memref_slice %arg9[%dma_start3A_311, %dma_start3A_318, %dma_start3A_319] : memref<8x128x64xf32, #tpu.memory_space<vmem>> -> memref<1x128x64xf32, #tpu.memory_space<vmem>>
    %dma_start3A_321 = tpu.memref_squeeze %dma_start3A_320 : memref<1x128x64xf32, #tpu.memory_space<vmem>> -> memref<128x64xf32, #tpu.memory_space<vmem>>
    %dma_start3A_322 = arith.constant 0 : i32
    %dma_start3A_323 = tpu.memref_slice %arg2[%mul3A_310, %dma_start3A_322] : memref<102400x128xf32, #tpu.memory_space<hbm>> -> memref<128x64xf32, #tpu.memory_space<hbm>>
    tpu.enqueue_dma source(%dma_start3A_323 : memref<128x64xf32, #tpu.memory_space<hbm>>) target(%dma_start3A_321 : memref<128x64xf32, #tpu.memory_space<vmem>>) target_semaphore(%arg21 : memref<!tpu.dma_semaphore, #tpu.memory_space<semaphore_mem>>)
    %scan3A = arith.constant 0 : i32
    %scan3A_324 = arith.constant 0 : i32
    %scan3A_325 = arith.constant 192 : i32
    %scan3A_326 = arith.addi %scan3A_324, %scan3A_325 : i32
    %scan3A_327 = arith.constant 1 : i32
    scf.for %scan3A_1925 = %scan3A_324 to %scan3A_326 step %scan3A_327  : i32 {
      %swap3A = arith.index_cast %scan3A_1925 : i32 to index
      %swap3A_1926 = arith.constant 0 : index
      %swap3A_1927 = tpu.vector_load %arg11[%swap3A, %swap3A_1926] {strides = array<i32>} : memref<192x64xf32, #tpu.memory_space<vmem>>, vector<1x16xf32>,
      %swap3A_1928 = vector.shape_cast %swap3A_1927 : vector<1x16xf32> to vector<16xf32>
      %swap3A_1929 = vector.shape_cast %broadcast_in_dim3A_1 : vector<16xf32> to vector<1x16xf32>
      tpu.vector_store %arg11[%swap3A, %swap3A_1926], %swap3A_1929 {strides = array<i32>} : memref<192x64xf32, #tpu.memory_space<vmem>>, vector<1x16xf32>,
      %swap3A_1930 = arith.index_cast %scan3A_1925 : i32 to index
      %swap3A_1931 = arith.constant 16 : index
      %swap3A_1932 = tpu.vector_load %arg11[%swap3A_1930, %swap3A_1931] {strides = array<i32>} : memref<192x64xf32, #tpu.memory_space<vmem>>, vector<1x16xf32>,
      %swap3A_1933 = vector.shape_cast %swap3A_1932 : vector<1x16xf32> to vector<16xf32>
      %swap3A_1934 = vector.shape_cast %broadcast_in_dim3A_1 : vector<16xf32> to vector<1x16xf32>
      tpu.vector_store %arg11[%swap3A_1930, %swap3A_1931], %swap3A_1934 {strides = array<i32>} : memref<192x64xf32, #tpu.memory_space<vmem>>, vector<1x16xf32>,
      %swap3A_1935 = arith.index_cast %scan3A_1925 : i32 to index
      %swap3A_1936 = arith.constant 32 : index
      %swap3A_1937 = tpu.vector_load %arg11[%swap3A_1935, %swap3A_1936] {strides = array<i32>} : memref<192x64xf32, #tpu.memory_space<vmem>>, vector<1x16xf32>,
      %swap3A_1938 = vector.shape_cast %swap3A_1937 : vector<1x16xf32> to vector<16xf32>
      %swap3A_1939 = vector.shape_cast %broadcast_in_dim3A_1 : vector<16xf32> to vector<1x16xf32>
      tpu.vector_store %arg11[%swap3A_1935, %swap3A_1936], %swap3A_1939 {strides = array<i32>} : memref<192x64xf32, #tpu.memory_space<vmem>>, vector<1x16xf32>,
      %swap3A_1940 = arith.index_cast %scan3A_1925 : i32 to index
      %swap3A_1941 = arith.constant 48 : index
      %swap3A_1942 = tpu.vector_load %arg11[%swap3A_1940, %swap3A_1941] {strides = array<i32>} : memref<192x64xf32, #tpu.memory_space<vmem>>, vector<1x16xf32>,
      %swap3A_1943 = vector.shape_cast %swap3A_1942 : vector<1x16xf32> to vector<16xf32>
      %swap3A_1944 = vector.shape_cast %broadcast_in_dim3A_1 : vector<16xf32> to vector<1x16xf32>
      tpu.vector_store %arg11[%swap3A_1940, %swap3A_1941], %swap3A_1944 {strides = array<i32>} : memref<192x64xf32, #tpu.memory_space<vmem>>, vector<1x16xf32>,
      %swap3A_1945 = arith.index_cast %scan3A_1925 : i32 to index
      %swap3A_1946 = arith.constant 0 : index
      %swap3A_1947 = tpu.vector_load %arg12[%swap3A_1945, %swap3A_1946] {strides = array<i32>} : memref<192x16xf32, #tpu.memory_space<vmem>>, vector<1x16xf32>,
      %swap3A_1948 = vector.shape_cast %swap3A_1947 : vector<1x16xf32> to vector<16xf32>
      %swap3A_1949 = vector.shape_cast %broadcast_in_dim3A_1 : vector<16xf32> to vector<1x16xf32>
      tpu.vector_store %arg12[%swap3A_1945, %swap3A_1946], %swap3A_1949 {strides = array<i32>} : memref<192x16xf32, #tpu.memory_space<vmem>>, vector<1x16xf32>,
    }
    %scan3A_328 = arith.constant 192 : i32
    %scan3A_329 = arith.constant 0 : i32
    %scan3A_330 = arith.constant 0 : i32
    %scan3A_331 = arith.constant 128 : i32
    %scan3A_332 = arith.addi %scan3A_330, %scan3A_331 : i32
    %scan3A_333 = arith.constant 1 : i32
    scf.for %scan3A_1925 = %scan3A_330 to %scan3A_332 step %scan3A_333  : i32 {
      %swap3A = arith.index_cast %scan3A_1925 : i32 to index
      %swap3A_1926 = arith.constant 0 : index
      %swap3A_1927 = tpu.vector_load %arg10[%swap3A, %swap3A_1926] {strides = array<i32>} : memref<128x16xf32, #tpu.memory_space<vmem>>, vector<1x16xf32>,
      %swap3A_1928 = vector.shape_cast %swap3A_1927 : vector<1x16xf32> to vector<16xf32>
      %swap3A_1929 = vector.shape_cast %select_n3A : vector<16xf32> to vector<1x16xf32>
      tpu.vector_store %arg10[%swap3A, %swap3A_1926], %swap3A_1929 {strides = array<i32>} : memref<128x16xf32, #tpu.memory_space<vmem>>, vector<1x16xf32>,
    }
    %scan3A_334 = arith.constant 128 : i32
    %mul3A_335 = arith.constant 192 : i32
    %mul3A_336 = arith.muli %arg1, %mul3A_335 : i32
    "tpu.region"() ({
      %run_scoped3A = tpu.sem_alloc : memref<!tpu.dma_semaphore, #tpu.memory_space<semaphore_mem>>
      %dma_start3A_1925 = arith.constant 0 : i32
      %dma_start3A_1926 = tpu.memref_slice %arg34[%mul3A_336, %dma_start3A_1925] : memref<3072x64xf32, #tpu.memory_space<vmem_shared>> -> memref<192x64xf32, #tpu.memory_space<vmem_shared>>
      %dma_start3A_1927 = arith.constant 0 : i32
      %dma_start3A_1928 = tpu.memref_slice %arg34[%mul3A_336, %dma_start3A_1927] : memref<3072x64xf32, #tpu.memory_space<vmem_shared>> -> memref<192x64xf32, #tpu.memory_space<vmem_shared>>
      tpu.enqueue_dma source(%arg11 : memref<192x64xf32, #tpu.memory_space<vmem>>) target(%dma_start3A_1928 : memref<192x64xf32, #tpu.memory_space<vmem_shared>>) target_semaphore(%run_scoped3A : memref<!tpu.dma_semaphore, #tpu.memory_space<semaphore_mem>>)
      %dma_wait3A_1929 = arith.constant 0 : i32
      %dma_wait3A_1930 = tpu.memref_slice %arg34[%mul3A_336, %dma_wait3A_1929] : memref<3072x64xf32, #tpu.memory_space<vmem_shared>> -> memref<192x64xf32, #tpu.memory_space<vmem_shared>>
      %dma_wait3A_1931 = arith.constant 0 : i32
      %dma_wait3A_1932 = tpu.memref_slice %arg34[%mul3A_336, %dma_wait3A_1931] : memref<3072x64xf32, #tpu.memory_space<vmem_shared>> -> memref<192x64xf32, #tpu.memory_space<vmem_shared>>
      tpu.wait_dma2 semaphore(%run_scoped3A : memref<!tpu.dma_semaphore, #tpu.memory_space<semaphore_mem>>) src(%arg11 : memref<192x64xf32, #tpu.memory_space<vmem>>) dst(%dma_wait3A_1932 : memref<192x64xf32, #tpu.memory_space<vmem_shared>>)
      tpu.yield
    }) : () -> ()
    "tpu.region"() ({
      %run_scoped3A = tpu.sem_alloc : memref<!tpu.dma_semaphore, #tpu.memory_space<semaphore_mem>>
      %dma_start3A_1925 = arith.constant 0 : i32
      %dma_start3A_1926 = tpu.memref_slice %arg35[%mul3A_336, %dma_start3A_1925] : memref<3072x16xf32, #tpu.memory_space<vmem_shared>> -> memref<192x16xf32, #tpu.memory_space<vmem_shared>>
      %dma_start3A_1927 = arith.constant 0 : i32
      %dma_start3A_1928 = tpu.memref_slice %arg35[%mul3A_336, %dma_start3A_1927] : memref<3072x16xf32, #tpu.memory_space<vmem_shared>> -> memref<192x16xf32, #tpu.memory_space<vmem_shared>>
      tpu.enqueue_dma source(%arg12 : memref<192x16xf32, #tpu.memory_space<vmem>>) target(%dma_start3A_1928 : memref<192x16xf32, #tpu.memory_space<vmem_shared>>) target_semaphore(%run_scoped3A : memref<!tpu.dma_semaphore, #tpu.memory_space<semaphore_mem>>)
      %dma_wait3A_1929 = arith.constant 0 : i32
      %dma_wait3A_1930 = tpu.memref_slice %arg35[%mul3A_336, %dma_wait3A_1929] : memref<3072x16xf32, #tpu.memory_space<vmem_shared>> -> memref<192x16xf32, #tpu.memory_space<vmem_shared>>
      %dma_wait3A_1931 = arith.constant 0 : i32
      %dma_wait3A_1932 = tpu.memref_slice %arg35[%mul3A_336, %dma_wait3A_1931] : memref<3072x16xf32, #tpu.memory_space<vmem_shared>> -> memref<192x16xf32, #tpu.memory_space<vmem_shared>>
      tpu.wait_dma2 semaphore(%run_scoped3A : memref<!tpu.dma_semaphore, #tpu.memory_space<semaphore_mem>>) src(%arg12 : memref<192x16xf32, #tpu.memory_space<vmem>>) dst(%dma_wait3A_1932 : memref<192x16xf32, #tpu.memory_space<vmem_shared>>)
      tpu.yield
    }) : () -> ()
    %barrier3A = arith.constant 0 : index
    tpu.barrier barrier_id(%barrier3A)
    %mul3A_337 = arith.constant 32 : i32
    %mul3A_338 = arith.muli %add3A, %mul3A_337 : i32
    "tpu.region"() ({
      %run_scoped3A = tpu.sem_alloc : memref<!tpu.dma_semaphore, #tpu.memory_space<semaphore_mem>>
      %dma_start3A_1925 = tpu.memref_slice %arg4[%mul3A_338] : memref<1024xi32, #tpu.memory_space<hbm>> -> memref<32xi32, #tpu.memory_space<hbm>>
      %dma_start3A_1926 = tpu.memref_slice %arg4[%mul3A_338] : memref<1024xi32, #tpu.memory_space<hbm>> -> memref<32xi32, #tpu.memory_space<hbm>>
      tpu.enqueue_dma source(%dma_start3A_1926 : memref<32xi32, #tpu.memory_space<hbm>>) target(%arg13 : memref<32xi32, #tpu.memory_space<vmem>>) target_semaphore(%run_scoped3A : memref<!tpu.dma_semaphore, #tpu.memory_space<semaphore_mem>>)
      %dma_wait3A_1927 = tpu.memref_slice %arg4[%mul3A_338] : memref<1024xi32, #tpu.memory_space<hbm>> -> memref<32xi32, #tpu.memory_space<hbm>>
      %dma_wait3A_1928 = tpu.memref_slice %arg4[%mul3A_338] : memref<1024xi32, #tpu.memory_space<hbm>> -> memref<32xi32, #tpu.memory_space<hbm>>
      tpu.wait_dma2 semaphore(%run_scoped3A : memref<!tpu.dma_semaphore, #tpu.memory_space<semaphore_mem>>) src(%dma_wait3A_1928 : memref<32xi32, #tpu.memory_space<hbm>>) dst(%arg13 : memref<32xi32, #tpu.memory_space<vmem>>)
      tpu.yield
    }) : () -> ()
    %dma_start3A_339 = arith.constant 0 : i32
    %dma_start3A_340 = tpu.memref_slice %arg3[%dma_start3A_339] : memref<102400xi32, #tpu.memory_space<hbm>> -> memref<102400xi32, #tpu.memory_space<hbm>>
    tpu.enqueue_indirect_dma source(%dma_start3A_340 : memref<102400xi32, #tpu.memory_space<hbm>>) target(%arg14 : memref<32xi32, #tpu.memory_space<vmem>>) offsets(%arg13 : memref<32xi32, #tpu.memory_space<vmem>>) semaphore(%arg17 : memref<!tpu.dma_semaphore, #tpu.memory_space<semaphore_mem>>)
    %dma_wait3A = arith.constant 0 : i32
    %dma_wait3A_341 = tpu.memref_slice %arg8[%dma_wait3A] : memref<3200xi32, #tpu.memory_space<vmem>> -> memref<128xi32, #tpu.memory_space<vmem>>
    %dma_wait3A_342 = tpu.memref_slice %arg3[%mul3A_10] : memref<102400xi32, #tpu.memory_space<hbm>> -> memref<128xi32, #tpu.memory_space<hbm>>
    %dma_wait3A_343 = arith.constant 0 : i32
    %dma_wait3A_344 = tpu.memref_slice %arg8[%dma_wait3A_343] : memref<3200xi32, #tpu.memory_space<vmem>> -> memref<128xi32, #tpu.memory_space<vmem>>
    %dma_wait3A_345 = tpu.memref_slice %arg3[%mul3A_10] : memref<102400xi32, #tpu.memory_space<hbm>> -> memref<128xi32, #tpu.memory_space<hbm>>
    tpu.wait_dma2 semaphore(%arg15 : memref<!tpu.dma_semaphore, #tpu.memory_space<semaphore_mem>>) src(%dma_wait3A_345 : memref<128xi32, #tpu.memory_space<hbm>>) dst(%dma_wait3A_344 : memref<128xi32, #tpu.memory_space<vmem>>)
    %dma_wait3A_346 = arith.constant 128 : i32
    %dma_wait3A_347 = tpu.memref_slice %arg8[%dma_wait3A_346] : memref<3200xi32, #tpu.memory_space<vmem>> -> memref<128xi32, #tpu.memory_space<vmem>>
    %dma_wait3A_348 = tpu.memref_slice %arg3[%mul3A_19] : memref<102400xi32, #tpu.memory_space<hbm>> -> memref<128xi32, #tpu.memory_space<hbm>>
    %dma_wait3A_349 = arith.constant 128 : i32
    %dma_wait3A_350 = tpu.memref_slice %arg8[%dma_wait3A_349] : memref<3200xi32, #tpu.memory_space<vmem>> -> memref<128xi32, #tpu.memory_space<vmem>>
    %dma_wait3A_351 = tpu.memref_slice %arg3[%mul3A_19] : memref<102400xi32, #tpu.memory_space<hbm>> -> memref<128xi32, #tpu.memory_space<hbm>>
    tpu.wait_dma2 semaphore(%arg15 : memref<!tpu.dma_semaphore, #tpu.memory_space<semaphore_mem>>) src(%dma_wait3A_351 : memref<128xi32, #tpu.memory_space<hbm>>) dst(%dma_wait3A_350 : memref<128xi32, #tpu.memory_space<vmem>>)
    %dma_wait3A_352 = arith.constant 256 : i32
    %dma_wait3A_353 = tpu.memref_slice %arg8[%dma_wait3A_352] : memref<3200xi32, #tpu.memory_space<vmem>> -> memref<128xi32, #tpu.memory_space<vmem>>
    %dma_wait3A_354 = tpu.memref_slice %arg3[%mul3A_29] : memref<102400xi32, #tpu.memory_space<hbm>> -> memref<128xi32, #tpu.memory_space<hbm>>
    %dma_wait3A_355 = arith.constant 256 : i32
    %dma_wait3A_356 = tpu.memref_slice %arg8[%dma_wait3A_355] : memref<3200xi32, #tpu.memory_space<vmem>> -> memref<128xi32, #tpu.memory_space<vmem>>
    %dma_wait3A_357 = tpu.memref_slice %arg3[%mul3A_29] : memref<102400xi32, #tpu.memory_space<hbm>> -> memref<128xi32, #tpu.memory_space<hbm>>
    tpu.wait_dma2 semaphore(%arg15 : memref<!tpu.dma_semaphore, #tpu.memory_space<semaphore_mem>>) src(%dma_wait3A_357 : memref<128xi32, #tpu.memory_space<hbm>>) dst(%dma_wait3A_356 : memref<128xi32, #tpu.memory_space<vmem>>)
    %dma_wait3A_358 = arith.constant 384 : i32
    %dma_wait3A_359 = tpu.memref_slice %arg8[%dma_wait3A_358] : memref<3200xi32, #tpu.memory_space<vmem>> -> memref<128xi32, #tpu.memory_space<vmem>>
    %dma_wait3A_360 = tpu.memref_slice %arg3[%mul3A_39] : memref<102400xi32, #tpu.memory_space<hbm>> -> memref<128xi32, #tpu.memory_space<hbm>>
    %dma_wait3A_361 = arith.constant 384 : i32
    %dma_wait3A_362 = tpu.memref_slice %arg8[%dma_wait3A_361] : memref<3200xi32, #tpu.memory_space<vmem>> -> memref<128xi32, #tpu.memory_space<vmem>>
    %dma_wait3A_363 = tpu.memref_slice %arg3[%mul3A_39] : memref<102400xi32, #tpu.memory_space<hbm>> -> memref<128xi32, #tpu.memory_space<hbm>>
    tpu.wait_dma2 semaphore(%arg15 : memref<!tpu.dma_semaphore, #tpu.memory_space<semaphore_mem>>) src(%dma_wait3A_363 : memref<128xi32, #tpu.memory_space<hbm>>) dst(%dma_wait3A_362 : memref<128xi32, #tpu.memory_space<vmem>>)
    %dma_wait3A_364 = arith.constant 512 : i32
    %dma_wait3A_365 = tpu.memref_slice %arg8[%dma_wait3A_364] : memref<3200xi32, #tpu.memory_space<vmem>> -> memref<128xi32, #tpu.memory_space<vmem>>
    %dma_wait3A_366 = tpu.memref_slice %arg3[%mul3A_49] : memref<102400xi32, #tpu.memory_space<hbm>> -> memref<128xi32, #tpu.memory_space<hbm>>
    %dma_wait3A_367 = arith.constant 512 : i32
    %dma_wait3A_368 = tpu.memref_slice %arg8[%dma_wait3A_367] : memref<3200xi32, #tpu.memory_space<vmem>> -> memref<128xi32, #tpu.memory_space<vmem>>
    %dma_wait3A_369 = tpu.memref_slice %arg3[%mul3A_49] : memref<102400xi32, #tpu.memory_space<hbm>> -> memref<128xi32, #tpu.memory_space<hbm>>
    tpu.wait_dma2 semaphore(%arg15 : memref<!tpu.dma_semaphore, #tpu.memory_space<semaphore_mem>>) src(%dma_wait3A_369 : memref<128xi32, #tpu.memory_space<hbm>>) dst(%dma_wait3A_368 : memref<128xi32, #tpu.memory_space<vmem>>)
    %dma_wait3A_370 = arith.constant 640 : i32
    %dma_wait3A_371 = tpu.memref_slice %arg8[%dma_wait3A_370] : memref<3200xi32, #tpu.memory_space<vmem>> -> memref<128xi32, #tpu.memory_space<vmem>>
    %dma_wait3A_372 = tpu.memref_slice %arg3[%mul3A_59] : memref<102400xi32, #tpu.memory_space<hbm>> -> memref<128xi32, #tpu.memory_space<hbm>>
    %dma_wait3A_373 = arith.constant 640 : i32
    %dma_wait3A_374 = tpu.memref_slice %arg8[%dma_wait3A_373] : memref<3200xi32, #tpu.memory_space<vmem>> -> memref<128xi32, #tpu.memory_space<vmem>>
    %dma_wait3A_375 = tpu.memref_slice %arg3[%mul3A_59] : memref<102400xi32, #tpu.memory_space<hbm>> -> memref<128xi32, #tpu.memory_space<hbm>>
    tpu.wait_dma2 semaphore(%arg15 : memref<!tpu.dma_semaphore, #tpu.memory_space<semaphore_mem>>) src(%dma_wait3A_375 : memref<128xi32, #tpu.memory_space<hbm>>) dst(%dma_wait3A_374 : memref<128xi32, #tpu.memory_space<vmem>>)
    %dma_wait3A_376 = arith.constant 768 : i32
    %dma_wait3A_377 = tpu.memref_slice %arg8[%dma_wait3A_376] : memref<3200xi32, #tpu.memory_space<vmem>> -> memref<128xi32, #tpu.memory_space<vmem>>
    %dma_wait3A_378 = tpu.memref_slice %arg3[%mul3A_69] : memref<102400xi32, #tpu.memory_space<hbm>> -> memref<128xi32, #tpu.memory_space<hbm>>
    %dma_wait3A_379 = arith.constant 768 : i32
    %dma_wait3A_380 = tpu.memref_slice %arg8[%dma_wait3A_379] : memref<3200xi32, #tpu.memory_space<vmem>> -> memref<128xi32, #tpu.memory_space<vmem>>
    %dma_wait3A_381 = tpu.memref_slice %arg3[%mul3A_69] : memref<102400xi32, #tpu.memory_space<hbm>> -> memref<128xi32, #tpu.memory_space<hbm>>
    tpu.wait_dma2 semaphore(%arg15 : memref<!tpu.dma_semaphore, #tpu.memory_space<semaphore_mem>>) src(%dma_wait3A_381 : memref<128xi32, #tpu.memory_space<hbm>>) dst(%dma_wait3A_380 : memref<128xi32, #tpu.memory_space<vmem>>)
    %dma_wait3A_382 = arith.constant 896 : i32
    %dma_wait3A_383 = tpu.memref_slice %arg8[%dma_wait3A_382] : memref<3200xi32, #tpu.memory_space<vmem>> -> memref<128xi32, #tpu.memory_space<vmem>>
    %dma_wait3A_384 = tpu.memref_slice %arg3[%mul3A_79] : memref<102400xi32, #tpu.memory_space<hbm>> -> memref<128xi32, #tpu.memory_space<hbm>>
    %dma_wait3A_385 = arith.constant 896 : i32
    %dma_wait3A_386 = tpu.memref_slice %arg8[%dma_wait3A_385] : memref<3200xi32, #tpu.memory_space<vmem>> -> memref<128xi32, #tpu.memory_space<vmem>>
    %dma_wait3A_387 = tpu.memref_slice %arg3[%mul3A_79] : memref<102400xi32, #tpu.memory_space<hbm>> -> memref<128xi32, #tpu.memory_space<hbm>>
    tpu.wait_dma2 semaphore(%arg15 : memref<!tpu.dma_semaphore, #tpu.memory_space<semaphore_mem>>) src(%dma_wait3A_387 : memref<128xi32, #tpu.memory_space<hbm>>) dst(%dma_wait3A_386 : memref<128xi32, #tpu.memory_space<vmem>>)
    %dma_wait3A_388 = arith.constant 1024 : i32
    %dma_wait3A_389 = tpu.memref_slice %arg8[%dma_wait3A_388] : memref<3200xi32, #tpu.memory_space<vmem>> -> memref<128xi32, #tpu.memory_space<vmem>>
    %dma_wait3A_390 = tpu.memref_slice %arg3[%mul3A_89] : memref<102400xi32, #tpu.memory_space<hbm>> -> memref<128xi32, #tpu.memory_space<hbm>>
    %dma_wait3A_391 = arith.constant 1024 : i32
    %dma_wait3A_392 = tpu.memref_slice %arg8[%dma_wait3A_391] : memref<3200xi32, #tpu.memory_space<vmem>> -> memref<128xi32, #tpu.memory_space<vmem>>
    %dma_wait3A_393 = tpu.memref_slice %arg3[%mul3A_89] : memref<102400xi32, #tpu.memory_space<hbm>> -> memref<128xi32, #tpu.memory_space<hbm>>
    tpu.wait_dma2 semaphore(%arg15 : memref<!tpu.dma_semaphore, #tpu.memory_space<semaphore_mem>>) src(%dma_wait3A_393 : memref<128xi32, #tpu.memory_space<hbm>>) dst(%dma_wait3A_392 : memref<128xi32, #tpu.memory_space<vmem>>)
    %dma_wait3A_394 = arith.constant 1152 : i32
    %dma_wait3A_395 = tpu.memref_slice %arg8[%dma_wait3A_394] : memref<3200xi32, #tpu.memory_space<vmem>> -> memref<128xi32, #tpu.memory_space<vmem>>
    %dma_wait3A_396 = tpu.memref_slice %arg3[%mul3A_99] : memref<102400xi32, #tpu.memory_space<hbm>> -> memref<128xi32, #tpu.memory_space<hbm>>
    %dma_wait3A_397 = arith.constant 1152 : i32
    %dma_wait3A_398 = tpu.memref_slice %arg8[%dma_wait3A_397] : memref<3200xi32, #tpu.memory_space<vmem>> -> memref<128xi32, #tpu.memory_space<vmem>>
    %dma_wait3A_399 = tpu.memref_slice %arg3[%mul3A_99] : memref<102400xi32, #tpu.memory_space<hbm>> -> memref<128xi32, #tpu.memory_space<hbm>>
    tpu.wait_dma2 semaphore(%arg15 : memref<!tpu.dma_semaphore, #tpu.memory_space<semaphore_mem>>) src(%dma_wait3A_399 : memref<128xi32, #tpu.memory_space<hbm>>) dst(%dma_wait3A_398 : memref<128xi32, #tpu.memory_space<vmem>>)
    %dma_wait3A_400 = arith.constant 1280 : i32
    %dma_wait3A_401 = tpu.memref_slice %arg8[%dma_wait3A_400] : memref<3200xi32, #tpu.memory_space<vmem>> -> memref<128xi32, #tpu.memory_space<vmem>>
    %dma_wait3A_402 = tpu.memref_slice %arg3[%mul3A_109] : memref<102400xi32, #tpu.memory_space<hbm>> -> memref<128xi32, #tpu.memory_space<hbm>>
    %dma_wait3A_403 = arith.constant 1280 : i32
    %dma_wait3A_404 = tpu.memref_slice %arg8[%dma_wait3A_403] : memref<3200xi32, #tpu.memory_space<vmem>> -> memref<128xi32, #tpu.memory_space<vmem>>
    %dma_wait3A_405 = tpu.memref_slice %arg3[%mul3A_109] : memref<102400xi32, #tpu.memory_space<hbm>> -> memref<128xi32, #tpu.memory_space<hbm>>
    tpu.wait_dma2 semaphore(%arg15 : memref<!tpu.dma_semaphore, #tpu.memory_space<semaphore_mem>>) src(%dma_wait3A_405 : memref<128xi32, #tpu.memory_space<hbm>>) dst(%dma_wait3A_404 : memref<128xi32, #tpu.memory_space<vmem>>)
    %dma_wait3A_406 = arith.constant 1408 : i32
    %dma_wait3A_407 = tpu.memref_slice %arg8[%dma_wait3A_406] : memref<3200xi32, #tpu.memory_space<vmem>> -> memref<128xi32, #tpu.memory_space<vmem>>
    %dma_wait3A_408 = tpu.memref_slice %arg3[%mul3A_119] : memref<102400xi32, #tpu.memory_space<hbm>> -> memref<128xi32, #tpu.memory_space<hbm>>
    %dma_wait3A_409 = arith.constant 1408 : i32
    %dma_wait3A_410 = tpu.memref_slice %arg8[%dma_wait3A_409] : memref<3200xi32, #tpu.memory_space<vmem>> -> memref<128xi32, #tpu.memory_space<vmem>>
    %dma_wait3A_411 = tpu.memref_slice %arg3[%mul3A_119] : memref<102400xi32, #tpu.memory_space<hbm>> -> memref<128xi32, #tpu.memory_space<hbm>>
    tpu.wait_dma2 semaphore(%arg15 : memref<!tpu.dma_semaphore, #tpu.memory_space<semaphore_mem>>) src(%dma_wait3A_411 : memref<128xi32, #tpu.memory_space<hbm>>) dst(%dma_wait3A_410 : memref<128xi32, #tpu.memory_space<vmem>>)
    %dma_wait3A_412 = arith.constant 1536 : i32
    %dma_wait3A_413 = tpu.memref_slice %arg8[%dma_wait3A_412] : memref<3200xi32, #tpu.memory_space<vmem>> -> memref<128xi32, #tpu.memory_space<vmem>>
    %dma_wait3A_414 = tpu.memref_slice %arg3[%mul3A_129] : memref<102400xi32, #tpu.memory_space<hbm>> -> memref<128xi32, #tpu.memory_space<hbm>>
    %dma_wait3A_415 = arith.constant 1536 : i32
    %dma_wait3A_416 = tpu.memref_slice %arg8[%dma_wait3A_415] : memref<3200xi32, #tpu.memory_space<vmem>> -> memref<128xi32, #tpu.memory_space<vmem>>
    %dma_wait3A_417 = tpu.memref_slice %arg3[%mul3A_129] : memref<102400xi32, #tpu.memory_space<hbm>> -> memref<128xi32, #tpu.memory_space<hbm>>
    tpu.wait_dma2 semaphore(%arg15 : memref<!tpu.dma_semaphore, #tpu.memory_space<semaphore_mem>>) src(%dma_wait3A_417 : memref<128xi32, #tpu.memory_space<hbm>>) dst(%dma_wait3A_416 : memref<128xi32, #tpu.memory_space<vmem>>)
    %dma_wait3A_418 = arith.constant 1664 : i32
    %dma_wait3A_419 = tpu.memref_slice %arg8[%dma_wait3A_418] : memref<3200xi32, #tpu.memory_space<vmem>> -> memref<128xi32, #tpu.memory_space<vmem>>
    %dma_wait3A_420 = tpu.memref_slice %arg3[%mul3A_139] : memref<102400xi32, #tpu.memory_space<hbm>> -> memref<128xi32, #tpu.memory_space<hbm>>
    %dma_wait3A_421 = arith.constant 1664 : i32
    %dma_wait3A_422 = tpu.memref_slice %arg8[%dma_wait3A_421] : memref<3200xi32, #tpu.memory_space<vmem>> -> memref<128xi32, #tpu.memory_space<vmem>>
    %dma_wait3A_423 = tpu.memref_slice %arg3[%mul3A_139] : memref<102400xi32, #tpu.memory_space<hbm>> -> memref<128xi32, #tpu.memory_space<hbm>>
    tpu.wait_dma2 semaphore(%arg15 : memref<!tpu.dma_semaphore, #tpu.memory_space<semaphore_mem>>) src(%dma_wait3A_423 : memref<128xi32, #tpu.memory_space<hbm>>) dst(%dma_wait3A_422 : memref<128xi32, #tpu.memory_space<vmem>>)
    %dma_wait3A_424 = arith.constant 1792 : i32
    %dma_wait3A_425 = tpu.memref_slice %arg8[%dma_wait3A_424] : memref<3200xi32, #tpu.memory_space<vmem>> -> memref<128xi32, #tpu.memory_space<vmem>>
    %dma_wait3A_426 = tpu.memref_slice %arg3[%mul3A_149] : memref<102400xi32, #tpu.memory_space<hbm>> -> memref<128xi32, #tpu.memory_space<hbm>>
    %dma_wait3A_427 = arith.constant 1792 : i32
    %dma_wait3A_428 = tpu.memref_slice %arg8[%dma_wait3A_427] : memref<3200xi32, #tpu.memory_space<vmem>> -> memref<128xi32, #tpu.memory_space<vmem>>
    %dma_wait3A_429 = tpu.memref_slice %arg3[%mul3A_149] : memref<102400xi32, #tpu.memory_space<hbm>> -> memref<128xi32, #tpu.memory_space<hbm>>
    tpu.wait_dma2 semaphore(%arg15 : memref<!tpu.dma_semaphore, #tpu.memory_space<semaphore_mem>>) src(%dma_wait3A_429 : memref<128xi32, #tpu.memory_space<hbm>>) dst(%dma_wait3A_428 : memref<128xi32, #tpu.memory_space<vmem>>)
    %dma_wait3A_430 = arith.constant 1920 : i32
    %dma_wait3A_431 = tpu.memref_slice %arg8[%dma_wait3A_430] : memref<3200xi32, #tpu.memory_space<vmem>> -> memref<128xi32, #tpu.memory_space<vmem>>
    %dma_wait3A_432 = tpu.memref_slice %arg3[%mul3A_159] : memref<102400xi32, #tpu.memory_space<hbm>> -> memref<128xi32, #tpu.memory_space<hbm>>
    %dma_wait3A_433 = arith.constant 1920 : i32
    %dma_wait3A_434 = tpu.memref_slice %arg8[%dma_wait3A_433] : memref<3200xi32, #tpu.memory_space<vmem>> -> memref<128xi32, #tpu.memory_space<vmem>>
    %dma_wait3A_435 = tpu.memref_slice %arg3[%mul3A_159] : memref<102400xi32, #tpu.memory_space<hbm>> -> memref<128xi32, #tpu.memory_space<hbm>>
    tpu.wait_dma2 semaphore(%arg15 : memref<!tpu.dma_semaphore, #tpu.memory_space<semaphore_mem>>) src(%dma_wait3A_435 : memref<128xi32, #tpu.memory_space<hbm>>) dst(%dma_wait3A_434 : memref<128xi32, #tpu.memory_space<vmem>>)
    %dma_wait3A_436 = arith.constant 2048 : i32
    %dma_wait3A_437 = tpu.memref_slice %arg8[%dma_wait3A_436] : memref<3200xi32, #tpu.memory_space<vmem>> -> memref<128xi32, #tpu.memory_space<vmem>>
    %dma_wait3A_438 = tpu.memref_slice %arg3[%mul3A_169] : memref<102400xi32, #tpu.memory_space<hbm>> -> memref<128xi32, #tpu.memory_space<hbm>>
    %dma_wait3A_439 = arith.constant 2048 : i32
    %dma_wait3A_440 = tpu.memref_slice %arg8[%dma_wait3A_439] : memref<3200xi32, #tpu.memory_space<vmem>> -> memref<128xi32, #tpu.memory_space<vmem>>
    %dma_wait3A_441 = tpu.memref_slice %arg3[%mul3A_169] : memref<102400xi32, #tpu.memory_space<hbm>> -> memref<128xi32, #tpu.memory_space<hbm>>
    tpu.wait_dma2 semaphore(%arg15 : memref<!tpu.dma_semaphore, #tpu.memory_space<semaphore_mem>>) src(%dma_wait3A_441 : memref<128xi32, #tpu.memory_space<hbm>>) dst(%dma_wait3A_440 : memref<128xi32, #tpu.memory_space<vmem>>)
    %dma_wait3A_442 = arith.constant 2176 : i32
    %dma_wait3A_443 = tpu.memref_slice %arg8[%dma_wait3A_442] : memref<3200xi32, #tpu.memory_space<vmem>> -> memref<128xi32, #tpu.memory_space<vmem>>
    %dma_wait3A_444 = tpu.memref_slice %arg3[%mul3A_179] : memref<102400xi32, #tpu.memory_space<hbm>> -> memref<128xi32, #tpu.memory_space<hbm>>
    %dma_wait3A_445 = arith.constant 2176 : i32
    %dma_wait3A_446 = tpu.memref_slice %arg8[%dma_wait3A_445] : memref<3200xi32, #tpu.memory_space<vmem>> -> memref<128xi32, #tpu.memory_space<vmem>>
    %dma_wait3A_447 = tpu.memref_slice %arg3[%mul3A_179] : memref<102400xi32, #tpu.memory_space<hbm>> -> memref<128xi32, #tpu.memory_space<hbm>>
    tpu.wait_dma2 semaphore(%arg15 : memref<!tpu.dma_semaphore, #tpu.memory_space<semaphore_mem>>) src(%dma_wait3A_447 : memref<128xi32, #tpu.memory_space<hbm>>) dst(%dma_wait3A_446 : memref<128xi32, #tpu.memory_space<vmem>>)
    %dma_wait3A_448 = arith.constant 2304 : i32
    %dma_wait3A_449 = tpu.memref_slice %arg8[%dma_wait3A_448] : memref<3200xi32, #tpu.memory_space<vmem>> -> memref<128xi32, #tpu.memory_space<vmem>>
    %dma_wait3A_450 = tpu.memref_slice %arg3[%mul3A_189] : memref<102400xi32, #tpu.memory_space<hbm>> -> memref<128xi32, #tpu.memory_space<hbm>>
    %dma_wait3A_451 = arith.constant 2304 : i32
    %dma_wait3A_452 = tpu.memref_slice %arg8[%dma_wait3A_451] : memref<3200xi32, #tpu.memory_space<vmem>> -> memref<128xi32, #tpu.memory_space<vmem>>
    %dma_wait3A_453 = tpu.memref_slice %arg3[%mul3A_189] : memref<102400xi32, #tpu.memory_space<hbm>> -> memref<128xi32, #tpu.memory_space<hbm>>
    tpu.wait_dma2 semaphore(%arg15 : memref<!tpu.dma_semaphore, #tpu.memory_space<semaphore_mem>>) src(%dma_wait3A_453 : memref<128xi32, #tpu.memory_space<hbm>>) dst(%dma_wait3A_452 : memref<128xi32, #tpu.memory_space<vmem>>)
    %dma_wait3A_454 = arith.constant 2432 : i32
    %dma_wait3A_455 = tpu.memref_slice %arg8[%dma_wait3A_454] : memref<3200xi32, #tpu.memory_space<vmem>> -> memref<128xi32, #tpu.memory_space<vmem>>
    %dma_wait3A_456 = tpu.memref_slice %arg3[%mul3A_199] : memref<102400xi32, #tpu.memory_space<hbm>> -> memref<128xi32, #tpu.memory_space<hbm>>
    %dma_wait3A_457 = arith.constant 2432 : i32
    %dma_wait3A_458 = tpu.memref_slice %arg8[%dma_wait3A_457] : memref<3200xi32, #tpu.memory_space<vmem>> -> memref<128xi32, #tpu.memory_space<vmem>>
    %dma_wait3A_459 = tpu.memref_slice %arg3[%mul3A_199] : memref<102400xi32, #tpu.memory_space<hbm>> -> memref<128xi32, #tpu.memory_space<hbm>>
    tpu.wait_dma2 semaphore(%arg15 : memref<!tpu.dma_semaphore, #tpu.memory_space<semaphore_mem>>) src(%dma_wait3A_459 : memref<128xi32, #tpu.memory_space<hbm>>) dst(%dma_wait3A_458 : memref<128xi32, #tpu.memory_space<vmem>>)
    %dma_wait3A_460 = arith.constant 2560 : i32
    %dma_wait3A_461 = tpu.memref_slice %arg8[%dma_wait3A_460] : memref<3200xi32, #tpu.memory_space<vmem>> -> memref<128xi32, #tpu.memory_space<vmem>>
    %dma_wait3A_462 = tpu.memref_slice %arg3[%mul3A_209] : memref<102400xi32, #tpu.memory_space<hbm>> -> memref<128xi32, #tpu.memory_space<hbm>>
    %dma_wait3A_463 = arith.constant 2560 : i32
    %dma_wait3A_464 = tpu.memref_slice %arg8[%dma_wait3A_463] : memref<3200xi32, #tpu.memory_space<vmem>> -> memref<128xi32, #tpu.memory_space<vmem>>
    %dma_wait3A_465 = tpu.memref_slice %arg3[%mul3A_209] : memref<102400xi32, #tpu.memory_space<hbm>> -> memref<128xi32, #tpu.memory_space<hbm>>
    tpu.wait_dma2 semaphore(%arg15 : memref<!tpu.dma_semaphore, #tpu.memory_space<semaphore_mem>>) src(%dma_wait3A_465 : memref<128xi32, #tpu.memory_space<hbm>>) dst(%dma_wait3A_464 : memref<128xi32, #tpu.memory_space<vmem>>)
    %dma_wait3A_466 = arith.constant 2688 : i32
    %dma_wait3A_467 = tpu.memref_slice %arg8[%dma_wait3A_466] : memref<3200xi32, #tpu.memory_space<vmem>> -> memref<128xi32, #tpu.memory_space<vmem>>
    %dma_wait3A_468 = tpu.memref_slice %arg3[%mul3A_219] : memref<102400xi32, #tpu.memory_space<hbm>> -> memref<128xi32, #tpu.memory_space<hbm>>
    %dma_wait3A_469 = arith.constant 2688 : i32
    %dma_wait3A_470 = tpu.memref_slice %arg8[%dma_wait3A_469] : memref<3200xi32, #tpu.memory_space<vmem>> -> memref<128xi32, #tpu.memory_space<vmem>>
    %dma_wait3A_471 = tpu.memref_slice %arg3[%mul3A_219] : memref<102400xi32, #tpu.memory_space<hbm>> -> memref<128xi32, #tpu.memory_space<hbm>>
    tpu.wait_dma2 semaphore(%arg15 : memref<!tpu.dma_semaphore, #tpu.memory_space<semaphore_mem>>) src(%dma_wait3A_471 : memref<128xi32, #tpu.memory_space<hbm>>) dst(%dma_wait3A_470 : memref<128xi32, #tpu.memory_space<vmem>>)
    %dma_wait3A_472 = arith.constant 2816 : i32
    %dma_wait3A_473 = tpu.memref_slice %arg8[%dma_wait3A_472] : memref<3200xi32, #tpu.memory_space<vmem>> -> memref<128xi32, #tpu.memory_space<vmem>>
    %dma_wait3A_474 = tpu.memref_slice %arg3[%mul3A_229] : memref<102400xi32, #tpu.memory_space<hbm>> -> memref<128xi32, #tpu.memory_space<hbm>>
    %dma_wait3A_475 = arith.constant 2816 : i32
    %dma_wait3A_476 = tpu.memref_slice %arg8[%dma_wait3A_475] : memref<3200xi32, #tpu.memory_space<vmem>> -> memref<128xi32, #tpu.memory_space<vmem>>
    %dma_wait3A_477 = tpu.memref_slice %arg3[%mul3A_229] : memref<102400xi32, #tpu.memory_space<hbm>> -> memref<128xi32, #tpu.memory_space<hbm>>
    tpu.wait_dma2 semaphore(%arg15 : memref<!tpu.dma_semaphore, #tpu.memory_space<semaphore_mem>>) src(%dma_wait3A_477 : memref<128xi32, #tpu.memory_space<hbm>>) dst(%dma_wait3A_476 : memref<128xi32, #tpu.memory_space<vmem>>)
    %dma_wait3A_478 = arith.constant 2944 : i32
    %dma_wait3A_479 = tpu.memref_slice %arg8[%dma_wait3A_478] : memref<3200xi32, #tpu.memory_space<vmem>> -> memref<128xi32, #tpu.memory_space<vmem>>
    %dma_wait3A_480 = tpu.memref_slice %arg3[%mul3A_239] : memref<102400xi32, #tpu.memory_space<hbm>> -> memref<128xi32, #tpu.memory_space<hbm>>
    %dma_wait3A_481 = arith.constant 2944 : i32
    %dma_wait3A_482 = tpu.memref_slice %arg8[%dma_wait3A_481] : memref<3200xi32, #tpu.memory_space<vmem>> -> memref<128xi32, #tpu.memory_space<vmem>>
    %dma_wait3A_483 = tpu.memref_slice %arg3[%mul3A_239] : memref<102400xi32, #tpu.memory_space<hbm>> -> memref<128xi32, #tpu.memory_space<hbm>>
    tpu.wait_dma2 semaphore(%arg15 : memref<!tpu.dma_semaphore, #tpu.memory_space<semaphore_mem>>) src(%dma_wait3A_483 : memref<128xi32, #tpu.memory_space<hbm>>) dst(%dma_wait3A_482 : memref<128xi32, #tpu.memory_space<vmem>>)
    %dma_wait3A_484 = arith.constant 3072 : i32
    %dma_wait3A_485 = tpu.memref_slice %arg8[%dma_wait3A_484] : memref<3200xi32, #tpu.memory_space<vmem>> -> memref<128xi32, #tpu.memory_space<vmem>>
    %dma_wait3A_486 = tpu.memref_slice %arg3[%mul3A_249] : memref<102400xi32, #tpu.memory_space<hbm>> -> memref<128xi32, #tpu.memory_space<hbm>>
    %dma_wait3A_487 = arith.constant 3072 : i32
    %dma_wait3A_488 = tpu.memref_slice %arg8[%dma_wait3A_487] : memref<3200xi32, #tpu.memory_space<vmem>> -> memref<128xi32, #tpu.memory_space<vmem>>
    %dma_wait3A_489 = tpu.memref_slice %arg3[%mul3A_249] : memref<102400xi32, #tpu.memory_space<hbm>> -> memref<128xi32, #tpu.memory_space<hbm>>
    tpu.wait_dma2 semaphore(%arg15 : memref<!tpu.dma_semaphore, #tpu.memory_space<semaphore_mem>>) src(%dma_wait3A_489 : memref<128xi32, #tpu.memory_space<hbm>>) dst(%dma_wait3A_488 : memref<128xi32, #tpu.memory_space<vmem>>)
    %dma_wait3A_490 = arith.constant 0 : i32
    %dma_wait3A_491 = arith.constant 0 : i32
    %dma_wait3A_492 = arith.constant 0 : i32
    %dma_wait3A_493 = tpu.memref_slice %arg9[%dma_wait3A_490, %dma_wait3A_491, %dma_wait3A_492] : memref<8x128x64xf32, #tpu.memory_space<vmem>> -> memref<1x128x64xf32, #tpu.memory_space<vmem>>
    %dma_wait3A_494 = tpu.memref_squeeze %dma_wait3A_493 : memref<1x128x64xf32, #tpu.memory_space<vmem>> -> memref<128x64xf32, #tpu.memory_space<vmem>>
    %dma_wait3A_495 = arith.constant 0 : i32
    %dma_wait3A_496 = tpu.memref_slice %arg2[%mul3A_259, %dma_wait3A_495] : memref<102400x128xf32, #tpu.memory_space<hbm>> -> memref<128x64xf32, #tpu.memory_space<hbm>>
    %dma_wait3A_497 = arith.constant 0 : i32
    %dma_wait3A_498 = arith.constant 0 : i32
    %dma_wait3A_499 = tpu.memref_slice %arg9[%dma_wait3A_490, %dma_wait3A_497, %dma_wait3A_498] : memref<8x128x64xf32, #tpu.memory_space<vmem>> -> memref<1x128x64xf32, #tpu.memory_space<vmem>>
    %dma_wait3A_500 = tpu.memref_squeeze %dma_wait3A_499 : memref<1x128x64xf32, #tpu.memory_space<vmem>> -> memref<128x64xf32, #tpu.memory_space<vmem>>
    %dma_wait3A_501 = arith.constant 0 : i32
    %dma_wait3A_502 = tpu.memref_slice %arg2[%mul3A_259, %dma_wait3A_501] : memref<102400x128xf32, #tpu.memory_space<hbm>> -> memref<128x64xf32, #tpu.memory_space<hbm>>
    tpu.wait_dma2 semaphore(%arg18 : memref<!tpu.dma_semaphore, #tpu.memory_space<semaphore_mem>>) src(%dma_wait3A_502 : memref<128x64xf32, #tpu.memory_space<hbm>>) dst(%dma_wait3A_500 : memref<128x64xf32, #tpu.memory_space<vmem>>)
    %dma_start3A_503 = arith.constant 0 : i32
    %dma_start3A_504 = arith.constant 0 : i32
    %dma_start3A_505 = arith.constant 0 : i32
    %dma_start3A_506 = tpu.memref_slice %arg9[%dma_start3A_503, %dma_start3A_504, %dma_start3A_505] : memref<8x128x64xf32, #tpu.memory_space<vmem>> -> memref<1x128x64xf32, #tpu.memory_space<vmem>>
    %dma_start3A_507 = tpu.memref_squeeze %dma_start3A_506 : memref<1x128x64xf32, #tpu.memory_space<vmem>> -> memref<128x64xf32, #tpu.memory_space<vmem>>
    %dma_start3A_508 = arith.constant 0 : i32
    %dma_start3A_509 = tpu.memref_slice %arg8[%dma_start3A_508] : memref<3200xi32, #tpu.memory_space<vmem>> -> memref<128xi32, #tpu.memory_space<vmem>>
    %dma_start3A_510 = arith.constant 0 : i32
    %dma_start3A_511 = arith.constant 0 : i32
    %dma_start3A_512 = tpu.memref_slice %arg34[%dma_start3A_510, %dma_start3A_511] : memref<3072x64xf32, #tpu.memory_space<vmem_shared>> -> memref<3072x64xf32, #tpu.memory_space<vmem_shared>>
    tpu.enqueue_indirect_dma source(%dma_start3A_507 : memref<128x64xf32, #tpu.memory_space<vmem>>) target(%dma_start3A_512 : memref<3072x64xf32, #tpu.memory_space<vmem_shared>>) offsets(%dma_start3A_509 : memref<128xi32, #tpu.memory_space<vmem>>) semaphore(%arg26 : memref<!tpu.dma_semaphore, #tpu.memory_space<semaphore_mem>>) {add = true}
    %dma_start3A_513 = arith.constant 0 : i32
    %dma_start3A_514 = tpu.memref_slice %arg8[%dma_start3A_513] : memref<3200xi32, #tpu.memory_space<vmem>> -> memref<128xi32, #tpu.memory_space<vmem>>
    %dma_start3A_515 = arith.constant 0 : i32
    %dma_start3A_516 = arith.constant 0 : i32
    %dma_start3A_517 = tpu.memref_slice %arg35[%dma_start3A_515, %dma_start3A_516] : memref<3072x16xf32, #tpu.memory_space<vmem_shared>> -> memref<3072x16xf32, #tpu.memory_space<vmem_shared>>
    tpu.enqueue_indirect_dma source(%arg10 : memref<128x16xf32, #tpu.memory_space<vmem>>) target(%dma_start3A_517 : memref<3072x16xf32, #tpu.memory_space<vmem_shared>>) offsets(%dma_start3A_514 : memref<128xi32, #tpu.memory_space<vmem>>) semaphore(%arg16 : memref<!tpu.dma_semaphore, #tpu.memory_space<semaphore_mem>>) {add = true}
    %add3A_518 = arith.constant 128 : i32
    %add3A_519 = arith.addi %add3A, %add3A_518 : i32
    %mul3A_520 = arith.constant 128 : i32
    %mul3A_521 = arith.muli %add3A_519, %mul3A_520 : i32
    %dma_start3A_522 = arith.constant 4 : i32
    %dma_start3A_523 = arith.constant 0 : i32
    %dma_start3A_524 = arith.constant 0 : i32
    %dma_start3A_525 = tpu.memref_slice %arg9[%dma_start3A_522, %dma_start3A_523, %dma_start3A_524] : memref<8x128x64xf32, #tpu.memory_space<vmem>> -> memref<1x128x64xf32, #tpu.memory_space<vmem>>
    %dma_start3A_526 = tpu.memref_squeeze %dma_start3A_525 : memref<1x128x64xf32, #tpu.memory_space<vmem>> -> memref<128x64xf32, #tpu.memory_space<vmem>>
    %dma_start3A_527 = arith.constant 0 : i32
    %dma_start3A_528 = tpu.memref_slice %arg2[%mul3A_521, %dma_start3A_527] : memref<102400x128xf32, #tpu.memory_space<hbm>> -> memref<128x64xf32, #tpu.memory_space<hbm>>
    %dma_start3A_529 = arith.constant 0 : i32
    %dma_start3A_530 = arith.constant 0 : i32
    %dma_start3A_531 = tpu.memref_slice %arg9[%dma_start3A_522, %dma_start3A_529, %dma_start3A_530] : memref<8x128x64xf32, #tpu.memory_space<vmem>> -> memref<1x128x64xf32, #tpu.memory_space<vmem>>
    %dma_start3A_532 = tpu.memref_squeeze %dma_start3A_531 : memref<1x128x64xf32, #tpu.memory_space<vmem>> -> memref<128x64xf32, #tpu.memory_space<vmem>>
    %dma_start3A_533 = arith.constant 0 : i32
    %dma_start3A_534 = tpu.memref_slice %arg2[%mul3A_521, %dma_start3A_533] : memref<102400x128xf32, #tpu.memory_space<hbm>> -> memref<128x64xf32, #tpu.memory_space<hbm>>
    tpu.enqueue_dma source(%dma_start3A_534 : memref<128x64xf32, #tpu.memory_space<hbm>>) target(%dma_start3A_532 : memref<128x64xf32, #tpu.memory_space<vmem>>) target_semaphore(%arg22 : memref<!tpu.dma_semaphore, #tpu.memory_space<semaphore_mem>>)
    %dma_wait3A_535 = arith.constant 1 : i32
    %dma_wait3A_536 = arith.constant 0 : i32
    %dma_wait3A_537 = arith.constant 0 : i32
    %dma_wait3A_538 = tpu.memref_slice %arg9[%dma_wait3A_535, %dma_wait3A_536, %dma_wait3A_537] : memref<8x128x64xf32, #tpu.memory_space<vmem>> -> memref<1x128x64xf32, #tpu.memory_space<vmem>>
    %dma_wait3A_539 = tpu.memref_squeeze %dma_wait3A_538 : memref<1x128x64xf32, #tpu.memory_space<vmem>> -> memref<128x64xf32, #tpu.memory_space<vmem>>
    %dma_wait3A_540 = arith.constant 0 : i32
    %dma_wait3A_541 = tpu.memref_slice %arg2[%mul3A_276, %dma_wait3A_540] : memref<102400x128xf32, #tpu.memory_space<hbm>> -> memref<128x64xf32, #tpu.memory_space<hbm>>
    %dma_wait3A_542 = arith.constant 0 : i32
    %dma_wait3A_543 = arith.constant 0 : i32
    %dma_wait3A_544 = tpu.memref_slice %arg9[%dma_wait3A_535, %dma_wait3A_542, %dma_wait3A_543] : memref<8x128x64xf32, #tpu.memory_space<vmem>> -> memref<1x128x64xf32, #tpu.memory_space<vmem>>
    %dma_wait3A_545 = tpu.memref_squeeze %dma_wait3A_544 : memref<1x128x64xf32, #tpu.memory_space<vmem>> -> memref<128x64xf32, #tpu.memory_space<vmem>>
    %dma_wait3A_546 = arith.constant 0 : i32
    %dma_wait3A_547 = tpu.memref_slice %arg2[%mul3A_276, %dma_wait3A_546] : memref<102400x128xf32, #tpu.memory_space<hbm>> -> memref<128x64xf32, #tpu.memory_space<hbm>>
    tpu.wait_dma2 semaphore(%arg19 : memref<!tpu.dma_semaphore, #tpu.memory_space<semaphore_mem>>) src(%dma_wait3A_547 : memref<128x64xf32, #tpu.memory_space<hbm>>) dst(%dma_wait3A_545 : memref<128x64xf32, #tpu.memory_space<vmem>>)
    %dma_start3A_548 = arith.constant 1 : i32
    %dma_start3A_549 = arith.constant 0 : i32
    %dma_start3A_550 = arith.constant 0 : i32
    %dma_start3A_551 = tpu.memref_slice %arg9[%dma_start3A_548, %dma_start3A_549, %dma_start3A_550] : memref<8x128x64xf32, #tpu.memory_space<vmem>> -> memref<1x128x64xf32, #tpu.memory_space<vmem>>
    %dma_start3A_552 = tpu.memref_squeeze %dma_start3A_551 : memref<1x128x64xf32, #tpu.memory_space<vmem>> -> memref<128x64xf32, #tpu.memory_space<vmem>>
    %dma_start3A_553 = arith.constant 128 : i32
    %dma_start3A_554 = tpu.memref_slice %arg8[%dma_start3A_553] : memref<3200xi32, #tpu.memory_space<vmem>> -> memref<128xi32, #tpu.memory_space<vmem>>
    %dma_start3A_555 = arith.constant 0 : i32
    %dma_start3A_556 = arith.constant 0 : i32
    %dma_start3A_557 = tpu.memref_slice %arg34[%dma_start3A_555, %dma_start3A_556] : memref<3072x64xf32, #tpu.memory_space<vmem_shared>> -> memref<3072x64xf32, #tpu.memory_space<vmem_shared>>
    tpu.enqueue_indirect_dma source(%dma_start3A_552 : memref<128x64xf32, #tpu.memory_space<vmem>>) target(%dma_start3A_557 : memref<3072x64xf32, #tpu.memory_space<vmem_shared>>) offsets(%dma_start3A_554 : memref<128xi32, #tpu.memory_space<vmem>>) semaphore(%arg27 : memref<!tpu.dma_semaphore, #tpu.memory_space<semaphore_mem>>) {add = true}
    %dma_start3A_558 = arith.constant 128 : i32
    %dma_start3A_559 = tpu.memref_slice %arg8[%dma_start3A_558] : memref<3200xi32, #tpu.memory_space<vmem>> -> memref<128xi32, #tpu.memory_space<vmem>>
    %dma_start3A_560 = arith.constant 0 : i32
    %dma_start3A_561 = arith.constant 0 : i32
    %dma_start3A_562 = tpu.memref_slice %arg35[%dma_start3A_560, %dma_start3A_561] : memref<3072x16xf32, #tpu.memory_space<vmem_shared>> -> memref<3072x16xf32, #tpu.memory_space<vmem_shared>>
    tpu.enqueue_indirect_dma source(%arg10 : memref<128x16xf32, #tpu.memory_space<vmem>>) target(%dma_start3A_562 : memref<3072x16xf32, #tpu.memory_space<vmem_shared>>) offsets(%dma_start3A_559 : memref<128xi32, #tpu.memory_space<vmem>>) semaphore(%arg16 : memref<!tpu.dma_semaphore, #tpu.memory_space<semaphore_mem>>) {add = true}
    %add3A_563 = arith.constant 160 : i32
    %add3A_564 = arith.addi %add3A, %add3A_563 : i32
    %mul3A_565 = arith.constant 128 : i32
    %mul3A_566 = arith.muli %add3A_564, %mul3A_565 : i32
    %dma_start3A_567 = arith.constant 5 : i32
    %dma_start3A_568 = arith.constant 0 : i32
    %dma_start3A_569 = arith.constant 0 : i32
    %dma_start3A_570 = tpu.memref_slice %arg9[%dma_start3A_567, %dma_start3A_568, %dma_start3A_569] : memref<8x128x64xf32, #tpu.memory_space<vmem>> -> memref<1x128x64xf32, #tpu.memory_space<vmem>>
    %dma_start3A_571 = tpu.memref_squeeze %dma_start3A_570 : memref<1x128x64xf32, #tpu.memory_space<vmem>> -> memref<128x64xf32, #tpu.memory_space<vmem>>
    %dma_start3A_572 = arith.constant 0 : i32
    %dma_start3A_573 = tpu.memref_slice %arg2[%mul3A_566, %dma_start3A_572] : memref<102400x128xf32, #tpu.memory_space<hbm>> -> memref<128x64xf32, #tpu.memory_space<hbm>>
    %dma_start3A_574 = arith.constant 0 : i32
    %dma_start3A_575 = arith.constant 0 : i32
    %dma_start3A_576 = tpu.memref_slice %arg9[%dma_start3A_567, %dma_start3A_574, %dma_start3A_575] : memref<8x128x64xf32, #tpu.memory_space<vmem>> -> memref<1x128x64xf32, #tpu.memory_space<vmem>>
    %dma_start3A_577 = tpu.memref_squeeze %dma_start3A_576 : memref<1x128x64xf32, #tpu.memory_space<vmem>> -> memref<128x64xf32, #tpu.memory_space<vmem>>
    %dma_start3A_578 = arith.constant 0 : i32
    %dma_start3A_579 = tpu.memref_slice %arg2[%mul3A_566, %dma_start3A_578] : memref<102400x128xf32, #tpu.memory_space<hbm>> -> memref<128x64xf32, #tpu.memory_space<hbm>>
    tpu.enqueue_dma source(%dma_start3A_579 : memref<128x64xf32, #tpu.memory_space<hbm>>) target(%dma_start3A_577 : memref<128x64xf32, #tpu.memory_space<vmem>>) target_semaphore(%arg23 : memref<!tpu.dma_semaphore, #tpu.memory_space<semaphore_mem>>)
    %dma_wait3A_580 = arith.constant 2 : i32
    %dma_wait3A_581 = arith.constant 0 : i32
    %dma_wait3A_582 = arith.constant 0 : i32
    %dma_wait3A_583 = tpu.memref_slice %arg9[%dma_wait3A_580, %dma_wait3A_581, %dma_wait3A_582] : memref<8x128x64xf32, #tpu.memory_space<vmem>> -> memref<1x128x64xf32, #tpu.memory_space<vmem>>
    %dma_wait3A_584 = tpu.memref_squeeze %dma_wait3A_583 : memref<1x128x64xf32, #tpu.memory_space<vmem>> -> memref<128x64xf32, #tpu.memory_space<vmem>>
    %dma_wait3A_585 = arith.constant 0 : i32
    %dma_wait3A_586 = tpu.memref_slice %arg2[%mul3A_293, %dma_wait3A_585] : memref<102400x128xf32, #tpu.memory_space<hbm>> -> memref<128x64xf32, #tpu.memory_space<hbm>>
    %dma_wait3A_587 = arith.constant 0 : i32
    %dma_wait3A_588 = arith.constant 0 : i32
    %dma_wait3A_589 = tpu.memref_slice %arg9[%dma_wait3A_580, %dma_wait3A_587, %dma_wait3A_588] : memref<8x128x64xf32, #tpu.memory_space<vmem>> -> memref<1x128x64xf32, #tpu.memory_space<vmem>>
    %dma_wait3A_590 = tpu.memref_squeeze %dma_wait3A_589 : memref<1x128x64xf32, #tpu.memory_space<vmem>> -> memref<128x64xf32, #tpu.memory_space<vmem>>
    %dma_wait3A_591 = arith.constant 0 : i32
    %dma_wait3A_592 = tpu.memref_slice %arg2[%mul3A_293, %dma_wait3A_591] : memref<102400x128xf32, #tpu.memory_space<hbm>> -> memref<128x64xf32, #tpu.memory_space<hbm>>
    tpu.wait_dma2 semaphore(%arg20 : memref<!tpu.dma_semaphore, #tpu.memory_space<semaphore_mem>>) src(%dma_wait3A_592 : memref<128x64xf32, #tpu.memory_space<hbm>>) dst(%dma_wait3A_590 : memref<128x64xf32, #tpu.memory_space<vmem>>)
    %dma_start3A_593 = arith.constant 2 : i32
    %dma_start3A_594 = arith.constant 0 : i32
    %dma_start3A_595 = arith.constant 0 : i32
    %dma_start3A_596 = tpu.memref_slice %arg9[%dma_start3A_593, %dma_start3A_594, %dma_start3A_595] : memref<8x128x64xf32, #tpu.memory_space<vmem>> -> memref<1x128x64xf32, #tpu.memory_space<vmem>>
    %dma_start3A_597 = tpu.memref_squeeze %dma_start3A_596 : memref<1x128x64xf32, #tpu.memory_space<vmem>> -> memref<128x64xf32, #tpu.memory_space<vmem>>
    %dma_start3A_598 = arith.constant 256 : i32
    %dma_start3A_599 = tpu.memref_slice %arg8[%dma_start3A_598] : memref<3200xi32, #tpu.memory_space<vmem>> -> memref<128xi32, #tpu.memory_space<vmem>>
    %dma_start3A_600 = arith.constant 0 : i32
    %dma_start3A_601 = arith.constant 0 : i32
    %dma_start3A_602 = tpu.memref_slice %arg34[%dma_start3A_600, %dma_start3A_601] : memref<3072x64xf32, #tpu.memory_space<vmem_shared>> -> memref<3072x64xf32, #tpu.memory_space<vmem_shared>>
    tpu.enqueue_indirect_dma source(%dma_start3A_597 : memref<128x64xf32, #tpu.memory_space<vmem>>) target(%dma_start3A_602 : memref<3072x64xf32, #tpu.memory_space<vmem_shared>>) offsets(%dma_start3A_599 : memref<128xi32, #tpu.memory_space<vmem>>) semaphore(%arg28 : memref<!tpu.dma_semaphore, #tpu.memory_space<semaphore_mem>>) {add = true}
    %dma_start3A_603 = arith.constant 256 : i32
    %dma_start3A_604 = tpu.memref_slice %arg8[%dma_start3A_603] : memref<3200xi32, #tpu.memory_space<vmem>> -> memref<128xi32, #tpu.memory_space<vmem>>
    %dma_start3A_605 = arith.constant 0 : i32
    %dma_start3A_606 = arith.constant 0 : i32
    %dma_start3A_607 = tpu.memref_slice %arg35[%dma_start3A_605, %dma_start3A_606] : memref<3072x16xf32, #tpu.memory_space<vmem_shared>> -> memref<3072x16xf32, #tpu.memory_space<vmem_shared>>
    tpu.enqueue_indirect_dma source(%arg10 : memref<128x16xf32, #tpu.memory_space<vmem>>) target(%dma_start3A_607 : memref<3072x16xf32, #tpu.memory_space<vmem_shared>>) offsets(%dma_start3A_604 : memref<128xi32, #tpu.memory_space<vmem>>) semaphore(%arg16 : memref<!tpu.dma_semaphore, #tpu.memory_space<semaphore_mem>>) {add = true}
    %add3A_608 = arith.constant 192 : i32
    %add3A_609 = arith.addi %add3A, %add3A_608 : i32
    %mul3A_610 = arith.constant 128 : i32
    %mul3A_611 = arith.muli %add3A_609, %mul3A_610 : i32
    %dma_start3A_612 = arith.constant 6 : i32
    %dma_start3A_613 = arith.constant 0 : i32
    %dma_start3A_614 = arith.constant 0 : i32
    %dma_start3A_615 = tpu.memref_slice %arg9[%dma_start3A_612, %dma_start3A_613, %dma_start3A_614] : memref<8x128x64xf32, #tpu.memory_space<vmem>> -> memref<1x128x64xf32, #tpu.memory_space<vmem>>
    %dma_start3A_616 = tpu.memref_squeeze %dma_start3A_615 : memref<1x128x64xf32, #tpu.memory_space<vmem>> -> memref<128x64xf32, #tpu.memory_space<vmem>>
    %dma_start3A_617 = arith.constant 0 : i32
    %dma_start3A_618 = tpu.memref_slice %arg2[%mul3A_611, %dma_start3A_617] : memref<102400x128xf32, #tpu.memory_space<hbm>> -> memref<128x64xf32, #tpu.memory_space<hbm>>
    %dma_start3A_619 = arith.constant 0 : i32
    %dma_start3A_620 = arith.constant 0 : i32
    %dma_start3A_621 = tpu.memref_slice %arg9[%dma_start3A_612, %dma_start3A_619, %dma_start3A_620] : memref<8x128x64xf32, #tpu.memory_space<vmem>> -> memref<1x128x64xf32, #tpu.memory_space<vmem>>
    %dma_start3A_622 = tpu.memref_squeeze %dma_start3A_621 : memref<1x128x64xf32, #tpu.memory_space<vmem>> -> memref<128x64xf32, #tpu.memory_space<vmem>>
    %dma_start3A_623 = arith.constant 0 : i32
    %dma_start3A_624 = tpu.memref_slice %arg2[%mul3A_611, %dma_start3A_623] : memref<102400x128xf32, #tpu.memory_space<hbm>> -> memref<128x64xf32, #tpu.memory_space<hbm>>
    tpu.enqueue_dma source(%dma_start3A_624 : memref<128x64xf32, #tpu.memory_space<hbm>>) target(%dma_start3A_622 : memref<128x64xf32, #tpu.memory_space<vmem>>) target_semaphore(%arg24 : memref<!tpu.dma_semaphore, #tpu.memory_space<semaphore_mem>>)
    %dma_wait3A_625 = arith.constant 3 : i32
    %dma_wait3A_626 = arith.constant 0 : i32
    %dma_wait3A_627 = arith.constant 0 : i32
    %dma_wait3A_628 = tpu.memref_slice %arg9[%dma_wait3A_625, %dma_wait3A_626, %dma_wait3A_627] : memref<8x128x64xf32, #tpu.memory_space<vmem>> -> memref<1x128x64xf32, #tpu.memory_space<vmem>>
    %dma_wait3A_629 = tpu.memref_squeeze %dma_wait3A_628 : memref<1x128x64xf32, #tpu.memory_space<vmem>> -> memref<128x64xf32, #tpu.memory_space<vmem>>
    %dma_wait3A_630 = arith.constant 0 : i32
    %dma_wait3A_631 = tpu.memref_slice %arg2[%mul3A_310, %dma_wait3A_630] : memref<102400x128xf32, #tpu.memory_space<hbm>> -> memref<128x64xf32, #tpu.memory_space<hbm>>
    %dma_wait3A_632 = arith.constant 0 : i32
    %dma_wait3A_633 = arith.constant 0 : i32
    %dma_wait3A_634 = tpu.memref_slice %arg9[%dma_wait3A_625, %dma_wait3A_632, %dma_wait3A_633] : memref<8x128x64xf32, #tpu.memory_space<vmem>> -> memref<1x128x64xf32, #tpu.memory_space<vmem>>
    %dma_wait3A_635 = tpu.memref_squeeze %dma_wait3A_634 : memref<1x128x64xf32, #tpu.memory_space<vmem>> -> memref<128x64xf32, #tpu.memory_space<vmem>>
    %dma_wait3A_636 = arith.constant 0 : i32
    %dma_wait3A_637 = tpu.memref_slice %arg2[%mul3A_310, %dma_wait3A_636] : memref<102400x128xf32, #tpu.memory_space<hbm>> -> memref<128x64xf32, #tpu.memory_space<hbm>>
    tpu.wait_dma2 semaphore(%arg21 : memref<!tpu.dma_semaphore, #tpu.memory_space<semaphore_mem>>) src(%dma_wait3A_637 : memref<128x64xf32, #tpu.memory_space<hbm>>) dst(%dma_wait3A_635 : memref<128x64xf32, #tpu.memory_space<vmem>>)
    %dma_start3A_638 = arith.constant 3 : i32
    %dma_start3A_639 = arith.constant 0 : i32
    %dma_start3A_640 = arith.constant 0 : i32
    %dma_start3A_641 = tpu.memref_slice %arg9[%dma_start3A_638, %dma_start3A_639, %dma_start3A_640] : memref<8x128x64xf32, #tpu.memory_space<vmem>> -> memref<1x128x64xf32, #tpu.memory_space<vmem>>
    %dma_start3A_642 = tpu.memref_squeeze %dma_start3A_641 : memref<1x128x64xf32, #tpu.memory_space<vmem>> -> memref<128x64xf32, #tpu.memory_space<vmem>>
    %dma_start3A_643 = arith.constant 384 : i32
    %dma_start3A_644 = tpu.memref_slice %arg8[%dma_start3A_643] : memref<3200xi32, #tpu.memory_space<vmem>> -> memref<128xi32, #tpu.memory_space<vmem>>
    %dma_start3A_645 = arith.constant 0 : i32
    %dma_start3A_646 = arith.constant 0 : i32
    %dma_start3A_647 = tpu.memref_slice %arg34[%dma_start3A_645, %dma_start3A_646] : memref<3072x64xf32, #tpu.memory_space<vmem_shared>> -> memref<3072x64xf32, #tpu.memory_space<vmem_shared>>
    tpu.enqueue_indirect_dma source(%dma_start3A_642 : memref<128x64xf32, #tpu.memory_space<vmem>>) target(%dma_start3A_647 : memref<3072x64xf32, #tpu.memory_space<vmem_shared>>) offsets(%dma_start3A_644 : memref<128xi32, #tpu.memory_space<vmem>>) semaphore(%arg29 : memref<!tpu.dma_semaphore, #tpu.memory_space<semaphore_mem>>) {add = true}
    %dma_start3A_648 = arith.constant 384 : i32
    %dma_start3A_649 = tpu.memref_slice %arg8[%dma_start3A_648] : memref<3200xi32, #tpu.memory_space<vmem>> -> memref<128xi32, #tpu.memory_space<vmem>>
    %dma_start3A_650 = arith.constant 0 : i32
    %dma_start3A_651 = arith.constant 0 : i32
    %dma_start3A_652 = tpu.memref_slice %arg35[%dma_start3A_650, %dma_start3A_651] : memref<3072x16xf32, #tpu.memory_space<vmem_shared>> -> memref<3072x16xf32, #tpu.memory_space<vmem_shared>>
    tpu.enqueue_indirect_dma source(%arg10 : memref<128x16xf32, #tpu.memory_space<vmem>>) target(%dma_start3A_652 : memref<3072x16xf32, #tpu.memory_space<vmem_shared>>) offsets(%dma_start3A_649 : memref<128xi32, #tpu.memory_space<vmem>>) semaphore(%arg16 : memref<!tpu.dma_semaphore, #tpu.memory_space<semaphore_mem>>) {add = true}
    %add3A_653 = arith.constant 224 : i32
    %add3A_654 = arith.addi %add3A, %add3A_653 : i32
    %mul3A_655 = arith.constant 128 : i32
    %mul3A_656 = arith.muli %add3A_654, %mul3A_655 : i32
    %dma_start3A_657 = arith.constant 7 : i32
    %dma_start3A_658 = arith.constant 0 : i32
    %dma_start3A_659 = arith.constant 0 : i32
    %dma_start3A_660 = tpu.memref_slice %arg9[%dma_start3A_657, %dma_start3A_658, %dma_start3A_659] : memref<8x128x64xf32, #tpu.memory_space<vmem>> -> memref<1x128x64xf32, #tpu.memory_space<vmem>>
    %dma_start3A_661 = tpu.memref_squeeze %dma_start3A_660 : memref<1x128x64xf32, #tpu.memory_space<vmem>> -> memref<128x64xf32, #tpu.memory_space<vmem>>
    %dma_start3A_662 = arith.constant 0 : i32
    %dma_start3A_663 = tpu.memref_slice %arg2[%mul3A_656, %dma_start3A_662] : memref<102400x128xf32, #tpu.memory_space<hbm>> -> memref<128x64xf32, #tpu.memory_space<hbm>>
    %dma_start3A_664 = arith.constant 0 : i32
    %dma_start3A_665 = arith.constant 0 : i32
    %dma_start3A_666 = tpu.memref_slice %arg9[%dma_start3A_657, %dma_start3A_664, %dma_start3A_665] : memref<8x128x64xf32, #tpu.memory_space<vmem>> -> memref<1x128x64xf32, #tpu.memory_space<vmem>>
    %dma_start3A_667 = tpu.memref_squeeze %dma_start3A_666 : memref<1x128x64xf32, #tpu.memory_space<vmem>> -> memref<128x64xf32, #tpu.memory_space<vmem>>
    %dma_start3A_668 = arith.constant 0 : i32
    %dma_start3A_669 = tpu.memref_slice %arg2[%mul3A_656, %dma_start3A_668] : memref<102400x128xf32, #tpu.memory_space<hbm>> -> memref<128x64xf32, #tpu.memory_space<hbm>>
    tpu.enqueue_dma source(%dma_start3A_669 : memref<128x64xf32, #tpu.memory_space<hbm>>) target(%dma_start3A_667 : memref<128x64xf32, #tpu.memory_space<vmem>>) target_semaphore(%arg25 : memref<!tpu.dma_semaphore, #tpu.memory_space<semaphore_mem>>)
    %dma_wait3A_670 = arith.constant 4 : i32
    %dma_wait3A_671 = arith.constant 0 : i32
    %dma_wait3A_672 = arith.constant 0 : i32
    %dma_wait3A_673 = tpu.memref_slice %arg9[%dma_wait3A_670, %dma_wait3A_671, %dma_wait3A_672] : memref<8x128x64xf32, #tpu.memory_space<vmem>> -> memref<1x128x64xf32, #tpu.memory_space<vmem>>
    %dma_wait3A_674 = tpu.memref_squeeze %dma_wait3A_673 : memref<1x128x64xf32, #tpu.memory_space<vmem>> -> memref<128x64xf32, #tpu.memory_space<vmem>>
    %dma_wait3A_675 = arith.constant 0 : i32
    %dma_wait3A_676 = tpu.memref_slice %arg2[%mul3A_521, %dma_wait3A_675] : memref<102400x128xf32, #tpu.memory_space<hbm>> -> memref<128x64xf32, #tpu.memory_space<hbm>>
    %dma_wait3A_677 = arith.constant 0 : i32
    %dma_wait3A_678 = arith.constant 0 : i32
    %dma_wait3A_679 = tpu.memref_slice %arg9[%dma_wait3A_670, %dma_wait3A_677, %dma_wait3A_678] : memref<8x128x64xf32, #tpu.memory_space<vmem>> -> memref<1x128x64xf32, #tpu.memory_space<vmem>>
    %dma_wait3A_680 = tpu.memref_squeeze %dma_wait3A_679 : memref<1x128x64xf32, #tpu.memory_space<vmem>> -> memref<128x64xf32, #tpu.memory_space<vmem>>
    %dma_wait3A_681 = arith.constant 0 : i32
    %dma_wait3A_682 = tpu.memref_slice %arg2[%mul3A_521, %dma_wait3A_681] : memref<102400x128xf32, #tpu.memory_space<hbm>> -> memref<128x64xf32, #tpu.memory_space<hbm>>
    tpu.wait_dma2 semaphore(%arg22 : memref<!tpu.dma_semaphore, #tpu.memory_space<semaphore_mem>>) src(%dma_wait3A_682 : memref<128x64xf32, #tpu.memory_space<hbm>>) dst(%dma_wait3A_680 : memref<128x64xf32, #tpu.memory_space<vmem>>)
    %dma_start3A_683 = arith.constant 4 : i32
    %dma_start3A_684 = arith.constant 0 : i32
    %dma_start3A_685 = arith.constant 0 : i32
    %dma_start3A_686 = tpu.memref_slice %arg9[%dma_start3A_683, %dma_start3A_684, %dma_start3A_685] : memref<8x128x64xf32, #tpu.memory_space<vmem>> -> memref<1x128x64xf32, #tpu.memory_space<vmem>>
    %dma_start3A_687 = tpu.memref_squeeze %dma_start3A_686 : memref<1x128x64xf32, #tpu.memory_space<vmem>> -> memref<128x64xf32, #tpu.memory_space<vmem>>
    %dma_start3A_688 = arith.constant 512 : i32
    %dma_start3A_689 = tpu.memref_slice %arg8[%dma_start3A_688] : memref<3200xi32, #tpu.memory_space<vmem>> -> memref<128xi32, #tpu.memory_space<vmem>>
    %dma_start3A_690 = arith.constant 0 : i32
    %dma_start3A_691 = arith.constant 0 : i32
    %dma_start3A_692 = tpu.memref_slice %arg34[%dma_start3A_690, %dma_start3A_691] : memref<3072x64xf32, #tpu.memory_space<vmem_shared>> -> memref<3072x64xf32, #tpu.memory_space<vmem_shared>>
    tpu.enqueue_indirect_dma source(%dma_start3A_687 : memref<128x64xf32, #tpu.memory_space<vmem>>) target(%dma_start3A_692 : memref<3072x64xf32, #tpu.memory_space<vmem_shared>>) offsets(%dma_start3A_689 : memref<128xi32, #tpu.memory_space<vmem>>) semaphore(%arg30 : memref<!tpu.dma_semaphore, #tpu.memory_space<semaphore_mem>>) {add = true}
    %dma_start3A_693 = arith.constant 512 : i32
    %dma_start3A_694 = tpu.memref_slice %arg8[%dma_start3A_693] : memref<3200xi32, #tpu.memory_space<vmem>> -> memref<128xi32, #tpu.memory_space<vmem>>
    %dma_start3A_695 = arith.constant 0 : i32
    %dma_start3A_696 = arith.constant 0 : i32
    %dma_start3A_697 = tpu.memref_slice %arg35[%dma_start3A_695, %dma_start3A_696] : memref<3072x16xf32, #tpu.memory_space<vmem_shared>> -> memref<3072x16xf32, #tpu.memory_space<vmem_shared>>
    tpu.enqueue_indirect_dma source(%arg10 : memref<128x16xf32, #tpu.memory_space<vmem>>) target(%dma_start3A_697 : memref<3072x16xf32, #tpu.memory_space<vmem_shared>>) offsets(%dma_start3A_694 : memref<128xi32, #tpu.memory_space<vmem>>) semaphore(%arg16 : memref<!tpu.dma_semaphore, #tpu.memory_space<semaphore_mem>>) {add = true}
    %dma_wait3A_698 = arith.constant 0 : i32
    %dma_wait3A_699 = arith.constant 0 : i32
    %dma_wait3A_700 = arith.constant 0 : i32
    %dma_wait3A_701 = tpu.memref_slice %arg9[%dma_wait3A_698, %dma_wait3A_699, %dma_wait3A_700] : memref<8x128x64xf32, #tpu.memory_space<vmem>> -> memref<1x128x64xf32, #tpu.memory_space<vmem>>
    %dma_wait3A_702 = tpu.memref_squeeze %dma_wait3A_701 : memref<1x128x64xf32, #tpu.memory_space<vmem>> -> memref<128x64xf32, #tpu.memory_space<vmem>>
    %dma_wait3A_703 = arith.constant 0 : i32
    %dma_wait3A_704 = tpu.memref_slice %arg8[%dma_wait3A_703] : memref<3200xi32, #tpu.memory_space<vmem>> -> memref<128xi32, #tpu.memory_space<vmem>>
    %dma_wait3A_705 = arith.constant 0 : i32
    %dma_wait3A_706 = arith.constant 0 : i32
    %dma_wait3A_707 = tpu.memref_slice %arg34[%dma_wait3A_705, %dma_wait3A_706] : memref<3072x64xf32, #tpu.memory_space<vmem_shared>> -> memref<3072x64xf32, #tpu.memory_space<vmem_shared>>
    tpu.wait_indirect_dma semaphore(%arg26 : memref<!tpu.dma_semaphore, #tpu.memory_space<semaphore_mem>>) src(%dma_wait3A_702 : memref<128x64xf32, #tpu.memory_space<vmem>>) dst(%dma_wait3A_707 : memref<3072x64xf32, #tpu.memory_space<vmem_shared>>)
    %add3A_708 = arith.constant 256 : i32
    %add3A_709 = arith.addi %add3A, %add3A_708 : i32
    %mul3A_710 = arith.constant 128 : i32
    %mul3A_711 = arith.muli %add3A_709, %mul3A_710 : i32
    %dma_start3A_712 = arith.constant 0 : i32
    %dma_start3A_713 = arith.constant 0 : i32
    %dma_start3A_714 = arith.constant 0 : i32
    %dma_start3A_715 = tpu.memref_slice %arg9[%dma_start3A_712, %dma_start3A_713, %dma_start3A_714] : memref<8x128x64xf32, #tpu.memory_space<vmem>> -> memref<1x128x64xf32, #tpu.memory_space<vmem>>
    %dma_start3A_716 = tpu.memref_squeeze %dma_start3A_715 : memref<1x128x64xf32, #tpu.memory_space<vmem>> -> memref<128x64xf32, #tpu.memory_space<vmem>>
    %dma_start3A_717 = arith.constant 0 : i32
    %dma_start3A_718 = tpu.memref_slice %arg2[%mul3A_711, %dma_start3A_717] : memref<102400x128xf32, #tpu.memory_space<hbm>> -> memref<128x64xf32, #tpu.memory_space<hbm>>
    %dma_start3A_719 = arith.constant 0 : i32
    %dma_start3A_720 = arith.constant 0 : i32
    %dma_start3A_721 = tpu.memref_slice %arg9[%dma_start3A_712, %dma_start3A_719, %dma_start3A_720] : memref<8x128x64xf32, #tpu.memory_space<vmem>> -> memref<1x128x64xf32, #tpu.memory_space<vmem>>
    %dma_start3A_722 = tpu.memref_squeeze %dma_start3A_721 : memref<1x128x64xf32, #tpu.memory_space<vmem>> -> memref<128x64xf32, #tpu.memory_space<vmem>>
    %dma_start3A_723 = arith.constant 0 : i32
    %dma_start3A_724 = tpu.memref_slice %arg2[%mul3A_711, %dma_start3A_723] : memref<102400x128xf32, #tpu.memory_space<hbm>> -> memref<128x64xf32, #tpu.memory_space<hbm>>
    tpu.enqueue_dma source(%dma_start3A_724 : memref<128x64xf32, #tpu.memory_space<hbm>>) target(%dma_start3A_722 : memref<128x64xf32, #tpu.memory_space<vmem>>) target_semaphore(%arg18 : memref<!tpu.dma_semaphore, #tpu.memory_space<semaphore_mem>>)
    %dma_wait3A_725 = arith.constant 5 : i32
    %dma_wait3A_726 = arith.constant 0 : i32
    %dma_wait3A_727 = arith.constant 0 : i32
    %dma_wait3A_728 = tpu.memref_slice %arg9[%dma_wait3A_725, %dma_wait3A_726, %dma_wait3A_727] : memref<8x128x64xf32, #tpu.memory_space<vmem>> -> memref<1x128x64xf32, #tpu.memory_space<vmem>>
    %dma_wait3A_729 = tpu.memref_squeeze %dma_wait3A_728 : memref<1x128x64xf32, #tpu.memory_space<vmem>> -> memref<128x64xf32, #tpu.memory_space<vmem>>
    %dma_wait3A_730 = arith.constant 0 : i32
    %dma_wait3A_731 = tpu.memref_slice %arg2[%mul3A_566, %dma_wait3A_730] : memref<102400x128xf32, #tpu.memory_space<hbm>> -> memref<128x64xf32, #tpu.memory_space<hbm>>
    %dma_wait3A_732 = arith.constant 0 : i32
    %dma_wait3A_733 = arith.constant 0 : i32
    %dma_wait3A_734 = tpu.memref_slice %arg9[%dma_wait3A_725, %dma_wait3A_732, %dma_wait3A_733] : memref<8x128x64xf32, #tpu.memory_space<vmem>> -> memref<1x128x64xf32, #tpu.memory_space<vmem>>
    %dma_wait3A_735 = tpu.memref_squeeze %dma_wait3A_734 : memref<1x128x64xf32, #tpu.memory_space<vmem>> -> memref<128x64xf32, #tpu.memory_space<vmem>>
    %dma_wait3A_736 = arith.constant 0 : i32
    %dma_wait3A_737 = tpu.memref_slice %arg2[%mul3A_566, %dma_wait3A_736] : memref<102400x128xf32, #tpu.memory_space<hbm>> -> memref<128x64xf32, #tpu.memory_space<hbm>>
    tpu.wait_dma2 semaphore(%arg23 : memref<!tpu.dma_semaphore, #tpu.memory_space<semaphore_mem>>) src(%dma_wait3A_737 : memref<128x64xf32, #tpu.memory_space<hbm>>) dst(%dma_wait3A_735 : memref<128x64xf32, #tpu.memory_space<vmem>>)
    %dma_start3A_738 = arith.constant 5 : i32
    %dma_start3A_739 = arith.constant 0 : i32
    %dma_start3A_740 = arith.constant 0 : i32
    %dma_start3A_741 = tpu.memref_slice %arg9[%dma_start3A_738, %dma_start3A_739, %dma_start3A_740] : memref<8x128x64xf32, #tpu.memory_space<vmem>> -> memref<1x128x64xf32, #tpu.memory_space<vmem>>
    %dma_start3A_742 = tpu.memref_squeeze %dma_start3A_741 : memref<1x128x64xf32, #tpu.memory_space<vmem>> -> memref<128x64xf32, #tpu.memory_space<vmem>>
    %dma_start3A_743 = arith.constant 640 : i32
    %dma_start3A_744 = tpu.memref_slice %arg8[%dma_start3A_743] : memref<3200xi32, #tpu.memory_space<vmem>> -> memref<128xi32, #tpu.memory_space<vmem>>
    %dma_start3A_745 = arith.constant 0 : i32
    %dma_start3A_746 = arith.constant 0 : i32
    %dma_start3A_747 = tpu.memref_slice %arg34[%dma_start3A_745, %dma_start3A_746] : memref<3072x64xf32, #tpu.memory_space<vmem_shared>> -> memref<3072x64xf32, #tpu.memory_space<vmem_shared>>
    tpu.enqueue_indirect_dma source(%dma_start3A_742 : memref<128x64xf32, #tpu.memory_space<vmem>>) target(%dma_start3A_747 : memref<3072x64xf32, #tpu.memory_space<vmem_shared>>) offsets(%dma_start3A_744 : memref<128xi32, #tpu.memory_space<vmem>>) semaphore(%arg31 : memref<!tpu.dma_semaphore, #tpu.memory_space<semaphore_mem>>) {add = true}
    %dma_start3A_748 = arith.constant 640 : i32
    %dma_start3A_749 = tpu.memref_slice %arg8[%dma_start3A_748] : memref<3200xi32, #tpu.memory_space<vmem>> -> memref<128xi32, #tpu.memory_space<vmem>>
    %dma_start3A_750 = arith.constant 0 : i32
    %dma_start3A_751 = arith.constant 0 : i32
    %dma_start3A_752 = tpu.memref_slice %arg35[%dma_start3A_750, %dma_start3A_751] : memref<3072x16xf32, #tpu.memory_space<vmem_shared>> -> memref<3072x16xf32, #tpu.memory_space<vmem_shared>>
    tpu.enqueue_indirect_dma source(%arg10 : memref<128x16xf32, #tpu.memory_space<vmem>>) target(%dma_start3A_752 : memref<3072x16xf32, #tpu.memory_space<vmem_shared>>) offsets(%dma_start3A_749 : memref<128xi32, #tpu.memory_space<vmem>>) semaphore(%arg16 : memref<!tpu.dma_semaphore, #tpu.memory_space<semaphore_mem>>) {add = true}
    %dma_wait3A_753 = arith.constant 1 : i32
    %dma_wait3A_754 = arith.constant 0 : i32
    %dma_wait3A_755 = arith.constant 0 : i32
    %dma_wait3A_756 = tpu.memref_slice %arg9[%dma_wait3A_753, %dma_wait3A_754, %dma_wait3A_755] : memref<8x128x64xf32, #tpu.memory_space<vmem>> -> memref<1x128x64xf32, #tpu.memory_space<vmem>>
    %dma_wait3A_757 = tpu.memref_squeeze %dma_wait3A_756 : memref<1x128x64xf32, #tpu.memory_space<vmem>> -> memref<128x64xf32, #tpu.memory_space<vmem>>
    %dma_wait3A_758 = arith.constant 128 : i32
    %dma_wait3A_759 = tpu.memref_slice %arg8[%dma_wait3A_758] : memref<3200xi32, #tpu.memory_space<vmem>> -> memref<128xi32, #tpu.memory_space<vmem>>
    %dma_wait3A_760 = arith.constant 0 : i32
    %dma_wait3A_761 = arith.constant 0 : i32
    %dma_wait3A_762 = tpu.memref_slice %arg34[%dma_wait3A_760, %dma_wait3A_761] : memref<3072x64xf32, #tpu.memory_space<vmem_shared>> -> memref<3072x64xf32, #tpu.memory_space<vmem_shared>>
    tpu.wait_indirect_dma semaphore(%arg27 : memref<!tpu.dma_semaphore, #tpu.memory_space<semaphore_mem>>) src(%dma_wait3A_757 : memref<128x64xf32, #tpu.memory_space<vmem>>) dst(%dma_wait3A_762 : memref<3072x64xf32, #tpu.memory_space<vmem_shared>>)
    %add3A_763 = arith.constant 288 : i32
    %add3A_764 = arith.addi %add3A, %add3A_763 : i32
    %mul3A_765 = arith.constant 128 : i32
    %mul3A_766 = arith.muli %add3A_764, %mul3A_765 : i32
    %dma_start3A_767 = arith.constant 1 : i32
    %dma_start3A_768 = arith.constant 0 : i32
    %dma_start3A_769 = arith.constant 0 : i32
    %dma_start3A_770 = tpu.memref_slice %arg9[%dma_start3A_767, %dma_start3A_768, %dma_start3A_769] : memref<8x128x64xf32, #tpu.memory_space<vmem>> -> memref<1x128x64xf32, #tpu.memory_space<vmem>>
    %dma_start3A_771 = tpu.memref_squeeze %dma_start3A_770 : memref<1x128x64xf32, #tpu.memory_space<vmem>> -> memref<128x64xf32, #tpu.memory_space<vmem>>
    %dma_start3A_772 = arith.constant 0 : i32
    %dma_start3A_773 = tpu.memref_slice %arg2[%mul3A_766, %dma_start3A_772] : memref<102400x128xf32, #tpu.memory_space<hbm>> -> memref<128x64xf32, #tpu.memory_space<hbm>>
    %dma_start3A_774 = arith.constant 0 : i32
    %dma_start3A_775 = arith.constant 0 : i32
    %dma_start3A_776 = tpu.memref_slice %arg9[%dma_start3A_767, %dma_start3A_774, %dma_start3A_775] : memref<8x128x64xf32, #tpu.memory_space<vmem>> -> memref<1x128x64xf32, #tpu.memory_space<vmem>>
    %dma_start3A_777 = tpu.memref_squeeze %dma_start3A_776 : memref<1x128x64xf32, #tpu.memory_space<vmem>> -> memref<128x64xf32, #tpu.memory_space<vmem>>
    %dma_start3A_778 = arith.constant 0 : i32
    %dma_start3A_779 = tpu.memref_slice %arg2[%mul3A_766, %dma_start3A_778] : memref<102400x128xf32, #tpu.memory_space<hbm>> -> memref<128x64xf32, #tpu.memory_space<hbm>>
    tpu.enqueue_dma source(%dma_start3A_779 : memref<128x64xf32, #tpu.memory_space<hbm>>) target(%dma_start3A_777 : memref<128x64xf32, #tpu.memory_space<vmem>>) target_semaphore(%arg19 : memref<!tpu.dma_semaphore, #tpu.memory_space<semaphore_mem>>)
    %dma_wait3A_780 = arith.constant 6 : i32
    %dma_wait3A_781 = arith.constant 0 : i32
    %dma_wait3A_782 = arith.constant 0 : i32
    %dma_wait3A_783 = tpu.memref_slice %arg9[%dma_wait3A_780, %dma_wait3A_781, %dma_wait3A_782] : memref<8x128x64xf32, #tpu.memory_space<vmem>> -> memref<1x128x64xf32, #tpu.memory_space<vmem>>
    %dma_wait3A_784 = tpu.memref_squeeze %dma_wait3A_783 : memref<1x128x64xf32, #tpu.memory_space<vmem>> -> memref<128x64xf32, #tpu.memory_space<vmem>>
    %dma_wait3A_785 = arith.constant 0 : i32
    %dma_wait3A_786 = tpu.memref_slice %arg2[%mul3A_611, %dma_wait3A_785] : memref<102400x128xf32, #tpu.memory_space<hbm>> -> memref<128x64xf32, #tpu.memory_space<hbm>>
    %dma_wait3A_787 = arith.constant 0 : i32
    %dma_wait3A_788 = arith.constant 0 : i32
    %dma_wait3A_789 = tpu.memref_slice %arg9[%dma_wait3A_780, %dma_wait3A_787, %dma_wait3A_788] : memref<8x128x64xf32, #tpu.memory_space<vmem>> -> memref<1x128x64xf32, #tpu.memory_space<vmem>>
    %dma_wait3A_790 = tpu.memref_squeeze %dma_wait3A_789 : memref<1x128x64xf32, #tpu.memory_space<vmem>> -> memref<128x64xf32, #tpu.memory_space<vmem>>
    %dma_wait3A_791 = arith.constant 0 : i32
    %dma_wait3A_792 = tpu.memref_slice %arg2[%mul3A_611, %dma_wait3A_791] : memref<102400x128xf32, #tpu.memory_space<hbm>> -> memref<128x64xf32, #tpu.memory_space<hbm>>
    tpu.wait_dma2 semaphore(%arg24 : memref<!tpu.dma_semaphore, #tpu.memory_space<semaphore_mem>>) src(%dma_wait3A_792 : memref<128x64xf32, #tpu.memory_space<hbm>>) dst(%dma_wait3A_790 : memref<128x64xf32, #tpu.memory_space<vmem>>)
    %dma_start3A_793 = arith.constant 6 : i32
    %dma_start3A_794 = arith.constant 0 : i32
    %dma_start3A_795 = arith.constant 0 : i32
    %dma_start3A_796 = tpu.memref_slice %arg9[%dma_start3A_793, %dma_start3A_794, %dma_start3A_795] : memref<8x128x64xf32, #tpu.memory_space<vmem>> -> memref<1x128x64xf32, #tpu.memory_space<vmem>>
    %dma_start3A_797 = tpu.memref_squeeze %dma_start3A_796 : memref<1x128x64xf32, #tpu.memory_space<vmem>> -> memref<128x64xf32, #tpu.memory_space<vmem>>
    %dma_start3A_798 = arith.constant 768 : i32
    %dma_start3A_799 = tpu.memref_slice %arg8[%dma_start3A_798] : memref<3200xi32, #tpu.memory_space<vmem>> -> memref<128xi32, #tpu.memory_space<vmem>>
    %dma_start3A_800 = arith.constant 0 : i32
    %dma_start3A_801 = arith.constant 0 : i32
    %dma_start3A_802 = tpu.memref_slice %arg34[%dma_start3A_800, %dma_start3A_801] : memref<3072x64xf32, #tpu.memory_space<vmem_shared>> -> memref<3072x64xf32, #tpu.memory_space<vmem_shared>>
    tpu.enqueue_indirect_dma source(%dma_start3A_797 : memref<128x64xf32, #tpu.memory_space<vmem>>) target(%dma_start3A_802 : memref<3072x64xf32, #tpu.memory_space<vmem_shared>>) offsets(%dma_start3A_799 : memref<128xi32, #tpu.memory_space<vmem>>) semaphore(%arg32 : memref<!tpu.dma_semaphore, #tpu.memory_space<semaphore_mem>>) {add = true}
    %dma_start3A_803 = arith.constant 768 : i32
    %dma_start3A_804 = tpu.memref_slice %arg8[%dma_start3A_803] : memref<3200xi32, #tpu.memory_space<vmem>> -> memref<128xi32, #tpu.memory_space<vmem>>
    %dma_start3A_805 = arith.constant 0 : i32
    %dma_start3A_806 = arith.constant 0 : i32
    %dma_start3A_807 = tpu.memref_slice %arg35[%dma_start3A_805, %dma_start3A_806] : memref<3072x16xf32, #tpu.memory_space<vmem_shared>> -> memref<3072x16xf32, #tpu.memory_space<vmem_shared>>
    tpu.enqueue_indirect_dma source(%arg10 : memref<128x16xf32, #tpu.memory_space<vmem>>) target(%dma_start3A_807 : memref<3072x16xf32, #tpu.memory_space<vmem_shared>>) offsets(%dma_start3A_804 : memref<128xi32, #tpu.memory_space<vmem>>) semaphore(%arg16 : memref<!tpu.dma_semaphore, #tpu.memory_space<semaphore_mem>>) {add = true}
    %dma_wait3A_808 = arith.constant 2 : i32
    %dma_wait3A_809 = arith.constant 0 : i32
    %dma_wait3A_810 = arith.constant 0 : i32
    %dma_wait3A_811 = tpu.memref_slice %arg9[%dma_wait3A_808, %dma_wait3A_809, %dma_wait3A_810] : memref<8x128x64xf32, #tpu.memory_space<vmem>> -> memref<1x128x64xf32, #tpu.memory_space<vmem>>
    %dma_wait3A_812 = tpu.memref_squeeze %dma_wait3A_811 : memref<1x128x64xf32, #tpu.memory_space<vmem>> -> memref<128x64xf32, #tpu.memory_space<vmem>>
    %dma_wait3A_813 = arith.constant 256 : i32
    %dma_wait3A_814 = tpu.memref_slice %arg8[%dma_wait3A_813] : memref<3200xi32, #tpu.memory_space<vmem>> -> memref<128xi32, #tpu.memory_space<vmem>>
    %dma_wait3A_815 = arith.constant 0 : i32
    %dma_wait3A_816 = arith.constant 0 : i32
    %dma_wait3A_817 = tpu.memref_slice %arg34[%dma_wait3A_815, %dma_wait3A_816] : memref<3072x64xf32, #tpu.memory_space<vmem_shared>> -> memref<3072x64xf32, #tpu.memory_space<vmem_shared>>
    tpu.wait_indirect_dma semaphore(%arg28 : memref<!tpu.dma_semaphore, #tpu.memory_space<semaphore_mem>>) src(%dma_wait3A_812 : memref<128x64xf32, #tpu.memory_space<vmem>>) dst(%dma_wait3A_817 : memref<3072x64xf32, #tpu.memory_space<vmem_shared>>)
    %add3A_818 = arith.constant 320 : i32
    %add3A_819 = arith.addi %add3A, %add3A_818 : i32
    %mul3A_820 = arith.constant 128 : i32
    %mul3A_821 = arith.muli %add3A_819, %mul3A_820 : i32
    %dma_start3A_822 = arith.constant 2 : i32
    %dma_start3A_823 = arith.constant 0 : i32
    %dma_start3A_824 = arith.constant 0 : i32
    %dma_start3A_825 = tpu.memref_slice %arg9[%dma_start3A_822, %dma_start3A_823, %dma_start3A_824] : memref<8x128x64xf32, #tpu.memory_space<vmem>> -> memref<1x128x64xf32, #tpu.memory_space<vmem>>
    %dma_start3A_826 = tpu.memref_squeeze %dma_start3A_825 : memref<1x128x64xf32, #tpu.memory_space<vmem>> -> memref<128x64xf32, #tpu.memory_space<vmem>>
    %dma_start3A_827 = arith.constant 0 : i32
    %dma_start3A_828 = tpu.memref_slice %arg2[%mul3A_821, %dma_start3A_827] : memref<102400x128xf32, #tpu.memory_space<hbm>> -> memref<128x64xf32, #tpu.memory_space<hbm>>
    %dma_start3A_829 = arith.constant 0 : i32
    %dma_start3A_830 = arith.constant 0 : i32
    %dma_start3A_831 = tpu.memref_slice %arg9[%dma_start3A_822, %dma_start3A_829, %dma_start3A_830] : memref<8x128x64xf32, #tpu.memory_space<vmem>> -> memref<1x128x64xf32, #tpu.memory_space<vmem>>
    %dma_start3A_832 = tpu.memref_squeeze %dma_start3A_831 : memref<1x128x64xf32, #tpu.memory_space<vmem>> -> memref<128x64xf32, #tpu.memory_space<vmem>>
    %dma_start3A_833 = arith.constant 0 : i32
    %dma_start3A_834 = tpu.memref_slice %arg2[%mul3A_821, %dma_start3A_833] : memref<102400x128xf32, #tpu.memory_space<hbm>> -> memref<128x64xf32, #tpu.memory_space<hbm>>
    tpu.enqueue_dma source(%dma_start3A_834 : memref<128x64xf32, #tpu.memory_space<hbm>>) target(%dma_start3A_832 : memref<128x64xf32, #tpu.memory_space<vmem>>) target_semaphore(%arg20 : memref<!tpu.dma_semaphore, #tpu.memory_space<semaphore_mem>>)
    %dma_wait3A_835 = arith.constant 7 : i32
    %dma_wait3A_836 = arith.constant 0 : i32
    %dma_wait3A_837 = arith.constant 0 : i32
    %dma_wait3A_838 = tpu.memref_slice %arg9[%dma_wait3A_835, %dma_wait3A_836, %dma_wait3A_837] : memref<8x128x64xf32, #tpu.memory_space<vmem>> -> memref<1x128x64xf32, #tpu.memory_space<vmem>>
    %dma_wait3A_839 = tpu.memref_squeeze %dma_wait3A_838 : memref<1x128x64xf32, #tpu.memory_space<vmem>> -> memref<128x64xf32, #tpu.memory_space<vmem>>
    %dma_wait3A_840 = arith.constant 0 : i32
    %dma_wait3A_841 = tpu.memref_slice %arg2[%mul3A_656, %dma_wait3A_840] : memref<102400x128xf32, #tpu.memory_space<hbm>> -> memref<128x64xf32, #tpu.memory_space<hbm>>
    %dma_wait3A_842 = arith.constant 0 : i32
    %dma_wait3A_843 = arith.constant 0 : i32
    %dma_wait3A_844 = tpu.memref_slice %arg9[%dma_wait3A_835, %dma_wait3A_842, %dma_wait3A_843] : memref<8x128x64xf32, #tpu.memory_space<vmem>> -> memref<1x128x64xf32, #tpu.memory_space<vmem>>
    %dma_wait3A_845 = tpu.memref_squeeze %dma_wait3A_844 : memref<1x128x64xf32, #tpu.memory_space<vmem>> -> memref<128x64xf32, #tpu.memory_space<vmem>>
    %dma_wait3A_846 = arith.constant 0 : i32
    %dma_wait3A_847 = tpu.memref_slice %arg2[%mul3A_656, %dma_wait3A_846] : memref<102400x128xf32, #tpu.memory_space<hbm>> -> memref<128x64xf32, #tpu.memory_space<hbm>>
    tpu.wait_dma2 semaphore(%arg25 : memref<!tpu.dma_semaphore, #tpu.memory_space<semaphore_mem>>) src(%dma_wait3A_847 : memref<128x64xf32, #tpu.memory_space<hbm>>) dst(%dma_wait3A_845 : memref<128x64xf32, #tpu.memory_space<vmem>>)
    %dma_start3A_848 = arith.constant 7 : i32
    %dma_start3A_849 = arith.constant 0 : i32
    %dma_start3A_850 = arith.constant 0 : i32
    %dma_start3A_851 = tpu.memref_slice %arg9[%dma_start3A_848, %dma_start3A_849, %dma_start3A_850] : memref<8x128x64xf32, #tpu.memory_space<vmem>> -> memref<1x128x64xf32, #tpu.memory_space<vmem>>
    %dma_start3A_852 = tpu.memref_squeeze %dma_start3A_851 : memref<1x128x64xf32, #tpu.memory_space<vmem>> -> memref<128x64xf32, #tpu.memory_space<vmem>>
    %dma_start3A_853 = arith.constant 896 : i32
    %dma_start3A_854 = tpu.memref_slice %arg8[%dma_start3A_853] : memref<3200xi32, #tpu.memory_space<vmem>> -> memref<128xi32, #tpu.memory_space<vmem>>
    %dma_start3A_855 = arith.constant 0 : i32
    %dma_start3A_856 = arith.constant 0 : i32
    %dma_start3A_857 = tpu.memref_slice %arg34[%dma_start3A_855, %dma_start3A_856] : memref<3072x64xf32, #tpu.memory_space<vmem_shared>> -> memref<3072x64xf32, #tpu.memory_space<vmem_shared>>
    tpu.enqueue_indirect_dma source(%dma_start3A_852 : memref<128x64xf32, #tpu.memory_space<vmem>>) target(%dma_start3A_857 : memref<3072x64xf32, #tpu.memory_space<vmem_shared>>) offsets(%dma_start3A_854 : memref<128xi32, #tpu.memory_space<vmem>>) semaphore(%arg33 : memref<!tpu.dma_semaphore, #tpu.memory_space<semaphore_mem>>) {add = true}
    %dma_start3A_858 = arith.constant 896 : i32
    %dma_start3A_859 = tpu.memref_slice %arg8[%dma_start3A_858] : memref<3200xi32, #tpu.memory_space<vmem>> -> memref<128xi32, #tpu.memory_space<vmem>>
    %dma_start3A_860 = arith.constant 0 : i32
    %dma_start3A_861 = arith.constant 0 : i32
    %dma_start3A_862 = tpu.memref_slice %arg35[%dma_start3A_860, %dma_start3A_861] : memref<3072x16xf32, #tpu.memory_space<vmem_shared>> -> memref<3072x16xf32, #tpu.memory_space<vmem_shared>>
    tpu.enqueue_indirect_dma source(%arg10 : memref<128x16xf32, #tpu.memory_space<vmem>>) target(%dma_start3A_862 : memref<3072x16xf32, #tpu.memory_space<vmem_shared>>) offsets(%dma_start3A_859 : memref<128xi32, #tpu.memory_space<vmem>>) semaphore(%arg16 : memref<!tpu.dma_semaphore, #tpu.memory_space<semaphore_mem>>) {add = true}
    %dma_wait3A_863 = arith.constant 3 : i32
    %dma_wait3A_864 = arith.constant 0 : i32
    %dma_wait3A_865 = arith.constant 0 : i32
    %dma_wait3A_866 = tpu.memref_slice %arg9[%dma_wait3A_863, %dma_wait3A_864, %dma_wait3A_865] : memref<8x128x64xf32, #tpu.memory_space<vmem>> -> memref<1x128x64xf32, #tpu.memory_space<vmem>>
    %dma_wait3A_867 = tpu.memref_squeeze %dma_wait3A_866 : memref<1x128x64xf32, #tpu.memory_space<vmem>> -> memref<128x64xf32, #tpu.memory_space<vmem>>
    %dma_wait3A_868 = arith.constant 384 : i32
    %dma_wait3A_869 = tpu.memref_slice %arg8[%dma_wait3A_868] : memref<3200xi32, #tpu.memory_space<vmem>> -> memref<128xi32, #tpu.memory_space<vmem>>
    %dma_wait3A_870 = arith.constant 0 : i32
    %dma_wait3A_871 = arith.constant 0 : i32
    %dma_wait3A_872 = tpu.memref_slice %arg34[%dma_wait3A_870, %dma_wait3A_871] : memref<3072x64xf32, #tpu.memory_space<vmem_shared>> -> memref<3072x64xf32, #tpu.memory_space<vmem_shared>>
    tpu.wait_indirect_dma semaphore(%arg29 : memref<!tpu.dma_semaphore, #tpu.memory_space<semaphore_mem>>) src(%dma_wait3A_867 : memref<128x64xf32, #tpu.memory_space<vmem>>) dst(%dma_wait3A_872 : memref<3072x64xf32, #tpu.memory_space<vmem_shared>>)
    %add3A_873 = arith.constant 352 : i32
    %add3A_874 = arith.addi %add3A, %add3A_873 : i32
    %mul3A_875 = arith.constant 128 : i32
    %mul3A_876 = arith.muli %add3A_874, %mul3A_875 : i32
    %dma_start3A_877 = arith.constant 3 : i32
    %dma_start3A_878 = arith.constant 0 : i32
    %dma_start3A_879 = arith.constant 0 : i32
    %dma_start3A_880 = tpu.memref_slice %arg9[%dma_start3A_877, %dma_start3A_878, %dma_start3A_879] : memref<8x128x64xf32, #tpu.memory_space<vmem>> -> memref<1x128x64xf32, #tpu.memory_space<vmem>>
    %dma_start3A_881 = tpu.memref_squeeze %dma_start3A_880 : memref<1x128x64xf32, #tpu.memory_space<vmem>> -> memref<128x64xf32, #tpu.memory_space<vmem>>
    %dma_start3A_882 = arith.constant 0 : i32
    %dma_start3A_883 = tpu.memref_slice %arg2[%mul3A_876, %dma_start3A_882] : memref<102400x128xf32, #tpu.memory_space<hbm>> -> memref<128x64xf32, #tpu.memory_space<hbm>>
    %dma_start3A_884 = arith.constant 0 : i32
    %dma_start3A_885 = arith.constant 0 : i32
    %dma_start3A_886 = tpu.memref_slice %arg9[%dma_start3A_877, %dma_start3A_884, %dma_start3A_885] : memref<8x128x64xf32, #tpu.memory_space<vmem>> -> memref<1x128x64xf32, #tpu.memory_space<vmem>>
    %dma_start3A_887 = tpu.memref_squeeze %dma_start3A_886 : memref<1x128x64xf32, #tpu.memory_space<vmem>> -> memref<128x64xf32, #tpu.memory_space<vmem>>
    %dma_start3A_888 = arith.constant 0 : i32
    %dma_start3A_889 = tpu.memref_slice %arg2[%mul3A_876, %dma_start3A_888] : memref<102400x128xf32, #tpu.memory_space<hbm>> -> memref<128x64xf32, #tpu.memory_space<hbm>>
    tpu.enqueue_dma source(%dma_start3A_889 : memref<128x64xf32, #tpu.memory_space<hbm>>) target(%dma_start3A_887 : memref<128x64xf32, #tpu.memory_space<vmem>>) target_semaphore(%arg21 : memref<!tpu.dma_semaphore, #tpu.memory_space<semaphore_mem>>)
    %dma_wait3A_890 = arith.constant 0 : i32
    %dma_wait3A_891 = arith.constant 0 : i32
    %dma_wait3A_892 = arith.constant 0 : i32
    %dma_wait3A_893 = tpu.memref_slice %arg9[%dma_wait3A_890, %dma_wait3A_891, %dma_wait3A_892] : memref<8x128x64xf32, #tpu.memory_space<vmem>> -> memref<1x128x64xf32, #tpu.memory_space<vmem>>
    %dma_wait3A_894 = tpu.memref_squeeze %dma_wait3A_893 : memref<1x128x64xf32, #tpu.memory_space<vmem>> -> memref<128x64xf32, #tpu.memory_space<vmem>>
    %dma_wait3A_895 = arith.constant 0 : i32
    %dma_wait3A_896 = tpu.memref_slice %arg2[%mul3A_711, %dma_wait3A_895] : memref<102400x128xf32, #tpu.memory_space<hbm>> -> memref<128x64xf32, #tpu.memory_space<hbm>>
    %dma_wait3A_897 = arith.constant 0 : i32
    %dma_wait3A_898 = arith.constant 0 : i32
    %dma_wait3A_899 = tpu.memref_slice %arg9[%dma_wait3A_890, %dma_wait3A_897, %dma_wait3A_898] : memref<8x128x64xf32, #tpu.memory_space<vmem>> -> memref<1x128x64xf32, #tpu.memory_space<vmem>>
    %dma_wait3A_900 = tpu.memref_squeeze %dma_wait3A_899 : memref<1x128x64xf32, #tpu.memory_space<vmem>> -> memref<128x64xf32, #tpu.memory_space<vmem>>
    %dma_wait3A_901 = arith.constant 0 : i32
    %dma_wait3A_902 = tpu.memref_slice %arg2[%mul3A_711, %dma_wait3A_901] : memref<102400x128xf32, #tpu.memory_space<hbm>> -> memref<128x64xf32, #tpu.memory_space<hbm>>
    tpu.wait_dma2 semaphore(%arg18 : memref<!tpu.dma_semaphore, #tpu.memory_space<semaphore_mem>>) src(%dma_wait3A_902 : memref<128x64xf32, #tpu.memory_space<hbm>>) dst(%dma_wait3A_900 : memref<128x64xf32, #tpu.memory_space<vmem>>)
    %dma_start3A_903 = arith.constant 0 : i32
    %dma_start3A_904 = arith.constant 0 : i32
    %dma_start3A_905 = arith.constant 0 : i32
    %dma_start3A_906 = tpu.memref_slice %arg9[%dma_start3A_903, %dma_start3A_904, %dma_start3A_905] : memref<8x128x64xf32, #tpu.memory_space<vmem>> -> memref<1x128x64xf32, #tpu.memory_space<vmem>>
    %dma_start3A_907 = tpu.memref_squeeze %dma_start3A_906 : memref<1x128x64xf32, #tpu.memory_space<vmem>> -> memref<128x64xf32, #tpu.memory_space<vmem>>
    %dma_start3A_908 = arith.constant 1024 : i32
    %dma_start3A_909 = tpu.memref_slice %arg8[%dma_start3A_908] : memref<3200xi32, #tpu.memory_space<vmem>> -> memref<128xi32, #tpu.memory_space<vmem>>
    %dma_start3A_910 = arith.constant 0 : i32
    %dma_start3A_911 = arith.constant 0 : i32
    %dma_start3A_912 = tpu.memref_slice %arg34[%dma_start3A_910, %dma_start3A_911] : memref<3072x64xf32, #tpu.memory_space<vmem_shared>> -> memref<3072x64xf32, #tpu.memory_space<vmem_shared>>
    tpu.enqueue_indirect_dma source(%dma_start3A_907 : memref<128x64xf32, #tpu.memory_space<vmem>>) target(%dma_start3A_912 : memref<3072x64xf32, #tpu.memory_space<vmem_shared>>) offsets(%dma_start3A_909 : memref<128xi32, #tpu.memory_space<vmem>>) semaphore(%arg26 : memref<!tpu.dma_semaphore, #tpu.memory_space<semaphore_mem>>) {add = true}
    %dma_start3A_913 = arith.constant 1024 : i32
    %dma_start3A_914 = tpu.memref_slice %arg8[%dma_start3A_913] : memref<3200xi32, #tpu.memory_space<vmem>> -> memref<128xi32, #tpu.memory_space<vmem>>
    %dma_start3A_915 = arith.constant 0 : i32
    %dma_start3A_916 = arith.constant 0 : i32
    %dma_start3A_917 = tpu.memref_slice %arg35[%dma_start3A_915, %dma_start3A_916] : memref<3072x16xf32, #tpu.memory_space<vmem_shared>> -> memref<3072x16xf32, #tpu.memory_space<vmem_shared>>
    tpu.enqueue_indirect_dma source(%arg10 : memref<128x16xf32, #tpu.memory_space<vmem>>) target(%dma_start3A_917 : memref<3072x16xf32, #tpu.memory_space<vmem_shared>>) offsets(%dma_start3A_914 : memref<128xi32, #tpu.memory_space<vmem>>) semaphore(%arg16 : memref<!tpu.dma_semaphore, #tpu.memory_space<semaphore_mem>>) {add = true}
    %dma_wait3A_918 = arith.constant 4 : i32
    %dma_wait3A_919 = arith.constant 0 : i32
    %dma_wait3A_920 = arith.constant 0 : i32
    %dma_wait3A_921 = tpu.memref_slice %arg9[%dma_wait3A_918, %dma_wait3A_919, %dma_wait3A_920] : memref<8x128x64xf32, #tpu.memory_space<vmem>> -> memref<1x128x64xf32, #tpu.memory_space<vmem>>
    %dma_wait3A_922 = tpu.memref_squeeze %dma_wait3A_921 : memref<1x128x64xf32, #tpu.memory_space<vmem>> -> memref<128x64xf32, #tpu.memory_space<vmem>>
    %dma_wait3A_923 = arith.constant 512 : i32
    %dma_wait3A_924 = tpu.memref_slice %arg8[%dma_wait3A_923] : memref<3200xi32, #tpu.memory_space<vmem>> -> memref<128xi32, #tpu.memory_space<vmem>>
    %dma_wait3A_925 = arith.constant 0 : i32
    %dma_wait3A_926 = arith.constant 0 : i32
    %dma_wait3A_927 = tpu.memref_slice %arg34[%dma_wait3A_925, %dma_wait3A_926] : memref<3072x64xf32, #tpu.memory_space<vmem_shared>> -> memref<3072x64xf32, #tpu.memory_space<vmem_shared>>
    tpu.wait_indirect_dma semaphore(%arg30 : memref<!tpu.dma_semaphore, #tpu.memory_space<semaphore_mem>>) src(%dma_wait3A_922 : memref<128x64xf32, #tpu.memory_space<vmem>>) dst(%dma_wait3A_927 : memref<3072x64xf32, #tpu.memory_space<vmem_shared>>)
    %add3A_928 = arith.constant 384 : i32
    %add3A_929 = arith.addi %add3A, %add3A_928 : i32
    %mul3A_930 = arith.constant 128 : i32
    %mul3A_931 = arith.muli %add3A_929, %mul3A_930 : i32
    %dma_start3A_932 = arith.constant 4 : i32
    %dma_start3A_933 = arith.constant 0 : i32
    %dma_start3A_934 = arith.constant 0 : i32
    %dma_start3A_935 = tpu.memref_slice %arg9[%dma_start3A_932, %dma_start3A_933, %dma_start3A_934] : memref<8x128x64xf32, #tpu.memory_space<vmem>> -> memref<1x128x64xf32, #tpu.memory_space<vmem>>
    %dma_start3A_936 = tpu.memref_squeeze %dma_start3A_935 : memref<1x128x64xf32, #tpu.memory_space<vmem>> -> memref<128x64xf32, #tpu.memory_space<vmem>>
    %dma_start3A_937 = arith.constant 0 : i32
    %dma_start3A_938 = tpu.memref_slice %arg2[%mul3A_931, %dma_start3A_937] : memref<102400x128xf32, #tpu.memory_space<hbm>> -> memref<128x64xf32, #tpu.memory_space<hbm>>
    %dma_start3A_939 = arith.constant 0 : i32
    %dma_start3A_940 = arith.constant 0 : i32
    %dma_start3A_941 = tpu.memref_slice %arg9[%dma_start3A_932, %dma_start3A_939, %dma_start3A_940] : memref<8x128x64xf32, #tpu.memory_space<vmem>> -> memref<1x128x64xf32, #tpu.memory_space<vmem>>
    %dma_start3A_942 = tpu.memref_squeeze %dma_start3A_941 : memref<1x128x64xf32, #tpu.memory_space<vmem>> -> memref<128x64xf32, #tpu.memory_space<vmem>>
    %dma_start3A_943 = arith.constant 0 : i32
    %dma_start3A_944 = tpu.memref_slice %arg2[%mul3A_931, %dma_start3A_943] : memref<102400x128xf32, #tpu.memory_space<hbm>> -> memref<128x64xf32, #tpu.memory_space<hbm>>
    tpu.enqueue_dma source(%dma_start3A_944 : memref<128x64xf32, #tpu.memory_space<hbm>>) target(%dma_start3A_942 : memref<128x64xf32, #tpu.memory_space<vmem>>) target_semaphore(%arg22 : memref<!tpu.dma_semaphore, #tpu.memory_space<semaphore_mem>>)
    %dma_wait3A_945 = arith.constant 1 : i32
    %dma_wait3A_946 = arith.constant 0 : i32
    %dma_wait3A_947 = arith.constant 0 : i32
    %dma_wait3A_948 = tpu.memref_slice %arg9[%dma_wait3A_945, %dma_wait3A_946, %dma_wait3A_947] : memref<8x128x64xf32, #tpu.memory_space<vmem>> -> memref<1x128x64xf32, #tpu.memory_space<vmem>>
    %dma_wait3A_949 = tpu.memref_squeeze %dma_wait3A_948 : memref<1x128x64xf32, #tpu.memory_space<vmem>> -> memref<128x64xf32, #tpu.memory_space<vmem>>
    %dma_wait3A_950 = arith.constant 0 : i32
    %dma_wait3A_951 = tpu.memref_slice %arg2[%mul3A_766, %dma_wait3A_950] : memref<102400x128xf32, #tpu.memory_space<hbm>> -> memref<128x64xf32, #tpu.memory_space<hbm>>
    %dma_wait3A_952 = arith.constant 0 : i32
    %dma_wait3A_953 = arith.constant 0 : i32
    %dma_wait3A_954 = tpu.memref_slice %arg9[%dma_wait3A_945, %dma_wait3A_952, %dma_wait3A_953] : memref<8x128x64xf32, #tpu.memory_space<vmem>> -> memref<1x128x64xf32, #tpu.memory_space<vmem>>
    %dma_wait3A_955 = tpu.memref_squeeze %dma_wait3A_954 : memref<1x128x64xf32, #tpu.memory_space<vmem>> -> memref<128x64xf32, #tpu.memory_space<vmem>>
    %dma_wait3A_956 = arith.constant 0 : i32
    %dma_wait3A_957 = tpu.memref_slice %arg2[%mul3A_766, %dma_wait3A_956] : memref<102400x128xf32, #tpu.memory_space<hbm>> -> memref<128x64xf32, #tpu.memory_space<hbm>>
    tpu.wait_dma2 semaphore(%arg19 : memref<!tpu.dma_semaphore, #tpu.memory_space<semaphore_mem>>) src(%dma_wait3A_957 : memref<128x64xf32, #tpu.memory_space<hbm>>) dst(%dma_wait3A_955 : memref<128x64xf32, #tpu.memory_space<vmem>>)
    %dma_start3A_958 = arith.constant 1 : i32
    %dma_start3A_959 = arith.constant 0 : i32
    %dma_start3A_960 = arith.constant 0 : i32
    %dma_start3A_961 = tpu.memref_slice %arg9[%dma_start3A_958, %dma_start3A_959, %dma_start3A_960] : memref<8x128x64xf32, #tpu.memory_space<vmem>> -> memref<1x128x64xf32, #tpu.memory_space<vmem>>
    %dma_start3A_962 = tpu.memref_squeeze %dma_start3A_961 : memref<1x128x64xf32, #tpu.memory_space<vmem>> -> memref<128x64xf32, #tpu.memory_space<vmem>>
    %dma_start3A_963 = arith.constant 1152 : i32
    %dma_start3A_964 = tpu.memref_slice %arg8[%dma_start3A_963] : memref<3200xi32, #tpu.memory_space<vmem>> -> memref<128xi32, #tpu.memory_space<vmem>>
    %dma_start3A_965 = arith.constant 0 : i32
    %dma_start3A_966 = arith.constant 0 : i32
    %dma_start3A_967 = tpu.memref_slice %arg34[%dma_start3A_965, %dma_start3A_966] : memref<3072x64xf32, #tpu.memory_space<vmem_shared>> -> memref<3072x64xf32, #tpu.memory_space<vmem_shared>>
    tpu.enqueue_indirect_dma source(%dma_start3A_962 : memref<128x64xf32, #tpu.memory_space<vmem>>) target(%dma_start3A_967 : memref<3072x64xf32, #tpu.memory_space<vmem_shared>>) offsets(%dma_start3A_964 : memref<128xi32, #tpu.memory_space<vmem>>) semaphore(%arg27 : memref<!tpu.dma_semaphore, #tpu.memory_space<semaphore_mem>>) {add = true}
    %dma_start3A_968 = arith.constant 1152 : i32
    %dma_start3A_969 = tpu.memref_slice %arg8[%dma_start3A_968] : memref<3200xi32, #tpu.memory_space<vmem>> -> memref<128xi32, #tpu.memory_space<vmem>>
    %dma_start3A_970 = arith.constant 0 : i32
    %dma_start3A_971 = arith.constant 0 : i32
    %dma_start3A_972 = tpu.memref_slice %arg35[%dma_start3A_970, %dma_start3A_971] : memref<3072x16xf32, #tpu.memory_space<vmem_shared>> -> memref<3072x16xf32, #tpu.memory_space<vmem_shared>>
    tpu.enqueue_indirect_dma source(%arg10 : memref<128x16xf32, #tpu.memory_space<vmem>>) target(%dma_start3A_972 : memref<3072x16xf32, #tpu.memory_space<vmem_shared>>) offsets(%dma_start3A_969 : memref<128xi32, #tpu.memory_space<vmem>>) semaphore(%arg16 : memref<!tpu.dma_semaphore, #tpu.memory_space<semaphore_mem>>) {add = true}
    %dma_wait3A_973 = arith.constant 5 : i32
    %dma_wait3A_974 = arith.constant 0 : i32
    %dma_wait3A_975 = arith.constant 0 : i32
    %dma_wait3A_976 = tpu.memref_slice %arg9[%dma_wait3A_973, %dma_wait3A_974, %dma_wait3A_975] : memref<8x128x64xf32, #tpu.memory_space<vmem>> -> memref<1x128x64xf32, #tpu.memory_space<vmem>>
    %dma_wait3A_977 = tpu.memref_squeeze %dma_wait3A_976 : memref<1x128x64xf32, #tpu.memory_space<vmem>> -> memref<128x64xf32, #tpu.memory_space<vmem>>
    %dma_wait3A_978 = arith.constant 640 : i32
    %dma_wait3A_979 = tpu.memref_slice %arg8[%dma_wait3A_978] : memref<3200xi32, #tpu.memory_space<vmem>> -> memref<128xi32, #tpu.memory_space<vmem>>
    %dma_wait3A_980 = arith.constant 0 : i32
    %dma_wait3A_981 = arith.constant 0 : i32
    %dma_wait3A_982 = tpu.memref_slice %arg34[%dma_wait3A_980, %dma_wait3A_981] : memref<3072x64xf32, #tpu.memory_space<vmem_shared>> -> memref<3072x64xf32, #tpu.memory_space<vmem_shared>>
    tpu.wait_indirect_dma semaphore(%arg31 : memref<!tpu.dma_semaphore, #tpu.memory_space<semaphore_mem>>) src(%dma_wait3A_977 : memref<128x64xf32, #tpu.memory_space<vmem>>) dst(%dma_wait3A_982 : memref<3072x64xf32, #tpu.memory_space<vmem_shared>>)
    %add3A_983 = arith.constant 416 : i32
    %add3A_984 = arith.addi %add3A, %add3A_983 : i32
    %mul3A_985 = arith.constant 128 : i32
    %mul3A_986 = arith.muli %add3A_984, %mul3A_985 : i32
    %dma_start3A_987 = arith.constant 5 : i32
    %dma_start3A_988 = arith.constant 0 : i32
    %dma_start3A_989 = arith.constant 0 : i32
    %dma_start3A_990 = tpu.memref_slice %arg9[%dma_start3A_987, %dma_start3A_988, %dma_start3A_989] : memref<8x128x64xf32, #tpu.memory_space<vmem>> -> memref<1x128x64xf32, #tpu.memory_space<vmem>>
    %dma_start3A_991 = tpu.memref_squeeze %dma_start3A_990 : memref<1x128x64xf32, #tpu.memory_space<vmem>> -> memref<128x64xf32, #tpu.memory_space<vmem>>
    %dma_start3A_992 = arith.constant 0 : i32
    %dma_start3A_993 = tpu.memref_slice %arg2[%mul3A_986, %dma_start3A_992] : memref<102400x128xf32, #tpu.memory_space<hbm>> -> memref<128x64xf32, #tpu.memory_space<hbm>>
    %dma_start3A_994 = arith.constant 0 : i32
    %dma_start3A_995 = arith.constant 0 : i32
    %dma_start3A_996 = tpu.memref_slice %arg9[%dma_start3A_987, %dma_start3A_994, %dma_start3A_995] : memref<8x128x64xf32, #tpu.memory_space<vmem>> -> memref<1x128x64xf32, #tpu.memory_space<vmem>>
    %dma_start3A_997 = tpu.memref_squeeze %dma_start3A_996 : memref<1x128x64xf32, #tpu.memory_space<vmem>> -> memref<128x64xf32, #tpu.memory_space<vmem>>
    %dma_start3A_998 = arith.constant 0 : i32
    %dma_start3A_999 = tpu.memref_slice %arg2[%mul3A_986, %dma_start3A_998] : memref<102400x128xf32, #tpu.memory_space<hbm>> -> memref<128x64xf32, #tpu.memory_space<hbm>>
    tpu.enqueue_dma source(%dma_start3A_999 : memref<128x64xf32, #tpu.memory_space<hbm>>) target(%dma_start3A_997 : memref<128x64xf32, #tpu.memory_space<vmem>>) target_semaphore(%arg23 : memref<!tpu.dma_semaphore, #tpu.memory_space<semaphore_mem>>)
    %dma_wait3A_1000 = arith.constant 2 : i32
    %dma_wait3A_1001 = arith.constant 0 : i32
    %dma_wait3A_1002 = arith.constant 0 : i32
    %dma_wait3A_1003 = tpu.memref_slice %arg9[%dma_wait3A_1000, %dma_wait3A_1001, %dma_wait3A_1002] : memref<8x128x64xf32, #tpu.memory_space<vmem>> -> memref<1x128x64xf32, #tpu.memory_space<vmem>>
    %dma_wait3A_1004 = tpu.memref_squeeze %dma_wait3A_1003 : memref<1x128x64xf32, #tpu.memory_space<vmem>> -> memref<128x64xf32, #tpu.memory_space<vmem>>
    %dma_wait3A_1005 = arith.constant 0 : i32
    %dma_wait3A_1006 = tpu.memref_slice %arg2[%mul3A_821, %dma_wait3A_1005] : memref<102400x128xf32, #tpu.memory_space<hbm>> -> memref<128x64xf32, #tpu.memory_space<hbm>>
    %dma_wait3A_1007 = arith.constant 0 : i32
    %dma_wait3A_1008 = arith.constant 0 : i32
    %dma_wait3A_1009 = tpu.memref_slice %arg9[%dma_wait3A_1000, %dma_wait3A_1007, %dma_wait3A_1008] : memref<8x128x64xf32, #tpu.memory_space<vmem>> -> memref<1x128x64xf32, #tpu.memory_space<vmem>>
    %dma_wait3A_1010 = tpu.memref_squeeze %dma_wait3A_1009 : memref<1x128x64xf32, #tpu.memory_space<vmem>> -> memref<128x64xf32, #tpu.memory_space<vmem>>
    %dma_wait3A_1011 = arith.constant 0 : i32
    %dma_wait3A_1012 = tpu.memref_slice %arg2[%mul3A_821, %dma_wait3A_1011] : memref<102400x128xf32, #tpu.memory_space<hbm>> -> memref<128x64xf32, #tpu.memory_space<hbm>>
    tpu.wait_dma2 semaphore(%arg20 : memref<!tpu.dma_semaphore, #tpu.memory_space<semaphore_mem>>) src(%dma_wait3A_1012 : memref<128x64xf32, #tpu.memory_space<hbm>>) dst(%dma_wait3A_1010 : memref<128x64xf32, #tpu.memory_space<vmem>>)
    %dma_start3A_1013 = arith.constant 2 : i32
    %dma_start3A_1014 = arith.constant 0 : i32
    %dma_start3A_1015 = arith.constant 0 : i32
    %dma_start3A_1016 = tpu.memref_slice %arg9[%dma_start3A_1013, %dma_start3A_1014, %dma_start3A_1015] : memref<8x128x64xf32, #tpu.memory_space<vmem>> -> memref<1x128x64xf32, #tpu.memory_space<vmem>>
    %dma_start3A_1017 = tpu.memref_squeeze %dma_start3A_1016 : memref<1x128x64xf32, #tpu.memory_space<vmem>> -> memref<128x64xf32, #tpu.memory_space<vmem>>
    %dma_start3A_1018 = arith.constant 1280 : i32
    %dma_start3A_1019 = tpu.memref_slice %arg8[%dma_start3A_1018] : memref<3200xi32, #tpu.memory_space<vmem>> -> memref<128xi32, #tpu.memory_space<vmem>>
    %dma_start3A_1020 = arith.constant 0 : i32
    %dma_start3A_1021 = arith.constant 0 : i32
    %dma_start3A_1022 = tpu.memref_slice %arg34[%dma_start3A_1020, %dma_start3A_1021] : memref<3072x64xf32, #tpu.memory_space<vmem_shared>> -> memref<3072x64xf32, #tpu.memory_space<vmem_shared>>
    tpu.enqueue_indirect_dma source(%dma_start3A_1017 : memref<128x64xf32, #tpu.memory_space<vmem>>) target(%dma_start3A_1022 : memref<3072x64xf32, #tpu.memory_space<vmem_shared>>) offsets(%dma_start3A_1019 : memref<128xi32, #tpu.memory_space<vmem>>) semaphore(%arg28 : memref<!tpu.dma_semaphore, #tpu.memory_space<semaphore_mem>>) {add = true}
    %dma_start3A_1023 = arith.constant 1280 : i32
    %dma_start3A_1024 = tpu.memref_slice %arg8[%dma_start3A_1023] : memref<3200xi32, #tpu.memory_space<vmem>> -> memref<128xi32, #tpu.memory_space<vmem>>
    %dma_start3A_1025 = arith.constant 0 : i32
    %dma_start3A_1026 = arith.constant 0 : i32
    %dma_start3A_1027 = tpu.memref_slice %arg35[%dma_start3A_1025, %dma_start3A_1026] : memref<3072x16xf32, #tpu.memory_space<vmem_shared>> -> memref<3072x16xf32, #tpu.memory_space<vmem_shared>>
    tpu.enqueue_indirect_dma source(%arg10 : memref<128x16xf32, #tpu.memory_space<vmem>>) target(%dma_start3A_1027 : memref<3072x16xf32, #tpu.memory_space<vmem_shared>>) offsets(%dma_start3A_1024 : memref<128xi32, #tpu.memory_space<vmem>>) semaphore(%arg16 : memref<!tpu.dma_semaphore, #tpu.memory_space<semaphore_mem>>) {add = true}
    %dma_wait3A_1028 = arith.constant 6 : i32
    %dma_wait3A_1029 = arith.constant 0 : i32
    %dma_wait3A_1030 = arith.constant 0 : i32
    %dma_wait3A_1031 = tpu.memref_slice %arg9[%dma_wait3A_1028, %dma_wait3A_1029, %dma_wait3A_1030] : memref<8x128x64xf32, #tpu.memory_space<vmem>> -> memref<1x128x64xf32, #tpu.memory_space<vmem>>
    %dma_wait3A_1032 = tpu.memref_squeeze %dma_wait3A_1031 : memref<1x128x64xf32, #tpu.memory_space<vmem>> -> memref<128x64xf32, #tpu.memory_space<vmem>>
    %dma_wait3A_1033 = arith.constant 768 : i32
    %dma_wait3A_1034 = tpu.memref_slice %arg8[%dma_wait3A_1033] : memref<3200xi32, #tpu.memory_space<vmem>> -> memref<128xi32, #tpu.memory_space<vmem>>
    %dma_wait3A_1035 = arith.constant 0 : i32
    %dma_wait3A_1036 = arith.constant 0 : i32
    %dma_wait3A_1037 = tpu.memref_slice %arg34[%dma_wait3A_1035, %dma_wait3A_1036] : memref<3072x64xf32, #tpu.memory_space<vmem_shared>> -> memref<3072x64xf32, #tpu.memory_space<vmem_shared>>
    tpu.wait_indirect_dma semaphore(%arg32 : memref<!tpu.dma_semaphore, #tpu.memory_space<semaphore_mem>>) src(%dma_wait3A_1032 : memref<128x64xf32, #tpu.memory_space<vmem>>) dst(%dma_wait3A_1037 : memref<3072x64xf32, #tpu.memory_space<vmem_shared>>)
    %add3A_1038 = arith.constant 448 : i32
    %add3A_1039 = arith.addi %add3A, %add3A_1038 : i32
    %mul3A_1040 = arith.constant 128 : i32
    %mul3A_1041 = arith.muli %add3A_1039, %mul3A_1040 : i32
    %dma_start3A_1042 = arith.constant 6 : i32
    %dma_start3A_1043 = arith.constant 0 : i32
    %dma_start3A_1044 = arith.constant 0 : i32
    %dma_start3A_1045 = tpu.memref_slice %arg9[%dma_start3A_1042, %dma_start3A_1043, %dma_start3A_1044] : memref<8x128x64xf32, #tpu.memory_space<vmem>> -> memref<1x128x64xf32, #tpu.memory_space<vmem>>
    %dma_start3A_1046 = tpu.memref_squeeze %dma_start3A_1045 : memref<1x128x64xf32, #tpu.memory_space<vmem>> -> memref<128x64xf32, #tpu.memory_space<vmem>>
    %dma_start3A_1047 = arith.constant 0 : i32
    %dma_start3A_1048 = tpu.memref_slice %arg2[%mul3A_1041, %dma_start3A_1047] : memref<102400x128xf32, #tpu.memory_space<hbm>> -> memref<128x64xf32, #tpu.memory_space<hbm>>
    %dma_start3A_1049 = arith.constant 0 : i32
    %dma_start3A_1050 = arith.constant 0 : i32
    %dma_start3A_1051 = tpu.memref_slice %arg9[%dma_start3A_1042, %dma_start3A_1049, %dma_start3A_1050] : memref<8x128x64xf32, #tpu.memory_space<vmem>> -> memref<1x128x64xf32, #tpu.memory_space<vmem>>
    %dma_start3A_1052 = tpu.memref_squeeze %dma_start3A_1051 : memref<1x128x64xf32, #tpu.memory_space<vmem>> -> memref<128x64xf32, #tpu.memory_space<vmem>>
    %dma_start3A_1053 = arith.constant 0 : i32
    %dma_start3A_1054 = tpu.memref_slice %arg2[%mul3A_1041, %dma_start3A_1053] : memref<102400x128xf32, #tpu.memory_space<hbm>> -> memref<128x64xf32, #tpu.memory_space<hbm>>
    tpu.enqueue_dma source(%dma_start3A_1054 : memref<128x64xf32, #tpu.memory_space<hbm>>) target(%dma_start3A_1052 : memref<128x64xf32, #tpu.memory_space<vmem>>) target_semaphore(%arg24 : memref<!tpu.dma_semaphore, #tpu.memory_space<semaphore_mem>>)
    %dma_wait3A_1055 = arith.constant 3 : i32
    %dma_wait3A_1056 = arith.constant 0 : i32
    %dma_wait3A_1057 = arith.constant 0 : i32
    %dma_wait3A_1058 = tpu.memref_slice %arg9[%dma_wait3A_1055, %dma_wait3A_1056, %dma_wait3A_1057] : memref<8x128x64xf32, #tpu.memory_space<vmem>> -> memref<1x128x64xf32, #tpu.memory_space<vmem>>
    %dma_wait3A_1059 = tpu.memref_squeeze %dma_wait3A_1058 : memref<1x128x64xf32, #tpu.memory_space<vmem>> -> memref<128x64xf32, #tpu.memory_space<vmem>>
    %dma_wait3A_1060 = arith.constant 0 : i32
    %dma_wait3A_1061 = tpu.memref_slice %arg2[%mul3A_876, %dma_wait3A_1060] : memref<102400x128xf32, #tpu.memory_space<hbm>> -> memref<128x64xf32, #tpu.memory_space<hbm>>
    %dma_wait3A_1062 = arith.constant 0 : i32
    %dma_wait3A_1063 = arith.constant 0 : i32
    %dma_wait3A_1064 = tpu.memref_slice %arg9[%dma_wait3A_1055, %dma_wait3A_1062, %dma_wait3A_1063] : memref<8x128x64xf32, #tpu.memory_space<vmem>> -> memref<1x128x64xf32, #tpu.memory_space<vmem>>
    %dma_wait3A_1065 = tpu.memref_squeeze %dma_wait3A_1064 : memref<1x128x64xf32, #tpu.memory_space<vmem>> -> memref<128x64xf32, #tpu.memory_space<vmem>>
    %dma_wait3A_1066 = arith.constant 0 : i32
    %dma_wait3A_1067 = tpu.memref_slice %arg2[%mul3A_876, %dma_wait3A_1066] : memref<102400x128xf32, #tpu.memory_space<hbm>> -> memref<128x64xf32, #tpu.memory_space<hbm>>
    tpu.wait_dma2 semaphore(%arg21 : memref<!tpu.dma_semaphore, #tpu.memory_space<semaphore_mem>>) src(%dma_wait3A_1067 : memref<128x64xf32, #tpu.memory_space<hbm>>) dst(%dma_wait3A_1065 : memref<128x64xf32, #tpu.memory_space<vmem>>)
    %dma_start3A_1068 = arith.constant 3 : i32
    %dma_start3A_1069 = arith.constant 0 : i32
    %dma_start3A_1070 = arith.constant 0 : i32
    %dma_start3A_1071 = tpu.memref_slice %arg9[%dma_start3A_1068, %dma_start3A_1069, %dma_start3A_1070] : memref<8x128x64xf32, #tpu.memory_space<vmem>> -> memref<1x128x64xf32, #tpu.memory_space<vmem>>
    %dma_start3A_1072 = tpu.memref_squeeze %dma_start3A_1071 : memref<1x128x64xf32, #tpu.memory_space<vmem>> -> memref<128x64xf32, #tpu.memory_space<vmem>>
    %dma_start3A_1073 = arith.constant 1408 : i32
    %dma_start3A_1074 = tpu.memref_slice %arg8[%dma_start3A_1073] : memref<3200xi32, #tpu.memory_space<vmem>> -> memref<128xi32, #tpu.memory_space<vmem>>
    %dma_start3A_1075 = arith.constant 0 : i32
    %dma_start3A_1076 = arith.constant 0 : i32
    %dma_start3A_1077 = tpu.memref_slice %arg34[%dma_start3A_1075, %dma_start3A_1076] : memref<3072x64xf32, #tpu.memory_space<vmem_shared>> -> memref<3072x64xf32, #tpu.memory_space<vmem_shared>>
    tpu.enqueue_indirect_dma source(%dma_start3A_1072 : memref<128x64xf32, #tpu.memory_space<vmem>>) target(%dma_start3A_1077 : memref<3072x64xf32, #tpu.memory_space<vmem_shared>>) offsets(%dma_start3A_1074 : memref<128xi32, #tpu.memory_space<vmem>>) semaphore(%arg29 : memref<!tpu.dma_semaphore, #tpu.memory_space<semaphore_mem>>) {add = true}
    %dma_start3A_1078 = arith.constant 1408 : i32
    %dma_start3A_1079 = tpu.memref_slice %arg8[%dma_start3A_1078] : memref<3200xi32, #tpu.memory_space<vmem>> -> memref<128xi32, #tpu.memory_space<vmem>>
    %dma_start3A_1080 = arith.constant 0 : i32
    %dma_start3A_1081 = arith.constant 0 : i32
    %dma_start3A_1082 = tpu.memref_slice %arg35[%dma_start3A_1080, %dma_start3A_1081] : memref<3072x16xf32, #tpu.memory_space<vmem_shared>> -> memref<3072x16xf32, #tpu.memory_space<vmem_shared>>
    tpu.enqueue_indirect_dma source(%arg10 : memref<128x16xf32, #tpu.memory_space<vmem>>) target(%dma_start3A_1082 : memref<3072x16xf32, #tpu.memory_space<vmem_shared>>) offsets(%dma_start3A_1079 : memref<128xi32, #tpu.memory_space<vmem>>) semaphore(%arg16 : memref<!tpu.dma_semaphore, #tpu.memory_space<semaphore_mem>>) {add = true}
    %dma_wait3A_1083 = arith.constant 7 : i32
    %dma_wait3A_1084 = arith.constant 0 : i32
    %dma_wait3A_1085 = arith.constant 0 : i32
    %dma_wait3A_1086 = tpu.memref_slice %arg9[%dma_wait3A_1083, %dma_wait3A_1084, %dma_wait3A_1085] : memref<8x128x64xf32, #tpu.memory_space<vmem>> -> memref<1x128x64xf32, #tpu.memory_space<vmem>>
    %dma_wait3A_1087 = tpu.memref_squeeze %dma_wait3A_1086 : memref<1x128x64xf32, #tpu.memory_space<vmem>> -> memref<128x64xf32, #tpu.memory_space<vmem>>
    %dma_wait3A_1088 = arith.constant 896 : i32
    %dma_wait3A_1089 = tpu.memref_slice %arg8[%dma_wait3A_1088] : memref<3200xi32, #tpu.memory_space<vmem>> -> memref<128xi32, #tpu.memory_space<vmem>>
    %dma_wait3A_1090 = arith.constant 0 : i32
    %dma_wait3A_1091 = arith.constant 0 : i32
    %dma_wait3A_1092 = tpu.memref_slice %arg34[%dma_wait3A_1090, %dma_wait3A_1091] : memref<3072x64xf32, #tpu.memory_space<vmem_shared>> -> memref<3072x64xf32, #tpu.memory_space<vmem_shared>>
    tpu.wait_indirect_dma semaphore(%arg33 : memref<!tpu.dma_semaphore, #tpu.memory_space<semaphore_mem>>) src(%dma_wait3A_1087 : memref<128x64xf32, #tpu.memory_space<vmem>>) dst(%dma_wait3A_1092 : memref<3072x64xf32, #tpu.memory_space<vmem_shared>>)
    %add3A_1093 = arith.constant 480 : i32
    %add3A_1094 = arith.addi %add3A, %add3A_1093 : i32
    %mul3A_1095 = arith.constant 128 : i32
    %mul3A_1096 = arith.muli %add3A_1094, %mul3A_1095 : i32
    %dma_start3A_1097 = arith.constant 7 : i32
    %dma_start3A_1098 = arith.constant 0 : i32
    %dma_start3A_1099 = arith.constant 0 : i32
    %dma_start3A_1100 = tpu.memref_slice %arg9[%dma_start3A_1097, %dma_start3A_1098, %dma_start3A_1099] : memref<8x128x64xf32, #tpu.memory_space<vmem>> -> memref<1x128x64xf32, #tpu.memory_space<vmem>>
    %dma_start3A_1101 = tpu.memref_squeeze %dma_start3A_1100 : memref<1x128x64xf32, #tpu.memory_space<vmem>> -> memref<128x64xf32, #tpu.memory_space<vmem>>
    %dma_start3A_1102 = arith.constant 0 : i32
    %dma_start3A_1103 = tpu.memref_slice %arg2[%mul3A_1096, %dma_start3A_1102] : memref<102400x128xf32, #tpu.memory_space<hbm>> -> memref<128x64xf32, #tpu.memory_space<hbm>>
    %dma_start3A_1104 = arith.constant 0 : i32
    %dma_start3A_1105 = arith.constant 0 : i32
    %dma_start3A_1106 = tpu.memref_slice %arg9[%dma_start3A_1097, %dma_start3A_1104, %dma_start3A_1105] : memref<8x128x64xf32, #tpu.memory_space<vmem>> -> memref<1x128x64xf32, #tpu.memory_space<vmem>>
    %dma_start3A_1107 = tpu.memref_squeeze %dma_start3A_1106 : memref<1x128x64xf32, #tpu.memory_space<vmem>> -> memref<128x64xf32, #tpu.memory_space<vmem>>
    %dma_start3A_1108 = arith.constant 0 : i32
    %dma_start3A_1109 = tpu.memref_slice %arg2[%mul3A_1096, %dma_start3A_1108] : memref<102400x128xf32, #tpu.memory_space<hbm>> -> memref<128x64xf32, #tpu.memory_space<hbm>>
    tpu.enqueue_dma source(%dma_start3A_1109 : memref<128x64xf32, #tpu.memory_space<hbm>>) target(%dma_start3A_1107 : memref<128x64xf32, #tpu.memory_space<vmem>>) target_semaphore(%arg25 : memref<!tpu.dma_semaphore, #tpu.memory_space<semaphore_mem>>)
    %dma_wait3A_1110 = arith.constant 4 : i32
    %dma_wait3A_1111 = arith.constant 0 : i32
    %dma_wait3A_1112 = arith.constant 0 : i32
    %dma_wait3A_1113 = tpu.memref_slice %arg9[%dma_wait3A_1110, %dma_wait3A_1111, %dma_wait3A_1112] : memref<8x128x64xf32, #tpu.memory_space<vmem>> -> memref<1x128x64xf32, #tpu.memory_space<vmem>>
    %dma_wait3A_1114 = tpu.memref_squeeze %dma_wait3A_1113 : memref<1x128x64xf32, #tpu.memory_space<vmem>> -> memref<128x64xf32, #tpu.memory_space<vmem>>
    %dma_wait3A_1115 = arith.constant 0 : i32
    %dma_wait3A_1116 = tpu.memref_slice %arg2[%mul3A_931, %dma_wait3A_1115] : memref<102400x128xf32, #tpu.memory_space<hbm>> -> memref<128x64xf32, #tpu.memory_space<hbm>>
    %dma_wait3A_1117 = arith.constant 0 : i32
    %dma_wait3A_1118 = arith.constant 0 : i32
    %dma_wait3A_1119 = tpu.memref_slice %arg9[%dma_wait3A_1110, %dma_wait3A_1117, %dma_wait3A_1118] : memref<8x128x64xf32, #tpu.memory_space<vmem>> -> memref<1x128x64xf32, #tpu.memory_space<vmem>>
    %dma_wait3A_1120 = tpu.memref_squeeze %dma_wait3A_1119 : memref<1x128x64xf32, #tpu.memory_space<vmem>> -> memref<128x64xf32, #tpu.memory_space<vmem>>
    %dma_wait3A_1121 = arith.constant 0 : i32
    %dma_wait3A_1122 = tpu.memref_slice %arg2[%mul3A_931, %dma_wait3A_1121] : memref<102400x128xf32, #tpu.memory_space<hbm>> -> memref<128x64xf32, #tpu.memory_space<hbm>>
    tpu.wait_dma2 semaphore(%arg22 : memref<!tpu.dma_semaphore, #tpu.memory_space<semaphore_mem>>) src(%dma_wait3A_1122 : memref<128x64xf32, #tpu.memory_space<hbm>>) dst(%dma_wait3A_1120 : memref<128x64xf32, #tpu.memory_space<vmem>>)
    %dma_start3A_1123 = arith.constant 4 : i32
    %dma_start3A_1124 = arith.constant 0 : i32
    %dma_start3A_1125 = arith.constant 0 : i32
    %dma_start3A_1126 = tpu.memref_slice %arg9[%dma_start3A_1123, %dma_start3A_1124, %dma_start3A_1125] : memref<8x128x64xf32, #tpu.memory_space<vmem>> -> memref<1x128x64xf32, #tpu.memory_space<vmem>>
    %dma_start3A_1127 = tpu.memref_squeeze %dma_start3A_1126 : memref<1x128x64xf32, #tpu.memory_space<vmem>> -> memref<128x64xf32, #tpu.memory_space<vmem>>
    %dma_start3A_1128 = arith.constant 1536 : i32
    %dma_start3A_1129 = tpu.memref_slice %arg8[%dma_start3A_1128] : memref<3200xi32, #tpu.memory_space<vmem>> -> memref<128xi32, #tpu.memory_space<vmem>>
    %dma_start3A_1130 = arith.constant 0 : i32
    %dma_start3A_1131 = arith.constant 0 : i32
    %dma_start3A_1132 = tpu.memref_slice %arg34[%dma_start3A_1130, %dma_start3A_1131] : memref<3072x64xf32, #tpu.memory_space<vmem_shared>> -> memref<3072x64xf32, #tpu.memory_space<vmem_shared>>
    tpu.enqueue_indirect_dma source(%dma_start3A_1127 : memref<128x64xf32, #tpu.memory_space<vmem>>) target(%dma_start3A_1132 : memref<3072x64xf32, #tpu.memory_space<vmem_shared>>) offsets(%dma_start3A_1129 : memref<128xi32, #tpu.memory_space<vmem>>) semaphore(%arg30 : memref<!tpu.dma_semaphore, #tpu.memory_space<semaphore_mem>>) {add = true}
    %dma_start3A_1133 = arith.constant 1536 : i32
    %dma_start3A_1134 = tpu.memref_slice %arg8[%dma_start3A_1133] : memref<3200xi32, #tpu.memory_space<vmem>> -> memref<128xi32, #tpu.memory_space<vmem>>
    %dma_start3A_1135 = arith.constant 0 : i32
    %dma_start3A_1136 = arith.constant 0 : i32
    %dma_start3A_1137 = tpu.memref_slice %arg35[%dma_start3A_1135, %dma_start3A_1136] : memref<3072x16xf32, #tpu.memory_space<vmem_shared>> -> memref<3072x16xf32, #tpu.memory_space<vmem_shared>>
    tpu.enqueue_indirect_dma source(%arg10 : memref<128x16xf32, #tpu.memory_space<vmem>>) target(%dma_start3A_1137 : memref<3072x16xf32, #tpu.memory_space<vmem_shared>>) offsets(%dma_start3A_1134 : memref<128xi32, #tpu.memory_space<vmem>>) semaphore(%arg16 : memref<!tpu.dma_semaphore, #tpu.memory_space<semaphore_mem>>) {add = true}
    %dma_wait3A_1138 = arith.constant 0 : i32
    %dma_wait3A_1139 = arith.constant 0 : i32
    %dma_wait3A_1140 = arith.constant 0 : i32
    %dma_wait3A_1141 = tpu.memref_slice %arg9[%dma_wait3A_1138, %dma_wait3A_1139, %dma_wait3A_1140] : memref<8x128x64xf32, #tpu.memory_space<vmem>> -> memref<1x128x64xf32, #tpu.memory_space<vmem>>
    %dma_wait3A_1142 = tpu.memref_squeeze %dma_wait3A_1141 : memref<1x128x64xf32, #tpu.memory_space<vmem>> -> memref<128x64xf32, #tpu.memory_space<vmem>>
    %dma_wait3A_1143 = arith.constant 1024 : i32
    %dma_wait3A_1144 = tpu.memref_slice %arg8[%dma_wait3A_1143] : memref<3200xi32, #tpu.memory_space<vmem>> -> memref<128xi32, #tpu.memory_space<vmem>>
    %dma_wait3A_1145 = arith.constant 0 : i32
    %dma_wait3A_1146 = arith.constant 0 : i32
    %dma_wait3A_1147 = tpu.memref_slice %arg34[%dma_wait3A_1145, %dma_wait3A_1146] : memref<3072x64xf32, #tpu.memory_space<vmem_shared>> -> memref<3072x64xf32, #tpu.memory_space<vmem_shared>>
    tpu.wait_indirect_dma semaphore(%arg26 : memref<!tpu.dma_semaphore, #tpu.memory_space<semaphore_mem>>) src(%dma_wait3A_1142 : memref<128x64xf32, #tpu.memory_space<vmem>>) dst(%dma_wait3A_1147 : memref<3072x64xf32, #tpu.memory_space<vmem_shared>>)
    %add3A_1148 = arith.constant 512 : i32
    %add3A_1149 = arith.addi %add3A, %add3A_1148 : i32
    %mul3A_1150 = arith.constant 128 : i32
    %mul3A_1151 = arith.muli %add3A_1149, %mul3A_1150 : i32
    %dma_start3A_1152 = arith.constant 0 : i32
    %dma_start3A_1153 = arith.constant 0 : i32
    %dma_start3A_1154 = arith.constant 0 : i32
    %dma_start3A_1155 = tpu.memref_slice %arg9[%dma_start3A_1152, %dma_start3A_1153, %dma_start3A_1154] : memref<8x128x64xf32, #tpu.memory_space<vmem>> -> memref<1x128x64xf32, #tpu.memory_space<vmem>>
    %dma_start3A_1156 = tpu.memref_squeeze %dma_start3A_1155 : memref<1x128x64xf32, #tpu.memory_space<vmem>> -> memref<128x64xf32, #tpu.memory_space<vmem>>
    %dma_start3A_1157 = arith.constant 0 : i32
    %dma_start3A_1158 = tpu.memref_slice %arg2[%mul3A_1151, %dma_start3A_1157] : memref<102400x128xf32, #tpu.memory_space<hbm>> -> memref<128x64xf32, #tpu.memory_space<hbm>>
    %dma_start3A_1159 = arith.constant 0 : i32
    %dma_start3A_1160 = arith.constant 0 : i32
    %dma_start3A_1161 = tpu.memref_slice %arg9[%dma_start3A_1152, %dma_start3A_1159, %dma_start3A_1160] : memref<8x128x64xf32, #tpu.memory_space<vmem>> -> memref<1x128x64xf32, #tpu.memory_space<vmem>>
    %dma_start3A_1162 = tpu.memref_squeeze %dma_start3A_1161 : memref<1x128x64xf32, #tpu.memory_space<vmem>> -> memref<128x64xf32, #tpu.memory_space<vmem>>
    %dma_start3A_1163 = arith.constant 0 : i32
    %dma_start3A_1164 = tpu.memref_slice %arg2[%mul3A_1151, %dma_start3A_1163] : memref<102400x128xf32, #tpu.memory_space<hbm>> -> memref<128x64xf32, #tpu.memory_space<hbm>>
    tpu.enqueue_dma source(%dma_start3A_1164 : memref<128x64xf32, #tpu.memory_space<hbm>>) target(%dma_start3A_1162 : memref<128x64xf32, #tpu.memory_space<vmem>>) target_semaphore(%arg18 : memref<!tpu.dma_semaphore, #tpu.memory_space<semaphore_mem>>)
    %dma_wait3A_1165 = arith.constant 5 : i32
    %dma_wait3A_1166 = arith.constant 0 : i32
    %dma_wait3A_1167 = arith.constant 0 : i32
    %dma_wait3A_1168 = tpu.memref_slice %arg9[%dma_wait3A_1165, %dma_wait3A_1166, %dma_wait3A_1167] : memref<8x128x64xf32, #tpu.memory_space<vmem>> -> memref<1x128x64xf32, #tpu.memory_space<vmem>>
    %dma_wait3A_1169 = tpu.memref_squeeze %dma_wait3A_1168 : memref<1x128x64xf32, #tpu.memory_space<vmem>> -> memref<128x64xf32, #tpu.memory_space<vmem>>
    %dma_wait3A_1170 = arith.constant 0 : i32
    %dma_wait3A_1171 = tpu.memref_slice %arg2[%mul3A_986, %dma_wait3A_1170] : memref<102400x128xf32, #tpu.memory_space<hbm>> -> memref<128x64xf32, #tpu.memory_space<hbm>>
    %dma_wait3A_1172 = arith.constant 0 : i32
    %dma_wait3A_1173 = arith.constant 0 : i32
    %dma_wait3A_1174 = tpu.memref_slice %arg9[%dma_wait3A_1165, %dma_wait3A_1172, %dma_wait3A_1173] : memref<8x128x64xf32, #tpu.memory_space<vmem>> -> memref<1x128x64xf32, #tpu.memory_space<vmem>>
    %dma_wait3A_1175 = tpu.memref_squeeze %dma_wait3A_1174 : memref<1x128x64xf32, #tpu.memory_space<vmem>> -> memref<128x64xf32, #tpu.memory_space<vmem>>
    %dma_wait3A_1176 = arith.constant 0 : i32
    %dma_wait3A_1177 = tpu.memref_slice %arg2[%mul3A_986, %dma_wait3A_1176] : memref<102400x128xf32, #tpu.memory_space<hbm>> -> memref<128x64xf32, #tpu.memory_space<hbm>>
    tpu.wait_dma2 semaphore(%arg23 : memref<!tpu.dma_semaphore, #tpu.memory_space<semaphore_mem>>) src(%dma_wait3A_1177 : memref<128x64xf32, #tpu.memory_space<hbm>>) dst(%dma_wait3A_1175 : memref<128x64xf32, #tpu.memory_space<vmem>>)
    %dma_start3A_1178 = arith.constant 5 : i32
    %dma_start3A_1179 = arith.constant 0 : i32
    %dma_start3A_1180 = arith.constant 0 : i32
    %dma_start3A_1181 = tpu.memref_slice %arg9[%dma_start3A_1178, %dma_start3A_1179, %dma_start3A_1180] : memref<8x128x64xf32, #tpu.memory_space<vmem>> -> memref<1x128x64xf32, #tpu.memory_space<vmem>>
    %dma_start3A_1182 = tpu.memref_squeeze %dma_start3A_1181 : memref<1x128x64xf32, #tpu.memory_space<vmem>> -> memref<128x64xf32, #tpu.memory_space<vmem>>
    %dma_start3A_1183 = arith.constant 1664 : i32
    %dma_start3A_1184 = tpu.memref_slice %arg8[%dma_start3A_1183] : memref<3200xi32, #tpu.memory_space<vmem>> -> memref<128xi32, #tpu.memory_space<vmem>>
    %dma_start3A_1185 = arith.constant 0 : i32
    %dma_start3A_1186 = arith.constant 0 : i32
    %dma_start3A_1187 = tpu.memref_slice %arg34[%dma_start3A_1185, %dma_start3A_1186] : memref<3072x64xf32, #tpu.memory_space<vmem_shared>> -> memref<3072x64xf32, #tpu.memory_space<vmem_shared>>
    tpu.enqueue_indirect_dma source(%dma_start3A_1182 : memref<128x64xf32, #tpu.memory_space<vmem>>) target(%dma_start3A_1187 : memref<3072x64xf32, #tpu.memory_space<vmem_shared>>) offsets(%dma_start3A_1184 : memref<128xi32, #tpu.memory_space<vmem>>) semaphore(%arg31 : memref<!tpu.dma_semaphore, #tpu.memory_space<semaphore_mem>>) {add = true}
    %dma_start3A_1188 = arith.constant 1664 : i32
    %dma_start3A_1189 = tpu.memref_slice %arg8[%dma_start3A_1188] : memref<3200xi32, #tpu.memory_space<vmem>> -> memref<128xi32, #tpu.memory_space<vmem>>
    %dma_start3A_1190 = arith.constant 0 : i32
    %dma_start3A_1191 = arith.constant 0 : i32
    %dma_start3A_1192 = tpu.memref_slice %arg35[%dma_start3A_1190, %dma_start3A_1191] : memref<3072x16xf32, #tpu.memory_space<vmem_shared>> -> memref<3072x16xf32, #tpu.memory_space<vmem_shared>>
    tpu.enqueue_indirect_dma source(%arg10 : memref<128x16xf32, #tpu.memory_space<vmem>>) target(%dma_start3A_1192 : memref<3072x16xf32, #tpu.memory_space<vmem_shared>>) offsets(%dma_start3A_1189 : memref<128xi32, #tpu.memory_space<vmem>>) semaphore(%arg16 : memref<!tpu.dma_semaphore, #tpu.memory_space<semaphore_mem>>) {add = true}
    %dma_wait3A_1193 = arith.constant 1 : i32
    %dma_wait3A_1194 = arith.constant 0 : i32
    %dma_wait3A_1195 = arith.constant 0 : i32
    %dma_wait3A_1196 = tpu.memref_slice %arg9[%dma_wait3A_1193, %dma_wait3A_1194, %dma_wait3A_1195] : memref<8x128x64xf32, #tpu.memory_space<vmem>> -> memref<1x128x64xf32, #tpu.memory_space<vmem>>
    %dma_wait3A_1197 = tpu.memref_squeeze %dma_wait3A_1196 : memref<1x128x64xf32, #tpu.memory_space<vmem>> -> memref<128x64xf32, #tpu.memory_space<vmem>>
    %dma_wait3A_1198 = arith.constant 1152 : i32
    %dma_wait3A_1199 = tpu.memref_slice %arg8[%dma_wait3A_1198] : memref<3200xi32, #tpu.memory_space<vmem>> -> memref<128xi32, #tpu.memory_space<vmem>>
    %dma_wait3A_1200 = arith.constant 0 : i32
    %dma_wait3A_1201 = arith.constant 0 : i32
    %dma_wait3A_1202 = tpu.memref_slice %arg34[%dma_wait3A_1200, %dma_wait3A_1201] : memref<3072x64xf32, #tpu.memory_space<vmem_shared>> -> memref<3072x64xf32, #tpu.memory_space<vmem_shared>>
    tpu.wait_indirect_dma semaphore(%arg27 : memref<!tpu.dma_semaphore, #tpu.memory_space<semaphore_mem>>) src(%dma_wait3A_1197 : memref<128x64xf32, #tpu.memory_space<vmem>>) dst(%dma_wait3A_1202 : memref<3072x64xf32, #tpu.memory_space<vmem_shared>>)
    %add3A_1203 = arith.constant 544 : i32
    %add3A_1204 = arith.addi %add3A, %add3A_1203 : i32
    %mul3A_1205 = arith.constant 128 : i32
    %mul3A_1206 = arith.muli %add3A_1204, %mul3A_1205 : i32
    %dma_start3A_1207 = arith.constant 1 : i32
    %dma_start3A_1208 = arith.constant 0 : i32
    %dma_start3A_1209 = arith.constant 0 : i32
    %dma_start3A_1210 = tpu.memref_slice %arg9[%dma_start3A_1207, %dma_start3A_1208, %dma_start3A_1209] : memref<8x128x64xf32, #tpu.memory_space<vmem>> -> memref<1x128x64xf32, #tpu.memory_space<vmem>>
    %dma_start3A_1211 = tpu.memref_squeeze %dma_start3A_1210 : memref<1x128x64xf32, #tpu.memory_space<vmem>> -> memref<128x64xf32, #tpu.memory_space<vmem>>
    %dma_start3A_1212 = arith.constant 0 : i32
    %dma_start3A_1213 = tpu.memref_slice %arg2[%mul3A_1206, %dma_start3A_1212] : memref<102400x128xf32, #tpu.memory_space<hbm>> -> memref<128x64xf32, #tpu.memory_space<hbm>>
    %dma_start3A_1214 = arith.constant 0 : i32
    %dma_start3A_1215 = arith.constant 0 : i32
    %dma_start3A_1216 = tpu.memref_slice %arg9[%dma_start3A_1207, %dma_start3A_1214, %dma_start3A_1215] : memref<8x128x64xf32, #tpu.memory_space<vmem>> -> memref<1x128x64xf32, #tpu.memory_space<vmem>>
    %dma_start3A_1217 = tpu.memref_squeeze %dma_start3A_1216 : memref<1x128x64xf32, #tpu.memory_space<vmem>> -> memref<128x64xf32, #tpu.memory_space<vmem>>
    %dma_start3A_1218 = arith.constant 0 : i32
    %dma_start3A_1219 = tpu.memref_slice %arg2[%mul3A_1206, %dma_start3A_1218] : memref<102400x128xf32, #tpu.memory_space<hbm>> -> memref<128x64xf32, #tpu.memory_space<hbm>>
    tpu.enqueue_dma source(%dma_start3A_1219 : memref<128x64xf32, #tpu.memory_space<hbm>>) target(%dma_start3A_1217 : memref<128x64xf32, #tpu.memory_space<vmem>>) target_semaphore(%arg19 : memref<!tpu.dma_semaphore, #tpu.memory_space<semaphore_mem>>)
    %dma_wait3A_1220 = arith.constant 6 : i32
    %dma_wait3A_1221 = arith.constant 0 : i32
    %dma_wait3A_1222 = arith.constant 0 : i32
    %dma_wait3A_1223 = tpu.memref_slice %arg9[%dma_wait3A_1220, %dma_wait3A_1221, %dma_wait3A_1222] : memref<8x128x64xf32, #tpu.memory_space<vmem>> -> memref<1x128x64xf32, #tpu.memory_space<vmem>>
    %dma_wait3A_1224 = tpu.memref_squeeze %dma_wait3A_1223 : memref<1x128x64xf32, #tpu.memory_space<vmem>> -> memref<128x64xf32, #tpu.memory_space<vmem>>
    %dma_wait3A_1225 = arith.constant 0 : i32
    %dma_wait3A_1226 = tpu.memref_slice %arg2[%mul3A_1041, %dma_wait3A_1225] : memref<102400x128xf32, #tpu.memory_space<hbm>> -> memref<128x64xf32, #tpu.memory_space<hbm>>
    %dma_wait3A_1227 = arith.constant 0 : i32
    %dma_wait3A_1228 = arith.constant 0 : i32
    %dma_wait3A_1229 = tpu.memref_slice %arg9[%dma_wait3A_1220, %dma_wait3A_1227, %dma_wait3A_1228] : memref<8x128x64xf32, #tpu.memory_space<vmem>> -> memref<1x128x64xf32, #tpu.memory_space<vmem>>
    %dma_wait3A_1230 = tpu.memref_squeeze %dma_wait3A_1229 : memref<1x128x64xf32, #tpu.memory_space<vmem>> -> memref<128x64xf32, #tpu.memory_space<vmem>>
    %dma_wait3A_1231 = arith.constant 0 : i32
    %dma_wait3A_1232 = tpu.memref_slice %arg2[%mul3A_1041, %dma_wait3A_1231] : memref<102400x128xf32, #tpu.memory_space<hbm>> -> memref<128x64xf32, #tpu.memory_space<hbm>>
    tpu.wait_dma2 semaphore(%arg24 : memref<!tpu.dma_semaphore, #tpu.memory_space<semaphore_mem>>) src(%dma_wait3A_1232 : memref<128x64xf32, #tpu.memory_space<hbm>>) dst(%dma_wait3A_1230 : memref<128x64xf32, #tpu.memory_space<vmem>>)
    %dma_start3A_1233 = arith.constant 6 : i32
    %dma_start3A_1234 = arith.constant 0 : i32
    %dma_start3A_1235 = arith.constant 0 : i32
    %dma_start3A_1236 = tpu.memref_slice %arg9[%dma_start3A_1233, %dma_start3A_1234, %dma_start3A_1235] : memref<8x128x64xf32, #tpu.memory_space<vmem>> -> memref<1x128x64xf32, #tpu.memory_space<vmem>>
    %dma_start3A_1237 = tpu.memref_squeeze %dma_start3A_1236 : memref<1x128x64xf32, #tpu.memory_space<vmem>> -> memref<128x64xf32, #tpu.memory_space<vmem>>
    %dma_start3A_1238 = arith.constant 1792 : i32
    %dma_start3A_1239 = tpu.memref_slice %arg8[%dma_start3A_1238] : memref<3200xi32, #tpu.memory_space<vmem>> -> memref<128xi32, #tpu.memory_space<vmem>>
    %dma_start3A_1240 = arith.constant 0 : i32
    %dma_start3A_1241 = arith.constant 0 : i32
    %dma_start3A_1242 = tpu.memref_slice %arg34[%dma_start3A_1240, %dma_start3A_1241] : memref<3072x64xf32, #tpu.memory_space<vmem_shared>> -> memref<3072x64xf32, #tpu.memory_space<vmem_shared>>
    tpu.enqueue_indirect_dma source(%dma_start3A_1237 : memref<128x64xf32, #tpu.memory_space<vmem>>) target(%dma_start3A_1242 : memref<3072x64xf32, #tpu.memory_space<vmem_shared>>) offsets(%dma_start3A_1239 : memref<128xi32, #tpu.memory_space<vmem>>) semaphore(%arg32 : memref<!tpu.dma_semaphore, #tpu.memory_space<semaphore_mem>>) {add = true}
    %dma_start3A_1243 = arith.constant 1792 : i32
    %dma_start3A_1244 = tpu.memref_slice %arg8[%dma_start3A_1243] : memref<3200xi32, #tpu.memory_space<vmem>> -> memref<128xi32, #tpu.memory_space<vmem>>
    %dma_start3A_1245 = arith.constant 0 : i32
    %dma_start3A_1246 = arith.constant 0 : i32
    %dma_start3A_1247 = tpu.memref_slice %arg35[%dma_start3A_1245, %dma_start3A_1246] : memref<3072x16xf32, #tpu.memory_space<vmem_shared>> -> memref<3072x16xf32, #tpu.memory_space<vmem_shared>>
    tpu.enqueue_indirect_dma source(%arg10 : memref<128x16xf32, #tpu.memory_space<vmem>>) target(%dma_start3A_1247 : memref<3072x16xf32, #tpu.memory_space<vmem_shared>>) offsets(%dma_start3A_1244 : memref<128xi32, #tpu.memory_space<vmem>>) semaphore(%arg16 : memref<!tpu.dma_semaphore, #tpu.memory_space<semaphore_mem>>) {add = true}
    %dma_wait3A_1248 = arith.constant 2 : i32
    %dma_wait3A_1249 = arith.constant 0 : i32
    %dma_wait3A_1250 = arith.constant 0 : i32
    %dma_wait3A_1251 = tpu.memref_slice %arg9[%dma_wait3A_1248, %dma_wait3A_1249, %dma_wait3A_1250] : memref<8x128x64xf32, #tpu.memory_space<vmem>> -> memref<1x128x64xf32, #tpu.memory_space<vmem>>
    %dma_wait3A_1252 = tpu.memref_squeeze %dma_wait3A_1251 : memref<1x128x64xf32, #tpu.memory_space<vmem>> -> memref<128x64xf32, #tpu.memory_space<vmem>>
    %dma_wait3A_1253 = arith.constant 1280 : i32
    %dma_wait3A_1254 = tpu.memref_slice %arg8[%dma_wait3A_1253] : memref<3200xi32, #tpu.memory_space<vmem>> -> memref<128xi32, #tpu.memory_space<vmem>>
    %dma_wait3A_1255 = arith.constant 0 : i32
    %dma_wait3A_1256 = arith.constant 0 : i32
    %dma_wait3A_1257 = tpu.memref_slice %arg34[%dma_wait3A_1255, %dma_wait3A_1256] : memref<3072x64xf32, #tpu.memory_space<vmem_shared>> -> memref<3072x64xf32, #tpu.memory_space<vmem_shared>>
    tpu.wait_indirect_dma semaphore(%arg28 : memref<!tpu.dma_semaphore, #tpu.memory_space<semaphore_mem>>) src(%dma_wait3A_1252 : memref<128x64xf32, #tpu.memory_space<vmem>>) dst(%dma_wait3A_1257 : memref<3072x64xf32, #tpu.memory_space<vmem_shared>>)
    %add3A_1258 = arith.constant 576 : i32
    %add3A_1259 = arith.addi %add3A, %add3A_1258 : i32
    %mul3A_1260 = arith.constant 128 : i32
    %mul3A_1261 = arith.muli %add3A_1259, %mul3A_1260 : i32
    %dma_start3A_1262 = arith.constant 2 : i32
    %dma_start3A_1263 = arith.constant 0 : i32
    %dma_start3A_1264 = arith.constant 0 : i32
    %dma_start3A_1265 = tpu.memref_slice %arg9[%dma_start3A_1262, %dma_start3A_1263, %dma_start3A_1264] : memref<8x128x64xf32, #tpu.memory_space<vmem>> -> memref<1x128x64xf32, #tpu.memory_space<vmem>>
    %dma_start3A_1266 = tpu.memref_squeeze %dma_start3A_1265 : memref<1x128x64xf32, #tpu.memory_space<vmem>> -> memref<128x64xf32, #tpu.memory_space<vmem>>
    %dma_start3A_1267 = arith.constant 0 : i32
    %dma_start3A_1268 = tpu.memref_slice %arg2[%mul3A_1261, %dma_start3A_1267] : memref<102400x128xf32, #tpu.memory_space<hbm>> -> memref<128x64xf32, #tpu.memory_space<hbm>>
    %dma_start3A_1269 = arith.constant 0 : i32
    %dma_start3A_1270 = arith.constant 0 : i32
    %dma_start3A_1271 = tpu.memref_slice %arg9[%dma_start3A_1262, %dma_start3A_1269, %dma_start3A_1270] : memref<8x128x64xf32, #tpu.memory_space<vmem>> -> memref<1x128x64xf32, #tpu.memory_space<vmem>>
    %dma_start3A_1272 = tpu.memref_squeeze %dma_start3A_1271 : memref<1x128x64xf32, #tpu.memory_space<vmem>> -> memref<128x64xf32, #tpu.memory_space<vmem>>
    %dma_start3A_1273 = arith.constant 0 : i32
    %dma_start3A_1274 = tpu.memref_slice %arg2[%mul3A_1261, %dma_start3A_1273] : memref<102400x128xf32, #tpu.memory_space<hbm>> -> memref<128x64xf32, #tpu.memory_space<hbm>>
    tpu.enqueue_dma source(%dma_start3A_1274 : memref<128x64xf32, #tpu.memory_space<hbm>>) target(%dma_start3A_1272 : memref<128x64xf32, #tpu.memory_space<vmem>>) target_semaphore(%arg20 : memref<!tpu.dma_semaphore, #tpu.memory_space<semaphore_mem>>)
    %dma_wait3A_1275 = arith.constant 7 : i32
    %dma_wait3A_1276 = arith.constant 0 : i32
    %dma_wait3A_1277 = arith.constant 0 : i32
    %dma_wait3A_1278 = tpu.memref_slice %arg9[%dma_wait3A_1275, %dma_wait3A_1276, %dma_wait3A_1277] : memref<8x128x64xf32, #tpu.memory_space<vmem>> -> memref<1x128x64xf32, #tpu.memory_space<vmem>>
    %dma_wait3A_1279 = tpu.memref_squeeze %dma_wait3A_1278 : memref<1x128x64xf32, #tpu.memory_space<vmem>> -> memref<128x64xf32, #tpu.memory_space<vmem>>
    %dma_wait3A_1280 = arith.constant 0 : i32
    %dma_wait3A_1281 = tpu.memref_slice %arg2[%mul3A_1096, %dma_wait3A_1280] : memref<102400x128xf32, #tpu.memory_space<hbm>> -> memref<128x64xf32, #tpu.memory_space<hbm>>
    %dma_wait3A_1282 = arith.constant 0 : i32
    %dma_wait3A_1283 = arith.constant 0 : i32
    %dma_wait3A_1284 = tpu.memref_slice %arg9[%dma_wait3A_1275, %dma_wait3A_1282, %dma_wait3A_1283] : memref<8x128x64xf32, #tpu.memory_space<vmem>> -> memref<1x128x64xf32, #tpu.memory_space<vmem>>
    %dma_wait3A_1285 = tpu.memref_squeeze %dma_wait3A_1284 : memref<1x128x64xf32, #tpu.memory_space<vmem>> -> memref<128x64xf32, #tpu.memory_space<vmem>>
    %dma_wait3A_1286 = arith.constant 0 : i32
    %dma_wait3A_1287 = tpu.memref_slice %arg2[%mul3A_1096, %dma_wait3A_1286] : memref<102400x128xf32, #tpu.memory_space<hbm>> -> memref<128x64xf32, #tpu.memory_space<hbm>>
    tpu.wait_dma2 semaphore(%arg25 : memref<!tpu.dma_semaphore, #tpu.memory_space<semaphore_mem>>) src(%dma_wait3A_1287 : memref<128x64xf32, #tpu.memory_space<hbm>>) dst(%dma_wait3A_1285 : memref<128x64xf32, #tpu.memory_space<vmem>>)
    %dma_start3A_1288 = arith.constant 7 : i32
    %dma_start3A_1289 = arith.constant 0 : i32
    %dma_start3A_1290 = arith.constant 0 : i32
    %dma_start3A_1291 = tpu.memref_slice %arg9[%dma_start3A_1288, %dma_start3A_1289, %dma_start3A_1290] : memref<8x128x64xf32, #tpu.memory_space<vmem>> -> memref<1x128x64xf32, #tpu.memory_space<vmem>>
    %dma_start3A_1292 = tpu.memref_squeeze %dma_start3A_1291 : memref<1x128x64xf32, #tpu.memory_space<vmem>> -> memref<128x64xf32, #tpu.memory_space<vmem>>
    %dma_start3A_1293 = arith.constant 1920 : i32
    %dma_start3A_1294 = tpu.memref_slice %arg8[%dma_start3A_1293] : memref<3200xi32, #tpu.memory_space<vmem>> -> memref<128xi32, #tpu.memory_space<vmem>>
    %dma_start3A_1295 = arith.constant 0 : i32
    %dma_start3A_1296 = arith.constant 0 : i32
    %dma_start3A_1297 = tpu.memref_slice %arg34[%dma_start3A_1295, %dma_start3A_1296] : memref<3072x64xf32, #tpu.memory_space<vmem_shared>> -> memref<3072x64xf32, #tpu.memory_space<vmem_shared>>
    tpu.enqueue_indirect_dma source(%dma_start3A_1292 : memref<128x64xf32, #tpu.memory_space<vmem>>) target(%dma_start3A_1297 : memref<3072x64xf32, #tpu.memory_space<vmem_shared>>) offsets(%dma_start3A_1294 : memref<128xi32, #tpu.memory_space<vmem>>) semaphore(%arg33 : memref<!tpu.dma_semaphore, #tpu.memory_space<semaphore_mem>>) {add = true}
    %dma_start3A_1298 = arith.constant 1920 : i32
    %dma_start3A_1299 = tpu.memref_slice %arg8[%dma_start3A_1298] : memref<3200xi32, #tpu.memory_space<vmem>> -> memref<128xi32, #tpu.memory_space<vmem>>
    %dma_start3A_1300 = arith.constant 0 : i32
    %dma_start3A_1301 = arith.constant 0 : i32
    %dma_start3A_1302 = tpu.memref_slice %arg35[%dma_start3A_1300, %dma_start3A_1301] : memref<3072x16xf32, #tpu.memory_space<vmem_shared>> -> memref<3072x16xf32, #tpu.memory_space<vmem_shared>>
    tpu.enqueue_indirect_dma source(%arg10 : memref<128x16xf32, #tpu.memory_space<vmem>>) target(%dma_start3A_1302 : memref<3072x16xf32, #tpu.memory_space<vmem_shared>>) offsets(%dma_start3A_1299 : memref<128xi32, #tpu.memory_space<vmem>>) semaphore(%arg16 : memref<!tpu.dma_semaphore, #tpu.memory_space<semaphore_mem>>) {add = true}
    %dma_wait3A_1303 = arith.constant 3 : i32
    %dma_wait3A_1304 = arith.constant 0 : i32
    %dma_wait3A_1305 = arith.constant 0 : i32
    %dma_wait3A_1306 = tpu.memref_slice %arg9[%dma_wait3A_1303, %dma_wait3A_1304, %dma_wait3A_1305] : memref<8x128x64xf32, #tpu.memory_space<vmem>> -> memref<1x128x64xf32, #tpu.memory_space<vmem>>
    %dma_wait3A_1307 = tpu.memref_squeeze %dma_wait3A_1306 : memref<1x128x64xf32, #tpu.memory_space<vmem>> -> memref<128x64xf32, #tpu.memory_space<vmem>>
    %dma_wait3A_1308 = arith.constant 1408 : i32
    %dma_wait3A_1309 = tpu.memref_slice %arg8[%dma_wait3A_1308] : memref<3200xi32, #tpu.memory_space<vmem>> -> memref<128xi32, #tpu.memory_space<vmem>>
    %dma_wait3A_1310 = arith.constant 0 : i32
    %dma_wait3A_1311 = arith.constant 0 : i32
    %dma_wait3A_1312 = tpu.memref_slice %arg34[%dma_wait3A_1310, %dma_wait3A_1311] : memref<3072x64xf32, #tpu.memory_space<vmem_shared>> -> memref<3072x64xf32, #tpu.memory_space<vmem_shared>>
    tpu.wait_indirect_dma semaphore(%arg29 : memref<!tpu.dma_semaphore, #tpu.memory_space<semaphore_mem>>) src(%dma_wait3A_1307 : memref<128x64xf32, #tpu.memory_space<vmem>>) dst(%dma_wait3A_1312 : memref<3072x64xf32, #tpu.memory_space<vmem_shared>>)
    %add3A_1313 = arith.constant 608 : i32
    %add3A_1314 = arith.addi %add3A, %add3A_1313 : i32
    %mul3A_1315 = arith.constant 128 : i32
    %mul3A_1316 = arith.muli %add3A_1314, %mul3A_1315 : i32
    %dma_start3A_1317 = arith.constant 3 : i32
    %dma_start3A_1318 = arith.constant 0 : i32
    %dma_start3A_1319 = arith.constant 0 : i32
    %dma_start3A_1320 = tpu.memref_slice %arg9[%dma_start3A_1317, %dma_start3A_1318, %dma_start3A_1319] : memref<8x128x64xf32, #tpu.memory_space<vmem>> -> memref<1x128x64xf32, #tpu.memory_space<vmem>>
    %dma_start3A_1321 = tpu.memref_squeeze %dma_start3A_1320 : memref<1x128x64xf32, #tpu.memory_space<vmem>> -> memref<128x64xf32, #tpu.memory_space<vmem>>
    %dma_start3A_1322 = arith.constant 0 : i32
    %dma_start3A_1323 = tpu.memref_slice %arg2[%mul3A_1316, %dma_start3A_1322] : memref<102400x128xf32, #tpu.memory_space<hbm>> -> memref<128x64xf32, #tpu.memory_space<hbm>>
    %dma_start3A_1324 = arith.constant 0 : i32
    %dma_start3A_1325 = arith.constant 0 : i32
    %dma_start3A_1326 = tpu.memref_slice %arg9[%dma_start3A_1317, %dma_start3A_1324, %dma_start3A_1325] : memref<8x128x64xf32, #tpu.memory_space<vmem>> -> memref<1x128x64xf32, #tpu.memory_space<vmem>>
    %dma_start3A_1327 = tpu.memref_squeeze %dma_start3A_1326 : memref<1x128x64xf32, #tpu.memory_space<vmem>> -> memref<128x64xf32, #tpu.memory_space<vmem>>
    %dma_start3A_1328 = arith.constant 0 : i32
    %dma_start3A_1329 = tpu.memref_slice %arg2[%mul3A_1316, %dma_start3A_1328] : memref<102400x128xf32, #tpu.memory_space<hbm>> -> memref<128x64xf32, #tpu.memory_space<hbm>>
    tpu.enqueue_dma source(%dma_start3A_1329 : memref<128x64xf32, #tpu.memory_space<hbm>>) target(%dma_start3A_1327 : memref<128x64xf32, #tpu.memory_space<vmem>>) target_semaphore(%arg21 : memref<!tpu.dma_semaphore, #tpu.memory_space<semaphore_mem>>)
    %dma_wait3A_1330 = arith.constant 0 : i32
    %dma_wait3A_1331 = arith.constant 0 : i32
    %dma_wait3A_1332 = arith.constant 0 : i32
    %dma_wait3A_1333 = tpu.memref_slice %arg9[%dma_wait3A_1330, %dma_wait3A_1331, %dma_wait3A_1332] : memref<8x128x64xf32, #tpu.memory_space<vmem>> -> memref<1x128x64xf32, #tpu.memory_space<vmem>>
    %dma_wait3A_1334 = tpu.memref_squeeze %dma_wait3A_1333 : memref<1x128x64xf32, #tpu.memory_space<vmem>> -> memref<128x64xf32, #tpu.memory_space<vmem>>
    %dma_wait3A_1335 = arith.constant 0 : i32
    %dma_wait3A_1336 = tpu.memref_slice %arg2[%mul3A_1151, %dma_wait3A_1335] : memref<102400x128xf32, #tpu.memory_space<hbm>> -> memref<128x64xf32, #tpu.memory_space<hbm>>
    %dma_wait3A_1337 = arith.constant 0 : i32
    %dma_wait3A_1338 = arith.constant 0 : i32
    %dma_wait3A_1339 = tpu.memref_slice %arg9[%dma_wait3A_1330, %dma_wait3A_1337, %dma_wait3A_1338] : memref<8x128x64xf32, #tpu.memory_space<vmem>> -> memref<1x128x64xf32, #tpu.memory_space<vmem>>
    %dma_wait3A_1340 = tpu.memref_squeeze %dma_wait3A_1339 : memref<1x128x64xf32, #tpu.memory_space<vmem>> -> memref<128x64xf32, #tpu.memory_space<vmem>>
    %dma_wait3A_1341 = arith.constant 0 : i32
    %dma_wait3A_1342 = tpu.memref_slice %arg2[%mul3A_1151, %dma_wait3A_1341] : memref<102400x128xf32, #tpu.memory_space<hbm>> -> memref<128x64xf32, #tpu.memory_space<hbm>>
    tpu.wait_dma2 semaphore(%arg18 : memref<!tpu.dma_semaphore, #tpu.memory_space<semaphore_mem>>) src(%dma_wait3A_1342 : memref<128x64xf32, #tpu.memory_space<hbm>>) dst(%dma_wait3A_1340 : memref<128x64xf32, #tpu.memory_space<vmem>>)
    %dma_start3A_1343 = arith.constant 0 : i32
    %dma_start3A_1344 = arith.constant 0 : i32
    %dma_start3A_1345 = arith.constant 0 : i32
    %dma_start3A_1346 = tpu.memref_slice %arg9[%dma_start3A_1343, %dma_start3A_1344, %dma_start3A_1345] : memref<8x128x64xf32, #tpu.memory_space<vmem>> -> memref<1x128x64xf32, #tpu.memory_space<vmem>>
    %dma_start3A_1347 = tpu.memref_squeeze %dma_start3A_1346 : memref<1x128x64xf32, #tpu.memory_space<vmem>> -> memref<128x64xf32, #tpu.memory_space<vmem>>
    %dma_start3A_1348 = arith.constant 2048 : i32
    %dma_start3A_1349 = tpu.memref_slice %arg8[%dma_start3A_1348] : memref<3200xi32, #tpu.memory_space<vmem>> -> memref<128xi32, #tpu.memory_space<vmem>>
    %dma_start3A_1350 = arith.constant 0 : i32
    %dma_start3A_1351 = arith.constant 0 : i32
    %dma_start3A_1352 = tpu.memref_slice %arg34[%dma_start3A_1350, %dma_start3A_1351] : memref<3072x64xf32, #tpu.memory_space<vmem_shared>> -> memref<3072x64xf32, #tpu.memory_space<vmem_shared>>
    tpu.enqueue_indirect_dma source(%dma_start3A_1347 : memref<128x64xf32, #tpu.memory_space<vmem>>) target(%dma_start3A_1352 : memref<3072x64xf32, #tpu.memory_space<vmem_shared>>) offsets(%dma_start3A_1349 : memref<128xi32, #tpu.memory_space<vmem>>) semaphore(%arg26 : memref<!tpu.dma_semaphore, #tpu.memory_space<semaphore_mem>>) {add = true}
    %dma_start3A_1353 = arith.constant 2048 : i32
    %dma_start3A_1354 = tpu.memref_slice %arg8[%dma_start3A_1353] : memref<3200xi32, #tpu.memory_space<vmem>> -> memref<128xi32, #tpu.memory_space<vmem>>
    %dma_start3A_1355 = arith.constant 0 : i32
    %dma_start3A_1356 = arith.constant 0 : i32
    %dma_start3A_1357 = tpu.memref_slice %arg35[%dma_start3A_1355, %dma_start3A_1356] : memref<3072x16xf32, #tpu.memory_space<vmem_shared>> -> memref<3072x16xf32, #tpu.memory_space<vmem_shared>>
    tpu.enqueue_indirect_dma source(%arg10 : memref<128x16xf32, #tpu.memory_space<vmem>>) target(%dma_start3A_1357 : memref<3072x16xf32, #tpu.memory_space<vmem_shared>>) offsets(%dma_start3A_1354 : memref<128xi32, #tpu.memory_space<vmem>>) semaphore(%arg16 : memref<!tpu.dma_semaphore, #tpu.memory_space<semaphore_mem>>) {add = true}
    %dma_wait3A_1358 = arith.constant 4 : i32
    %dma_wait3A_1359 = arith.constant 0 : i32
    %dma_wait3A_1360 = arith.constant 0 : i32
    %dma_wait3A_1361 = tpu.memref_slice %arg9[%dma_wait3A_1358, %dma_wait3A_1359, %dma_wait3A_1360] : memref<8x128x64xf32, #tpu.memory_space<vmem>> -> memref<1x128x64xf32, #tpu.memory_space<vmem>>
    %dma_wait3A_1362 = tpu.memref_squeeze %dma_wait3A_1361 : memref<1x128x64xf32, #tpu.memory_space<vmem>> -> memref<128x64xf32, #tpu.memory_space<vmem>>
    %dma_wait3A_1363 = arith.constant 1536 : i32
    %dma_wait3A_1364 = tpu.memref_slice %arg8[%dma_wait3A_1363] : memref<3200xi32, #tpu.memory_space<vmem>> -> memref<128xi32, #tpu.memory_space<vmem>>
    %dma_wait3A_1365 = arith.constant 0 : i32
    %dma_wait3A_1366 = arith.constant 0 : i32
    %dma_wait3A_1367 = tpu.memref_slice %arg34[%dma_wait3A_1365, %dma_wait3A_1366] : memref<3072x64xf32, #tpu.memory_space<vmem_shared>> -> memref<3072x64xf32, #tpu.memory_space<vmem_shared>>
    tpu.wait_indirect_dma semaphore(%arg30 : memref<!tpu.dma_semaphore, #tpu.memory_space<semaphore_mem>>) src(%dma_wait3A_1362 : memref<128x64xf32, #tpu.memory_space<vmem>>) dst(%dma_wait3A_1367 : memref<3072x64xf32, #tpu.memory_space<vmem_shared>>)
    %add3A_1368 = arith.constant 640 : i32
    %add3A_1369 = arith.addi %add3A, %add3A_1368 : i32
    %mul3A_1370 = arith.constant 128 : i32
    %mul3A_1371 = arith.muli %add3A_1369, %mul3A_1370 : i32
    %dma_start3A_1372 = arith.constant 4 : i32
    %dma_start3A_1373 = arith.constant 0 : i32
    %dma_start3A_1374 = arith.constant 0 : i32
    %dma_start3A_1375 = tpu.memref_slice %arg9[%dma_start3A_1372, %dma_start3A_1373, %dma_start3A_1374] : memref<8x128x64xf32, #tpu.memory_space<vmem>> -> memref<1x128x64xf32, #tpu.memory_space<vmem>>
    %dma_start3A_1376 = tpu.memref_squeeze %dma_start3A_1375 : memref<1x128x64xf32, #tpu.memory_space<vmem>> -> memref<128x64xf32, #tpu.memory_space<vmem>>
    %dma_start3A_1377 = arith.constant 0 : i32
    %dma_start3A_1378 = tpu.memref_slice %arg2[%mul3A_1371, %dma_start3A_1377] : memref<102400x128xf32, #tpu.memory_space<hbm>> -> memref<128x64xf32, #tpu.memory_space<hbm>>
    %dma_start3A_1379 = arith.constant 0 : i32
    %dma_start3A_1380 = arith.constant 0 : i32
    %dma_start3A_1381 = tpu.memref_slice %arg9[%dma_start3A_1372, %dma_start3A_1379, %dma_start3A_1380] : memref<8x128x64xf32, #tpu.memory_space<vmem>> -> memref<1x128x64xf32, #tpu.memory_space<vmem>>
    %dma_start3A_1382 = tpu.memref_squeeze %dma_start3A_1381 : memref<1x128x64xf32, #tpu.memory_space<vmem>> -> memref<128x64xf32, #tpu.memory_space<vmem>>
    %dma_start3A_1383 = arith.constant 0 : i32
    %dma_start3A_1384 = tpu.memref_slice %arg2[%mul3A_1371, %dma_start3A_1383] : memref<102400x128xf32, #tpu.memory_space<hbm>> -> memref<128x64xf32, #tpu.memory_space<hbm>>
    tpu.enqueue_dma source(%dma_start3A_1384 : memref<128x64xf32, #tpu.memory_space<hbm>>) target(%dma_start3A_1382 : memref<128x64xf32, #tpu.memory_space<vmem>>) target_semaphore(%arg22 : memref<!tpu.dma_semaphore, #tpu.memory_space<semaphore_mem>>)
    %dma_wait3A_1385 = arith.constant 1 : i32
    %dma_wait3A_1386 = arith.constant 0 : i32
    %dma_wait3A_1387 = arith.constant 0 : i32
    %dma_wait3A_1388 = tpu.memref_slice %arg9[%dma_wait3A_1385, %dma_wait3A_1386, %dma_wait3A_1387] : memref<8x128x64xf32, #tpu.memory_space<vmem>> -> memref<1x128x64xf32, #tpu.memory_space<vmem>>
    %dma_wait3A_1389 = tpu.memref_squeeze %dma_wait3A_1388 : memref<1x128x64xf32, #tpu.memory_space<vmem>> -> memref<128x64xf32, #tpu.memory_space<vmem>>
    %dma_wait3A_1390 = arith.constant 0 : i32
    %dma_wait3A_1391 = tpu.memref_slice %arg2[%mul3A_1206, %dma_wait3A_1390] : memref<102400x128xf32, #tpu.memory_space<hbm>> -> memref<128x64xf32, #tpu.memory_space<hbm>>
    %dma_wait3A_1392 = arith.constant 0 : i32
    %dma_wait3A_1393 = arith.constant 0 : i32
    %dma_wait3A_1394 = tpu.memref_slice %arg9[%dma_wait3A_1385, %dma_wait3A_1392, %dma_wait3A_1393] : memref<8x128x64xf32, #tpu.memory_space<vmem>> -> memref<1x128x64xf32, #tpu.memory_space<vmem>>
    %dma_wait3A_1395 = tpu.memref_squeeze %dma_wait3A_1394 : memref<1x128x64xf32, #tpu.memory_space<vmem>> -> memref<128x64xf32, #tpu.memory_space<vmem>>
    %dma_wait3A_1396 = arith.constant 0 : i32
    %dma_wait3A_1397 = tpu.memref_slice %arg2[%mul3A_1206, %dma_wait3A_1396] : memref<102400x128xf32, #tpu.memory_space<hbm>> -> memref<128x64xf32, #tpu.memory_space<hbm>>
    tpu.wait_dma2 semaphore(%arg19 : memref<!tpu.dma_semaphore, #tpu.memory_space<semaphore_mem>>) src(%dma_wait3A_1397 : memref<128x64xf32, #tpu.memory_space<hbm>>) dst(%dma_wait3A_1395 : memref<128x64xf32, #tpu.memory_space<vmem>>)
    %dma_start3A_1398 = arith.constant 1 : i32
    %dma_start3A_1399 = arith.constant 0 : i32
    %dma_start3A_1400 = arith.constant 0 : i32
    %dma_start3A_1401 = tpu.memref_slice %arg9[%dma_start3A_1398, %dma_start3A_1399, %dma_start3A_1400] : memref<8x128x64xf32, #tpu.memory_space<vmem>> -> memref<1x128x64xf32, #tpu.memory_space<vmem>>
    %dma_start3A_1402 = tpu.memref_squeeze %dma_start3A_1401 : memref<1x128x64xf32, #tpu.memory_space<vmem>> -> memref<128x64xf32, #tpu.memory_space<vmem>>
    %dma_start3A_1403 = arith.constant 2176 : i32
    %dma_start3A_1404 = tpu.memref_slice %arg8[%dma_start3A_1403] : memref<3200xi32, #tpu.memory_space<vmem>> -> memref<128xi32, #tpu.memory_space<vmem>>
    %dma_start3A_1405 = arith.constant 0 : i32
    %dma_start3A_1406 = arith.constant 0 : i32
    %dma_start3A_1407 = tpu.memref_slice %arg34[%dma_start3A_1405, %dma_start3A_1406] : memref<3072x64xf32, #tpu.memory_space<vmem_shared>> -> memref<3072x64xf32, #tpu.memory_space<vmem_shared>>
    tpu.enqueue_indirect_dma source(%dma_start3A_1402 : memref<128x64xf32, #tpu.memory_space<vmem>>) target(%dma_start3A_1407 : memref<3072x64xf32, #tpu.memory_space<vmem_shared>>) offsets(%dma_start3A_1404 : memref<128xi32, #tpu.memory_space<vmem>>) semaphore(%arg27 : memref<!tpu.dma_semaphore, #tpu.memory_space<semaphore_mem>>) {add = true}
    %dma_start3A_1408 = arith.constant 2176 : i32
    %dma_start3A_1409 = tpu.memref_slice %arg8[%dma_start3A_1408] : memref<3200xi32, #tpu.memory_space<vmem>> -> memref<128xi32, #tpu.memory_space<vmem>>
    %dma_start3A_1410 = arith.constant 0 : i32
    %dma_start3A_1411 = arith.constant 0 : i32
    %dma_start3A_1412 = tpu.memref_slice %arg35[%dma_start3A_1410, %dma_start3A_1411] : memref<3072x16xf32, #tpu.memory_space<vmem_shared>> -> memref<3072x16xf32, #tpu.memory_space<vmem_shared>>
    tpu.enqueue_indirect_dma source(%arg10 : memref<128x16xf32, #tpu.memory_space<vmem>>) target(%dma_start3A_1412 : memref<3072x16xf32, #tpu.memory_space<vmem_shared>>) offsets(%dma_start3A_1409 : memref<128xi32, #tpu.memory_space<vmem>>) semaphore(%arg16 : memref<!tpu.dma_semaphore, #tpu.memory_space<semaphore_mem>>) {add = true}
    %dma_wait3A_1413 = arith.constant 5 : i32
    %dma_wait3A_1414 = arith.constant 0 : i32
    %dma_wait3A_1415 = arith.constant 0 : i32
    %dma_wait3A_1416 = tpu.memref_slice %arg9[%dma_wait3A_1413, %dma_wait3A_1414, %dma_wait3A_1415] : memref<8x128x64xf32, #tpu.memory_space<vmem>> -> memref<1x128x64xf32, #tpu.memory_space<vmem>>
    %dma_wait3A_1417 = tpu.memref_squeeze %dma_wait3A_1416 : memref<1x128x64xf32, #tpu.memory_space<vmem>> -> memref<128x64xf32, #tpu.memory_space<vmem>>
    %dma_wait3A_1418 = arith.constant 1664 : i32
    %dma_wait3A_1419 = tpu.memref_slice %arg8[%dma_wait3A_1418] : memref<3200xi32, #tpu.memory_space<vmem>> -> memref<128xi32, #tpu.memory_space<vmem>>
    %dma_wait3A_1420 = arith.constant 0 : i32
    %dma_wait3A_1421 = arith.constant 0 : i32
    %dma_wait3A_1422 = tpu.memref_slice %arg34[%dma_wait3A_1420, %dma_wait3A_1421] : memref<3072x64xf32, #tpu.memory_space<vmem_shared>> -> memref<3072x64xf32, #tpu.memory_space<vmem_shared>>
    tpu.wait_indirect_dma semaphore(%arg31 : memref<!tpu.dma_semaphore, #tpu.memory_space<semaphore_mem>>) src(%dma_wait3A_1417 : memref<128x64xf32, #tpu.memory_space<vmem>>) dst(%dma_wait3A_1422 : memref<3072x64xf32, #tpu.memory_space<vmem_shared>>)
    %add3A_1423 = arith.constant 672 : i32
    %add3A_1424 = arith.addi %add3A, %add3A_1423 : i32
    %mul3A_1425 = arith.constant 128 : i32
    %mul3A_1426 = arith.muli %add3A_1424, %mul3A_1425 : i32
    %dma_start3A_1427 = arith.constant 5 : i32
    %dma_start3A_1428 = arith.constant 0 : i32
    %dma_start3A_1429 = arith.constant 0 : i32
    %dma_start3A_1430 = tpu.memref_slice %arg9[%dma_start3A_1427, %dma_start3A_1428, %dma_start3A_1429] : memref<8x128x64xf32, #tpu.memory_space<vmem>> -> memref<1x128x64xf32, #tpu.memory_space<vmem>>
    %dma_start3A_1431 = tpu.memref_squeeze %dma_start3A_1430 : memref<1x128x64xf32, #tpu.memory_space<vmem>> -> memref<128x64xf32, #tpu.memory_space<vmem>>
    %dma_start3A_1432 = arith.constant 0 : i32
    %dma_start3A_1433 = tpu.memref_slice %arg2[%mul3A_1426, %dma_start3A_1432] : memref<102400x128xf32, #tpu.memory_space<hbm>> -> memref<128x64xf32, #tpu.memory_space<hbm>>
    %dma_start3A_1434 = arith.constant 0 : i32
    %dma_start3A_1435 = arith.constant 0 : i32
    %dma_start3A_1436 = tpu.memref_slice %arg9[%dma_start3A_1427, %dma_start3A_1434, %dma_start3A_1435] : memref<8x128x64xf32, #tpu.memory_space<vmem>> -> memref<1x128x64xf32, #tpu.memory_space<vmem>>
    %dma_start3A_1437 = tpu.memref_squeeze %dma_start3A_1436 : memref<1x128x64xf32, #tpu.memory_space<vmem>> -> memref<128x64xf32, #tpu.memory_space<vmem>>
    %dma_start3A_1438 = arith.constant 0 : i32
    %dma_start3A_1439 = tpu.memref_slice %arg2[%mul3A_1426, %dma_start3A_1438] : memref<102400x128xf32, #tpu.memory_space<hbm>> -> memref<128x64xf32, #tpu.memory_space<hbm>>
    tpu.enqueue_dma source(%dma_start3A_1439 : memref<128x64xf32, #tpu.memory_space<hbm>>) target(%dma_start3A_1437 : memref<128x64xf32, #tpu.memory_space<vmem>>) target_semaphore(%arg23 : memref<!tpu.dma_semaphore, #tpu.memory_space<semaphore_mem>>)
    %dma_wait3A_1440 = arith.constant 2 : i32
    %dma_wait3A_1441 = arith.constant 0 : i32
    %dma_wait3A_1442 = arith.constant 0 : i32
    %dma_wait3A_1443 = tpu.memref_slice %arg9[%dma_wait3A_1440, %dma_wait3A_1441, %dma_wait3A_1442] : memref<8x128x64xf32, #tpu.memory_space<vmem>> -> memref<1x128x64xf32, #tpu.memory_space<vmem>>
    %dma_wait3A_1444 = tpu.memref_squeeze %dma_wait3A_1443 : memref<1x128x64xf32, #tpu.memory_space<vmem>> -> memref<128x64xf32, #tpu.memory_space<vmem>>
    %dma_wait3A_1445 = arith.constant 0 : i32
    %dma_wait3A_1446 = tpu.memref_slice %arg2[%mul3A_1261, %dma_wait3A_1445] : memref<102400x128xf32, #tpu.memory_space<hbm>> -> memref<128x64xf32, #tpu.memory_space<hbm>>
    %dma_wait3A_1447 = arith.constant 0 : i32
    %dma_wait3A_1448 = arith.constant 0 : i32
    %dma_wait3A_1449 = tpu.memref_slice %arg9[%dma_wait3A_1440, %dma_wait3A_1447, %dma_wait3A_1448] : memref<8x128x64xf32, #tpu.memory_space<vmem>> -> memref<1x128x64xf32, #tpu.memory_space<vmem>>
    %dma_wait3A_1450 = tpu.memref_squeeze %dma_wait3A_1449 : memref<1x128x64xf32, #tpu.memory_space<vmem>> -> memref<128x64xf32, #tpu.memory_space<vmem>>
    %dma_wait3A_1451 = arith.constant 0 : i32
    %dma_wait3A_1452 = tpu.memref_slice %arg2[%mul3A_1261, %dma_wait3A_1451] : memref<102400x128xf32, #tpu.memory_space<hbm>> -> memref<128x64xf32, #tpu.memory_space<hbm>>
    tpu.wait_dma2 semaphore(%arg20 : memref<!tpu.dma_semaphore, #tpu.memory_space<semaphore_mem>>) src(%dma_wait3A_1452 : memref<128x64xf32, #tpu.memory_space<hbm>>) dst(%dma_wait3A_1450 : memref<128x64xf32, #tpu.memory_space<vmem>>)
    %dma_start3A_1453 = arith.constant 2 : i32
    %dma_start3A_1454 = arith.constant 0 : i32
    %dma_start3A_1455 = arith.constant 0 : i32
    %dma_start3A_1456 = tpu.memref_slice %arg9[%dma_start3A_1453, %dma_start3A_1454, %dma_start3A_1455] : memref<8x128x64xf32, #tpu.memory_space<vmem>> -> memref<1x128x64xf32, #tpu.memory_space<vmem>>
    %dma_start3A_1457 = tpu.memref_squeeze %dma_start3A_1456 : memref<1x128x64xf32, #tpu.memory_space<vmem>> -> memref<128x64xf32, #tpu.memory_space<vmem>>
    %dma_start3A_1458 = arith.constant 2304 : i32
    %dma_start3A_1459 = tpu.memref_slice %arg8[%dma_start3A_1458] : memref<3200xi32, #tpu.memory_space<vmem>> -> memref<128xi32, #tpu.memory_space<vmem>>
    %dma_start3A_1460 = arith.constant 0 : i32
    %dma_start3A_1461 = arith.constant 0 : i32
    %dma_start3A_1462 = tpu.memref_slice %arg34[%dma_start3A_1460, %dma_start3A_1461] : memref<3072x64xf32, #tpu.memory_space<vmem_shared>> -> memref<3072x64xf32, #tpu.memory_space<vmem_shared>>
    tpu.enqueue_indirect_dma source(%dma_start3A_1457 : memref<128x64xf32, #tpu.memory_space<vmem>>) target(%dma_start3A_1462 : memref<3072x64xf32, #tpu.memory_space<vmem_shared>>) offsets(%dma_start3A_1459 : memref<128xi32, #tpu.memory_space<vmem>>) semaphore(%arg28 : memref<!tpu.dma_semaphore, #tpu.memory_space<semaphore_mem>>) {add = true}
    %dma_start3A_1463 = arith.constant 2304 : i32
    %dma_start3A_1464 = tpu.memref_slice %arg8[%dma_start3A_1463] : memref<3200xi32, #tpu.memory_space<vmem>> -> memref<128xi32, #tpu.memory_space<vmem>>
    %dma_start3A_1465 = arith.constant 0 : i32
    %dma_start3A_1466 = arith.constant 0 : i32
    %dma_start3A_1467 = tpu.memref_slice %arg35[%dma_start3A_1465, %dma_start3A_1466] : memref<3072x16xf32, #tpu.memory_space<vmem_shared>> -> memref<3072x16xf32, #tpu.memory_space<vmem_shared>>
    tpu.enqueue_indirect_dma source(%arg10 : memref<128x16xf32, #tpu.memory_space<vmem>>) target(%dma_start3A_1467 : memref<3072x16xf32, #tpu.memory_space<vmem_shared>>) offsets(%dma_start3A_1464 : memref<128xi32, #tpu.memory_space<vmem>>) semaphore(%arg16 : memref<!tpu.dma_semaphore, #tpu.memory_space<semaphore_mem>>) {add = true}
    %dma_wait3A_1468 = arith.constant 6 : i32
    %dma_wait3A_1469 = arith.constant 0 : i32
    %dma_wait3A_1470 = arith.constant 0 : i32
    %dma_wait3A_1471 = tpu.memref_slice %arg9[%dma_wait3A_1468, %dma_wait3A_1469, %dma_wait3A_1470] : memref<8x128x64xf32, #tpu.memory_space<vmem>> -> memref<1x128x64xf32, #tpu.memory_space<vmem>>
    %dma_wait3A_1472 = tpu.memref_squeeze %dma_wait3A_1471 : memref<1x128x64xf32, #tpu.memory_space<vmem>> -> memref<128x64xf32, #tpu.memory_space<vmem>>
    %dma_wait3A_1473 = arith.constant 1792 : i32
    %dma_wait3A_1474 = tpu.memref_slice %arg8[%dma_wait3A_1473] : memref<3200xi32, #tpu.memory_space<vmem>> -> memref<128xi32, #tpu.memory_space<vmem>>
    %dma_wait3A_1475 = arith.constant 0 : i32
    %dma_wait3A_1476 = arith.constant 0 : i32
    %dma_wait3A_1477 = tpu.memref_slice %arg34[%dma_wait3A_1475, %dma_wait3A_1476] : memref<3072x64xf32, #tpu.memory_space<vmem_shared>> -> memref<3072x64xf32, #tpu.memory_space<vmem_shared>>
    tpu.wait_indirect_dma semaphore(%arg32 : memref<!tpu.dma_semaphore, #tpu.memory_space<semaphore_mem>>) src(%dma_wait3A_1472 : memref<128x64xf32, #tpu.memory_space<vmem>>) dst(%dma_wait3A_1477 : memref<3072x64xf32, #tpu.memory_space<vmem_shared>>)
    %add3A_1478 = arith.constant 704 : i32
    %add3A_1479 = arith.addi %add3A, %add3A_1478 : i32
    %mul3A_1480 = arith.constant 128 : i32
    %mul3A_1481 = arith.muli %add3A_1479, %mul3A_1480 : i32
    %dma_start3A_1482 = arith.constant 6 : i32
    %dma_start3A_1483 = arith.constant 0 : i32
    %dma_start3A_1484 = arith.constant 0 : i32
    %dma_start3A_1485 = tpu.memref_slice %arg9[%dma_start3A_1482, %dma_start3A_1483, %dma_start3A_1484] : memref<8x128x64xf32, #tpu.memory_space<vmem>> -> memref<1x128x64xf32, #tpu.memory_space<vmem>>
    %dma_start3A_1486 = tpu.memref_squeeze %dma_start3A_1485 : memref<1x128x64xf32, #tpu.memory_space<vmem>> -> memref<128x64xf32, #tpu.memory_space<vmem>>
    %dma_start3A_1487 = arith.constant 0 : i32
    %dma_start3A_1488 = tpu.memref_slice %arg2[%mul3A_1481, %dma_start3A_1487] : memref<102400x128xf32, #tpu.memory_space<hbm>> -> memref<128x64xf32, #tpu.memory_space<hbm>>
    %dma_start3A_1489 = arith.constant 0 : i32
    %dma_start3A_1490 = arith.constant 0 : i32
    %dma_start3A_1491 = tpu.memref_slice %arg9[%dma_start3A_1482, %dma_start3A_1489, %dma_start3A_1490] : memref<8x128x64xf32, #tpu.memory_space<vmem>> -> memref<1x128x64xf32, #tpu.memory_space<vmem>>
    %dma_start3A_1492 = tpu.memref_squeeze %dma_start3A_1491 : memref<1x128x64xf32, #tpu.memory_space<vmem>> -> memref<128x64xf32, #tpu.memory_space<vmem>>
    %dma_start3A_1493 = arith.constant 0 : i32
    %dma_start3A_1494 = tpu.memref_slice %arg2[%mul3A_1481, %dma_start3A_1493] : memref<102400x128xf32, #tpu.memory_space<hbm>> -> memref<128x64xf32, #tpu.memory_space<hbm>>
    tpu.enqueue_dma source(%dma_start3A_1494 : memref<128x64xf32, #tpu.memory_space<hbm>>) target(%dma_start3A_1492 : memref<128x64xf32, #tpu.memory_space<vmem>>) target_semaphore(%arg24 : memref<!tpu.dma_semaphore, #tpu.memory_space<semaphore_mem>>)
    %dma_wait3A_1495 = arith.constant 3 : i32
    %dma_wait3A_1496 = arith.constant 0 : i32
    %dma_wait3A_1497 = arith.constant 0 : i32
    %dma_wait3A_1498 = tpu.memref_slice %arg9[%dma_wait3A_1495, %dma_wait3A_1496, %dma_wait3A_1497] : memref<8x128x64xf32, #tpu.memory_space<vmem>> -> memref<1x128x64xf32, #tpu.memory_space<vmem>>
    %dma_wait3A_1499 = tpu.memref_squeeze %dma_wait3A_1498 : memref<1x128x64xf32, #tpu.memory_space<vmem>> -> memref<128x64xf32, #tpu.memory_space<vmem>>
    %dma_wait3A_1500 = arith.constant 0 : i32
    %dma_wait3A_1501 = tpu.memref_slice %arg2[%mul3A_1316, %dma_wait3A_1500] : memref<102400x128xf32, #tpu.memory_space<hbm>> -> memref<128x64xf32, #tpu.memory_space<hbm>>
    %dma_wait3A_1502 = arith.constant 0 : i32
    %dma_wait3A_1503 = arith.constant 0 : i32
    %dma_wait3A_1504 = tpu.memref_slice %arg9[%dma_wait3A_1495, %dma_wait3A_1502, %dma_wait3A_1503] : memref<8x128x64xf32, #tpu.memory_space<vmem>> -> memref<1x128x64xf32, #tpu.memory_space<vmem>>
    %dma_wait3A_1505 = tpu.memref_squeeze %dma_wait3A_1504 : memref<1x128x64xf32, #tpu.memory_space<vmem>> -> memref<128x64xf32, #tpu.memory_space<vmem>>
    %dma_wait3A_1506 = arith.constant 0 : i32
    %dma_wait3A_1507 = tpu.memref_slice %arg2[%mul3A_1316, %dma_wait3A_1506] : memref<102400x128xf32, #tpu.memory_space<hbm>> -> memref<128x64xf32, #tpu.memory_space<hbm>>
    tpu.wait_dma2 semaphore(%arg21 : memref<!tpu.dma_semaphore, #tpu.memory_space<semaphore_mem>>) src(%dma_wait3A_1507 : memref<128x64xf32, #tpu.memory_space<hbm>>) dst(%dma_wait3A_1505 : memref<128x64xf32, #tpu.memory_space<vmem>>)
    %dma_start3A_1508 = arith.constant 3 : i32
    %dma_start3A_1509 = arith.constant 0 : i32
    %dma_start3A_1510 = arith.constant 0 : i32
    %dma_start3A_1511 = tpu.memref_slice %arg9[%dma_start3A_1508, %dma_start3A_1509, %dma_start3A_1510] : memref<8x128x64xf32, #tpu.memory_space<vmem>> -> memref<1x128x64xf32, #tpu.memory_space<vmem>>
    %dma_start3A_1512 = tpu.memref_squeeze %dma_start3A_1511 : memref<1x128x64xf32, #tpu.memory_space<vmem>> -> memref<128x64xf32, #tpu.memory_space<vmem>>
    %dma_start3A_1513 = arith.constant 2432 : i32
    %dma_start3A_1514 = tpu.memref_slice %arg8[%dma_start3A_1513] : memref<3200xi32, #tpu.memory_space<vmem>> -> memref<128xi32, #tpu.memory_space<vmem>>
    %dma_start3A_1515 = arith.constant 0 : i32
    %dma_start3A_1516 = arith.constant 0 : i32
    %dma_start3A_1517 = tpu.memref_slice %arg34[%dma_start3A_1515, %dma_start3A_1516] : memref<3072x64xf32, #tpu.memory_space<vmem_shared>> -> memref<3072x64xf32, #tpu.memory_space<vmem_shared>>
    tpu.enqueue_indirect_dma source(%dma_start3A_1512 : memref<128x64xf32, #tpu.memory_space<vmem>>) target(%dma_start3A_1517 : memref<3072x64xf32, #tpu.memory_space<vmem_shared>>) offsets(%dma_start3A_1514 : memref<128xi32, #tpu.memory_space<vmem>>) semaphore(%arg29 : memref<!tpu.dma_semaphore, #tpu.memory_space<semaphore_mem>>) {add = true}
    %dma_start3A_1518 = arith.constant 2432 : i32
    %dma_start3A_1519 = tpu.memref_slice %arg8[%dma_start3A_1518] : memref<3200xi32, #tpu.memory_space<vmem>> -> memref<128xi32, #tpu.memory_space<vmem>>
    %dma_start3A_1520 = arith.constant 0 : i32
    %dma_start3A_1521 = arith.constant 0 : i32
    %dma_start3A_1522 = tpu.memref_slice %arg35[%dma_start3A_1520, %dma_start3A_1521] : memref<3072x16xf32, #tpu.memory_space<vmem_shared>> -> memref<3072x16xf32, #tpu.memory_space<vmem_shared>>
    tpu.enqueue_indirect_dma source(%arg10 : memref<128x16xf32, #tpu.memory_space<vmem>>) target(%dma_start3A_1522 : memref<3072x16xf32, #tpu.memory_space<vmem_shared>>) offsets(%dma_start3A_1519 : memref<128xi32, #tpu.memory_space<vmem>>) semaphore(%arg16 : memref<!tpu.dma_semaphore, #tpu.memory_space<semaphore_mem>>) {add = true}
    %dma_wait3A_1523 = arith.constant 7 : i32
    %dma_wait3A_1524 = arith.constant 0 : i32
    %dma_wait3A_1525 = arith.constant 0 : i32
    %dma_wait3A_1526 = tpu.memref_slice %arg9[%dma_wait3A_1523, %dma_wait3A_1524, %dma_wait3A_1525] : memref<8x128x64xf32, #tpu.memory_space<vmem>> -> memref<1x128x64xf32, #tpu.memory_space<vmem>>
    %dma_wait3A_1527 = tpu.memref_squeeze %dma_wait3A_1526 : memref<1x128x64xf32, #tpu.memory_space<vmem>> -> memref<128x64xf32, #tpu.memory_space<vmem>>
    %dma_wait3A_1528 = arith.constant 1920 : i32
    %dma_wait3A_1529 = tpu.memref_slice %arg8[%dma_wait3A_1528] : memref<3200xi32, #tpu.memory_space<vmem>> -> memref<128xi32, #tpu.memory_space<vmem>>
    %dma_wait3A_1530 = arith.constant 0 : i32
    %dma_wait3A_1531 = arith.constant 0 : i32
    %dma_wait3A_1532 = tpu.memref_slice %arg34[%dma_wait3A_1530, %dma_wait3A_1531] : memref<3072x64xf32, #tpu.memory_space<vmem_shared>> -> memref<3072x64xf32, #tpu.memory_space<vmem_shared>>
    tpu.wait_indirect_dma semaphore(%arg33 : memref<!tpu.dma_semaphore, #tpu.memory_space<semaphore_mem>>) src(%dma_wait3A_1527 : memref<128x64xf32, #tpu.memory_space<vmem>>) dst(%dma_wait3A_1532 : memref<3072x64xf32, #tpu.memory_space<vmem_shared>>)
    %add3A_1533 = arith.constant 736 : i32
    %add3A_1534 = arith.addi %add3A, %add3A_1533 : i32
    %mul3A_1535 = arith.constant 128 : i32
    %mul3A_1536 = arith.muli %add3A_1534, %mul3A_1535 : i32
    %dma_start3A_1537 = arith.constant 7 : i32
    %dma_start3A_1538 = arith.constant 0 : i32
    %dma_start3A_1539 = arith.constant 0 : i32
    %dma_start3A_1540 = tpu.memref_slice %arg9[%dma_start3A_1537, %dma_start3A_1538, %dma_start3A_1539] : memref<8x128x64xf32, #tpu.memory_space<vmem>> -> memref<1x128x64xf32, #tpu.memory_space<vmem>>
    %dma_start3A_1541 = tpu.memref_squeeze %dma_start3A_1540 : memref<1x128x64xf32, #tpu.memory_space<vmem>> -> memref<128x64xf32, #tpu.memory_space<vmem>>
    %dma_start3A_1542 = arith.constant 0 : i32
    %dma_start3A_1543 = tpu.memref_slice %arg2[%mul3A_1536, %dma_start3A_1542] : memref<102400x128xf32, #tpu.memory_space<hbm>> -> memref<128x64xf32, #tpu.memory_space<hbm>>
    %dma_start3A_1544 = arith.constant 0 : i32
    %dma_start3A_1545 = arith.constant 0 : i32
    %dma_start3A_1546 = tpu.memref_slice %arg9[%dma_start3A_1537, %dma_start3A_1544, %dma_start3A_1545] : memref<8x128x64xf32, #tpu.memory_space<vmem>> -> memref<1x128x64xf32, #tpu.memory_space<vmem>>
    %dma_start3A_1547 = tpu.memref_squeeze %dma_start3A_1546 : memref<1x128x64xf32, #tpu.memory_space<vmem>> -> memref<128x64xf32, #tpu.memory_space<vmem>>
    %dma_start3A_1548 = arith.constant 0 : i32
    %dma_start3A_1549 = tpu.memref_slice %arg2[%mul3A_1536, %dma_start3A_1548] : memref<102400x128xf32, #tpu.memory_space<hbm>> -> memref<128x64xf32, #tpu.memory_space<hbm>>
    tpu.enqueue_dma source(%dma_start3A_1549 : memref<128x64xf32, #tpu.memory_space<hbm>>) target(%dma_start3A_1547 : memref<128x64xf32, #tpu.memory_space<vmem>>) target_semaphore(%arg25 : memref<!tpu.dma_semaphore, #tpu.memory_space<semaphore_mem>>)
    %dma_wait3A_1550 = arith.constant 4 : i32
    %dma_wait3A_1551 = arith.constant 0 : i32
    %dma_wait3A_1552 = arith.constant 0 : i32
    %dma_wait3A_1553 = tpu.memref_slice %arg9[%dma_wait3A_1550, %dma_wait3A_1551, %dma_wait3A_1552] : memref<8x128x64xf32, #tpu.memory_space<vmem>> -> memref<1x128x64xf32, #tpu.memory_space<vmem>>
    %dma_wait3A_1554 = tpu.memref_squeeze %dma_wait3A_1553 : memref<1x128x64xf32, #tpu.memory_space<vmem>> -> memref<128x64xf32, #tpu.memory_space<vmem>>
    %dma_wait3A_1555 = arith.constant 0 : i32
    %dma_wait3A_1556 = tpu.memref_slice %arg2[%mul3A_1371, %dma_wait3A_1555] : memref<102400x128xf32, #tpu.memory_space<hbm>> -> memref<128x64xf32, #tpu.memory_space<hbm>>
    %dma_wait3A_1557 = arith.constant 0 : i32
    %dma_wait3A_1558 = arith.constant 0 : i32
    %dma_wait3A_1559 = tpu.memref_slice %arg9[%dma_wait3A_1550, %dma_wait3A_1557, %dma_wait3A_1558] : memref<8x128x64xf32, #tpu.memory_space<vmem>> -> memref<1x128x64xf32, #tpu.memory_space<vmem>>
    %dma_wait3A_1560 = tpu.memref_squeeze %dma_wait3A_1559 : memref<1x128x64xf32, #tpu.memory_space<vmem>> -> memref<128x64xf32, #tpu.memory_space<vmem>>
    %dma_wait3A_1561 = arith.constant 0 : i32
    %dma_wait3A_1562 = tpu.memref_slice %arg2[%mul3A_1371, %dma_wait3A_1561] : memref<102400x128xf32, #tpu.memory_space<hbm>> -> memref<128x64xf32, #tpu.memory_space<hbm>>
    tpu.wait_dma2 semaphore(%arg22 : memref<!tpu.dma_semaphore, #tpu.memory_space<semaphore_mem>>) src(%dma_wait3A_1562 : memref<128x64xf32, #tpu.memory_space<hbm>>) dst(%dma_wait3A_1560 : memref<128x64xf32, #tpu.memory_space<vmem>>)
    %dma_start3A_1563 = arith.constant 4 : i32
    %dma_start3A_1564 = arith.constant 0 : i32
    %dma_start3A_1565 = arith.constant 0 : i32
    %dma_start3A_1566 = tpu.memref_slice %arg9[%dma_start3A_1563, %dma_start3A_1564, %dma_start3A_1565] : memref<8x128x64xf32, #tpu.memory_space<vmem>> -> memref<1x128x64xf32, #tpu.memory_space<vmem>>
    %dma_start3A_1567 = tpu.memref_squeeze %dma_start3A_1566 : memref<1x128x64xf32, #tpu.memory_space<vmem>> -> memref<128x64xf32, #tpu.memory_space<vmem>>
    %dma_start3A_1568 = arith.constant 2560 : i32
    %dma_start3A_1569 = tpu.memref_slice %arg8[%dma_start3A_1568] : memref<3200xi32, #tpu.memory_space<vmem>> -> memref<128xi32, #tpu.memory_space<vmem>>
    %dma_start3A_1570 = arith.constant 0 : i32
    %dma_start3A_1571 = arith.constant 0 : i32
    %dma_start3A_1572 = tpu.memref_slice %arg34[%dma_start3A_1570, %dma_start3A_1571] : memref<3072x64xf32, #tpu.memory_space<vmem_shared>> -> memref<3072x64xf32, #tpu.memory_space<vmem_shared>>
    tpu.enqueue_indirect_dma source(%dma_start3A_1567 : memref<128x64xf32, #tpu.memory_space<vmem>>) target(%dma_start3A_1572 : memref<3072x64xf32, #tpu.memory_space<vmem_shared>>) offsets(%dma_start3A_1569 : memref<128xi32, #tpu.memory_space<vmem>>) semaphore(%arg30 : memref<!tpu.dma_semaphore, #tpu.memory_space<semaphore_mem>>) {add = true}
    %dma_start3A_1573 = arith.constant 2560 : i32
    %dma_start3A_1574 = tpu.memref_slice %arg8[%dma_start3A_1573] : memref<3200xi32, #tpu.memory_space<vmem>> -> memref<128xi32, #tpu.memory_space<vmem>>
    %dma_start3A_1575 = arith.constant 0 : i32
    %dma_start3A_1576 = arith.constant 0 : i32
    %dma_start3A_1577 = tpu.memref_slice %arg35[%dma_start3A_1575, %dma_start3A_1576] : memref<3072x16xf32, #tpu.memory_space<vmem_shared>> -> memref<3072x16xf32, #tpu.memory_space<vmem_shared>>
    tpu.enqueue_indirect_dma source(%arg10 : memref<128x16xf32, #tpu.memory_space<vmem>>) target(%dma_start3A_1577 : memref<3072x16xf32, #tpu.memory_space<vmem_shared>>) offsets(%dma_start3A_1574 : memref<128xi32, #tpu.memory_space<vmem>>) semaphore(%arg16 : memref<!tpu.dma_semaphore, #tpu.memory_space<semaphore_mem>>) {add = true}
    %dma_wait3A_1578 = arith.constant 0 : i32
    %dma_wait3A_1579 = arith.constant 0 : i32
    %dma_wait3A_1580 = arith.constant 0 : i32
    %dma_wait3A_1581 = tpu.memref_slice %arg9[%dma_wait3A_1578, %dma_wait3A_1579, %dma_wait3A_1580] : memref<8x128x64xf32, #tpu.memory_space<vmem>> -> memref<1x128x64xf32, #tpu.memory_space<vmem>>
    %dma_wait3A_1582 = tpu.memref_squeeze %dma_wait3A_1581 : memref<1x128x64xf32, #tpu.memory_space<vmem>> -> memref<128x64xf32, #tpu.memory_space<vmem>>
    %dma_wait3A_1583 = arith.constant 2048 : i32
    %dma_wait3A_1584 = tpu.memref_slice %arg8[%dma_wait3A_1583] : memref<3200xi32, #tpu.memory_space<vmem>> -> memref<128xi32, #tpu.memory_space<vmem>>
    %dma_wait3A_1585 = arith.constant 0 : i32
    %dma_wait3A_1586 = arith.constant 0 : i32
    %dma_wait3A_1587 = tpu.memref_slice %arg34[%dma_wait3A_1585, %dma_wait3A_1586] : memref<3072x64xf32, #tpu.memory_space<vmem_shared>> -> memref<3072x64xf32, #tpu.memory_space<vmem_shared>>
    tpu.wait_indirect_dma semaphore(%arg26 : memref<!tpu.dma_semaphore, #tpu.memory_space<semaphore_mem>>) src(%dma_wait3A_1582 : memref<128x64xf32, #tpu.memory_space<vmem>>) dst(%dma_wait3A_1587 : memref<3072x64xf32, #tpu.memory_space<vmem_shared>>)
    %add3A_1588 = arith.constant 768 : i32
    %add3A_1589 = arith.addi %add3A, %add3A_1588 : i32
    %mul3A_1590 = arith.constant 128 : i32
    %mul3A_1591 = arith.muli %add3A_1589, %mul3A_1590 : i32
    %dma_start3A_1592 = arith.constant 0 : i32
    %dma_start3A_1593 = arith.constant 0 : i32
    %dma_start3A_1594 = arith.constant 0 : i32
    %dma_start3A_1595 = tpu.memref_slice %arg9[%dma_start3A_1592, %dma_start3A_1593, %dma_start3A_1594] : memref<8x128x64xf32, #tpu.memory_space<vmem>> -> memref<1x128x64xf32, #tpu.memory_space<vmem>>
    %dma_start3A_1596 = tpu.memref_squeeze %dma_start3A_1595 : memref<1x128x64xf32, #tpu.memory_space<vmem>> -> memref<128x64xf32, #tpu.memory_space<vmem>>
    %dma_start3A_1597 = arith.constant 0 : i32
    %dma_start3A_1598 = tpu.memref_slice %arg2[%mul3A_1591, %dma_start3A_1597] : memref<102400x128xf32, #tpu.memory_space<hbm>> -> memref<128x64xf32, #tpu.memory_space<hbm>>
    %dma_start3A_1599 = arith.constant 0 : i32
    %dma_start3A_1600 = arith.constant 0 : i32
    %dma_start3A_1601 = tpu.memref_slice %arg9[%dma_start3A_1592, %dma_start3A_1599, %dma_start3A_1600] : memref<8x128x64xf32, #tpu.memory_space<vmem>> -> memref<1x128x64xf32, #tpu.memory_space<vmem>>
    %dma_start3A_1602 = tpu.memref_squeeze %dma_start3A_1601 : memref<1x128x64xf32, #tpu.memory_space<vmem>> -> memref<128x64xf32, #tpu.memory_space<vmem>>
    %dma_start3A_1603 = arith.constant 0 : i32
    %dma_start3A_1604 = tpu.memref_slice %arg2[%mul3A_1591, %dma_start3A_1603] : memref<102400x128xf32, #tpu.memory_space<hbm>> -> memref<128x64xf32, #tpu.memory_space<hbm>>
    tpu.enqueue_dma source(%dma_start3A_1604 : memref<128x64xf32, #tpu.memory_space<hbm>>) target(%dma_start3A_1602 : memref<128x64xf32, #tpu.memory_space<vmem>>) target_semaphore(%arg18 : memref<!tpu.dma_semaphore, #tpu.memory_space<semaphore_mem>>)
    %dma_wait3A_1605 = arith.constant 5 : i32
    %dma_wait3A_1606 = arith.constant 0 : i32
    %dma_wait3A_1607 = arith.constant 0 : i32
    %dma_wait3A_1608 = tpu.memref_slice %arg9[%dma_wait3A_1605, %dma_wait3A_1606, %dma_wait3A_1607] : memref<8x128x64xf32, #tpu.memory_space<vmem>> -> memref<1x128x64xf32, #tpu.memory_space<vmem>>
    %dma_wait3A_1609 = tpu.memref_squeeze %dma_wait3A_1608 : memref<1x128x64xf32, #tpu.memory_space<vmem>> -> memref<128x64xf32, #tpu.memory_space<vmem>>
    %dma_wait3A_1610 = arith.constant 0 : i32
    %dma_wait3A_1611 = tpu.memref_slice %arg2[%mul3A_1426, %dma_wait3A_1610] : memref<102400x128xf32, #tpu.memory_space<hbm>> -> memref<128x64xf32, #tpu.memory_space<hbm>>
    %dma_wait3A_1612 = arith.constant 0 : i32
    %dma_wait3A_1613 = arith.constant 0 : i32
    %dma_wait3A_1614 = tpu.memref_slice %arg9[%dma_wait3A_1605, %dma_wait3A_1612, %dma_wait3A_1613] : memref<8x128x64xf32, #tpu.memory_space<vmem>> -> memref<1x128x64xf32, #tpu.memory_space<vmem>>
    %dma_wait3A_1615 = tpu.memref_squeeze %dma_wait3A_1614 : memref<1x128x64xf32, #tpu.memory_space<vmem>> -> memref<128x64xf32, #tpu.memory_space<vmem>>
    %dma_wait3A_1616 = arith.constant 0 : i32
    %dma_wait3A_1617 = tpu.memref_slice %arg2[%mul3A_1426, %dma_wait3A_1616] : memref<102400x128xf32, #tpu.memory_space<hbm>> -> memref<128x64xf32, #tpu.memory_space<hbm>>
    tpu.wait_dma2 semaphore(%arg23 : memref<!tpu.dma_semaphore, #tpu.memory_space<semaphore_mem>>) src(%dma_wait3A_1617 : memref<128x64xf32, #tpu.memory_space<hbm>>) dst(%dma_wait3A_1615 : memref<128x64xf32, #tpu.memory_space<vmem>>)
    %dma_start3A_1618 = arith.constant 5 : i32
    %dma_start3A_1619 = arith.constant 0 : i32
    %dma_start3A_1620 = arith.constant 0 : i32
    %dma_start3A_1621 = tpu.memref_slice %arg9[%dma_start3A_1618, %dma_start3A_1619, %dma_start3A_1620] : memref<8x128x64xf32, #tpu.memory_space<vmem>> -> memref<1x128x64xf32, #tpu.memory_space<vmem>>
    %dma_start3A_1622 = tpu.memref_squeeze %dma_start3A_1621 : memref<1x128x64xf32, #tpu.memory_space<vmem>> -> memref<128x64xf32, #tpu.memory_space<vmem>>
    %dma_start3A_1623 = arith.constant 2688 : i32
    %dma_start3A_1624 = tpu.memref_slice %arg8[%dma_start3A_1623] : memref<3200xi32, #tpu.memory_space<vmem>> -> memref<128xi32, #tpu.memory_space<vmem>>
    %dma_start3A_1625 = arith.constant 0 : i32
    %dma_start3A_1626 = arith.constant 0 : i32
    %dma_start3A_1627 = tpu.memref_slice %arg34[%dma_start3A_1625, %dma_start3A_1626] : memref<3072x64xf32, #tpu.memory_space<vmem_shared>> -> memref<3072x64xf32, #tpu.memory_space<vmem_shared>>
    tpu.enqueue_indirect_dma source(%dma_start3A_1622 : memref<128x64xf32, #tpu.memory_space<vmem>>) target(%dma_start3A_1627 : memref<3072x64xf32, #tpu.memory_space<vmem_shared>>) offsets(%dma_start3A_1624 : memref<128xi32, #tpu.memory_space<vmem>>) semaphore(%arg31 : memref<!tpu.dma_semaphore, #tpu.memory_space<semaphore_mem>>) {add = true}
    %dma_start3A_1628 = arith.constant 2688 : i32
    %dma_start3A_1629 = tpu.memref_slice %arg8[%dma_start3A_1628] : memref<3200xi32, #tpu.memory_space<vmem>> -> memref<128xi32, #tpu.memory_space<vmem>>
    %dma_start3A_1630 = arith.constant 0 : i32
    %dma_start3A_1631 = arith.constant 0 : i32
    %dma_start3A_1632 = tpu.memref_slice %arg35[%dma_start3A_1630, %dma_start3A_1631] : memref<3072x16xf32, #tpu.memory_space<vmem_shared>> -> memref<3072x16xf32, #tpu.memory_space<vmem_shared>>
    tpu.enqueue_indirect_dma source(%arg10 : memref<128x16xf32, #tpu.memory_space<vmem>>) target(%dma_start3A_1632 : memref<3072x16xf32, #tpu.memory_space<vmem_shared>>) offsets(%dma_start3A_1629 : memref<128xi32, #tpu.memory_space<vmem>>) semaphore(%arg16 : memref<!tpu.dma_semaphore, #tpu.memory_space<semaphore_mem>>) {add = true}
    %dma_wait3A_1633 = arith.constant 6 : i32
    %dma_wait3A_1634 = arith.constant 0 : i32
    %dma_wait3A_1635 = arith.constant 0 : i32
    %dma_wait3A_1636 = tpu.memref_slice %arg9[%dma_wait3A_1633, %dma_wait3A_1634, %dma_wait3A_1635] : memref<8x128x64xf32, #tpu.memory_space<vmem>> -> memref<1x128x64xf32, #tpu.memory_space<vmem>>
    %dma_wait3A_1637 = tpu.memref_squeeze %dma_wait3A_1636 : memref<1x128x64xf32, #tpu.memory_space<vmem>> -> memref<128x64xf32, #tpu.memory_space<vmem>>
    %dma_wait3A_1638 = arith.constant 0 : i32
    %dma_wait3A_1639 = tpu.memref_slice %arg2[%mul3A_1481, %dma_wait3A_1638] : memref<102400x128xf32, #tpu.memory_space<hbm>> -> memref<128x64xf32, #tpu.memory_space<hbm>>
    %dma_wait3A_1640 = arith.constant 0 : i32
    %dma_wait3A_1641 = arith.constant 0 : i32
    %dma_wait3A_1642 = tpu.memref_slice %arg9[%dma_wait3A_1633, %dma_wait3A_1640, %dma_wait3A_1641] : memref<8x128x64xf32, #tpu.memory_space<vmem>> -> memref<1x128x64xf32, #tpu.memory_space<vmem>>
    %dma_wait3A_1643 = tpu.memref_squeeze %dma_wait3A_1642 : memref<1x128x64xf32, #tpu.memory_space<vmem>> -> memref<128x64xf32, #tpu.memory_space<vmem>>
    %dma_wait3A_1644 = arith.constant 0 : i32
    %dma_wait3A_1645 = tpu.memref_slice %arg2[%mul3A_1481, %dma_wait3A_1644] : memref<102400x128xf32, #tpu.memory_space<hbm>> -> memref<128x64xf32, #tpu.memory_space<hbm>>
    tpu.wait_dma2 semaphore(%arg24 : memref<!tpu.dma_semaphore, #tpu.memory_space<semaphore_mem>>) src(%dma_wait3A_1645 : memref<128x64xf32, #tpu.memory_space<hbm>>) dst(%dma_wait3A_1643 : memref<128x64xf32, #tpu.memory_space<vmem>>)
    %dma_start3A_1646 = arith.constant 6 : i32
    %dma_start3A_1647 = arith.constant 0 : i32
    %dma_start3A_1648 = arith.constant 0 : i32
    %dma_start3A_1649 = tpu.memref_slice %arg9[%dma_start3A_1646, %dma_start3A_1647, %dma_start3A_1648] : memref<8x128x64xf32, #tpu.memory_space<vmem>> -> memref<1x128x64xf32, #tpu.memory_space<vmem>>
    %dma_start3A_1650 = tpu.memref_squeeze %dma_start3A_1649 : memref<1x128x64xf32, #tpu.memory_space<vmem>> -> memref<128x64xf32, #tpu.memory_space<vmem>>
    %dma_start3A_1651 = arith.constant 2816 : i32
    %dma_start3A_1652 = tpu.memref_slice %arg8[%dma_start3A_1651] : memref<3200xi32, #tpu.memory_space<vmem>> -> memref<128xi32, #tpu.memory_space<vmem>>
    %dma_start3A_1653 = arith.constant 0 : i32
    %dma_start3A_1654 = arith.constant 0 : i32
    %dma_start3A_1655 = tpu.memref_slice %arg34[%dma_start3A_1653, %dma_start3A_1654] : memref<3072x64xf32, #tpu.memory_space<vmem_shared>> -> memref<3072x64xf32, #tpu.memory_space<vmem_shared>>
    tpu.enqueue_indirect_dma source(%dma_start3A_1650 : memref<128x64xf32, #tpu.memory_space<vmem>>) target(%dma_start3A_1655 : memref<3072x64xf32, #tpu.memory_space<vmem_shared>>) offsets(%dma_start3A_1652 : memref<128xi32, #tpu.memory_space<vmem>>) semaphore(%arg32 : memref<!tpu.dma_semaphore, #tpu.memory_space<semaphore_mem>>) {add = true}
    %dma_start3A_1656 = arith.constant 2816 : i32
    %dma_start3A_1657 = tpu.memref_slice %arg8[%dma_start3A_1656] : memref<3200xi32, #tpu.memory_space<vmem>> -> memref<128xi32, #tpu.memory_space<vmem>>
    %dma_start3A_1658 = arith.constant 0 : i32
    %dma_start3A_1659 = arith.constant 0 : i32
    %dma_start3A_1660 = tpu.memref_slice %arg35[%dma_start3A_1658, %dma_start3A_1659] : memref<3072x16xf32, #tpu.memory_space<vmem_shared>> -> memref<3072x16xf32, #tpu.memory_space<vmem_shared>>
    tpu.enqueue_indirect_dma source(%arg10 : memref<128x16xf32, #tpu.memory_space<vmem>>) target(%dma_start3A_1660 : memref<3072x16xf32, #tpu.memory_space<vmem_shared>>) offsets(%dma_start3A_1657 : memref<128xi32, #tpu.memory_space<vmem>>) semaphore(%arg16 : memref<!tpu.dma_semaphore, #tpu.memory_space<semaphore_mem>>) {add = true}
    %dma_wait3A_1661 = arith.constant 7 : i32
    %dma_wait3A_1662 = arith.constant 0 : i32
    %dma_wait3A_1663 = arith.constant 0 : i32
    %dma_wait3A_1664 = tpu.memref_slice %arg9[%dma_wait3A_1661, %dma_wait3A_1662, %dma_wait3A_1663] : memref<8x128x64xf32, #tpu.memory_space<vmem>> -> memref<1x128x64xf32, #tpu.memory_space<vmem>>
    %dma_wait3A_1665 = tpu.memref_squeeze %dma_wait3A_1664 : memref<1x128x64xf32, #tpu.memory_space<vmem>> -> memref<128x64xf32, #tpu.memory_space<vmem>>
    %dma_wait3A_1666 = arith.constant 0 : i32
    %dma_wait3A_1667 = tpu.memref_slice %arg2[%mul3A_1536, %dma_wait3A_1666] : memref<102400x128xf32, #tpu.memory_space<hbm>> -> memref<128x64xf32, #tpu.memory_space<hbm>>
    %dma_wait3A_1668 = arith.constant 0 : i32
    %dma_wait3A_1669 = arith.constant 0 : i32
    %dma_wait3A_1670 = tpu.memref_slice %arg9[%dma_wait3A_1661, %dma_wait3A_1668, %dma_wait3A_1669] : memref<8x128x64xf32, #tpu.memory_space<vmem>> -> memref<1x128x64xf32, #tpu.memory_space<vmem>>
    %dma_wait3A_1671 = tpu.memref_squeeze %dma_wait3A_1670 : memref<1x128x64xf32, #tpu.memory_space<vmem>> -> memref<128x64xf32, #tpu.memory_space<vmem>>
    %dma_wait3A_1672 = arith.constant 0 : i32
    %dma_wait3A_1673 = tpu.memref_slice %arg2[%mul3A_1536, %dma_wait3A_1672] : memref<102400x128xf32, #tpu.memory_space<hbm>> -> memref<128x64xf32, #tpu.memory_space<hbm>>
    tpu.wait_dma2 semaphore(%arg25 : memref<!tpu.dma_semaphore, #tpu.memory_space<semaphore_mem>>) src(%dma_wait3A_1673 : memref<128x64xf32, #tpu.memory_space<hbm>>) dst(%dma_wait3A_1671 : memref<128x64xf32, #tpu.memory_space<vmem>>)
    %dma_start3A_1674 = arith.constant 7 : i32
    %dma_start3A_1675 = arith.constant 0 : i32
    %dma_start3A_1676 = arith.constant 0 : i32
    %dma_start3A_1677 = tpu.memref_slice %arg9[%dma_start3A_1674, %dma_start3A_1675, %dma_start3A_1676] : memref<8x128x64xf32, #tpu.memory_space<vmem>> -> memref<1x128x64xf32, #tpu.memory_space<vmem>>
    %dma_start3A_1678 = tpu.memref_squeeze %dma_start3A_1677 : memref<1x128x64xf32, #tpu.memory_space<vmem>> -> memref<128x64xf32, #tpu.memory_space<vmem>>
    %dma_start3A_1679 = arith.constant 2944 : i32
    %dma_start3A_1680 = tpu.memref_slice %arg8[%dma_start3A_1679] : memref<3200xi32, #tpu.memory_space<vmem>> -> memref<128xi32, #tpu.memory_space<vmem>>
    %dma_start3A_1681 = arith.constant 0 : i32
    %dma_start3A_1682 = arith.constant 0 : i32
    %dma_start3A_1683 = tpu.memref_slice %arg34[%dma_start3A_1681, %dma_start3A_1682] : memref<3072x64xf32, #tpu.memory_space<vmem_shared>> -> memref<3072x64xf32, #tpu.memory_space<vmem_shared>>
    tpu.enqueue_indirect_dma source(%dma_start3A_1678 : memref<128x64xf32, #tpu.memory_space<vmem>>) target(%dma_start3A_1683 : memref<3072x64xf32, #tpu.memory_space<vmem_shared>>) offsets(%dma_start3A_1680 : memref<128xi32, #tpu.memory_space<vmem>>) semaphore(%arg33 : memref<!tpu.dma_semaphore, #tpu.memory_space<semaphore_mem>>) {add = true}
    %dma_start3A_1684 = arith.constant 2944 : i32
    %dma_start3A_1685 = tpu.memref_slice %arg8[%dma_start3A_1684] : memref<3200xi32, #tpu.memory_space<vmem>> -> memref<128xi32, #tpu.memory_space<vmem>>
    %dma_start3A_1686 = arith.constant 0 : i32
    %dma_start3A_1687 = arith.constant 0 : i32
    %dma_start3A_1688 = tpu.memref_slice %arg35[%dma_start3A_1686, %dma_start3A_1687] : memref<3072x16xf32, #tpu.memory_space<vmem_shared>> -> memref<3072x16xf32, #tpu.memory_space<vmem_shared>>
    tpu.enqueue_indirect_dma source(%arg10 : memref<128x16xf32, #tpu.memory_space<vmem>>) target(%dma_start3A_1688 : memref<3072x16xf32, #tpu.memory_space<vmem_shared>>) offsets(%dma_start3A_1685 : memref<128xi32, #tpu.memory_space<vmem>>) semaphore(%arg16 : memref<!tpu.dma_semaphore, #tpu.memory_space<semaphore_mem>>) {add = true}
    %dma_wait3A_1689 = arith.constant 0 : i32
    %dma_wait3A_1690 = arith.constant 0 : i32
    %dma_wait3A_1691 = arith.constant 0 : i32
    %dma_wait3A_1692 = tpu.memref_slice %arg9[%dma_wait3A_1689, %dma_wait3A_1690, %dma_wait3A_1691] : memref<8x128x64xf32, #tpu.memory_space<vmem>> -> memref<1x128x64xf32, #tpu.memory_space<vmem>>
    %dma_wait3A_1693 = tpu.memref_squeeze %dma_wait3A_1692 : memref<1x128x64xf32, #tpu.memory_space<vmem>> -> memref<128x64xf32, #tpu.memory_space<vmem>>
    %dma_wait3A_1694 = arith.constant 0 : i32
    %dma_wait3A_1695 = tpu.memref_slice %arg2[%mul3A_1591, %dma_wait3A_1694] : memref<102400x128xf32, #tpu.memory_space<hbm>> -> memref<128x64xf32, #tpu.memory_space<hbm>>
    %dma_wait3A_1696 = arith.constant 0 : i32
    %dma_wait3A_1697 = arith.constant 0 : i32
    %dma_wait3A_1698 = tpu.memref_slice %arg9[%dma_wait3A_1689, %dma_wait3A_1696, %dma_wait3A_1697] : memref<8x128x64xf32, #tpu.memory_space<vmem>> -> memref<1x128x64xf32, #tpu.memory_space<vmem>>
    %dma_wait3A_1699 = tpu.memref_squeeze %dma_wait3A_1698 : memref<1x128x64xf32, #tpu.memory_space<vmem>> -> memref<128x64xf32, #tpu.memory_space<vmem>>
    %dma_wait3A_1700 = arith.constant 0 : i32
    %dma_wait3A_1701 = tpu.memref_slice %arg2[%mul3A_1591, %dma_wait3A_1700] : memref<102400x128xf32, #tpu.memory_space<hbm>> -> memref<128x64xf32, #tpu.memory_space<hbm>>
    tpu.wait_dma2 semaphore(%arg18 : memref<!tpu.dma_semaphore, #tpu.memory_space<semaphore_mem>>) src(%dma_wait3A_1701 : memref<128x64xf32, #tpu.memory_space<hbm>>) dst(%dma_wait3A_1699 : memref<128x64xf32, #tpu.memory_space<vmem>>)
    %dma_start3A_1702 = arith.constant 0 : i32
    %dma_start3A_1703 = arith.constant 0 : i32
    %dma_start3A_1704 = arith.constant 0 : i32
    %dma_start3A_1705 = tpu.memref_slice %arg9[%dma_start3A_1702, %dma_start3A_1703, %dma_start3A_1704] : memref<8x128x64xf32, #tpu.memory_space<vmem>> -> memref<1x128x64xf32, #tpu.memory_space<vmem>>
    %dma_start3A_1706 = tpu.memref_squeeze %dma_start3A_1705 : memref<1x128x64xf32, #tpu.memory_space<vmem>> -> memref<128x64xf32, #tpu.memory_space<vmem>>
    %dma_start3A_1707 = arith.constant 3072 : i32
    %dma_start3A_1708 = tpu.memref_slice %arg8[%dma_start3A_1707] : memref<3200xi32, #tpu.memory_space<vmem>> -> memref<128xi32, #tpu.memory_space<vmem>>
    %dma_start3A_1709 = arith.constant 0 : i32
    %dma_start3A_1710 = arith.constant 0 : i32
    %dma_start3A_1711 = tpu.memref_slice %arg34[%dma_start3A_1709, %dma_start3A_1710] : memref<3072x64xf32, #tpu.memory_space<vmem_shared>> -> memref<3072x64xf32, #tpu.memory_space<vmem_shared>>
    tpu.enqueue_indirect_dma source(%dma_start3A_1706 : memref<128x64xf32, #tpu.memory_space<vmem>>) target(%dma_start3A_1711 : memref<3072x64xf32, #tpu.memory_space<vmem_shared>>) offsets(%dma_start3A_1708 : memref<128xi32, #tpu.memory_space<vmem>>) semaphore(%arg26 : memref<!tpu.dma_semaphore, #tpu.memory_space<semaphore_mem>>) {add = true}
    %dma_start3A_1712 = arith.constant 3072 : i32
    %dma_start3A_1713 = tpu.memref_slice %arg8[%dma_start3A_1712] : memref<3200xi32, #tpu.memory_space<vmem>> -> memref<128xi32, #tpu.memory_space<vmem>>
    %dma_start3A_1714 = arith.constant 0 : i32
    %dma_start3A_1715 = arith.constant 0 : i32
    %dma_start3A_1716 = tpu.memref_slice %arg35[%dma_start3A_1714, %dma_start3A_1715] : memref<3072x16xf32, #tpu.memory_space<vmem_shared>> -> memref<3072x16xf32, #tpu.memory_space<vmem_shared>>
    tpu.enqueue_indirect_dma source(%arg10 : memref<128x16xf32, #tpu.memory_space<vmem>>) target(%dma_start3A_1716 : memref<3072x16xf32, #tpu.memory_space<vmem_shared>>) offsets(%dma_start3A_1713 : memref<128xi32, #tpu.memory_space<vmem>>) semaphore(%arg16 : memref<!tpu.dma_semaphore, #tpu.memory_space<semaphore_mem>>) {add = true}
    %dma_wait3A_1717 = arith.constant 1 : i32
    %dma_wait3A_1718 = arith.constant 0 : i32
    %dma_wait3A_1719 = arith.constant 0 : i32
    %dma_wait3A_1720 = tpu.memref_slice %arg9[%dma_wait3A_1717, %dma_wait3A_1718, %dma_wait3A_1719] : memref<8x128x64xf32, #tpu.memory_space<vmem>> -> memref<1x128x64xf32, #tpu.memory_space<vmem>>
    %dma_wait3A_1721 = tpu.memref_squeeze %dma_wait3A_1720 : memref<1x128x64xf32, #tpu.memory_space<vmem>> -> memref<128x64xf32, #tpu.memory_space<vmem>>
    %dma_wait3A_1722 = arith.constant 2176 : i32
    %dma_wait3A_1723 = tpu.memref_slice %arg8[%dma_wait3A_1722] : memref<3200xi32, #tpu.memory_space<vmem>> -> memref<128xi32, #tpu.memory_space<vmem>>
    %dma_wait3A_1724 = arith.constant 0 : i32
    %dma_wait3A_1725 = arith.constant 0 : i32
    %dma_wait3A_1726 = tpu.memref_slice %arg34[%dma_wait3A_1724, %dma_wait3A_1725] : memref<3072x64xf32, #tpu.memory_space<vmem_shared>> -> memref<3072x64xf32, #tpu.memory_space<vmem_shared>>
    tpu.wait_indirect_dma semaphore(%arg27 : memref<!tpu.dma_semaphore, #tpu.memory_space<semaphore_mem>>) src(%dma_wait3A_1721 : memref<128x64xf32, #tpu.memory_space<vmem>>) dst(%dma_wait3A_1726 : memref<3072x64xf32, #tpu.memory_space<vmem_shared>>)
    %dma_wait3A_1727 = arith.constant 2 : i32
    %dma_wait3A_1728 = arith.constant 0 : i32
    %dma_wait3A_1729 = arith.constant 0 : i32
    %dma_wait3A_1730 = tpu.memref_slice %arg9[%dma_wait3A_1727, %dma_wait3A_1728, %dma_wait3A_1729] : memref<8x128x64xf32, #tpu.memory_space<vmem>> -> memref<1x128x64xf32, #tpu.memory_space<vmem>>
    %dma_wait3A_1731 = tpu.memref_squeeze %dma_wait3A_1730 : memref<1x128x64xf32, #tpu.memory_space<vmem>> -> memref<128x64xf32, #tpu.memory_space<vmem>>
    %dma_wait3A_1732 = arith.constant 2304 : i32
    %dma_wait3A_1733 = tpu.memref_slice %arg8[%dma_wait3A_1732] : memref<3200xi32, #tpu.memory_space<vmem>> -> memref<128xi32, #tpu.memory_space<vmem>>
    %dma_wait3A_1734 = arith.constant 0 : i32
    %dma_wait3A_1735 = arith.constant 0 : i32
    %dma_wait3A_1736 = tpu.memref_slice %arg34[%dma_wait3A_1734, %dma_wait3A_1735] : memref<3072x64xf32, #tpu.memory_space<vmem_shared>> -> memref<3072x64xf32, #tpu.memory_space<vmem_shared>>
    tpu.wait_indirect_dma semaphore(%arg28 : memref<!tpu.dma_semaphore, #tpu.memory_space<semaphore_mem>>) src(%dma_wait3A_1731 : memref<128x64xf32, #tpu.memory_space<vmem>>) dst(%dma_wait3A_1736 : memref<3072x64xf32, #tpu.memory_space<vmem_shared>>)
    %dma_wait3A_1737 = arith.constant 3 : i32
    %dma_wait3A_1738 = arith.constant 0 : i32
    %dma_wait3A_1739 = arith.constant 0 : i32
    %dma_wait3A_1740 = tpu.memref_slice %arg9[%dma_wait3A_1737, %dma_wait3A_1738, %dma_wait3A_1739] : memref<8x128x64xf32, #tpu.memory_space<vmem>> -> memref<1x128x64xf32, #tpu.memory_space<vmem>>
    %dma_wait3A_1741 = tpu.memref_squeeze %dma_wait3A_1740 : memref<1x128x64xf32, #tpu.memory_space<vmem>> -> memref<128x64xf32, #tpu.memory_space<vmem>>
    %dma_wait3A_1742 = arith.constant 2432 : i32
    %dma_wait3A_1743 = tpu.memref_slice %arg8[%dma_wait3A_1742] : memref<3200xi32, #tpu.memory_space<vmem>> -> memref<128xi32, #tpu.memory_space<vmem>>
    %dma_wait3A_1744 = arith.constant 0 : i32
    %dma_wait3A_1745 = arith.constant 0 : i32
    %dma_wait3A_1746 = tpu.memref_slice %arg34[%dma_wait3A_1744, %dma_wait3A_1745] : memref<3072x64xf32, #tpu.memory_space<vmem_shared>> -> memref<3072x64xf32, #tpu.memory_space<vmem_shared>>
    tpu.wait_indirect_dma semaphore(%arg29 : memref<!tpu.dma_semaphore, #tpu.memory_space<semaphore_mem>>) src(%dma_wait3A_1741 : memref<128x64xf32, #tpu.memory_space<vmem>>) dst(%dma_wait3A_1746 : memref<3072x64xf32, #tpu.memory_space<vmem_shared>>)
    %dma_wait3A_1747 = arith.constant 4 : i32
    %dma_wait3A_1748 = arith.constant 0 : i32
    %dma_wait3A_1749 = arith.constant 0 : i32
    %dma_wait3A_1750 = tpu.memref_slice %arg9[%dma_wait3A_1747, %dma_wait3A_1748, %dma_wait3A_1749] : memref<8x128x64xf32, #tpu.memory_space<vmem>> -> memref<1x128x64xf32, #tpu.memory_space<vmem>>
    %dma_wait3A_1751 = tpu.memref_squeeze %dma_wait3A_1750 : memref<1x128x64xf32, #tpu.memory_space<vmem>> -> memref<128x64xf32, #tpu.memory_space<vmem>>
    %dma_wait3A_1752 = arith.constant 2560 : i32
    %dma_wait3A_1753 = tpu.memref_slice %arg8[%dma_wait3A_1752] : memref<3200xi32, #tpu.memory_space<vmem>> -> memref<128xi32, #tpu.memory_space<vmem>>
    %dma_wait3A_1754 = arith.constant 0 : i32
    %dma_wait3A_1755 = arith.constant 0 : i32
    %dma_wait3A_1756 = tpu.memref_slice %arg34[%dma_wait3A_1754, %dma_wait3A_1755] : memref<3072x64xf32, #tpu.memory_space<vmem_shared>> -> memref<3072x64xf32, #tpu.memory_space<vmem_shared>>
    tpu.wait_indirect_dma semaphore(%arg30 : memref<!tpu.dma_semaphore, #tpu.memory_space<semaphore_mem>>) src(%dma_wait3A_1751 : memref<128x64xf32, #tpu.memory_space<vmem>>) dst(%dma_wait3A_1756 : memref<3072x64xf32, #tpu.memory_space<vmem_shared>>)
    %dma_wait3A_1757 = arith.constant 5 : i32
    %dma_wait3A_1758 = arith.constant 0 : i32
    %dma_wait3A_1759 = arith.constant 0 : i32
    %dma_wait3A_1760 = tpu.memref_slice %arg9[%dma_wait3A_1757, %dma_wait3A_1758, %dma_wait3A_1759] : memref<8x128x64xf32, #tpu.memory_space<vmem>> -> memref<1x128x64xf32, #tpu.memory_space<vmem>>
    %dma_wait3A_1761 = tpu.memref_squeeze %dma_wait3A_1760 : memref<1x128x64xf32, #tpu.memory_space<vmem>> -> memref<128x64xf32, #tpu.memory_space<vmem>>
    %dma_wait3A_1762 = arith.constant 2688 : i32
    %dma_wait3A_1763 = tpu.memref_slice %arg8[%dma_wait3A_1762] : memref<3200xi32, #tpu.memory_space<vmem>> -> memref<128xi32, #tpu.memory_space<vmem>>
    %dma_wait3A_1764 = arith.constant 0 : i32
    %dma_wait3A_1765 = arith.constant 0 : i32
    %dma_wait3A_1766 = tpu.memref_slice %arg34[%dma_wait3A_1764, %dma_wait3A_1765] : memref<3072x64xf32, #tpu.memory_space<vmem_shared>> -> memref<3072x64xf32, #tpu.memory_space<vmem_shared>>
    tpu.wait_indirect_dma semaphore(%arg31 : memref<!tpu.dma_semaphore, #tpu.memory_space<semaphore_mem>>) src(%dma_wait3A_1761 : memref<128x64xf32, #tpu.memory_space<vmem>>) dst(%dma_wait3A_1766 : memref<3072x64xf32, #tpu.memory_space<vmem_shared>>)
    %dma_wait3A_1767 = arith.constant 6 : i32
    %dma_wait3A_1768 = arith.constant 0 : i32
    %dma_wait3A_1769 = arith.constant 0 : i32
    %dma_wait3A_1770 = tpu.memref_slice %arg9[%dma_wait3A_1767, %dma_wait3A_1768, %dma_wait3A_1769] : memref<8x128x64xf32, #tpu.memory_space<vmem>> -> memref<1x128x64xf32, #tpu.memory_space<vmem>>
    %dma_wait3A_1771 = tpu.memref_squeeze %dma_wait3A_1770 : memref<1x128x64xf32, #tpu.memory_space<vmem>> -> memref<128x64xf32, #tpu.memory_space<vmem>>
    %dma_wait3A_1772 = arith.constant 2816 : i32
    %dma_wait3A_1773 = tpu.memref_slice %arg8[%dma_wait3A_1772] : memref<3200xi32, #tpu.memory_space<vmem>> -> memref<128xi32, #tpu.memory_space<vmem>>
    %dma_wait3A_1774 = arith.constant 0 : i32
    %dma_wait3A_1775 = arith.constant 0 : i32
    %dma_wait3A_1776 = tpu.memref_slice %arg34[%dma_wait3A_1774, %dma_wait3A_1775] : memref<3072x64xf32, #tpu.memory_space<vmem_shared>> -> memref<3072x64xf32, #tpu.memory_space<vmem_shared>>
    tpu.wait_indirect_dma semaphore(%arg32 : memref<!tpu.dma_semaphore, #tpu.memory_space<semaphore_mem>>) src(%dma_wait3A_1771 : memref<128x64xf32, #tpu.memory_space<vmem>>) dst(%dma_wait3A_1776 : memref<3072x64xf32, #tpu.memory_space<vmem_shared>>)
    %dma_wait3A_1777 = arith.constant 7 : i32
    %dma_wait3A_1778 = arith.constant 0 : i32
    %dma_wait3A_1779 = arith.constant 0 : i32
    %dma_wait3A_1780 = tpu.memref_slice %arg9[%dma_wait3A_1777, %dma_wait3A_1778, %dma_wait3A_1779] : memref<8x128x64xf32, #tpu.memory_space<vmem>> -> memref<1x128x64xf32, #tpu.memory_space<vmem>>
    %dma_wait3A_1781 = tpu.memref_squeeze %dma_wait3A_1780 : memref<1x128x64xf32, #tpu.memory_space<vmem>> -> memref<128x64xf32, #tpu.memory_space<vmem>>
    %dma_wait3A_1782 = arith.constant 2944 : i32
    %dma_wait3A_1783 = tpu.memref_slice %arg8[%dma_wait3A_1782] : memref<3200xi32, #tpu.memory_space<vmem>> -> memref<128xi32, #tpu.memory_space<vmem>>
    %dma_wait3A_1784 = arith.constant 0 : i32
    %dma_wait3A_1785 = arith.constant 0 : i32
    %dma_wait3A_1786 = tpu.memref_slice %arg34[%dma_wait3A_1784, %dma_wait3A_1785] : memref<3072x64xf32, #tpu.memory_space<vmem_shared>> -> memref<3072x64xf32, #tpu.memory_space<vmem_shared>>
    tpu.wait_indirect_dma semaphore(%arg33 : memref<!tpu.dma_semaphore, #tpu.memory_space<semaphore_mem>>) src(%dma_wait3A_1781 : memref<128x64xf32, #tpu.memory_space<vmem>>) dst(%dma_wait3A_1786 : memref<3072x64xf32, #tpu.memory_space<vmem_shared>>)
    %dma_wait3A_1787 = arith.constant 0 : i32
    %dma_wait3A_1788 = arith.constant 0 : i32
    %dma_wait3A_1789 = arith.constant 0 : i32
    %dma_wait3A_1790 = tpu.memref_slice %arg9[%dma_wait3A_1787, %dma_wait3A_1788, %dma_wait3A_1789] : memref<8x128x64xf32, #tpu.memory_space<vmem>> -> memref<1x128x64xf32, #tpu.memory_space<vmem>>
    %dma_wait3A_1791 = tpu.memref_squeeze %dma_wait3A_1790 : memref<1x128x64xf32, #tpu.memory_space<vmem>> -> memref<128x64xf32, #tpu.memory_space<vmem>>
    %dma_wait3A_1792 = arith.constant 3072 : i32
    %dma_wait3A_1793 = tpu.memref_slice %arg8[%dma_wait3A_1792] : memref<3200xi32, #tpu.memory_space<vmem>> -> memref<128xi32, #tpu.memory_space<vmem>>
    %dma_wait3A_1794 = arith.constant 0 : i32
    %dma_wait3A_1795 = arith.constant 0 : i32
    %dma_wait3A_1796 = tpu.memref_slice %arg34[%dma_wait3A_1794, %dma_wait3A_1795] : memref<3072x64xf32, #tpu.memory_space<vmem_shared>> -> memref<3072x64xf32, #tpu.memory_space<vmem_shared>>
    tpu.wait_indirect_dma semaphore(%arg26 : memref<!tpu.dma_semaphore, #tpu.memory_space<semaphore_mem>>) src(%dma_wait3A_1791 : memref<128x64xf32, #tpu.memory_space<vmem>>) dst(%dma_wait3A_1796 : memref<3072x64xf32, #tpu.memory_space<vmem_shared>>)
    %dma_wait3A_1797 = arith.constant 0 : i32
    %dma_wait3A_1798 = tpu.memref_slice %arg8[%dma_wait3A_1797] : memref<3200xi32, #tpu.memory_space<vmem>> -> memref<128xi32, #tpu.memory_space<vmem>>
    %dma_wait3A_1799 = arith.constant 0 : i32
    %dma_wait3A_1800 = arith.constant 0 : i32
    %dma_wait3A_1801 = tpu.memref_slice %arg35[%dma_wait3A_1799, %dma_wait3A_1800] : memref<3072x16xf32, #tpu.memory_space<vmem_shared>> -> memref<3072x16xf32, #tpu.memory_space<vmem_shared>>
    tpu.wait_indirect_dma semaphore(%arg16 : memref<!tpu.dma_semaphore, #tpu.memory_space<semaphore_mem>>) src(%arg10 : memref<128x16xf32, #tpu.memory_space<vmem>>) dst(%dma_wait3A_1801 : memref<3072x16xf32, #tpu.memory_space<vmem_shared>>)
    %dma_wait3A_1802 = arith.constant 128 : i32
    %dma_wait3A_1803 = tpu.memref_slice %arg8[%dma_wait3A_1802] : memref<3200xi32, #tpu.memory_space<vmem>> -> memref<128xi32, #tpu.memory_space<vmem>>
    %dma_wait3A_1804 = arith.constant 0 : i32
    %dma_wait3A_1805 = arith.constant 0 : i32
    %dma_wait3A_1806 = tpu.memref_slice %arg35[%dma_wait3A_1804, %dma_wait3A_1805] : memref<3072x16xf32, #tpu.memory_space<vmem_shared>> -> memref<3072x16xf32, #tpu.memory_space<vmem_shared>>
    tpu.wait_indirect_dma semaphore(%arg16 : memref<!tpu.dma_semaphore, #tpu.memory_space<semaphore_mem>>) src(%arg10 : memref<128x16xf32, #tpu.memory_space<vmem>>) dst(%dma_wait3A_1806 : memref<3072x16xf32, #tpu.memory_space<vmem_shared>>)
    %dma_wait3A_1807 = arith.constant 256 : i32
    %dma_wait3A_1808 = tpu.memref_slice %arg8[%dma_wait3A_1807] : memref<3200xi32, #tpu.memory_space<vmem>> -> memref<128xi32, #tpu.memory_space<vmem>>
    %dma_wait3A_1809 = arith.constant 0 : i32
    %dma_wait3A_1810 = arith.constant 0 : i32
    %dma_wait3A_1811 = tpu.memref_slice %arg35[%dma_wait3A_1809, %dma_wait3A_1810] : memref<3072x16xf32, #tpu.memory_space<vmem_shared>> -> memref<3072x16xf32, #tpu.memory_space<vmem_shared>>
    tpu.wait_indirect_dma semaphore(%arg16 : memref<!tpu.dma_semaphore, #tpu.memory_space<semaphore_mem>>) src(%arg10 : memref<128x16xf32, #tpu.memory_space<vmem>>) dst(%dma_wait3A_1811 : memref<3072x16xf32, #tpu.memory_space<vmem_shared>>)
    %dma_wait3A_1812 = arith.constant 384 : i32
    %dma_wait3A_1813 = tpu.memref_slice %arg8[%dma_wait3A_1812] : memref<3200xi32, #tpu.memory_space<vmem>> -> memref<128xi32, #tpu.memory_space<vmem>>
    %dma_wait3A_1814 = arith.constant 0 : i32
    %dma_wait3A_1815 = arith.constant 0 : i32
    %dma_wait3A_1816 = tpu.memref_slice %arg35[%dma_wait3A_1814, %dma_wait3A_1815] : memref<3072x16xf32, #tpu.memory_space<vmem_shared>> -> memref<3072x16xf32, #tpu.memory_space<vmem_shared>>
    tpu.wait_indirect_dma semaphore(%arg16 : memref<!tpu.dma_semaphore, #tpu.memory_space<semaphore_mem>>) src(%arg10 : memref<128x16xf32, #tpu.memory_space<vmem>>) dst(%dma_wait3A_1816 : memref<3072x16xf32, #tpu.memory_space<vmem_shared>>)
    %dma_wait3A_1817 = arith.constant 512 : i32
    %dma_wait3A_1818 = tpu.memref_slice %arg8[%dma_wait3A_1817] : memref<3200xi32, #tpu.memory_space<vmem>> -> memref<128xi32, #tpu.memory_space<vmem>>
    %dma_wait3A_1819 = arith.constant 0 : i32
    %dma_wait3A_1820 = arith.constant 0 : i32
    %dma_wait3A_1821 = tpu.memref_slice %arg35[%dma_wait3A_1819, %dma_wait3A_1820] : memref<3072x16xf32, #tpu.memory_space<vmem_shared>> -> memref<3072x16xf32, #tpu.memory_space<vmem_shared>>
    tpu.wait_indirect_dma semaphore(%arg16 : memref<!tpu.dma_semaphore, #tpu.memory_space<semaphore_mem>>) src(%arg10 : memref<128x16xf32, #tpu.memory_space<vmem>>) dst(%dma_wait3A_1821 : memref<3072x16xf32, #tpu.memory_space<vmem_shared>>)
    %dma_wait3A_1822 = arith.constant 640 : i32
    %dma_wait3A_1823 = tpu.memref_slice %arg8[%dma_wait3A_1822] : memref<3200xi32, #tpu.memory_space<vmem>> -> memref<128xi32, #tpu.memory_space<vmem>>
    %dma_wait3A_1824 = arith.constant 0 : i32
    %dma_wait3A_1825 = arith.constant 0 : i32
    %dma_wait3A_1826 = tpu.memref_slice %arg35[%dma_wait3A_1824, %dma_wait3A_1825] : memref<3072x16xf32, #tpu.memory_space<vmem_shared>> -> memref<3072x16xf32, #tpu.memory_space<vmem_shared>>
    tpu.wait_indirect_dma semaphore(%arg16 : memref<!tpu.dma_semaphore, #tpu.memory_space<semaphore_mem>>) src(%arg10 : memref<128x16xf32, #tpu.memory_space<vmem>>) dst(%dma_wait3A_1826 : memref<3072x16xf32, #tpu.memory_space<vmem_shared>>)
    %dma_wait3A_1827 = arith.constant 768 : i32
    %dma_wait3A_1828 = tpu.memref_slice %arg8[%dma_wait3A_1827] : memref<3200xi32, #tpu.memory_space<vmem>> -> memref<128xi32, #tpu.memory_space<vmem>>
    %dma_wait3A_1829 = arith.constant 0 : i32
    %dma_wait3A_1830 = arith.constant 0 : i32
    %dma_wait3A_1831 = tpu.memref_slice %arg35[%dma_wait3A_1829, %dma_wait3A_1830] : memref<3072x16xf32, #tpu.memory_space<vmem_shared>> -> memref<3072x16xf32, #tpu.memory_space<vmem_shared>>
    tpu.wait_indirect_dma semaphore(%arg16 : memref<!tpu.dma_semaphore, #tpu.memory_space<semaphore_mem>>) src(%arg10 : memref<128x16xf32, #tpu.memory_space<vmem>>) dst(%dma_wait3A_1831 : memref<3072x16xf32, #tpu.memory_space<vmem_shared>>)
    %dma_wait3A_1832 = arith.constant 896 : i32
    %dma_wait3A_1833 = tpu.memref_slice %arg8[%dma_wait3A_1832] : memref<3200xi32, #tpu.memory_space<vmem>> -> memref<128xi32, #tpu.memory_space<vmem>>
    %dma_wait3A_1834 = arith.constant 0 : i32
    %dma_wait3A_1835 = arith.constant 0 : i32
    %dma_wait3A_1836 = tpu.memref_slice %arg35[%dma_wait3A_1834, %dma_wait3A_1835] : memref<3072x16xf32, #tpu.memory_space<vmem_shared>> -> memref<3072x16xf32, #tpu.memory_space<vmem_shared>>
    tpu.wait_indirect_dma semaphore(%arg16 : memref<!tpu.dma_semaphore, #tpu.memory_space<semaphore_mem>>) src(%arg10 : memref<128x16xf32, #tpu.memory_space<vmem>>) dst(%dma_wait3A_1836 : memref<3072x16xf32, #tpu.memory_space<vmem_shared>>)
    %dma_wait3A_1837 = arith.constant 1024 : i32
    %dma_wait3A_1838 = tpu.memref_slice %arg8[%dma_wait3A_1837] : memref<3200xi32, #tpu.memory_space<vmem>> -> memref<128xi32, #tpu.memory_space<vmem>>
    %dma_wait3A_1839 = arith.constant 0 : i32
    %dma_wait3A_1840 = arith.constant 0 : i32
    %dma_wait3A_1841 = tpu.memref_slice %arg35[%dma_wait3A_1839, %dma_wait3A_1840] : memref<3072x16xf32, #tpu.memory_space<vmem_shared>> -> memref<3072x16xf32, #tpu.memory_space<vmem_shared>>
    tpu.wait_indirect_dma semaphore(%arg16 : memref<!tpu.dma_semaphore, #tpu.memory_space<semaphore_mem>>) src(%arg10 : memref<128x16xf32, #tpu.memory_space<vmem>>) dst(%dma_wait3A_1841 : memref<3072x16xf32, #tpu.memory_space<vmem_shared>>)
    %dma_wait3A_1842 = arith.constant 1152 : i32
    %dma_wait3A_1843 = tpu.memref_slice %arg8[%dma_wait3A_1842] : memref<3200xi32, #tpu.memory_space<vmem>> -> memref<128xi32, #tpu.memory_space<vmem>>
    %dma_wait3A_1844 = arith.constant 0 : i32
    %dma_wait3A_1845 = arith.constant 0 : i32
    %dma_wait3A_1846 = tpu.memref_slice %arg35[%dma_wait3A_1844, %dma_wait3A_1845] : memref<3072x16xf32, #tpu.memory_space<vmem_shared>> -> memref<3072x16xf32, #tpu.memory_space<vmem_shared>>
    tpu.wait_indirect_dma semaphore(%arg16 : memref<!tpu.dma_semaphore, #tpu.memory_space<semaphore_mem>>) src(%arg10 : memref<128x16xf32, #tpu.memory_space<vmem>>) dst(%dma_wait3A_1846 : memref<3072x16xf32, #tpu.memory_space<vmem_shared>>)
    %dma_wait3A_1847 = arith.constant 1280 : i32
    %dma_wait3A_1848 = tpu.memref_slice %arg8[%dma_wait3A_1847] : memref<3200xi32, #tpu.memory_space<vmem>> -> memref<128xi32, #tpu.memory_space<vmem>>
    %dma_wait3A_1849 = arith.constant 0 : i32
    %dma_wait3A_1850 = arith.constant 0 : i32
    %dma_wait3A_1851 = tpu.memref_slice %arg35[%dma_wait3A_1849, %dma_wait3A_1850] : memref<3072x16xf32, #tpu.memory_space<vmem_shared>> -> memref<3072x16xf32, #tpu.memory_space<vmem_shared>>
    tpu.wait_indirect_dma semaphore(%arg16 : memref<!tpu.dma_semaphore, #tpu.memory_space<semaphore_mem>>) src(%arg10 : memref<128x16xf32, #tpu.memory_space<vmem>>) dst(%dma_wait3A_1851 : memref<3072x16xf32, #tpu.memory_space<vmem_shared>>)
    %dma_wait3A_1852 = arith.constant 1408 : i32
    %dma_wait3A_1853 = tpu.memref_slice %arg8[%dma_wait3A_1852] : memref<3200xi32, #tpu.memory_space<vmem>> -> memref<128xi32, #tpu.memory_space<vmem>>
    %dma_wait3A_1854 = arith.constant 0 : i32
    %dma_wait3A_1855 = arith.constant 0 : i32
    %dma_wait3A_1856 = tpu.memref_slice %arg35[%dma_wait3A_1854, %dma_wait3A_1855] : memref<3072x16xf32, #tpu.memory_space<vmem_shared>> -> memref<3072x16xf32, #tpu.memory_space<vmem_shared>>
    tpu.wait_indirect_dma semaphore(%arg16 : memref<!tpu.dma_semaphore, #tpu.memory_space<semaphore_mem>>) src(%arg10 : memref<128x16xf32, #tpu.memory_space<vmem>>) dst(%dma_wait3A_1856 : memref<3072x16xf32, #tpu.memory_space<vmem_shared>>)
    %dma_wait3A_1857 = arith.constant 1536 : i32
    %dma_wait3A_1858 = tpu.memref_slice %arg8[%dma_wait3A_1857] : memref<3200xi32, #tpu.memory_space<vmem>> -> memref<128xi32, #tpu.memory_space<vmem>>
    %dma_wait3A_1859 = arith.constant 0 : i32
    %dma_wait3A_1860 = arith.constant 0 : i32
    %dma_wait3A_1861 = tpu.memref_slice %arg35[%dma_wait3A_1859, %dma_wait3A_1860] : memref<3072x16xf32, #tpu.memory_space<vmem_shared>> -> memref<3072x16xf32, #tpu.memory_space<vmem_shared>>
    tpu.wait_indirect_dma semaphore(%arg16 : memref<!tpu.dma_semaphore, #tpu.memory_space<semaphore_mem>>) src(%arg10 : memref<128x16xf32, #tpu.memory_space<vmem>>) dst(%dma_wait3A_1861 : memref<3072x16xf32, #tpu.memory_space<vmem_shared>>)
    %dma_wait3A_1862 = arith.constant 1664 : i32
    %dma_wait3A_1863 = tpu.memref_slice %arg8[%dma_wait3A_1862] : memref<3200xi32, #tpu.memory_space<vmem>> -> memref<128xi32, #tpu.memory_space<vmem>>
    %dma_wait3A_1864 = arith.constant 0 : i32
    %dma_wait3A_1865 = arith.constant 0 : i32
    %dma_wait3A_1866 = tpu.memref_slice %arg35[%dma_wait3A_1864, %dma_wait3A_1865] : memref<3072x16xf32, #tpu.memory_space<vmem_shared>> -> memref<3072x16xf32, #tpu.memory_space<vmem_shared>>
    tpu.wait_indirect_dma semaphore(%arg16 : memref<!tpu.dma_semaphore, #tpu.memory_space<semaphore_mem>>) src(%arg10 : memref<128x16xf32, #tpu.memory_space<vmem>>) dst(%dma_wait3A_1866 : memref<3072x16xf32, #tpu.memory_space<vmem_shared>>)
    %dma_wait3A_1867 = arith.constant 1792 : i32
    %dma_wait3A_1868 = tpu.memref_slice %arg8[%dma_wait3A_1867] : memref<3200xi32, #tpu.memory_space<vmem>> -> memref<128xi32, #tpu.memory_space<vmem>>
    %dma_wait3A_1869 = arith.constant 0 : i32
    %dma_wait3A_1870 = arith.constant 0 : i32
    %dma_wait3A_1871 = tpu.memref_slice %arg35[%dma_wait3A_1869, %dma_wait3A_1870] : memref<3072x16xf32, #tpu.memory_space<vmem_shared>> -> memref<3072x16xf32, #tpu.memory_space<vmem_shared>>
    tpu.wait_indirect_dma semaphore(%arg16 : memref<!tpu.dma_semaphore, #tpu.memory_space<semaphore_mem>>) src(%arg10 : memref<128x16xf32, #tpu.memory_space<vmem>>) dst(%dma_wait3A_1871 : memref<3072x16xf32, #tpu.memory_space<vmem_shared>>)
    %dma_wait3A_1872 = arith.constant 1920 : i32
    %dma_wait3A_1873 = tpu.memref_slice %arg8[%dma_wait3A_1872] : memref<3200xi32, #tpu.memory_space<vmem>> -> memref<128xi32, #tpu.memory_space<vmem>>
    %dma_wait3A_1874 = arith.constant 0 : i32
    %dma_wait3A_1875 = arith.constant 0 : i32
    %dma_wait3A_1876 = tpu.memref_slice %arg35[%dma_wait3A_1874, %dma_wait3A_1875] : memref<3072x16xf32, #tpu.memory_space<vmem_shared>> -> memref<3072x16xf32, #tpu.memory_space<vmem_shared>>
    tpu.wait_indirect_dma semaphore(%arg16 : memref<!tpu.dma_semaphore, #tpu.memory_space<semaphore_mem>>) src(%arg10 : memref<128x16xf32, #tpu.memory_space<vmem>>) dst(%dma_wait3A_1876 : memref<3072x16xf32, #tpu.memory_space<vmem_shared>>)
    %dma_wait3A_1877 = arith.constant 2048 : i32
    %dma_wait3A_1878 = tpu.memref_slice %arg8[%dma_wait3A_1877] : memref<3200xi32, #tpu.memory_space<vmem>> -> memref<128xi32, #tpu.memory_space<vmem>>
    %dma_wait3A_1879 = arith.constant 0 : i32
    %dma_wait3A_1880 = arith.constant 0 : i32
    %dma_wait3A_1881 = tpu.memref_slice %arg35[%dma_wait3A_1879, %dma_wait3A_1880] : memref<3072x16xf32, #tpu.memory_space<vmem_shared>> -> memref<3072x16xf32, #tpu.memory_space<vmem_shared>>
    tpu.wait_indirect_dma semaphore(%arg16 : memref<!tpu.dma_semaphore, #tpu.memory_space<semaphore_mem>>) src(%arg10 : memref<128x16xf32, #tpu.memory_space<vmem>>) dst(%dma_wait3A_1881 : memref<3072x16xf32, #tpu.memory_space<vmem_shared>>)
    %dma_wait3A_1882 = arith.constant 2176 : i32
    %dma_wait3A_1883 = tpu.memref_slice %arg8[%dma_wait3A_1882] : memref<3200xi32, #tpu.memory_space<vmem>> -> memref<128xi32, #tpu.memory_space<vmem>>
    %dma_wait3A_1884 = arith.constant 0 : i32
    %dma_wait3A_1885 = arith.constant 0 : i32
    %dma_wait3A_1886 = tpu.memref_slice %arg35[%dma_wait3A_1884, %dma_wait3A_1885] : memref<3072x16xf32, #tpu.memory_space<vmem_shared>> -> memref<3072x16xf32, #tpu.memory_space<vmem_shared>>
    tpu.wait_indirect_dma semaphore(%arg16 : memref<!tpu.dma_semaphore, #tpu.memory_space<semaphore_mem>>) src(%arg10 : memref<128x16xf32, #tpu.memory_space<vmem>>) dst(%dma_wait3A_1886 : memref<3072x16xf32, #tpu.memory_space<vmem_shared>>)
    %dma_wait3A_1887 = arith.constant 2304 : i32
    %dma_wait3A_1888 = tpu.memref_slice %arg8[%dma_wait3A_1887] : memref<3200xi32, #tpu.memory_space<vmem>> -> memref<128xi32, #tpu.memory_space<vmem>>
    %dma_wait3A_1889 = arith.constant 0 : i32
    %dma_wait3A_1890 = arith.constant 0 : i32
    %dma_wait3A_1891 = tpu.memref_slice %arg35[%dma_wait3A_1889, %dma_wait3A_1890] : memref<3072x16xf32, #tpu.memory_space<vmem_shared>> -> memref<3072x16xf32, #tpu.memory_space<vmem_shared>>
    tpu.wait_indirect_dma semaphore(%arg16 : memref<!tpu.dma_semaphore, #tpu.memory_space<semaphore_mem>>) src(%arg10 : memref<128x16xf32, #tpu.memory_space<vmem>>) dst(%dma_wait3A_1891 : memref<3072x16xf32, #tpu.memory_space<vmem_shared>>)
    %dma_wait3A_1892 = arith.constant 2432 : i32
    %dma_wait3A_1893 = tpu.memref_slice %arg8[%dma_wait3A_1892] : memref<3200xi32, #tpu.memory_space<vmem>> -> memref<128xi32, #tpu.memory_space<vmem>>
    %dma_wait3A_1894 = arith.constant 0 : i32
    %dma_wait3A_1895 = arith.constant 0 : i32
    %dma_wait3A_1896 = tpu.memref_slice %arg35[%dma_wait3A_1894, %dma_wait3A_1895] : memref<3072x16xf32, #tpu.memory_space<vmem_shared>> -> memref<3072x16xf32, #tpu.memory_space<vmem_shared>>
    tpu.wait_indirect_dma semaphore(%arg16 : memref<!tpu.dma_semaphore, #tpu.memory_space<semaphore_mem>>) src(%arg10 : memref<128x16xf32, #tpu.memory_space<vmem>>) dst(%dma_wait3A_1896 : memref<3072x16xf32, #tpu.memory_space<vmem_shared>>)
    %dma_wait3A_1897 = arith.constant 2560 : i32
    %dma_wait3A_1898 = tpu.memref_slice %arg8[%dma_wait3A_1897] : memref<3200xi32, #tpu.memory_space<vmem>> -> memref<128xi32, #tpu.memory_space<vmem>>
    %dma_wait3A_1899 = arith.constant 0 : i32
    %dma_wait3A_1900 = arith.constant 0 : i32
    %dma_wait3A_1901 = tpu.memref_slice %arg35[%dma_wait3A_1899, %dma_wait3A_1900] : memref<3072x16xf32, #tpu.memory_space<vmem_shared>> -> memref<3072x16xf32, #tpu.memory_space<vmem_shared>>
    tpu.wait_indirect_dma semaphore(%arg16 : memref<!tpu.dma_semaphore, #tpu.memory_space<semaphore_mem>>) src(%arg10 : memref<128x16xf32, #tpu.memory_space<vmem>>) dst(%dma_wait3A_1901 : memref<3072x16xf32, #tpu.memory_space<vmem_shared>>)
    %dma_wait3A_1902 = arith.constant 2688 : i32
    %dma_wait3A_1903 = tpu.memref_slice %arg8[%dma_wait3A_1902] : memref<3200xi32, #tpu.memory_space<vmem>> -> memref<128xi32, #tpu.memory_space<vmem>>
    %dma_wait3A_1904 = arith.constant 0 : i32
    %dma_wait3A_1905 = arith.constant 0 : i32
    %dma_wait3A_1906 = tpu.memref_slice %arg35[%dma_wait3A_1904, %dma_wait3A_1905] : memref<3072x16xf32, #tpu.memory_space<vmem_shared>> -> memref<3072x16xf32, #tpu.memory_space<vmem_shared>>
    tpu.wait_indirect_dma semaphore(%arg16 : memref<!tpu.dma_semaphore, #tpu.memory_space<semaphore_mem>>) src(%arg10 : memref<128x16xf32, #tpu.memory_space<vmem>>) dst(%dma_wait3A_1906 : memref<3072x16xf32, #tpu.memory_space<vmem_shared>>)
    %dma_wait3A_1907 = arith.constant 2816 : i32
    %dma_wait3A_1908 = tpu.memref_slice %arg8[%dma_wait3A_1907] : memref<3200xi32, #tpu.memory_space<vmem>> -> memref<128xi32, #tpu.memory_space<vmem>>
    %dma_wait3A_1909 = arith.constant 0 : i32
    %dma_wait3A_1910 = arith.constant 0 : i32
    %dma_wait3A_1911 = tpu.memref_slice %arg35[%dma_wait3A_1909, %dma_wait3A_1910] : memref<3072x16xf32, #tpu.memory_space<vmem_shared>> -> memref<3072x16xf32, #tpu.memory_space<vmem_shared>>
    tpu.wait_indirect_dma semaphore(%arg16 : memref<!tpu.dma_semaphore, #tpu.memory_space<semaphore_mem>>) src(%arg10 : memref<128x16xf32, #tpu.memory_space<vmem>>) dst(%dma_wait3A_1911 : memref<3072x16xf32, #tpu.memory_space<vmem_shared>>)
    %dma_wait3A_1912 = arith.constant 2944 : i32
    %dma_wait3A_1913 = tpu.memref_slice %arg8[%dma_wait3A_1912] : memref<3200xi32, #tpu.memory_space<vmem>> -> memref<128xi32, #tpu.memory_space<vmem>>
    %dma_wait3A_1914 = arith.constant 0 : i32
    %dma_wait3A_1915 = arith.constant 0 : i32
    %dma_wait3A_1916 = tpu.memref_slice %arg35[%dma_wait3A_1914, %dma_wait3A_1915] : memref<3072x16xf32, #tpu.memory_space<vmem_shared>> -> memref<3072x16xf32, #tpu.memory_space<vmem_shared>>
    tpu.wait_indirect_dma semaphore(%arg16 : memref<!tpu.dma_semaphore, #tpu.memory_space<semaphore_mem>>) src(%arg10 : memref<128x16xf32, #tpu.memory_space<vmem>>) dst(%dma_wait3A_1916 : memref<3072x16xf32, #tpu.memory_space<vmem_shared>>)
    %dma_wait3A_1917 = arith.constant 3072 : i32
    %dma_wait3A_1918 = tpu.memref_slice %arg8[%dma_wait3A_1917] : memref<3200xi32, #tpu.memory_space<vmem>> -> memref<128xi32, #tpu.memory_space<vmem>>
    %dma_wait3A_1919 = arith.constant 0 : i32
    %dma_wait3A_1920 = arith.constant 0 : i32
    %dma_wait3A_1921 = tpu.memref_slice %arg35[%dma_wait3A_1919, %dma_wait3A_1920] : memref<3072x16xf32, #tpu.memory_space<vmem_shared>> -> memref<3072x16xf32, #tpu.memory_space<vmem_shared>>
    tpu.wait_indirect_dma semaphore(%arg16 : memref<!tpu.dma_semaphore, #tpu.memory_space<semaphore_mem>>) src(%arg10 : memref<128x16xf32, #tpu.memory_space<vmem>>) dst(%dma_wait3A_1921 : memref<3072x16xf32, #tpu.memory_space<vmem_shared>>)
    %dma_wait3A_1922 = arith.constant 0 : i32
    %dma_wait3A_1923 = tpu.memref_slice %arg3[%dma_wait3A_1922] : memref<102400xi32, #tpu.memory_space<hbm>> -> memref<102400xi32, #tpu.memory_space<hbm>>
    tpu.wait_indirect_dma semaphore(%arg17 : memref<!tpu.dma_semaphore, #tpu.memory_space<semaphore_mem>>) src(%dma_wait3A_1923 : memref<102400xi32, #tpu.memory_space<hbm>>) dst(%arg14 : memref<32xi32, #tpu.memory_space<vmem>>)
    "tpu.region"() ({
      %run_scoped3A = tpu.sem_alloc : memref<!tpu.dma_semaphore, #tpu.memory_space<semaphore_mem>>
      %dma_start3A_1925 = tpu.memref_slice %arg7[%mul3A_338] : memref<1024xi32, #tpu.memory_space<hbm>> -> memref<32xi32, #tpu.memory_space<hbm>>
      %dma_start3A_1926 = tpu.memref_slice %arg7[%mul3A_338] : memref<1024xi32, #tpu.memory_space<hbm>> -> memref<32xi32, #tpu.memory_space<hbm>>
      tpu.enqueue_dma source(%arg14 : memref<32xi32, #tpu.memory_space<vmem>>) target(%dma_start3A_1926 : memref<32xi32, #tpu.memory_space<hbm>>) target_semaphore(%run_scoped3A : memref<!tpu.dma_semaphore, #tpu.memory_space<semaphore_mem>>)
      %dma_wait3A_1927 = tpu.memref_slice %arg7[%mul3A_338] : memref<1024xi32, #tpu.memory_space<hbm>> -> memref<32xi32, #tpu.memory_space<hbm>>
      %dma_wait3A_1928 = tpu.memref_slice %arg7[%mul3A_338] : memref<1024xi32, #tpu.memory_space<hbm>> -> memref<32xi32, #tpu.memory_space<hbm>>
      tpu.wait_dma2 semaphore(%run_scoped3A : memref<!tpu.dma_semaphore, #tpu.memory_space<semaphore_mem>>) src(%arg14 : memref<32xi32, #tpu.memory_space<vmem>>) dst(%dma_wait3A_1928 : memref<32xi32, #tpu.memory_space<hbm>>)
      tpu.yield
    }) : () -> ()
    %barrier3A_1924 = arith.constant 0 : index
    tpu.barrier barrier_id(%barrier3A_1924)
    "tpu.region"() ({
      %run_scoped3A = tpu.sem_alloc : memref<!tpu.dma_semaphore, #tpu.memory_space<semaphore_mem>>
      %dma_start3A_1925 = arith.constant 0 : i32
      %dma_start3A_1926 = tpu.memref_slice %arg5[%arg0, %mul3A_336, %dma_start3A_1925] : memref<2x3072x64xf32, #tpu.memory_space<hbm>> -> memref<1x192x64xf32, #tpu.memory_space<hbm>>
      %dma_start3A_1927 = tpu.memref_squeeze %dma_start3A_1926 : memref<1x192x64xf32, #tpu.memory_space<hbm>> -> memref<192x64xf32, #tpu.memory_space<hbm>>
      %dma_start3A_1928 = arith.constant 0 : i32
      %dma_start3A_1929 = tpu.memref_slice %arg34[%mul3A_336, %dma_start3A_1928] : memref<3072x64xf32, #tpu.memory_space<vmem_shared>> -> memref<192x64xf32, #tpu.memory_space<vmem_shared>>
      tpu.enqueue_dma source(%dma_start3A_1929 : memref<192x64xf32, #tpu.memory_space<vmem_shared>>) target(%dma_start3A_1927 : memref<192x64xf32, #tpu.memory_space<hbm>>) target_semaphore(%run_scoped3A : memref<!tpu.dma_semaphore, #tpu.memory_space<semaphore_mem>>)
      %dma_wait3A_1930 = arith.constant 0 : i32
      %dma_wait3A_1931 = tpu.memref_slice %arg5[%arg0, %mul3A_336, %dma_wait3A_1930] : memref<2x3072x64xf32, #tpu.memory_space<hbm>> -> memref<1x192x64xf32, #tpu.memory_space<hbm>>
      %dma_wait3A_1932 = tpu.memref_squeeze %dma_wait3A_1931 : memref<1x192x64xf32, #tpu.memory_space<hbm>> -> memref<192x64xf32, #tpu.memory_space<hbm>>
      %dma_wait3A_1933 = arith.constant 0 : i32
      %dma_wait3A_1934 = tpu.memref_slice %arg34[%mul3A_336, %dma_wait3A_1933] : memref<3072x64xf32, #tpu.memory_space<vmem_shared>> -> memref<192x64xf32, #tpu.memory_space<vmem_shared>>
      tpu.wait_dma2 semaphore(%run_scoped3A : memref<!tpu.dma_semaphore, #tpu.memory_space<semaphore_mem>>) src(%dma_wait3A_1934 : memref<192x64xf32, #tpu.memory_space<vmem_shared>>) dst(%dma_wait3A_1932 : memref<192x64xf32, #tpu.memory_space<hbm>>)
      tpu.yield
    }) : () -> ()
    "tpu.region"() ({
      %run_scoped3A = tpu.sem_alloc : memref<!tpu.dma_semaphore, #tpu.memory_space<semaphore_mem>>
      %dma_start3A_1925 = arith.constant 0 : i32
      %dma_start3A_1926 = tpu.memref_slice %arg6[%arg0, %mul3A_336, %dma_start3A_1925] : memref<2x3072x16xf32, #tpu.memory_space<hbm>> -> memref<1x192x16xf32, #tpu.memory_space<hbm>>
      %dma_start3A_1927 = tpu.memref_squeeze %dma_start3A_1926 : memref<1x192x16xf32, #tpu.memory_space<hbm>> -> memref<192x16xf32, #tpu.memory_space<hbm>>
      %dma_start3A_1928 = arith.constant 0 : i32
      %dma_start3A_1929 = tpu.memref_slice %arg35[%mul3A_336, %dma_start3A_1928] : memref<3072x16xf32, #tpu.memory_space<vmem_shared>> -> memref<192x16xf32, #tpu.memory_space<vmem_shared>>
      tpu.enqueue_dma source(%dma_start3A_1929 : memref<192x16xf32, #tpu.memory_space<vmem_shared>>) target(%dma_start3A_1927 : memref<192x16xf32, #tpu.memory_space<hbm>>) target_semaphore(%run_scoped3A : memref<!tpu.dma_semaphore, #tpu.memory_space<semaphore_mem>>)
      %dma_wait3A_1930 = arith.constant 0 : i32
      %dma_wait3A_1931 = tpu.memref_slice %arg6[%arg0, %mul3A_336, %dma_wait3A_1930] : memref<2x3072x16xf32, #tpu.memory_space<hbm>> -> memref<1x192x16xf32, #tpu.memory_space<hbm>>
      %dma_wait3A_1932 = tpu.memref_squeeze %dma_wait3A_1931 : memref<1x192x16xf32, #tpu.memory_space<hbm>> -> memref<192x16xf32, #tpu.memory_space<hbm>>
      %dma_wait3A_1933 = arith.constant 0 : i32
      %dma_wait3A_1934 = tpu.memref_slice %arg35[%mul3A_336, %dma_wait3A_1933] : memref<3072x16xf32, #tpu.memory_space<vmem_shared>> -> memref<192x16xf32, #tpu.memory_space<vmem_shared>>
      tpu.wait_dma2 semaphore(%run_scoped3A : memref<!tpu.dma_semaphore, #tpu.memory_space<semaphore_mem>>) src(%dma_wait3A_1934 : memref<192x16xf32, #tpu.memory_space<vmem_shared>>) dst(%dma_wait3A_1932 : memref<192x16xf32, #tpu.memory_space<hbm>>)
      tpu.yield
    }) : () -> ()
    return
  }
}

module attributes {stable_mosaic.version = 14 : i64} {
  func.func @_tc_body(%arg0: i32, %arg1: memref<256x64xf32, #tpu.memory_space<vmem>>, %arg2: memref<2x3072x64xf32, #tpu.memory_space<vmem>>, %arg3: memref<2x3072x16xf32, #tpu.memory_space<vmem>>, %arg4: memref<1x1x256xi32, #tpu.memory_space<vmem>>, %arg5: memref<1x1xf32, #tpu.memory_space<vmem>>) attributes {dimension_semantics = [#tpu.dimension_semantics<arbitrary>], iteration_bounds = array<i64: 4>, scalar_prefetch = 0 : i64, scratch_operands = 0 : i64, tpu.core_type = #tpu.core_type<tc>, window_params = [{transform_indices = @transform_0, window_bounds = array<i64: 256, 64>}, {pipeline_mode = #tpu.pipeline_mode<synchronous>, transform_indices = @transform_1, window_bounds = array<i64: 2, 3072, 64>}, {pipeline_mode = #tpu.pipeline_mode<synchronous>, transform_indices = @transform_2, window_bounds = array<i64: 2, 3072, 16>}, {transform_indices = @transform_3, window_bounds = array<i64: 1, 1, 256>}, {pipeline_mode = #tpu.pipeline_mode<synchronous>, transform_indices = @transform_4, window_bounds = array<i64: 1, 1>}]} {
    %get3A = arith.constant 0 : index
    %get3A_0 = arith.constant 0 : index
    %get3A_1 = arith.constant 0 : index
    %get3A_2 = vector.load %arg2[%get3A, %get3A_0, %get3A_1] : memref<2x3072x64xf32, #tpu.memory_space<vmem>>, vector<2x3072x64xf32>
    %slice3A = vector.extract_strided_slice %get3A_2 {offsets = [0, 0, 0], sizes = [1, 3072, 64], strides = [1, 1, 1]} : vector<2x3072x64xf32> to vector<1x3072x64xf32>
    %squeeze3A = vector.shape_cast %slice3A : vector<1x3072x64xf32> to vector<3072x64xf32>
    %slice3A_3 = vector.extract_strided_slice %get3A_2 {offsets = [1, 0, 0], sizes = [1, 3072, 64], strides = [1, 1, 1]} : vector<2x3072x64xf32> to vector<1x3072x64xf32>
    %squeeze3A_4 = vector.shape_cast %slice3A_3 : vector<1x3072x64xf32> to vector<3072x64xf32>
    %add3A = arith.addf %squeeze3A, %squeeze3A_4 : vector<3072x64xf32>
    %get3A_5 = arith.constant 0 : index
    %get3A_6 = arith.constant 0 : index
    %get3A_7 = arith.constant 0 : index
    %get3A_8 = vector.load %arg3[%get3A_5, %get3A_6, %get3A_7] : memref<2x3072x16xf32, #tpu.memory_space<vmem>>, vector<2x3072x16xf32>
    %slice3A_9 = vector.extract_strided_slice %get3A_8 {offsets = [0, 0, 0], sizes = [1, 3072, 16], strides = [1, 1, 1]} : vector<2x3072x16xf32> to vector<1x3072x16xf32>
    %squeeze3A_10 = vector.shape_cast %slice3A_9 : vector<1x3072x16xf32> to vector<3072x16xf32>
    %slice3A_11 = vector.extract_strided_slice %get3A_8 {offsets = [1, 0, 0], sizes = [1, 3072, 16], strides = [1, 1, 1]} : vector<2x3072x16xf32> to vector<1x3072x16xf32>
    %squeeze3A_12 = vector.shape_cast %slice3A_11 : vector<1x3072x16xf32> to vector<3072x16xf32>
    %add3A_13 = arith.addf %squeeze3A_10, %squeeze3A_12 : vector<3072x16xf32>
    %reduce_sum3A = arith.constant dense<0.000000e+00> : vector<3072xf32>
    %reduce_sum3A_14 = vector.multi_reduction <add>, %add3A_13, %reduce_sum3A [1] : vector<3072x16xf32> to vector<3072xf32>
    %broadcast_in_dim3A = vector.shape_cast %reduce_sum3A_14 : vector<3072xf32> to vector<3072x1xf32>
    %iota3A = tpu.iota {dimensions = array<i32: 0>} : vector<3072x1xi32>
    %gt3A = arith.constant 0.000000e+00 : f32
    %gt3A_15 = vector.broadcast %gt3A : f32 to vector<3072x1xf32>
    %gt3A_16 = arith.cmpf ogt, %broadcast_in_dim3A, %gt3A_15 : vector<3072x1xf32>
    %lt3A = arith.constant 3000 : i32
    %lt3A_17 = vector.broadcast %lt3A : i32 to vector<3072x1xi32>
    %lt3A_18 = arith.cmpi slt, %iota3A, %lt3A_17 : vector<3072x1xi32>
    %and3A = arith.andi %gt3A_16, %lt3A_18 : vector<3072x1xi1>
    %jit3A = arith.constant 1.000000e+00 : f32
    %broadcast_in_dim3A_19 = vector.broadcast %jit3A : f32 to vector<3072x1xf32>
    %select_n3A = arith.select %gt3A_16, %broadcast_in_dim3A, %broadcast_in_dim3A_19 : vector<3072x1xi1>, vector<3072x1xf32>
    %div3A = arith.constant 2.000000e+01 : f32
    %div3A_20 = vector.broadcast %div3A : f32 to vector<3072x1xf32>
    %div3A_21 = arith.divf %div3A_20, %select_n3A : vector<3072x1xf32>
    %mul3A = vector.broadcast %div3A_21 : vector<3072x1xf32> to vector<3072x64xf32>
    %mul3A_22 = arith.mulf %add3A, %mul3A : vector<3072x64xf32>
    %get3A_23 = arith.constant 0 : index
    %get3A_24 = arith.constant 0 : index
    %get3A_25 = vector.load %arg1[%get3A_23, %get3A_24] : memref<256x64xf32, #tpu.memory_space<vmem>>, vector<256x64xf32>
    %dot_general3A = arith.constant dense<0.000000e+00> : vector<3072x256xf32>
    %dot_general3A_26 = tpu.matmul %mul3A_22, %get3A_25, %dot_general3A {dimension_numbers = #tpu.dot_dimension_numbers<[1], [1], [0], [0], [0, 0, 1, 0], [], []>, transpose_lhs_hint = false} : vector<3072x64xf32>, vector<256x64xf32>, vector<3072x256xf32> -> vector<3072x256xf32>
    %exp3A = math.exp %dot_general3A_26 : vector<3072x256xf32>
    %convert_element_type3A = arith.extui %and3A : vector<3072x1xi1> to vector<3072x1xi32>
    %convert_element_type3A_27 = arith.sitofp %convert_element_type3A : vector<3072x1xi32> to vector<3072x1xf32>
    %mul3A_28 = vector.broadcast %convert_element_type3A_27 : vector<3072x1xf32> to vector<3072x256xf32>
    %mul3A_29 = arith.mulf %exp3A, %mul3A_28 : vector<3072x256xf32>
    %reduce_sum3A_30 = arith.constant dense<0.000000e+00> : vector<256xf32>
    %reduce_sum3A_31 = vector.multi_reduction <add>, %mul3A_29, %reduce_sum3A_30 [0] : vector<3072x256xf32> to vector<256xf32>
    %broadcast_in_dim3A_32 = vector.shape_cast %reduce_sum3A_31 : vector<256xf32> to vector<1x256xf32>
    %get3A_33 = arith.constant 0 : index
    %get3A_34 = arith.constant 0 : index
    %get3A_35 = arith.constant 0 : index
    %get3A_36 = vector.load %arg4[%get3A_33, %get3A_34, %get3A_35] : memref<1x1x256xi32, #tpu.memory_space<vmem>>, vector<1x1x256xi32>
    %get3A_37 = vector.shape_cast %get3A_36 : vector<1x1x256xi32> to vector<1x256xi32>
    %iota3A_38 = tpu.iota {dimensions = array<i32: 0>} : vector<3072x256xi32>
    %eq3A = vector.broadcast %get3A_37 : vector<1x256xi32> to vector<3072x256xi32>
    %eq3A_39 = arith.cmpi eq, %iota3A_38, %eq3A : vector<3072x256xi32>
    %convert_element_type3A_40 = arith.extui %eq3A_39 : vector<3072x256xi1> to vector<3072x256xi32>
    %convert_element_type3A_41 = arith.sitofp %convert_element_type3A_40 : vector<3072x256xi32> to vector<3072x256xf32>
    %mul3A_42 = arith.mulf %mul3A_29, %convert_element_type3A_41 : vector<3072x256xf32>
    %reduce_sum3A_43 = arith.constant dense<0.000000e+00> : vector<256xf32>
    %reduce_sum3A_44 = vector.multi_reduction <add>, %mul3A_42, %reduce_sum3A_43 [0] : vector<3072x256xf32> to vector<256xf32>
    %broadcast_in_dim3A_45 = vector.shape_cast %reduce_sum3A_44 : vector<256xf32> to vector<1x256xf32>
    %add3A_46 = arith.constant 9.99999997E-7 : f32
    %add3A_47 = vector.broadcast %add3A_46 : f32 to vector<1x256xf32>
    %add3A_48 = arith.addf %broadcast_in_dim3A_32, %add3A_47 : vector<1x256xf32>
    %div3A_49 = arith.divf %broadcast_in_dim3A_45, %add3A_48 : vector<1x256xf32>
    %add3A_50 = arith.constant 9.99999997E-7 : f32
    %add3A_51 = vector.broadcast %add3A_50 : f32 to vector<1x256xf32>
    %add3A_52 = arith.addf %div3A_49, %add3A_51 : vector<1x256xf32>
    %log3A = math.log %add3A_52 : vector<1x256xf32>
    %reduce_sum3A_53 = arith.constant dense<0.000000e+00> : vector<1xf32>
    %reduce_sum3A_54 = vector.multi_reduction <add>, %log3A, %reduce_sum3A_53 [1] : vector<1x256xf32> to vector<1xf32>
    %broadcast_in_dim3A_55 = vector.shape_cast %reduce_sum3A_54 : vector<1xf32> to vector<1x1xf32>
    %eq3A_56 = arith.constant 0 : i32
    %eq3A_57 = arith.cmpi eq, %arg0, %eq3A_56 : i32
    %convert_element_type3A_58 = arith.extui %eq3A_57 : i1 to i32
    %cond3A = arith.constant 0 : i32
    %cond3A_59 = arith.cmpi ne, %convert_element_type3A_58, %cond3A : i32
    scf.if %cond3A_59 {
      %broadcast_in_dim3A_71 = arith.constant 0.000000e+00 : f32
      %broadcast_in_dim3A_72 = vector.broadcast %broadcast_in_dim3A_71 : f32 to vector<1x1xf32>
      %swap3A_73 = arith.constant 0 : index
      %swap3A_74 = arith.constant 0 : index
      %swap3A_75 = vector.load %arg5[%swap3A_73, %swap3A_74] : memref<1x1xf32, #tpu.memory_space<vmem>>, vector<1x1xf32>
      tpu.vector_store %arg5[%swap3A_73, %swap3A_74], %broadcast_in_dim3A_72 {strides = array<i32>} : memref<1x1xf32, #tpu.memory_space<vmem>>, vector<1x1xf32>,
    } else {
    }
    %get3A_60 = arith.constant 0 : index
    %get3A_61 = arith.constant 0 : index
    %get3A_62 = vector.load %arg5[%get3A_60, %get3A_61] : memref<1x1xf32, #tpu.memory_space<vmem>>, vector<1x1xf32>
    %add3A_63 = arith.addf %get3A_62, %broadcast_in_dim3A_55 : vector<1x1xf32>
    %swap3A = arith.constant 0 : index
    %swap3A_64 = arith.constant 0 : index
    %swap3A_65 = vector.load %arg5[%swap3A, %swap3A_64] : memref<1x1xf32, #tpu.memory_space<vmem>>, vector<1x1xf32>
    tpu.vector_store %arg5[%swap3A, %swap3A_64], %add3A_63 {strides = array<i32>} : memref<1x1xf32, #tpu.memory_space<vmem>>, vector<1x1xf32>,
    %eq3A_66 = arith.constant 3 : i32
    %eq3A_67 = arith.cmpi eq, %arg0, %eq3A_66 : i32
    %convert_element_type3A_68 = arith.extui %eq3A_67 : i1 to i32
    %cond3A_69 = arith.constant 0 : i32
    %cond3A_70 = arith.cmpi ne, %convert_element_type3A_68, %cond3A_69 : i32
    scf.if %cond3A_70 {
      %get3A_71 = arith.constant 0 : index
      %get3A_72 = arith.constant 0 : index
      %get3A_73 = vector.load %arg5[%get3A_71, %get3A_72] : memref<1x1xf32, #tpu.memory_space<vmem>>, vector<1x1xf32>
      %mul3A_74 = arith.constant -9.765625E-4 : f32
      %mul3A_75 = vector.broadcast %mul3A_74 : f32 to vector<1x1xf32>
      %mul3A_76 = arith.mulf %get3A_73, %mul3A_75 : vector<1x1xf32>
      %swap3A_77 = arith.constant 0 : index
      %swap3A_78 = arith.constant 0 : index
      %swap3A_79 = vector.load %arg5[%swap3A_77, %swap3A_78] : memref<1x1xf32, #tpu.memory_space<vmem>>, vector<1x1xf32>
      tpu.vector_store %arg5[%swap3A_77, %swap3A_78], %mul3A_76 {strides = array<i32>} : memref<1x1xf32, #tpu.memory_space<vmem>>, vector<1x1xf32>,
    } else {
    }
    return
  }
  func.func @transform_0(%arg0: i32) -> (i32, i32) {
    %c0_i32 = arith.constant 0 : i32
    %c0_i32_0 = arith.constant 0 : i32
    return %arg0, %c0_i32 : i32, i32
  }
  func.func @transform_1(%arg0: i32) -> (i32, i32, i32) {
    %c0_i32 = arith.constant 0 : i32
    %c0_i32_0 = arith.constant 0 : i32
    %c0_i32_1 = arith.constant 0 : i32
    %c0_i32_2 = arith.constant 0 : i32
    return %c0_i32, %c0_i32_0, %c0_i32_1 : i32, i32, i32
  }
  func.func @transform_2(%arg0: i32) -> (i32, i32, i32) {
    %c0_i32 = arith.constant 0 : i32
    %c0_i32_0 = arith.constant 0 : i32
    %c0_i32_1 = arith.constant 0 : i32
    %c0_i32_2 = arith.constant 0 : i32
    return %c0_i32, %c0_i32_0, %c0_i32_1 : i32, i32, i32
  }
  func.func @transform_3(%arg0: i32) -> (i32, i32, i32) {
    %c0_i32 = arith.constant 0 : i32
    %c0_i32_0 = arith.constant 0 : i32
    %c0_i32_1 = arith.constant 0 : i32
    return %arg0, %c0_i32, %c0_i32_0 : i32, i32, i32
  }
  func.func @transform_4(%arg0: i32) -> (i32, i32) {
    %c0_i32 = arith.constant 0 : i32
    %c0_i32_0 = arith.constant 0 : i32
    %c0_i32_1 = arith.constant 0 : i32
    return %c0_i32, %c0_i32_0 : i32, i32
  }
}

</mosaic_0001>

<sc_bundles>
// kernel: kernel.4.cloned.1.call-start
scs
__scs_entry_jumppad:
0x0: {  	(pc) =	sbr.rel $0x88, $3  }
0x1: {  	(tag) =	ssettag $0x0;
	lr =	simm.s32 $0x1  }
0x2: {  	[smem:$0x3F9D] =	sst lr;
	_ =	strace $0xD0000000  }
0x3: {  	_ = 	snop  }
0x4: {  	_ = 	snop  }
0x5: {  	_ = 	snop  }
0x6: {  	_ = 	snop  }
0x7: {  	_ = 	snop  }
__scs_overlays_trampoline_lowered:
0x8: {  	[smem:$0x3FAC] =	sst s0  }
0x9: {  	[smem:$0x3FAD] =	sst s1  }
0xa: {  	[smem:$0x3FAE] =	sst s2  }
0xb: {  	[smem:$0x3FAF] =	sst s3  }
0xc: {  	[smem:$0x3FB0] =	sst s4  }
0xd: {  	[smem:$0x3FB1] =	sst s5  }
0xe: {  	[smem:$0x3FB2] =	sst s6  }
0xf: {  	[smem:$0x3FB3] =	sst s7  }
0x10: {  	[smem:$0x3FB4] =	sst s8  }
0x11: {  	[smem:$0x3FB5] =	sst s9;
	s0 =	simm.s32 @!p0 $0x0  }
0x12: {  	s1 =	sld [smem:$0x3F9B];
	s0 =	simm.s32 @p0 $0x1  }
0x13: {  	[smem:$0x3FB6] =	sst s0;
	s0 =	simm.s32 @!p1 $0x0  }
0x14: {  	s2 =	sld [smem:$0x3F9A];
	s0 =	simm.s32 @p1 $0x1  }
0x15: {  	[smem:$0x3FB7] =	sst s0;
	s0 =	simm.s32 @!p2 $0x0  }
0x16: {  	s3 =	sld [smem:$0x3FDB];
	s0 =	simm.s32 @p2 $0x1  }
0x17: {  	s4 =	simm.s32 $0x1BF5;
	[smem:$0x3FB9] =	sst s0  }
0x18: {  	s0 =	sld [smem:$0x3F9C];
	_ =	swait.ge [sflag:s4], $0x0  }
0x19: {  	s7 =	sld [smem:$0x3F9D]  }
0x1a: {  	s8 =	sadd.s32 $0xFFFFE003, lr  }
0x1b: {  	s9 =	sadd.s32 $0xFFFFFEF7, lr;
	s5 =	simm.s32 $0xFFFFFFFF;
	p2 =	slt.u32 s8, $0xFFFFF086  }
0x1c: {  	p1 =	slt.u32 s9, $0xF7A;
	s5 =	simm.s32 @!p2 $0x0  }
0x1d: {  	s5 =	simm.s32 @p1 $0x1;
	p0 =	seq.s32 s7, s2  }
0x1e: {  	s7 =	smul.u32 @!p0 $0xF7A, s2;
	p2 =	seq.s32 @!p0 s5, $0x0  }
0x1f: {  	s9 =	smul.u32 $0xF7A, s1;
	s8 =	simm.s32 @!p0 $0x1BF5;
	p2 =	por !p2, p0  }
0x20: {  	[sflag:s8] =	ssyncset.s32 @!p0 $0xFFFFF086;
	s6 =	sadd.s32 @!p0 s3, s7;
	s7 =	simm.s32 @!p0 $0x108  }
0x21: {  	s3 =	sadd.s32 s3, s9;
	s6 =	sadd.s32 @!p0 $0x88, s6;
	s7 =	simm.s32 @p2 $0x1082  }
0x22: {  	[simem:s7], [sflag:s8] =	dma.local @!p0 [hbm:s6], $0xF7A  }
0x23: {  	s9 =	sor.u32 $0xD0000000, s2;
	s6 =	simm.s32 $0x108;
	_ =	swait.ge @!p0 [sflag:s8], $0x0  }
0x24: {  	s3 =	sadd.s32 $0x88, s3;
	s6 =	simm.s32 @!p1 $0x1082;
	[sflag:s4] =	ssyncset.s32 $0xFFFFF086  }
0x25: {  	[simem:s6], [sflag:s4] =	dma.local [hbm:s3], $0xF7A  }
0x26: {  	[smem:$0x3F9D] =	sst s1;
	(tag) =	ssettag s2;
	_ =	strace s9  }
0x27: {  	s1 =	sld [smem:$0x3FAD]  }
0x28: {  	s2 =	sld [smem:$0x3FAE]  }
0x29: {  	s4 =	sld [smem:$0x3FB0]  }
0x2a: {  	p0 =	seq.s32 s5, $0x0;
	s5 =	sld [smem:$0x3FB1]  }
0x2b: {  	s6 =	sld [smem:$0x3FB2]  }
0x2c: {  	s7 =	sld [smem:$0x3FB3]  }
0x2d: {  	s3 =	simm.s32 $0x108;
	s8 =	sld [smem:$0x3FB4]  }
0x2e: {  	s3 =	simm.s32 @!p0 $0x1082;
	s9 =	sld [smem:$0x3FB5]  }
0x2f: {  	lr =	sadd.s32 s0, s3;
	s0 =	sld [smem:$0x3FAC]  }
0x30: {  	s3 =	sld [smem:$0x3FAF]  }
0x31: {  	[smem:$0x3FB8] =	sst s10  }
0x32: {  	s10 =	sld [smem:$0x3FB6];
	_ =	sdelay $0x3  }
0x33: {  	p0 =	seq.s32 s10, $0x1;
	s10 =	sld [smem:$0x3FB8];
	_ =	sdelay $0x3  }
0x34: {  	[smem:$0x3FB8] =	sst s10  }
0x35: {  	s10 =	sld [smem:$0x3FB7];
	_ =	sdelay $0x3  }
0x36: {  	p1 =	seq.s32 s10, $0x1;
	s10 =	sld [smem:$0x3FB8];
	_ =	sdelay $0x3  }
0x37: {  	[smem:$0x3FB8] =	sst s10  }
0x38: {  	s10 =	sld [smem:$0x3FB9]  }
0x39: {  	_ = 	snop;
	(pc) =	sbr.ind lr, $3  }
0x3a: {  	_ = 	snop  }
0x3b: {  	_ = 	snop  }
0x3c: {  	p2 =	seq.s32 s10, $0x1;
	s10 =	sld [smem:$0x3FB8]  }
0x3d: {  	_ =	shalt  }
0x3e: {  	_ =	shalt  }
0x3f: {  	_ =	shalt  }
0x40: {  	_ =	shalt  }
0x41: {  	_ =	shalt  }
0x42: {  	_ =	shalt  }
0x43: {  	_ =	shalt  }
0x44: {  	_ =	shalt  }
0x45: {  	_ =	shalt  }
0x46: {  	_ =	shalt  }
0x47: {  	_ =	shalt  }
0x48: {  	_ =	shalt  }
0x49: {  	_ =	shalt  }
0x4a: {  	_ =	shalt  }
0x4b: {  	_ =	shalt  }
0x4c: {  	_ =	shalt  }
0x4d: {  	_ =	shalt  }
0x4e: {  	_ =	shalt  }
0x4f: {  	_ =	shalt  }
0x50: {  	_ =	shalt  }
0x51: {  	_ =	shalt  }
0x52: {  	_ =	shalt  }
0x53: {  	_ =	shalt  }
0x54: {  	_ =	shalt  }
0x55: {  	_ =	shalt  }
0x56: {  	_ =	shalt  }
0x57: {  	_ =	shalt  }
0x58: {  	_ =	shalt  }
0x59: {  	_ =	shalt  }
0x5a: {  	_ =	shalt  }
0x5b: {  	_ =	shalt  }
0x5c: {  	_ =	shalt  }
0x5d: {  	_ =	shalt  }
0x5e: {  	_ =	shalt  }
0x5f: {  	_ =	shalt  }
0x60: {  	_ =	shalt  }
0x61: {  	_ =	shalt  }
0x62: {  	_ =	shalt  }
0x63: {  	_ =	shalt  }
0x64: {  	_ =	shalt  }
0x65: {  	_ =	shalt  }
0x66: {  	_ =	shalt  }
0x67: {  	_ =	shalt  }
0x68: {  	_ =	shalt  }
0x69: {  	_ =	shalt  }
0x6a: {  	_ =	shalt  }
0x6b: {  	_ =	shalt  }
0x6c: {  	_ =	shalt  }
0x6d: {  	_ =	shalt  }
0x6e: {  	_ =	shalt  }
0x6f: {  	_ =	shalt  }
0x70: {  	_ =	shalt  }
0x71: {  	_ =	shalt  }
0x72: {  	_ =	shalt  }
0x73: {  	_ =	shalt  }
0x74: {  	_ =	shalt  }
0x75: {  	_ =	shalt  }
0x76: {  	_ =	shalt  }
0x77: {  	_ =	shalt  }
0x78: {  	_ =	shalt  }
0x79: {  	_ =	shalt  }
0x7a: {  	_ =	shalt  }
0x7b: {  	_ =	shalt  }
0x7c: {  	_ =	shalt  }
0x7d: {  	_ =	shalt  }
0x7e: {  	_ =	shalt  }
0x7f: {  	_ =	shalt  }
0x80: {  	_ =	shalt  }
0x81: {  	_ =	shalt  }
0x82: {  	_ =	shalt  }
0x83: {  	_ =	shalt  }
0x84: {  	_ =	shalt  }
0x85: {  	_ =	shalt  }
0x86: {  	_ =	shalt  }
0x87: {  	_ =	shalt  }
.Lfunc_end0:
.L_simem_size_0:
called_computation_lowered:
.L_overlay_start_0:
0x88: {  	s2 =	sld [smem:$0x3FD9]  }
0x89: {  	s3 =	sld [smem:$0x3FFE];
	_ =	sdelay $0x1  }
0x8a: {  	s1 =	srdreg.scid  }
0x8b: {  	s0 =	sand.u32 $0x1, s1  }
0x8c: {  	s17 =	sshll.u32 s0, $0xA;
	s2 =	sadd.s32 s3, s2  }
0x8d: {  	s2 =	sadd.s32 s2, s17  }
0x8e: {  	[smem:$0x3FC4] =	sst s2  }
0x8f: {  	_ = 	snop  }
0x90: {  	s2 =	sld [smem:$0x3FC8];
	(tm) =	ssettm $0x1  }
0x91: {  	s18 =	sld [smem:$0x3FFB];
	_ =	sdelay $0x3  }
0x92: {  	_ =	strace s18  }
0x93: {  	s3 =	sld [smem:$0x3FFC];
	_ =	sdelay $0x3  }
0x94: {  	_ =	strace s3  }
0x95: {  	s3 =	sld [smem:$0x3FFD];
	_ =	sdelay $0x3  }
0x96: {  	_ =	strace s3  }
0x97: {  	_ =	strace $0x8FFFFFFF  }
0x98: {  	s19 =	sld [smem:$0x3FDB];
	_ =	sdelay $0x1  }
0x99: {  	s4 =	simm.s32 $_scs_section_size  }
0x9a: {  	s5 =	simm.s32 $_size__tile_overlayer_lowered;
	s6 =	simm.s32 $_tile_overlayer_lowered  }
0x9b: {  	s22 =	simm.s32 $0x1BFF;
	s21 =	sshll.u32 s6, $0x1;
	s3 =	sadd.s32 s4, s19  }
0x9c: {  	s7 =	simm.s32 $0x0;
	s20 =	sshll.u32 s5, $0x1;
	s5 =	sadd.s32 s21, s3  }
0x9d: {  	[timem:s7], [sflag:s22] =	dma.local [hbm:s5], s20  }
0x9e: {  	_ =	swait.ge [sflag:s22], s20  }
0x9f: {  	s4 =	ssub.s32 $0x0, s20;
	[sflag:s22] =	ssyncset.done $0x0  }
0xa0: {  	[sflag:s22] =	ssyncadd.s32 s4;
	_ =	sdelay $0x1  }
0xa1: {  	s23 =	simm.s32 $0x1B8B  }
0xa2: {  	_ =	swait.ge [sflag:s23], $0x1  }
0xa3: {  	[sflag:s23] =	ssyncset.done $0x0  }
0xa4: {  	s25 =	simm.s32 $0x1B8E;
	s24 =	sld [smem:$0x3FFE];
	[sflag:s23] =	ssyncadd.s32 $0xFFFFFFFF  }
0xa5: {  	s26 =	simm.s32 $execute0_lowered;
	[smem:$0x3FD2] =	sst s25  }
0xa6: {  	s5 =	sshll.u32 s26, $0x1;
	_ =	strace $0x80000046;
	[dreg:$0x1] =	wrdreg $0xFFFFFFFF  }
0xa7: {  	s28 =	simm.s32 $_size_execute0_lowered;
	s3 =	sadd.s32 s3, s5;
	[dreg:$0x0] =	wrdreg $0x0  }
0xa8: {  	s5 =	sshll.u32 s28, $0x1;
	[dreg:$0x2] =	wrdreg s3  }
0xa9: {  	[dreg:$0x3] =	wrdreg s5  }
0xaa: {  	[dreg:$0x4] =	wrdreg $0xC0  }
0xab: {  	_ =	task [dreg:s7], $0x5FFFF  }
0xac: {  	[dreg:$0x1] =	wrdreg $0xFFFFFFFF  }
0xad: {  	[dreg:$0x0] =	wrdreg $0x60  }
0xae: {  	[dreg:$0x2] =	wrdreg s24  }
0xaf: {  	[dreg:$0x3] =	wrdreg s2  }
0xb0: {  	[dreg:$0x4] =	wrdreg $0x150C00  }
0xb1: {  	[dreg:$0x5] =	wrdreg $0x180C00  }
0xb2: {  	[dreg:$0x6] =	wrdreg $0x9  }
0xb3: {  	_ =	task.clear_ibuf [dreg:s7], $0x7FFFF;
	_ =	strace $0x90000046  }
0xb4: {  	s29 =	simm.s32 $0x9;
	_ =	strace $0x80000048  }
0xb5: {  	_ =	swait.ge [sflag:s29], $0x1  }
0xb6: {  	[sflag:s29] =	ssyncadd.s32 $0xFFFFFFFF  }
0xb7: {  	_ =	strace $0x90000048  }
0xb8: {  	_ =	sfence  }
0xb9: {  	s30 =	sld [smem:$0x0];
	_ =	sdelay $0x2  }
0xba: {  	s31 =	sshll.u32 s1, $0xD;
	s1 =	sshrl.u32 s1, $0x2  }
0xbb: {  	s3 =	sand.u32 $0x4000, s31;
	s1 =	sadd.s32 s1, s30  }
0xbc: {  	s0 =	sor.u32 s3, s0;
	s1 =	sshll.u32 s1, $0x11  }
0xbd: {  	s0 =	sor.u32 s1, s0  }
0xbe: {  	s0 =	sadd.s32 $0x8F2B, s0  }
0xbf: {  	[sflag:s0] =	ssyncadd.remote.s32 $0x1  }
0xc0: {  	_ =	sfence.sel $0xFFFF  }
0xc1: {  	[dreg:$0x0] =	wrdreg $0xFFFFFFFF;
	(pc) =	sbr.abs _section_cstart, $3  }
0xc2: {  	[dreg:$0x1] =	wrdreg $0xFFFFFFFF  }
0xc3: {  	_ =	task.clear_ibuf [dreg:s7], $0x2FFFF;
	_ =	strace $0x9FFFFFFF  }
0xc4: {  	(tm) =	ssettm $0x7FFFFFFF  }
0xc5: {  	_ =	shalt  }
tec
execute0_lowered:
.L_overlay_start_1:
0x0: {  	(tag) =	ssettag $0x1  }
0x1: {  	s0 =	srdreg.scid  }
0x2: {  	s8 =	stileid.u32;
	s2 =	rddreg [dreg:$0x0]  }
0x3: {  	s7 =	rddreg [dreg:$0x1];
	s1 =	simm.s32 $0x0;
	s4 =	smul.u32 $0x3000, s8  }
0x4: {  	s0 =	sand.u32 $0x1, s0;
	s5 =	smul.u32 $0xC00, s8;
	[smem:$0x7FF] =	sst s1  }
0x5: {  	s16 =	sadd.s32 $0x187800, s2;
	s13 =	sshll.u32 s8, $0x1;
	s3 =	smul.u32 $0x30000, s0  }
0x6: {  	s6 =	smul.u32 $0xC000, s0;
	s28 =	sor.u32 s0, s13;
	[smem:$0x7F2] =	sst s4  }
0x7: {  	s0 =	ssub.s32 $0x2, s0;
	[smem:$0x7F4] =	sst s5;
	s15 =	sshll.u32 s28, $0x2  }
0x8: {  	s17 =	sshrl.u32 s0, $0x1;
	s9 =	sshll.u32 s28, $0x7;
	s3 =	sadd.s32 s4, s3  }
0x9: {  	s4 =	sadd.s32 $0xE00, s2;
	s12 =	sadd.s32 s5, s6;
	s18 =	sadd.s32 s15, s2  }
0xa: {  	s0 =	ssub.s32 s0, s17;
	s26 =	sor.u32 $0x4000, s9;
	s29 =	sor.u32 $0x5000, s9  }
0xb: {  	s31 =	sor.u32 $0x6000, s9;
	s23 =	sor.u32 $0x7000, s9;
	s24 =	sor.u32 $0x8000, s9  }
0xc: {  	s25 =	sor.u32 $0x9000, s9;
	s20 =	sor.u32 $0xA000, s9;
	s21 =	sor.u32 $0xB000, s9  }
0xd: {  	s22 =	sor.u32 $0xC000, s9;
	s19 =	sadd.s32 s7, s15;
	s17 =	sor.u32 $0xD000, s9  }
0xe: {  	s13 =	sor.u32 $0x10000, s9;
	s15 =	sor.u32 $0x12000, s9;
	s10 =	sor.u32 $0x13000, s9  }
0xf: {  	s7 =	sor.u32 $0x16000, s9;
	s8 =	sor.u32 $0x17000, s9;
	[smem:$0x7F6] =	sst s18  }
0x10: {  	s5 =	sshll.u32 s28, $0x4;
	s28 =	sshll.u32 s28, $0xB;
	[smem:$0x7FC] =	sst s0  }
0x11: {  	s3 =	sshrl.u32 s3, $0x3;
	s0 =	sor.u32 $0x1000, s9;
	[dreg:$0x6] =	wrdreg s19  }
0x12: {  	s18 =	sor.u32 $0xE000, s9;
	s19 =	sor.u32 $0xF000, s9;
	s1 =	sadd.s32 s16, s28  }
0x13: {  	s6 =	sshll.u32 s8, $0x4;
	s11 =	sadd.s32 s3, s2;
	s3 =	sshrl.u32 s12, $0x3  }
0x14: {  	s12 =	sor.u32 $0x15000, s9;
	[dreg:$0x7] =	wrdreg s1;
	s28 =	sshll.u32 s0, $0x4  }
0x15: {  	s6 =	sadd.s32 s16, s6;
	[smem:$0x7F8] =	sst s11;
	s14 =	sadd.s32 s3, s2  }
0x16: {  	s2 =	sor.u32 $0x2000, s9;
	s3 =	sor.u32 $0x3000, s9;
	[dreg:$0x1e] =	wrdreg s6  }
0x17: {  	s11 =	sor.u32 $0x14000, s9;
	s1 =	sadd.s32 s16, s28;
	[smem:$0x7FA] =	sst s14  }
0x18: {  	s14 =	sor.u32 $0x11000, s9;
	s9 =	sor.u32 $0x18000, s9;
	s30 =	sshll.u32 s2, $0x4  }
0x19: {  	[dreg:$0x8] =	wrdreg s1;
	s28 =	sshll.u32 s3, $0x4;
	s1 =	sadd.s32 s16, s30  }
0x1a: {  	s6 =	sshll.u32 s9, $0x4;
	[dreg:$0x9] =	wrdreg s1;
	s1 =	sadd.s32 s16, s28  }
0x1b: {  	s28 =	sshll.u32 s26, $0x4;
	s6 =	sadd.s32 s16, s6;
	[dreg:$0xa] =	wrdreg s1  }
0x1c: {  	s30 =	sshll.u32 s29, $0x4;
	s1 =	sadd.s32 s16, s28;
	[dreg:$0x1f] =	wrdreg s6  }
0x1d: {  	s28 =	sshll.u32 s31, $0x4;
	[dreg:$0xb] =	wrdreg s1;
	s1 =	sadd.s32 s16, s30  }
0x1e: {  	[dreg:$0xc] =	wrdreg s1;
	s1 =	sadd.s32 s16, s28;
	s28 =	sshll.u32 s23, $0x4  }
0x1f: {  	s30 =	sshll.u32 s24, $0x4;
	[dreg:$0xd] =	wrdreg s1;
	s1 =	sadd.s32 s16, s28  }
0x20: {  	s28 =	sshll.u32 s25, $0x4;
	[dreg:$0xe] =	wrdreg s1;
	s1 =	sadd.s32 s16, s30  }
0x21: {  	[dreg:$0xf] =	wrdreg s1;
	s1 =	sadd.s32 s16, s28;
	s28 =	sshll.u32 s20, $0x4  }
0x22: {  	s30 =	sshll.u32 s21, $0x4;
	[dreg:$0x10] =	wrdreg s1;
	s1 =	sadd.s32 s16, s28  }
0x23: {  	s28 =	sshll.u32 s22, $0x4;
	[dreg:$0x11] =	wrdreg s1;
	s1 =	sadd.s32 s16, s30  }
0x24: {  	[dreg:$0x12] =	wrdreg s1;
	s1 =	sadd.s32 s16, s28;
	s28 =	sshll.u32 s17, $0x4  }
0x25: {  	s30 =	sshll.u32 s18, $0x4;
	[dreg:$0x13] =	wrdreg s1;
	s1 =	sadd.s32 s16, s28  }
0x26: {  	s28 =	sshll.u32 s19, $0x4;
	[dreg:$0x14] =	wrdreg s1;
	s1 =	sadd.s32 s16, s30  }
0x27: {  	[dreg:$0x15] =	wrdreg s1;
	s1 =	sadd.s32 s16, s28;
	s28 =	sshll.u32 s13, $0x4  }
0x28: {  	s30 =	sshll.u32 s14, $0x4;
	[dreg:$0x16] =	wrdreg s1;
	s1 =	sadd.s32 s16, s28  }
0x29: {  	s28 =	sshll.u32 s15, $0x4;
	[dreg:$0x17] =	wrdreg s1;
	s1 =	sadd.s32 s16, s30  }
0x2a: {  	[dreg:$0x18] =	wrdreg s1;
	s1 =	sadd.s32 s16, s28;
	s28 =	sshll.u32 s10, $0x4  }
0x2b: {  	s30 =	sshll.u32 s11, $0x4;
	[dreg:$0x19] =	wrdreg s1;
	s1 =	sadd.s32 s16, s28  }
0x2c: {  	s5 =	sadd.s32 s4, s5;
	[dreg:$0x1a] =	wrdreg s1;
	s1 =	sadd.s32 s16, s30  }
0x2d: {  	s0 =	sshrl.u32 s0, $0x3;
	s28 =	sshll.u32 s12, $0x4;
	[dreg:$0x1b] =	wrdreg s1  }
0x2e: {  	s30 =	sshll.u32 s7, $0x4;
	s1 =	sadd.s32 s16, s28;
	s28 =	rddreg [dreg:$0x2]  }
0x2f: {  	s0 =	sadd.s32 s4, s0;
	[dreg:$0x1c] =	wrdreg s1;
	s1 =	sadd.s32 s16, s30  }
0x30: {  	s2 =	sshrl.u32 s2, $0x3;
	s3 =	sshrl.u32 s3, $0x3;
	[dreg:$0x1d] =	wrdreg s1  }
0x31: {  	s2 =	sadd.s32 s4, s2;
	s6 =	sshrl.u32 s26, $0x3;
	s1 =	rddreg [dreg:$0x3]  }
0x32: {  	s26 =	sshrl.u32 s31, $0x3;
	_ =	strace $0x80000047;
	[smem:$0x7D9] =	sst s5  }
0x33: {  	s31 =	simm.s32 $0x700;
	s17 =	sshrl.u32 s17, $0x3;
	[smem:$0x7DA] =	sst s0  }
0x34: {  	s11 =	sshrl.u32 s11, $0x3;
	s10 =	sshrl.u32 s10, $0x3;
	[smem:$0x7DB] =	sst s2  }
0x35: {  	s16 =	sshrl.u32 s29, $0x3;
	s5 =	sadd.s32 s4, s3;
	[dreg:$0x5] =	wrdreg s4  }
0x36: {  	s0 =	sadd.s32 s4, s6;
	s6 =	sadd.s32 s4, s26;
	[smem:$0x7DC] =	sst s5  }
0x37: {  	s3 =	sshrl.u32 s21, $0x3;
	s21 =	sshrl.u32 s19, $0x3;
	[smem:$0x7DD] =	sst s0  }
0x38: {  	s5 =	sadd.s32 s4, s16;
	[smem:$0x7DF] =	sst s6;
	s16 =	sshrl.u32 s23, $0x3  }
0x39: {  	s23 =	sshrl.u32 s24, $0x3;
	s6 =	sadd.s32 s4, s3;
	[smem:$0x7DE] =	sst s5  }
0x3a: {  	s24 =	sshrl.u32 s25, $0x3;
	s0 =	sadd.s32 s4, s16;
	[smem:$0x7E4] =	sst s6  }
0x3b: {  	s25 =	sadd.s32 s4, s23;
	s23 =	sadd.s32 s4, s21;
	s21 =	sld [smem:$0x7F2]  }
0x3c: {  	s29 =	simm.s32 $0x600;
	s2 =	sshrl.u32 s20, $0x3;
	[smem:$0x7E0] =	sst s0  }
0x3d: {  	s20 =	sshrl.u32 s18, $0x3;
	s26 =	sadd.s32 s4, s24;
	[smem:$0x7E1] =	sst s25  }
0x3e: {  	s5 =	sshrl.u32 s22, $0x3;
	s22 =	sadd.s32 s4, s20;
	[smem:$0x7E2] =	sst s26  }
0x3f: {  	s30 =	simm.s32 $0x680;
	s18 =	sshrl.u32 s9, $0x3;
	[smem:$0x7E7] =	sst s22  }
0x40: {  	s9 =	simm.s32 $0xB00;
	s20 =	sadd.s32 s4, s18;
	[smem:$0x7E8] =	sst s23  }
0x41: {  	s3 =	simm.s32 $0x280;
	s24 =	sshrl.u32 s13, $0x3;
	[smem:$0x7F1] =	sst s20  }
0x42: {  	s13 =	sshrl.u32 s12, $0x3;
	s18 =	simm.s32 $0x200;
	s22 =	sld [smem:$0x7F4]  }
0x43: {  	s12 =	simm.s32 $0xA00;
	s0 =	sadd.s32 s4, s2;
	s23 =	sld [smem:$0x7F6]  }
0x44: {  	s16 =	sadd.s32 s4, s5;
	s25 =	sshrl.u32 s14, $0x3;
	[smem:$0x7E3] =	sst s0  }
0x45: {  	s26 =	sshrl.u32 s15, $0x3;
	s14 =	sadd.s32 s4, s11;
	[smem:$0x7E5] =	sst s16  }
0x46: {  	s15 =	sadd.s32 s4, s13;
	s20 =	simm.s32 $0x100;
	[smem:$0x7ED] =	sst s14  }
0x47: {  	s2 =	simm.s32 $0xB80;
	s11 =	simm.s32 $0x1;
	[smem:$0x7EE] =	sst s15  }
0x48: {  	s13 =	simm.s32 $0x10C80;
	s5 =	sadd.s32 s4, s25;
	s25 =	sld [smem:$0x7FA]  }
0x49: {  	s0 =	sadd.s32 s4, s17;
	s6 =	sadd.s32 s4, s26;
	s26 =	sld [smem:$0x7FC]  }
0x4a: {  	s16 =	sshrl.u32 s7, $0x3;
	s17 =	sshrl.u32 s8, $0x3;
	[smem:$0x7E6] =	sst s0  }
0x4b: {  	s7 =	simm.s32 $0x980;
	s15 =	simm.s32 $0xC00;
	[smem:$0x7EA] =	sst s5  }
0x4c: {  	s8 =	simm.s32 $0x2;
	s0 =	sadd.s32 s4, s24;
	[smem:$0x7EB] =	sst s6  }
0x4d: {  	s19 =	sadd.s32 s4, s17;
	s24 =	sld [smem:$0x7F8];
	s6 =	simm.s32 $0x80  }
0x4e: {  	s5 =	simm.s32 $0x40;
	s17 =	simm.s32 $0xC80;
	[smem:$0x7E9] =	sst s0  }
0x4f: {  	s0 =	sadd.s32 s4, s10;
	[smem:$0x7F0] =	sst s19;
	s10 =	simm.s32 $0x380  }
0x50: {  	s19 =	simm.s32 $0x2C80;
	[smem:$0x7EC] =	sst s0;
	s0 =	sadd.s32 s4, s16  }
0x51: {  	s16 =	simm.s32 $0x180;
	s4 =	simm.s32 $0x300;
	[smem:$0x7EF] =	sst s0  }
0x52: {  	s0 =	sadd.s32 s21, s28;
	s28 =	simm.s32 $0x580;
	s21 =	simm.s32 $0x880  }
0x53: {  	[smem:$0x7F3] =	sst s0;
	s0 =	sadd.s32 s22, s1;
	s1 =	simm.s32 $0x0  }
0x54: {  	s22 =	simm.s32 $0xA80;
	[smem:$0x7F5] =	sst s0;
	s0 =	sadd.s32 $0x13000, s23  }
0x55: {  	s23 =	simm.s32 $0x400;
	[smem:$0x7F7] =	sst s0;
	s0 =	sadd.s32 $0x7000, s24  }
0x56: {  	s24 =	simm.s32 $0x480;
	[smem:$0x7F9] =	sst s0;
	s0 =	sadd.s32 $0x4000, s25  }
0x57: {  	v0 =	vimm.f32 $0.0e+00;
	vm0 =	vcmask $0x300;
	s25 =	simm.s32 $0x500;
	[smem:$0x7FB] =	sst s0;
	s0 =	smax.u32 s26, $0x1  }
0x58: {  	v1 =	vsel vm0, $0x3F800000, v0;
	s26 =	simm.s32 $0x900;
	[smem:$0x7FD] =	sst s0;
	s0 =	simm.s32 $0x0  }
.LBB2_1:
0x59: {  	s14 =	sld [smem:$0x7D9];
	_ =	sdelay $0x2  }
0x5a: {  	[tilespmem:s1], [sflag:$0x1] =	stream.linear.gather [hbm4b:s14+s1], $0x80, $0x38;
	[tilespmem:$0x18CC0] =	vst v63  }
0x5b: {  	s14 =	sld [smem:$0x7DA];
	_ =	sdelay $0x2  }
0x5c: {  	[tilespmem:s6], [sflag:$0x1] =	stream.linear.gather [hbm4b:s14+s1], $0x80, $0x38;
	[tilespmem:$0x18CC0] =	vst v63  }
0x5d: {  	s14 =	sld [smem:$0x7DB];
	_ =	sdelay $0x2  }
0x5e: {  	[tilespmem:s20], [sflag:$0x1] =	stream.linear.gather [hbm4b:s14+s1], $0x80, $0x38;
	[tilespmem:$0x18CC0] =	vst v63  }
0x5f: {  	s14 =	sld [smem:$0x7DC];
	_ =	sdelay $0x2  }
0x60: {  	[tilespmem:s16], [sflag:$0x1] =	stream.linear.gather [hbm4b:s14+s1], $0x80, $0x38;
	[tilespmem:$0x18CC0] =	vst v63  }
0x61: {  	s16 =	sld [smem:$0x7DD];
	_ =	sdelay $0x2  }
0x62: {  	[tilespmem:s18], [sflag:$0x1] =	stream.linear.gather [hbm4b:s16+s1], $0x80, $0x38;
	[tilespmem:$0x18CC0] =	vst v63  }
0x63: {  	s16 =	sld [smem:$0x7DE];
	_ =	sdelay $0x1  }
0x64: {  	s18 =	sld [smem:$0x7DF]  }
0x65: {  	[tilespmem:s3], [sflag:$0x1] =	stream.linear.gather [hbm4b:s16+s1], $0x80, $0x38;
	[tilespmem:$0x18CC0] =	vst v63  }
0x66: {  	s3 =	sld [smem:$0x7E0]  }
0x67: {  	[tilespmem:s4], [sflag:$0x1] =	stream.linear.gather [hbm4b:s18+s1], $0x80, $0x38;
	[tilespmem:$0x18CC0] =	vst v63  }
0x68: {  	s4 =	sld [smem:$0x7E1]  }
0x69: {  	[tilespmem:s10], [sflag:$0x1] =	stream.linear.gather [hbm4b:s3+s1], $0x80, $0x38;
	[tilespmem:$0x18CC0] =	vst v63  }
0x6a: {  	s10 =	sld [smem:$0x7E2]  }
0x6b: {  	[tilespmem:s23], [sflag:$0x1] =	stream.linear.gather [hbm4b:s4+s1], $0x80, $0x38;
	[tilespmem:$0x18CC0] =	vst v63  }
0x6c: {  	s16 =	sld [smem:$0x7E3]  }
0x6d: {  	[tilespmem:s24], [sflag:$0x1] =	stream.linear.gather [hbm4b:s10+s1], $0x80, $0x38;
	[tilespmem:$0x18CC0] =	vst v63  }
0x6e: {  	s18 =	sld [smem:$0x7E4]  }
0x6f: {  	[tilespmem:s25], [sflag:$0x1] =	stream.linear.gather [hbm4b:s16+s1], $0x80, $0x38;
	[tilespmem:$0x18CC0] =	vst v63  }
0x70: {  	s23 =	sld [smem:$0x7E5]  }
0x71: {  	[tilespmem:s28], [sflag:$0x1] =	stream.linear.gather [hbm4b:s18+s1], $0x80, $0x38;
	[tilespmem:$0x18CC0] =	vst v63  }
0x72: {  	s24 =	sld [smem:$0x7E6]  }
0x73: {  	[tilespmem:s29], [sflag:$0x1] =	stream.linear.gather [hbm4b:s23+s1], $0x80, $0x38;
	[tilespmem:$0x18CC0] =	vst v63  }
0x74: {  	s25 =	sld [smem:$0x7E7]  }
0x75: {  	[tilespmem:s30], [sflag:$0x1] =	stream.linear.gather [hbm4b:s24+s1], $0x80, $0x38;
	[tilespmem:$0x18CC0] =	vst v63  }
0x76: {  	s28 =	sld [smem:$0x7E8]  }
0x77: {  	[tilespmem:s31], [sflag:$0x1] =	stream.linear.gather [hbm4b:s25+s1], $0x80, $0x38;
	[tilespmem:$0x18CC0] =	vst v63  }
0x78: {  	s29 =	simm.s32 $0x780;
	s30 =	sld [smem:$0x7E9]  }
0x79: {  	[tilespmem:s29], [sflag:$0x1] =	stream.linear.gather [hbm4b:s28+s1], $0x80, $0x38;
	[tilespmem:$0x18CC0] =	vst v63  }
0x7a: {  	s4 =	sld [smem:$0x7EA];
	s31 =	simm.s32 $0x800  }
0x7b: {  	[tilespmem:s31], [sflag:$0x1] =	stream.linear.gather [hbm4b:s30+s1], $0x80, $0x38;
	[tilespmem:$0x18CC0] =	vst v63  }
0x7c: {  	s10 =	sld [smem:$0x7EB]  }
0x7d: {  	[tilespmem:s21], [sflag:$0x1] =	stream.linear.gather [hbm4b:s4+s1], $0x80, $0x38;
	[tilespmem:$0x18CC0] =	vst v63  }
0x7e: {  	s16 =	sld [smem:$0x7EC]  }
0x7f: {  	[tilespmem:s26], [sflag:$0x1] =	stream.linear.gather [hbm4b:s10+s1], $0x80, $0x38;
	[tilespmem:$0x18CC0] =	vst v63  }
0x80: {  	s18 =	sld [smem:$0x7ED]  }
0x81: {  	[tilespmem:s7], [sflag:$0x1] =	stream.linear.gather [hbm4b:s16+s1], $0x80, $0x38;
	[tilespmem:$0x18CC0] =	vst v63  }
0x82: {  	s21 =	sld [smem:$0x7EE]  }
0x83: {  	[tilespmem:s12], [sflag:$0x1] =	stream.linear.gather [hbm4b:s18+s1], $0x80, $0x38;
	[tilespmem:$0x18CC0] =	vst v63  }
0x84: {  	_ = 	snop  }
0x85: {  	[tilespmem:s22], [sflag:$0x1] =	stream.linear.gather [hbm4b:s21+s1], $0x80, $0x38;
	[tilespmem:$0x18CC0] =	vst v63  }
0x86: {  	s22 =	sld [smem:$0x7EF]  }
0x87: {  	s23 =	sld [smem:$0x7F0]  }
0x88: {  	s24 =	sld [smem:$0x7F1]  }
0x89: {  	[tilespmem:s9], [sflag:$0x1] =	stream.linear.gather [hbm4b:s22+s1], $0x80, $0x38;
	[tilespmem:$0x18CC0] =	vst v63  }
0x8a: {  	s25 =	rddreg [dreg:$0x7]  }
0x8b: {  	[tilespmem:s2], [sflag:$0x1] =	stream.linear.gather [hbm4b:s23+s1], $0x80, $0x38;
	[tilespmem:$0x18CC0] =	vst v63  }
0x8c: {  	s28 =	rddreg [dreg:$0x9]  }
0x8d: {  	[tilespmem:s15], [sflag:$0x1] =	stream.linear.gather [hbm4b:s24+s1], $0x80, $0x38;
	[tilespmem:$0x18CC0] =	vst v63  }
0x8e: {  	s30 =	rddreg [dreg:$0xa]  }
0x8f: {  	[tilespmem:s17], [sflag:$0x4] =	stream.strided.gather [hbm4b:s25+s5], $0x2000, s6, s5, $0x38;
	[tilespmem:$0x18CC0] =	vst v63  }
0x90: {  	s14 =	simm.s32 $0x114A0;
	s29 =	simm.s32 $0x4C80;
	s26 =	rddreg [dreg:$0x8]  }
0x91: {  	[tilespmem:s19], [sflag:$0x5] =	stream.strided.gather [hbm4b:s26+s5], $0x2000, s6, s5, $0x38;
	[tilespmem:$0x18CC0] =	vst v63  }
0x92: {  	s31 =	simm.s32 $0x6C80;
	s10 =	simm.s32 $0x6C80;
	s16 =	simm.s32 $0x0  }
0x93: {  	[tilespmem:s29], [sflag:$0x6] =	stream.strided.gather [hbm4b:s28+s5], $0x2000, s6, s5, $0x38;
	[tilespmem:$0x18CC0] =	vst v63  }
0x94: {  	s7 =	simm.s32 $0x4C80;
	s9 =	simm.s32 $0x2C80;
	s17 =	simm.s32 $0xC80  }
0x95: {  	[tilespmem:s31], [sflag:$0x7] =	stream.strided.gather [hbm4b:s30+s5], $0x2000, s6, s5, $0x38;
	[tilespmem:$0x18CC0] =	vst v63  }
.LBB2_2:
0x96: {  	p0 =	sne.s32 s16, $0x2FC0  }
.Ltmp0:
0x97: {  	[tilespmem:s14+$0xFFFFFFE0] =	vst v0;
	(pc) =	sbr.rel @p0 .LBB2_2-.Ltmp0, $4  }
0x98: {  	[tilespmem:s14+$0xFFFFFFF0] =	vst v0  }
0x99: {  	[tilespmem:s14+$0x0] =	vst v0  }
0x9a: {  	[tilespmem:s14+$0x10] =	vst v0;
	s18 =	sshra.s32 s16, $0x2  }
0x9b: {  	s14 =	sadd.s32 $0x40, s14;
	s16 =	sadd.s32 $0x40, s16;
	[tilespmem:s18+$0x14480] =	vst v0  }
0x9c: {  	[smem:$0x7D8] =	sst s0;
	s14 =	simm.s32 $0x40;
	s16 =	simm.s32 $0x0  }
.LBB2_4:
0x9d: {  	p0 =	sne.s32 s14, $0x1FC0;
	[tilespmem:s16+$0x10C80] =	vst v1;
	s16 =	smov.u32 s14;
	s14 =	sadd.s32 $0x40, s14  }
.Ltmp1:
0x9e: {  	(pc) =	sbr.rel @p0 .LBB2_4-.Ltmp1, $2  }
0x9f: {  	_ =	sdelay $0x2  }
0xa0: {  	s16 =	sshra.s32 s16, $0x2  }
0xa1: {  	s0 =	sld [smem:$0x7F3];
	_ =	sdelay $0x1  }
0xa2: {  	[tilespmem:s16+$0x10C80] =	vst v1;
	s3 =	simm.s32 $0x11480;
	s12 =	simm.s32 $0x14  }
0xa3: {  	[spmem:s0] =	stream.linear.scatter [tilespmem:s3], [sflag:$0x14], $0x3000, $0x38;
	[tilespmem:$0x18CC0] =	vst v63  }
0xa4: {  	_ =	swait.ge [sflag:s12], $0x3000  }
0xa5: {  	s2 =	sld [smem:$0x7F5]  }
0xa6: {  	[sflag:s12] =	ssyncset.done $0x0  }
0xa7: {  	s15 =	simm.s32 $0x14480;
	[sflag:s12] =	ssyncadd.s32 $0xFFFFD000  }
0xa8: {  	[spmem:s2] =	stream.linear.scatter [tilespmem:s15], [sflag:$0x14], $0xC00, $0x38;
	[tilespmem:$0x18CC0] =	vst v63  }
0xa9: {  	_ =	swait.ge [sflag:s12], $0xC00  }
0xaa: {  	[sflag:s12] =	ssyncset.done $0x0  }
0xab: {  	[sflag:s12] =	ssyncadd.s32 $0xFFFFF400  }
0xac: {  	[bflag:$0x0] =	sbarrier.arrive $0xFFFF  }
0xad: {  	s16 =	simm.s32 $0x15080;
	s14 =	rddreg [dreg:$0x6]  }
0xae: {  	[tilespmem:s16], [sflag:$0x14] =	stream.linear.gather [hbm4b:s14+s1], $0x20, $0x38;
	[tilespmem:$0x18CC0] =	vst v63  }
0xaf: {  	_ =	swait.ge [sflag:s12], $0x20  }
0xb0: {  	s4 =	simm.s32 $0x20;
	[sflag:s12] =	ssyncset.done $0x0  }
0xb1: {  	s19 =	simm.s32 $0x150A0;
	s18 =	rddreg [dreg:$0x5];
	[sflag:s12] =	ssyncadd.s32 $0xFFFFFFE0  }
0xb2: {  	[tilespmem:s19], [sflag:$0x3] =	stream.indirect.gather [hbm4b:s18+s4], $0x1, s16, s4, $0xb8;
	[tilespmem:$0x18CC0] =	vst v63  }
0xb3: {  	_ =	swait.ge [sflag:s11], $0x80  }
0xb4: {  	[sflag:s11] =	ssyncset.done $0x0  }
0xb5: {  	[sflag:s11] =	ssyncadd.s32 $0xFFFFFF80  }
0xb6: {  	_ =	swait.ge [sflag:s11], $0x80  }
0xb7: {  	[sflag:s11] =	ssyncset.done $0x0  }
0xb8: {  	[sflag:s11] =	ssyncadd.s32 $0xFFFFFF80  }
0xb9: {  	_ =	swait.ge [sflag:s11], $0x80  }
0xba: {  	[sflag:s11] =	ssyncset.done $0x0  }
0xbb: {  	[sflag:s11] =	ssyncadd.s32 $0xFFFFFF80  }
0xbc: {  	_ =	swait.ge [sflag:s11], $0x80  }
0xbd: {  	[sflag:s11] =	ssyncset.done $0x0  }
0xbe: {  	[sflag:s11] =	ssyncadd.s32 $0xFFFFFF80  }
0xbf: {  	_ =	swait.ge [sflag:s11], $0x80  }
0xc0: {  	[sflag:s11] =	ssyncset.done $0x0  }
0xc1: {  	[sflag:s11] =	ssyncadd.s32 $0xFFFFFF80  }
0xc2: {  	_ =	swait.ge [sflag:s11], $0x80  }
0xc3: {  	[sflag:s11] =	ssyncset.done $0x0  }
0xc4: {  	[sflag:s11] =	ssyncadd.s32 $0xFFFFFF80  }
0xc5: {  	_ =	swait.ge [sflag:s11], $0x80  }
0xc6: {  	[sflag:s11] =	ssyncset.done $0x0  }
0xc7: {  	[sflag:s11] =	ssyncadd.s32 $0xFFFFFF80  }
0xc8: {  	_ =	swait.ge [sflag:s11], $0x80  }
0xc9: {  	[sflag:s11] =	ssyncset.done $0x0  }
0xca: {  	[sflag:s11] =	ssyncadd.s32 $0xFFFFFF80  }
0xcb: {  	_ =	swait.ge [sflag:s11], $0x80  }
0xcc: {  	[sflag:s11] =	ssyncset.done $0x0  }
0xcd: {  	[sflag:s11] =	ssyncadd.s32 $0xFFFFFF80  }
0xce: {  	_ =	swait.ge [sflag:s11], $0x80  }
0xcf: {  	[sflag:s11] =	ssyncset.done $0x0  }
0xd0: {  	[sflag:s11] =	ssyncadd.s32 $0xFFFFFF80  }
0xd1: {  	_ =	swait.ge [sflag:s11], $0x80  }
0xd2: {  	[sflag:s11] =	ssyncset.done $0x0  }
0xd3: {  	[sflag:s11] =	ssyncadd.s32 $0xFFFFFF80  }
0xd4: {  	_ =	swait.ge [sflag:s11], $0x80  }
0xd5: {  	[sflag:s11] =	ssyncset.done $0x0  }
0xd6: {  	[sflag:s11] =	ssyncadd.s32 $0xFFFFFF80  }
0xd7: {  	_ =	swait.ge [sflag:s11], $0x80  }
0xd8: {  	[sflag:s11] =	ssyncset.done $0x0  }
0xd9: {  	[sflag:s11] =	ssyncadd.s32 $0xFFFFFF80  }
0xda: {  	_ =	swait.ge [sflag:s11], $0x80  }
0xdb: {  	[sflag:s11] =	ssyncset.done $0x0  }
0xdc: {  	[sflag:s11] =	ssyncadd.s32 $0xFFFFFF80  }
0xdd: {  	_ =	swait.ge [sflag:s11], $0x80  }
0xde: {  	[sflag:s11] =	ssyncset.done $0x0  }
0xdf: {  	[sflag:s11] =	ssyncadd.s32 $0xFFFFFF80  }
0xe0: {  	_ =	swait.ge [sflag:s11], $0x80  }
0xe1: {  	[sflag:s11] =	ssyncset.done $0x0  }
0xe2: {  	[sflag:s11] =	ssyncadd.s32 $0xFFFFFF80  }
0xe3: {  	_ =	swait.ge [sflag:s11], $0x80  }
0xe4: {  	[sflag:s11] =	ssyncset.done $0x0  }
0xe5: {  	[sflag:s11] =	ssyncadd.s32 $0xFFFFFF80  }
0xe6: {  	_ =	swait.ge [sflag:s11], $0x80  }
0xe7: {  	[sflag:s11] =	ssyncset.done $0x0  }
0xe8: {  	[sflag:s11] =	ssyncadd.s32 $0xFFFFFF80  }
0xe9: {  	_ =	swait.ge [sflag:s11], $0x80  }
0xea: {  	[sflag:s11] =	ssyncset.done $0x0  }
0xeb: {  	[sflag:s11] =	ssyncadd.s32 $0xFFFFFF80  }
0xec: {  	_ =	swait.ge [sflag:s11], $0x80  }
0xed: {  	[sflag:s11] =	ssyncset.done $0x0  }
0xee: {  	[sflag:s11] =	ssyncadd.s32 $0xFFFFFF80  }
0xef: {  	_ =	swait.ge [sflag:s11], $0x80  }
0xf0: {  	[sflag:s11] =	ssyncset.done $0x0  }
0xf1: {  	[sflag:s11] =	ssyncadd.s32 $0xFFFFFF80  }
0xf2: {  	_ =	swait.ge [sflag:s11], $0x80  }
0xf3: {  	[sflag:s11] =	ssyncset.done $0x0  }
0xf4: {  	[sflag:s11] =	ssyncadd.s32 $0xFFFFFF80  }
0xf5: {  	_ =	swait.ge [sflag:s11], $0x80  }
0xf6: {  	[sflag:s11] =	ssyncset.done $0x0  }
0xf7: {  	[sflag:s11] =	ssyncadd.s32 $0xFFFFFF80  }
0xf8: {  	_ =	swait.ge [sflag:s11], $0x80  }
0xf9: {  	[sflag:s11] =	ssyncset.done $0x0  }
0xfa: {  	[sflag:s11] =	ssyncadd.s32 $0xFFFFFF80  }
0xfb: {  	_ =	swait.ge [sflag:s11], $0x80  }
0xfc: {  	[sflag:s11] =	ssyncset.done $0x0  }
0xfd: {  	s15 =	simm.s32 $0x4;
	[sflag:s11] =	ssyncadd.s32 $0xFFFFFF80  }
0xfe: {  	_ =	swait.ge [sflag:s15], $0x2000  }
0xff: {  	[sflag:s15] =	ssyncset.done $0x0  }
0x100: {  	[sflag:s15] =	ssyncadd.s32 $0xFFFFE000  }
0x101: {  	s30 =	rddreg [dreg:$0x2]  }
0x102: {  	[spmem:s30] =	stream.indirect.scatter.add.f32 [tilespmem:s17], [sflag:$0xC], $0x40, s1, s6, $0xb8;
	[tilespmem:$0x18CC0] =	vst v63  }
0x103: {  	s21 =	simm.s32 $0x0;
	s1 =	rddreg [dreg:$0x3]  }
0x104: {  	[spmem:s1] =	stream.indirect.scatter.add.f32 [tilespmem:s13], [sflag:$0x2], $0x10, s21, s6, $0xb8;
	[tilespmem:$0x18CC0] =	vst v63  }
0x105: {  	s12 =	simm.s32 $0x5;
	s16 =	simm.s32 $0x8C80;
	s22 =	rddreg [dreg:$0xb]  }
0x106: {  	[tilespmem:s16], [sflag:$0x8] =	stream.strided.gather [hbm4b:s22+s5], $0x2000, s6, s5, $0x38;
	[tilespmem:$0x18CC0] =	vst v63  }
0x107: {  	_ =	swait.ge [sflag:s12], $0x2000  }
0x108: {  	[sflag:s12] =	ssyncset.done $0x0  }
0x109: {  	[sflag:s12] =	ssyncadd.s32 $0xFFFFE000  }
0x10a: {  	[spmem:s30] =	stream.indirect.scatter.add.f32 [tilespmem:s9], [sflag:$0xD], $0x40, s6, s6, $0xb8;
	[tilespmem:$0x18CC0] =	vst v63  }
0x10b: {  	_ = 	snop  }
0x10c: {  	[spmem:s1] =	stream.indirect.scatter.add.f32 [tilespmem:s13], [sflag:$0x2], $0x10, s6, s6, $0xb8;
	[tilespmem:$0x18CC0] =	vst v63  }
0x10d: {  	s24 =	simm.s32 $0xAC80;
	s22 =	simm.s32 $0x6;
	s23 =	rddreg [dreg:$0xc]  }
0x10e: {  	[tilespmem:s24], [sflag:$0x9] =	stream.strided.gather [hbm4b:s23+s5], $0x2000, s6, s5, $0x38;
	[tilespmem:$0x18CC0] =	vst v63  }
0x10f: {  	_ =	swait.ge [sflag:s22], $0x2000  }
0x110: {  	[sflag:s22] =	ssyncset.done $0x0  }
0x111: {  	[sflag:s22] =	ssyncadd.s32 $0xFFFFE000  }
0x112: {  	[spmem:s30] =	stream.indirect.scatter.add.f32 [tilespmem:s7], [sflag:$0xE], $0x40, s20, s6, $0xb8;
	[tilespmem:$0x18CC0] =	vst v63  }
0x113: {  	_ = 	snop  }
0x114: {  	[spmem:s1] =	stream.indirect.scatter.add.f32 [tilespmem:s13], [sflag:$0x2], $0x10, s20, s6, $0xb8;
	[tilespmem:$0x18CC0] =	vst v63  }
0x115: {  	s9 =	simm.s32 $0x7;
	s26 =	rddreg [dreg:$0xd];
	s20 =	simm.s32 $0xCC80  }
0x116: {  	[tilespmem:s20], [sflag:$0xA] =	stream.strided.gather [hbm4b:s26+s5], $0x2000, s6, s5, $0x38;
	[tilespmem:$0x18CC0] =	vst v63  }
0x117: {  	_ =	swait.ge [sflag:s9], $0x2000  }
0x118: {  	[sflag:s9] =	ssyncset.done $0x0  }
0x119: {  	s0 =	simm.s32 $0x180;
	[sflag:s9] =	ssyncadd.s32 $0xFFFFE000  }
0x11a: {  	[spmem:s30] =	stream.indirect.scatter.add.f32 [tilespmem:s10], [sflag:$0xF], $0x40, s0, s6, $0xb8;
	[tilespmem:$0x18CC0] =	vst v63  }
0x11b: {  	_ = 	snop  }
0x11c: {  	[spmem:s1] =	stream.indirect.scatter.add.f32 [tilespmem:s13], [sflag:$0x2], $0x10, s0, s6, $0xb8;
	[tilespmem:$0x18CC0] =	vst v63  }
0x11d: {  	s18 =	simm.s32 $0xEC80;
	s2 =	rddreg [dreg:$0xe]  }
0x11e: {  	[tilespmem:s18], [sflag:$0xB] =	stream.strided.gather [hbm4b:s2+s5], $0x2000, s6, s5, $0x38;
	[tilespmem:$0x18CC0] =	vst v63  }
0x11f: {  	s2 =	simm.s32 $0x8  }
0x120: {  	_ =	swait.ge [sflag:s2], $0x2000  }
0x121: {  	[sflag:s2] =	ssyncset.done $0x0  }
0x122: {  	s4 =	simm.s32 $0x200;
	[sflag:s2] =	ssyncadd.s32 $0xFFFFE000  }
0x123: {  	[spmem:s30] =	stream.indirect.scatter.add.f32 [tilespmem:s16], [sflag:$0x10], $0x40, s4, s6, $0xb8;
	[tilespmem:$0x18CC0] =	vst v63  }
0x124: {  	s23 =	simm.s32 $0xC  }
0x125: {  	[spmem:s1] =	stream.indirect.scatter.add.f32 [tilespmem:s13], [sflag:$0x2], $0x10, s4, s6, $0xb8;
	[tilespmem:$0x18CC0] =	vst v63  }
0x126: {  	_ =	swait.ge [sflag:s23], $0x2000  }
0x127: {  	[sflag:s23] =	ssyncset.done $0x0  }
0x128: {  	s19 =	simm.s32 $0x9;
	s10 =	rddreg [dreg:$0xf];
	[sflag:s23] =	ssyncadd.s32 $0xFFFFE000  }
0x129: {  	[tilespmem:s17], [sflag:$0x4] =	stream.strided.gather [hbm4b:s10+s5], $0x2000, s6, s5, $0x38;
	[tilespmem:$0x18CC0] =	vst v63  }
0x12a: {  	_ =	swait.ge [sflag:s19], $0x2000  }
0x12b: {  	[sflag:s19] =	ssyncset.done $0x0  }
0x12c: {  	s25 =	simm.s32 $0xAC80;
	s14 =	simm.s32 $0x280;
	[sflag:s19] =	ssyncadd.s32 $0xFFFFE000  }
0x12d: {  	[spmem:s30] =	stream.indirect.scatter.add.f32 [tilespmem:s25], [sflag:$0x11], $0x40, s14, s6, $0xb8;
	[tilespmem:$0x18CC0] =	vst v63  }
0x12e: {  	s24 =	simm.s32 $0xD  }
0x12f: {  	[spmem:s1] =	stream.indirect.scatter.add.f32 [tilespmem:s13], [sflag:$0x2], $0x10, s14, s6, $0xb8;
	[tilespmem:$0x18CC0] =	vst v63  }
0x130: {  	_ =	swait.ge [sflag:s24], $0x2000  }
0x131: {  	s26 =	simm.s32 $0x2C80;
	[sflag:s24] =	ssyncset.done $0x0  }
0x132: {  	s10 =	simm.s32 $0xA;
	s21 =	rddreg [dreg:$0x10];
	[sflag:s24] =	ssyncadd.s32 $0xFFFFE000  }
0x133: {  	[tilespmem:s26], [sflag:$0x5] =	stream.strided.gather [hbm4b:s21+s5], $0x2000, s6, s5, $0x38;
	[tilespmem:$0x18CC0] =	vst v63  }
0x134: {  	_ =	swait.ge [sflag:s10], $0x2000  }
0x135: {  	[sflag:s10] =	ssyncset.done $0x0  }
0x136: {  	s25 =	simm.s32 $0x300;
	[sflag:s10] =	ssyncadd.s32 $0xFFFFE000  }
0x137: {  	[spmem:s30] =	stream.indirect.scatter.add.f32 [tilespmem:s20], [sflag:$0x12], $0x40, s25, s6, $0xb8;
	[tilespmem:$0x18CC0] =	vst v63  }
0x138: {  	_ = 	snop  }
0x139: {  	[spmem:s1] =	stream.indirect.scatter.add.f32 [tilespmem:s13], [sflag:$0x2], $0x10, s25, s6, $0xb8;
	[tilespmem:$0x18CC0] =	vst v63  }
0x13a: {  	s25 =	simm.s32 $0xE  }
0x13b: {  	_ =	swait.ge [sflag:s25], $0x2000  }
0x13c: {  	[sflag:s25] =	ssyncset.done $0x0  }
0x13d: {  	s29 =	simm.s32 $0xB;
	s0 =	rddreg [dreg:$0x11];
	[sflag:s25] =	ssyncadd.s32 $0xFFFFE000  }
0x13e: {  	[tilespmem:s7], [sflag:$0x6] =	stream.strided.gather [hbm4b:s0+s5], $0x2000, s6, s5, $0x38;
	[tilespmem:$0x18CC0] =	vst v63  }
0x13f: {  	_ =	swait.ge [sflag:s29], $0x2000  }
0x140: {  	[sflag:s29] =	ssyncset.done $0x0  }
0x141: {  	s21 =	simm.s32 $0x380;
	[sflag:s29] =	ssyncadd.s32 $0xFFFFE000  }
0x142: {  	[spmem:s30] =	stream.indirect.scatter.add.f32 [tilespmem:s18], [sflag:$0x13], $0x40, s21, s6, $0xb8;
	[tilespmem:$0x18CC0] =	vst v63  }
0x143: {  	s28 =	simm.s32 $0xF  }
0x144: {  	[spmem:s1] =	stream.indirect.scatter.add.f32 [tilespmem:s13], [sflag:$0x2], $0x10, s21, s6, $0xb8;
	[tilespmem:$0x18CC0] =	vst v63  }
0x145: {  	_ =	swait.ge [sflag:s28], $0x2000  }
0x146: {  	[sflag:s28] =	ssyncset.done $0x0  }
0x147: {  	s3 =	simm.s32 $0x6C80;
	s0 =	rddreg [dreg:$0x12];
	[sflag:s28] =	ssyncadd.s32 $0xFFFFE000  }
0x148: {  	[tilespmem:s3], [sflag:$0x7] =	stream.strided.gather [hbm4b:s0+s5], $0x2000, s6, s5, $0x38;
	[tilespmem:$0x18CC0] =	vst v63  }
0x149: {  	_ =	swait.ge [sflag:s15], $0x2000  }
0x14a: {  	[sflag:s15] =	ssyncset.done $0x0  }
0x14b: {  	s21 =	simm.s32 $0x400;
	[sflag:s15] =	ssyncadd.s32 $0xFFFFE000  }
0x14c: {  	[spmem:s30] =	stream.indirect.scatter.add.f32 [tilespmem:s17], [sflag:$0xC], $0x40, s21, s6, $0xb8;
	[tilespmem:$0x18CC0] =	vst v63  }
0x14d: {  	s0 =	simm.s32 $0x10  }
0x14e: {  	[spmem:s1] =	stream.indirect.scatter.add.f32 [tilespmem:s13], [sflag:$0x2], $0x10, s21, s6, $0xb8;
	[tilespmem:$0x18CC0] =	vst v63  }
0x14f: {  	_ =	swait.ge [sflag:s0], $0x2000  }
0x150: {  	[sflag:s0] =	ssyncset.done $0x0  }
0x151: {  	s3 =	rddreg [dreg:$0x13];
	[sflag:s0] =	ssyncadd.s32 $0xFFFFE000  }
0x152: {  	[tilespmem:s16], [sflag:$0x8] =	stream.strided.gather [hbm4b:s3+s5], $0x2000, s6, s5, $0x38;
	[tilespmem:$0x18CC0] =	vst v63  }
0x153: {  	_ =	swait.ge [sflag:s12], $0x2000  }
0x154: {  	[sflag:s12] =	ssyncset.done $0x0  }
0x155: {  	s14 =	simm.s32 $0x480;
	[sflag:s12] =	ssyncadd.s32 $0xFFFFE000  }
0x156: {  	[spmem:s30] =	stream.indirect.scatter.add.f32 [tilespmem:s26], [sflag:$0xD], $0x40, s14, s6, $0xb8;
	[tilespmem:$0x18CC0] =	vst v63  }
0x157: {  	s3 =	simm.s32 $0x11  }
0x158: {  	[spmem:s1] =	stream.indirect.scatter.add.f32 [tilespmem:s13], [sflag:$0x2], $0x10, s14, s6, $0xb8;
	[tilespmem:$0x18CC0] =	vst v63  }
0x159: {  	_ =	swait.ge [sflag:s3], $0x2000  }
0x15a: {  	[sflag:s3] =	ssyncset.done $0x0  }
0x15b: {  	s4 =	simm.s32 $0xAC80;
	s21 =	rddreg [dreg:$0x14];
	[sflag:s3] =	ssyncadd.s32 $0xFFFFE000  }
0x15c: {  	[tilespmem:s4], [sflag:$0x9] =	stream.strided.gather [hbm4b:s21+s5], $0x2000, s6, s5, $0x38;
	[tilespmem:$0x18CC0] =	vst v63  }
0x15d: {  	_ =	swait.ge [sflag:s22], $0x2000  }
0x15e: {  	[sflag:s22] =	ssyncset.done $0x0  }
0x15f: {  	s14 =	simm.s32 $0x500;
	[sflag:s22] =	ssyncadd.s32 $0xFFFFE000  }
0x160: {  	[spmem:s30] =	stream.indirect.scatter.add.f32 [tilespmem:s7], [sflag:$0xE], $0x40, s14, s6, $0xb8;
	[tilespmem:$0x18CC0] =	vst v63  }
0x161: {  	s4 =	simm.s32 $0x12  }
0x162: {  	[spmem:s1] =	stream.indirect.scatter.add.f32 [tilespmem:s13], [sflag:$0x2], $0x10, s14, s6, $0xb8;
	[tilespmem:$0x18CC0] =	vst v63  }
0x163: {  	_ =	swait.ge [sflag:s4], $0x2000  }
0x164: {  	[sflag:s4] =	ssyncset.done $0x0  }
0x165: {  	s7 =	rddreg [dreg:$0x15];
	[sflag:s4] =	ssyncadd.s32 $0xFFFFE000  }
0x166: {  	[tilespmem:s20], [sflag:$0xA] =	stream.strided.gather [hbm4b:s7+s5], $0x2000, s6, s5, $0x38;
	[tilespmem:$0x18CC0] =	vst v63  }
0x167: {  	_ =	swait.ge [sflag:s9], $0x2000  }
0x168: {  	[sflag:s9] =	ssyncset.done $0x0  }
0x169: {  	s31 =	simm.s32 $0x6C80;
	s7 =	simm.s32 $0x580;
	[sflag:s9] =	ssyncadd.s32 $0xFFFFE000  }
0x16a: {  	[spmem:s30] =	stream.indirect.scatter.add.f32 [tilespmem:s31], [sflag:$0xF], $0x40, s7, s6, $0xb8;
	[tilespmem:$0x18CC0] =	vst v63  }
0x16b: {  	s31 =	simm.s32 $0x13  }
0x16c: {  	[spmem:s1] =	stream.indirect.scatter.add.f32 [tilespmem:s13], [sflag:$0x2], $0x10, s7, s6, $0xb8;
	[tilespmem:$0x18CC0] =	vst v63  }
0x16d: {  	_ =	swait.ge [sflag:s31], $0x2000  }
0x16e: {  	[sflag:s31] =	ssyncset.done $0x0  }
0x16f: {  	s7 =	rddreg [dreg:$0x16];
	[sflag:s31] =	ssyncadd.s32 $0xFFFFE000  }
0x170: {  	[tilespmem:s18], [sflag:$0xB] =	stream.strided.gather [hbm4b:s7+s5], $0x2000, s6, s5, $0x38;
	[tilespmem:$0x18CC0] =	vst v63  }
0x171: {  	_ =	swait.ge [sflag:s2], $0x2000  }
0x172: {  	[sflag:s2] =	ssyncset.done $0x0  }
0x173: {  	s7 =	simm.s32 $0x600;
	[sflag:s2] =	ssyncadd.s32 $0xFFFFE000  }
0x174: {  	[spmem:s30] =	stream.indirect.scatter.add.f32 [tilespmem:s16], [sflag:$0x10], $0x40, s7, s6, $0xb8;
	[tilespmem:$0x18CC0] =	vst v63  }
0x175: {  	_ = 	snop  }
0x176: {  	[spmem:s1] =	stream.indirect.scatter.add.f32 [tilespmem:s13], [sflag:$0x2], $0x10, s7, s6, $0xb8;
	[tilespmem:$0x18CC0] =	vst v63  }
0x177: {  	_ =	swait.ge [sflag:s23], $0x2000  }
0x178: {  	[sflag:s23] =	ssyncset.done $0x0  }
0x179: {  	s7 =	rddreg [dreg:$0x17];
	[sflag:s23] =	ssyncadd.s32 $0xFFFFE000  }
0x17a: {  	[tilespmem:s17], [sflag:$0x4] =	stream.strided.gather [hbm4b:s7+s5], $0x2000, s6, s5, $0x38;
	[tilespmem:$0x18CC0] =	vst v63  }
0x17b: {  	_ =	swait.ge [sflag:s19], $0x2000  }
0x17c: {  	[sflag:s19] =	ssyncset.done $0x0  }
0x17d: {  	s21 =	simm.s32 $0xAC80;
	s17 =	simm.s32 $0x680;
	[sflag:s19] =	ssyncadd.s32 $0xFFFFE000  }
0x17e: {  	[spmem:s30] =	stream.indirect.scatter.add.f32 [tilespmem:s21], [sflag:$0x11], $0x40, s17, s6, $0xb8;
	[tilespmem:$0x18CC0] =	vst v63  }
0x17f: {  	_ = 	snop  }
0x180: {  	[spmem:s1] =	stream.indirect.scatter.add.f32 [tilespmem:s13], [sflag:$0x2], $0x10, s17, s6, $0xb8;
	[tilespmem:$0x18CC0] =	vst v63  }
0x181: {  	_ =	swait.ge [sflag:s24], $0x2000  }
0x182: {  	[sflag:s24] =	ssyncset.done $0x0  }
0x183: {  	s17 =	rddreg [dreg:$0x18];
	[sflag:s24] =	ssyncadd.s32 $0xFFFFE000  }
0x184: {  	[tilespmem:s26], [sflag:$0x5] =	stream.strided.gather [hbm4b:s17+s5], $0x2000, s6, s5, $0x38;
	[tilespmem:$0x18CC0] =	vst v63  }
0x185: {  	_ =	swait.ge [sflag:s10], $0x2000  }
0x186: {  	[sflag:s10] =	ssyncset.done $0x0  }
0x187: {  	s21 =	simm.s32 $0x700;
	[sflag:s10] =	ssyncadd.s32 $0xFFFFE000  }
0x188: {  	[spmem:s30] =	stream.indirect.scatter.add.f32 [tilespmem:s20], [sflag:$0x12], $0x40, s21, s6, $0xb8;
	[tilespmem:$0x18CC0] =	vst v63  }
0x189: {  	_ = 	snop  }
0x18a: {  	[spmem:s1] =	stream.indirect.scatter.add.f32 [tilespmem:s13], [sflag:$0x2], $0x10, s21, s6, $0xb8;
	[tilespmem:$0x18CC0] =	vst v63  }
0x18b: {  	_ =	swait.ge [sflag:s25], $0x2000  }
0x18c: {  	[sflag:s25] =	ssyncset.done $0x0  }
0x18d: {  	s7 =	simm.s32 $0x4C80;
	s21 =	rddreg [dreg:$0x19];
	[sflag:s25] =	ssyncadd.s32 $0xFFFFE000  }
0x18e: {  	[tilespmem:s7], [sflag:$0x6] =	stream.strided.gather [hbm4b:s21+s5], $0x2000, s6, s5, $0x38;
	[tilespmem:$0x18CC0] =	vst v63  }
0x18f: {  	_ =	swait.ge [sflag:s29], $0x2000  }
0x190: {  	[sflag:s29] =	ssyncset.done $0x0  }
0x191: {  	s21 =	simm.s32 $0x780;
	[sflag:s29] =	ssyncadd.s32 $0xFFFFE000  }
0x192: {  	[spmem:s30] =	stream.indirect.scatter.add.f32 [tilespmem:s18], [sflag:$0x13], $0x40, s21, s6, $0xb8;
	[tilespmem:$0x18CC0] =	vst v63  }
0x193: {  	_ = 	snop  }
0x194: {  	[spmem:s1] =	stream.indirect.scatter.add.f32 [tilespmem:s13], [sflag:$0x2], $0x10, s21, s6, $0xb8;
	[tilespmem:$0x18CC0] =	vst v63  }
0x195: {  	_ =	swait.ge [sflag:s28], $0x2000  }
0x196: {  	[sflag:s28] =	ssyncset.done $0x0  }
0x197: {  	s21 =	simm.s32 $0x6C80;
	s14 =	rddreg [dreg:$0x1a];
	[sflag:s28] =	ssyncadd.s32 $0xFFFFE000  }
0x198: {  	[tilespmem:s21], [sflag:$0x7] =	stream.strided.gather [hbm4b:s14+s5], $0x2000, s6, s5, $0x38;
	[tilespmem:$0x18CC0] =	vst v63  }
0x199: {  	_ =	swait.ge [sflag:s15], $0x2000  }
0x19a: {  	[sflag:s15] =	ssyncset.done $0x0  }
0x19b: {  	s17 =	simm.s32 $0xC80;
	s21 =	simm.s32 $0x800;
	[sflag:s15] =	ssyncadd.s32 $0xFFFFE000  }
0x19c: {  	[spmem:s30] =	stream.indirect.scatter.add.f32 [tilespmem:s17], [sflag:$0xC], $0x40, s21, s6, $0xb8;
	[tilespmem:$0x18CC0] =	vst v63  }
0x19d: {  	_ = 	snop  }
0x19e: {  	[spmem:s1] =	stream.indirect.scatter.add.f32 [tilespmem:s13], [sflag:$0x2], $0x10, s21, s6, $0xb8;
	[tilespmem:$0x18CC0] =	vst v63  }
0x19f: {  	_ =	swait.ge [sflag:s0], $0x2000  }
0x1a0: {  	[sflag:s0] =	ssyncset.done $0x0  }
0x1a1: {  	s21 =	rddreg [dreg:$0x1b];
	[sflag:s0] =	ssyncadd.s32 $0xFFFFE000  }
0x1a2: {  	[tilespmem:s16], [sflag:$0x8] =	stream.strided.gather [hbm4b:s21+s5], $0x2000, s6, s5, $0x38;
	[tilespmem:$0x18CC0] =	vst v63  }
0x1a3: {  	_ =	swait.ge [sflag:s12], $0x2000  }
0x1a4: {  	[sflag:s12] =	ssyncset.done $0x0  }
0x1a5: {  	s21 =	simm.s32 $0x880;
	[sflag:s12] =	ssyncadd.s32 $0xFFFFE000  }
0x1a6: {  	[spmem:s30] =	stream.indirect.scatter.add.f32 [tilespmem:s26], [sflag:$0xD], $0x40, s21, s6, $0xb8;
	[tilespmem:$0x18CC0] =	vst v63  }
0x1a7: {  	_ = 	snop  }
0x1a8: {  	[spmem:s1] =	stream.indirect.scatter.add.f32 [tilespmem:s13], [sflag:$0x2], $0x10, s21, s6, $0xb8;
	[tilespmem:$0x18CC0] =	vst v63  }
0x1a9: {  	_ =	swait.ge [sflag:s3], $0x2000  }
0x1aa: {  	[sflag:s3] =	ssyncset.done $0x0  }
0x1ab: {  	s26 =	simm.s32 $0xAC80;
	s12 =	rddreg [dreg:$0x1c];
	[sflag:s3] =	ssyncadd.s32 $0xFFFFE000  }
0x1ac: {  	[tilespmem:s26], [sflag:$0x9] =	stream.strided.gather [hbm4b:s12+s5], $0x2000, s6, s5, $0x38;
	[tilespmem:$0x18CC0] =	vst v63  }
0x1ad: {  	_ =	swait.ge [sflag:s22], $0x2000  }
0x1ae: {  	[sflag:s22] =	ssyncset.done $0x0  }
0x1af: {  	s26 =	simm.s32 $0x900;
	[sflag:s22] =	ssyncadd.s32 $0xFFFFE000  }
0x1b0: {  	[spmem:s30] =	stream.indirect.scatter.add.f32 [tilespmem:s7], [sflag:$0xE], $0x40, s26, s6, $0xb8;
	[tilespmem:$0x18CC0] =	vst v63  }
0x1b1: {  	_ = 	snop  }
0x1b2: {  	[spmem:s1] =	stream.indirect.scatter.add.f32 [tilespmem:s13], [sflag:$0x2], $0x10, s26, s6, $0xb8;
	[tilespmem:$0x18CC0] =	vst v63  }
0x1b3: {  	_ =	swait.ge [sflag:s4], $0x2000  }
0x1b4: {  	[sflag:s4] =	ssyncset.done $0x0  }
0x1b5: {  	s12 =	rddreg [dreg:$0x1d];
	[sflag:s4] =	ssyncadd.s32 $0xFFFFE000  }
0x1b6: {  	[tilespmem:s20], [sflag:$0xA] =	stream.strided.gather [hbm4b:s12+s5], $0x2000, s6, s5, $0x38;
	[tilespmem:$0x18CC0] =	vst v63  }
0x1b7: {  	_ =	swait.ge [sflag:s9], $0x2000  }
0x1b8: {  	[sflag:s9] =	ssyncset.done $0x0  }
0x1b9: {  	s22 =	simm.s32 $0x6C80;
	s7 =	simm.s32 $0x980;
	[sflag:s9] =	ssyncadd.s32 $0xFFFFE000  }
0x1ba: {  	[spmem:s30] =	stream.indirect.scatter.add.f32 [tilespmem:s22], [sflag:$0xF], $0x40, s7, s6, $0xb8;
	[tilespmem:$0x18CC0] =	vst v63  }
0x1bb: {  	_ = 	snop  }
0x1bc: {  	[spmem:s1] =	stream.indirect.scatter.add.f32 [tilespmem:s13], [sflag:$0x2], $0x10, s7, s6, $0xb8;
	[tilespmem:$0x18CC0] =	vst v63  }
0x1bd: {  	_ =	swait.ge [sflag:s31], $0x2000  }
0x1be: {  	[sflag:s31] =	ssyncset.done $0x0  }
0x1bf: {  	s12 =	rddreg [dreg:$0x1e];
	[sflag:s31] =	ssyncadd.s32 $0xFFFFE000  }
0x1c0: {  	[tilespmem:s18], [sflag:$0xB] =	stream.strided.gather [hbm4b:s12+s5], $0x2000, s6, s5, $0x38;
	[tilespmem:$0x18CC0] =	vst v63  }
0x1c1: {  	_ =	swait.ge [sflag:s2], $0x2000  }
0x1c2: {  	[sflag:s2] =	ssyncset.done $0x0  }
0x1c3: {  	s12 =	simm.s32 $0xA00;
	[sflag:s2] =	ssyncadd.s32 $0xFFFFE000  }
0x1c4: {  	[spmem:s30] =	stream.indirect.scatter.add.f32 [tilespmem:s16], [sflag:$0x10], $0x40, s12, s6, $0xb8;
	[tilespmem:$0x18CC0] =	vst v63  }
0x1c5: {  	_ = 	snop  }
0x1c6: {  	[spmem:s1] =	stream.indirect.scatter.add.f32 [tilespmem:s13], [sflag:$0x2], $0x10, s12, s6, $0xb8;
	[tilespmem:$0x18CC0] =	vst v63  }
0x1c7: {  	_ =	swait.ge [sflag:s23], $0x2000  }
0x1c8: {  	[sflag:s23] =	ssyncset.done $0x0  }
0x1c9: {  	s16 =	rddreg [dreg:$0x1f];
	[sflag:s23] =	ssyncadd.s32 $0xFFFFE000  }
0x1ca: {  	[tilespmem:s17], [sflag:$0x4] =	stream.strided.gather [hbm4b:s16+s5], $0x2000, s6, s5, $0x38;
	[tilespmem:$0x18CC0] =	vst v63  }
0x1cb: {  	_ =	swait.ge [sflag:s19], $0x2000  }
0x1cc: {  	[sflag:s19] =	ssyncset.done $0x0  }
0x1cd: {  	s22 =	simm.s32 $0xA80;
	[sflag:s19] =	ssyncadd.s32 $0xFFFFE000;
	s19 =	simm.s32 $0xAC80  }
0x1ce: {  	[spmem:s30] =	stream.indirect.scatter.add.f32 [tilespmem:s19], [sflag:$0x11], $0x40, s22, s6, $0xb8;
	[tilespmem:$0x18CC0] =	vst v63  }
0x1cf: {  	_ = 	snop  }
0x1d0: {  	[spmem:s1] =	stream.indirect.scatter.add.f32 [tilespmem:s13], [sflag:$0x2], $0x10, s22, s6, $0xb8;
	[tilespmem:$0x18CC0] =	vst v63  }
0x1d1: {  	_ =	swait.ge [sflag:s10], $0x2000  }
0x1d2: {  	[sflag:s10] =	ssyncset.done $0x0  }
0x1d3: {  	s9 =	simm.s32 $0xB00;
	[sflag:s10] =	ssyncadd.s32 $0xFFFFE000  }
0x1d4: {  	[spmem:s30] =	stream.indirect.scatter.add.f32 [tilespmem:s20], [sflag:$0x12], $0x40, s9, s6, $0xb8;
	[tilespmem:$0x18CC0] =	vst v63  }
0x1d5: {  	_ = 	snop  }
0x1d6: {  	[spmem:s1] =	stream.indirect.scatter.add.f32 [tilespmem:s13], [sflag:$0x2], $0x10, s9, s6, $0xb8;
	[tilespmem:$0x18CC0] =	vst v63  }
0x1d7: {  	_ =	swait.ge [sflag:s29], $0x2000  }
0x1d8: {  	[sflag:s29] =	ssyncset.done $0x0  }
0x1d9: {  	s2 =	simm.s32 $0xB80;
	[sflag:s29] =	ssyncadd.s32 $0xFFFFE000  }
0x1da: {  	[spmem:s30] =	stream.indirect.scatter.add.f32 [tilespmem:s18], [sflag:$0x13], $0x40, s2, s6, $0xb8;
	[tilespmem:$0x18CC0] =	vst v63  }
0x1db: {  	_ = 	snop  }
0x1dc: {  	[spmem:s1] =	stream.indirect.scatter.add.f32 [tilespmem:s13], [sflag:$0x2], $0x10, s2, s6, $0xb8;
	[tilespmem:$0x18CC0] =	vst v63  }
0x1dd: {  	_ =	swait.ge [sflag:s15], $0x2000  }
0x1de: {  	[sflag:s15] =	ssyncset.done $0x0  }
0x1df: {  	[sflag:s15] =	ssyncadd.s32 $0xFFFFE000;
	s15 =	simm.s32 $0xC00  }
0x1e0: {  	[spmem:s30] =	stream.indirect.scatter.add.f32 [tilespmem:s17], [sflag:$0xC], $0x40, s15, s6, $0xb8;
	[tilespmem:$0x18CC0] =	vst v63  }
0x1e1: {  	_ = 	snop  }
0x1e2: {  	[spmem:s1] =	stream.indirect.scatter.add.f32 [tilespmem:s13], [sflag:$0x2], $0x10, s15, s6, $0xb8;
	[tilespmem:$0x18CC0] =	vst v63  }
0x1e3: {  	_ =	swait.ge [sflag:s24], $0x2000  }
0x1e4: {  	[sflag:s24] =	ssyncset.done $0x0  }
0x1e5: {  	[sflag:s24] =	ssyncadd.s32 $0xFFFFE000  }
0x1e6: {  	_ =	swait.ge [sflag:s25], $0x2000  }
0x1e7: {  	[sflag:s25] =	ssyncset.done $0x0  }
0x1e8: {  	[sflag:s25] =	ssyncadd.s32 $0xFFFFE000  }
0x1e9: {  	_ =	swait.ge [sflag:s28], $0x2000  }
0x1ea: {  	[sflag:s28] =	ssyncset.done $0x0  }
0x1eb: {  	[sflag:s28] =	ssyncadd.s32 $0xFFFFE000  }
0x1ec: {  	_ =	swait.ge [sflag:s0], $0x2000  }
0x1ed: {  	[sflag:s0] =	ssyncset.done $0x0  }
0x1ee: {  	[sflag:s0] =	ssyncadd.s32 $0xFFFFE000  }
0x1ef: {  	_ =	swait.ge [sflag:s3], $0x2000  }
0x1f0: {  	[sflag:s3] =	ssyncset.done $0x0  }
0x1f1: {  	[sflag:s3] =	ssyncadd.s32 $0xFFFFE000  }
0x1f2: {  	_ =	swait.ge [sflag:s4], $0x2000  }
0x1f3: {  	[sflag:s4] =	ssyncset.done $0x0  }
0x1f4: {  	[sflag:s4] =	ssyncadd.s32 $0xFFFFE000  }
0x1f5: {  	_ =	swait.ge [sflag:s31], $0x2000  }
0x1f6: {  	[sflag:s31] =	ssyncset.done $0x0  }
0x1f7: {  	[sflag:s31] =	ssyncadd.s32 $0xFFFFE000  }
0x1f8: {  	_ =	swait.ge [sflag:s23], $0x2000  }
0x1f9: {  	[sflag:s23] =	ssyncset.done $0x0  }
0x1fa: {  	[sflag:s23] =	ssyncadd.s32 $0xFFFFE000  }
0x1fb: {  	_ =	swait.ge [sflag:s8], $0x800  }
0x1fc: {  	[sflag:s8] =	ssyncset.done $0x0  }
0x1fd: {  	[sflag:s8] =	ssyncadd.s32 $0xFFFFF800  }
0x1fe: {  	_ =	swait.ge [sflag:s8], $0x800  }
0x1ff: {  	[sflag:s8] =	ssyncset.done $0x0  }
0x200: {  	[sflag:s8] =	ssyncadd.s32 $0xFFFFF800  }
0x201: {  	_ =	swait.ge [sflag:s8], $0x800  }
0x202: {  	[sflag:s8] =	ssyncset.done $0x0  }
0x203: {  	[sflag:s8] =	ssyncadd.s32 $0xFFFFF800  }
0x204: {  	_ =	swait.ge [sflag:s8], $0x800  }
0x205: {  	[sflag:s8] =	ssyncset.done $0x0  }
0x206: {  	[sflag:s8] =	ssyncadd.s32 $0xFFFFF800  }
0x207: {  	_ =	swait.ge [sflag:s8], $0x800  }
0x208: {  	[sflag:s8] =	ssyncset.done $0x0  }
0x209: {  	[sflag:s8] =	ssyncadd.s32 $0xFFFFF800  }
0x20a: {  	_ =	swait.ge [sflag:s8], $0x800  }
0x20b: {  	[sflag:s8] =	ssyncset.done $0x0  }
0x20c: {  	[sflag:s8] =	ssyncadd.s32 $0xFFFFF800  }
0x20d: {  	_ =	swait.ge [sflag:s8], $0x800  }
0x20e: {  	[sflag:s8] =	ssyncset.done $0x0  }
0x20f: {  	[sflag:s8] =	ssyncadd.s32 $0xFFFFF800  }
0x210: {  	_ =	swait.ge [sflag:s8], $0x800  }
0x211: {  	[sflag:s8] =	ssyncset.done $0x0  }
0x212: {  	[sflag:s8] =	ssyncadd.s32 $0xFFFFF800  }
0x213: {  	_ =	swait.ge [sflag:s8], $0x800  }
0x214: {  	[sflag:s8] =	ssyncset.done $0x0  }
0x215: {  	[sflag:s8] =	ssyncadd.s32 $0xFFFFF800  }
0x216: {  	_ =	swait.ge [sflag:s8], $0x800  }
0x217: {  	[sflag:s8] =	ssyncset.done $0x0  }
0x218: {  	[sflag:s8] =	ssyncadd.s32 $0xFFFFF800  }
0x219: {  	_ =	swait.ge [sflag:s8], $0x800  }
0x21a: {  	[sflag:s8] =	ssyncset.done $0x0  }
0x21b: {  	[sflag:s8] =	ssyncadd.s32 $0xFFFFF800  }
0x21c: {  	_ =	swait.ge [sflag:s8], $0x800  }
0x21d: {  	[sflag:s8] =	ssyncset.done $0x0  }
0x21e: {  	[sflag:s8] =	ssyncadd.s32 $0xFFFFF800  }
0x21f: {  	_ =	swait.ge [sflag:s8], $0x800  }
0x220: {  	[sflag:s8] =	ssyncset.done $0x0  }
0x221: {  	[sflag:s8] =	ssyncadd.s32 $0xFFFFF800  }
0x222: {  	_ =	swait.ge [sflag:s8], $0x800  }
0x223: {  	[sflag:s8] =	ssyncset.done $0x0  }
0x224: {  	[sflag:s8] =	ssyncadd.s32 $0xFFFFF800  }
0x225: {  	_ =	swait.ge [sflag:s8], $0x800  }
0x226: {  	[sflag:s8] =	ssyncset.done $0x0  }
0x227: {  	[sflag:s8] =	ssyncadd.s32 $0xFFFFF800  }
0x228: {  	_ =	swait.ge [sflag:s8], $0x800  }
0x229: {  	[sflag:s8] =	ssyncset.done $0x0  }
0x22a: {  	[sflag:s8] =	ssyncadd.s32 $0xFFFFF800  }
0x22b: {  	_ =	swait.ge [sflag:s8], $0x800  }
0x22c: {  	[sflag:s8] =	ssyncset.done $0x0  }
0x22d: {  	[sflag:s8] =	ssyncadd.s32 $0xFFFFF800  }
0x22e: {  	_ =	swait.ge [sflag:s8], $0x800  }
0x22f: {  	[sflag:s8] =	ssyncset.done $0x0  }
0x230: {  	[sflag:s8] =	ssyncadd.s32 $0xFFFFF800  }
0x231: {  	_ =	swait.ge [sflag:s8], $0x800  }
0x232: {  	[sflag:s8] =	ssyncset.done $0x0  }
0x233: {  	[sflag:s8] =	ssyncadd.s32 $0xFFFFF800  }
0x234: {  	_ =	swait.ge [sflag:s8], $0x800  }
0x235: {  	[sflag:s8] =	ssyncset.done $0x0  }
0x236: {  	[sflag:s8] =	ssyncadd.s32 $0xFFFFF800  }
0x237: {  	_ =	swait.ge [sflag:s8], $0x800  }
0x238: {  	[sflag:s8] =	ssyncset.done $0x0  }
0x239: {  	[sflag:s8] =	ssyncadd.s32 $0xFFFFF800  }
0x23a: {  	_ =	swait.ge [sflag:s8], $0x800  }
0x23b: {  	[sflag:s8] =	ssyncset.done $0x0  }
0x23c: {  	[sflag:s8] =	ssyncadd.s32 $0xFFFFF800  }
0x23d: {  	_ =	swait.ge [sflag:s8], $0x800  }
0x23e: {  	[sflag:s8] =	ssyncset.done $0x0  }
0x23f: {  	[sflag:s8] =	ssyncadd.s32 $0xFFFFF800  }
0x240: {  	_ =	swait.ge [sflag:s8], $0x800  }
0x241: {  	[sflag:s8] =	ssyncset.done $0x0  }
0x242: {  	[sflag:s8] =	ssyncadd.s32 $0xFFFFF800  }
0x243: {  	_ =	swait.ge [sflag:s8], $0x800  }
0x244: {  	[sflag:s8] =	ssyncset.done $0x0  }
0x245: {  	s20 =	simm.s32 $0x3;
	[sflag:s8] =	ssyncadd.s32 $0xFFFFF800  }
0x246: {  	_ =	swait.ge [sflag:s20], $0x20  }
0x247: {  	s0 =	sld [smem:$0x7F7]  }
0x248: {  	[sflag:s20] =	ssyncset.done $0x0  }
0x249: {  	s1 =	simm.s32 $0x0;
	s3 =	simm.s32 $0x150A0;
	[sflag:s20] =	ssyncadd.s32 $0xFFFFFFE0  }
0x24a: {  	[hbm4b:s0+s1] =	stream.linear.scatter [tilespmem:s3], [sflag:$0x14], $0x20, $0x38;
	[tilespmem:$0x18CC0] =	vst v63  }
0x24b: {  	s3 =	simm.s32 $0x14  }
0x24c: {  	_ =	swait.ge [sflag:s3], $0x20  }
0x24d: {  	[sflag:s3] =	ssyncset.done $0x0  }
0x24e: {  	[sflag:s3] =	ssyncadd.s32 $0xFFFFFFE0  }
0x24f: {  	[bflag:$0x0] =	sbarrier.arrive $0xFFFF  }
0x250: {  	s18 =	sld [smem:$0x7F3]  }
0x251: {  	s16 =	stileid.u32;
	s0 =	sld [smem:$0x7F9]  }
0x252: {  	s14 =	sshll.u32 s16, $0x6  }
0x253: {  	s14 =	sor.u32 $0x1C14, s14;
	s20 =	sshrl.u32 s18, $0x3  }
0x254: {  	[hbm:s0], [sflag:s14] =	dma.local [spmem:s20], $0x600  }
0x255: {  	_ =	swait.ge [sflag:s3], $0x600  }
0x256: {  	s16 =	sld [smem:$0x7F5]  }
0x257: {  	s0 =	sld [smem:$0x7FB]  }
0x258: {  	[sflag:s3] =	ssyncset.done $0x0  }
0x259: {  	[sflag:s3] =	ssyncadd.s32 $0xFFFFFA00;
	s18 =	sshrl.u32 s16, $0x3  }
0x25a: {  	[hbm:s0], [sflag:s14] =	dma.local [spmem:s18], $0x180  }
0x25b: {  	_ =	swait.ge [sflag:s3], $0x180  }
0x25c: {  	s14 =	sld [smem:$0x7D8];
	_ =	sdelay $0x2  }
0x25d: {  	s0 =	sadd.s32 $0x1, s14;
	s14 =	sld [smem:$0x7FD];
	_ =	sdelay $0x1  }
0x25e: {  	s19 =	simm.s32 $0x2C80  }
0x25f: {  	s10 =	simm.s32 $0x380;
	s29 =	simm.s32 $0x600;
	p0 =	sne.s32 s0, s14  }
.Ltmp2:
0x260: {  	s30 =	simm.s32 $0x680;
	s24 =	simm.s32 $0x480;
	(pc) =	sbr.rel @p0 .LBB2_1-.Ltmp2, $4  }
0x261: {  	s25 =	simm.s32 $0x500;
	s28 =	simm.s32 $0x580;
	s4 =	simm.s32 $0x300  }
0x262: {  	s31 =	simm.s32 $0x700;
	s23 =	simm.s32 $0x400;
	s20 =	simm.s32 $0x100  }
0x263: {  	s16 =	simm.s32 $0x180;
	[sflag:s3] =	ssyncset.done $0x0;
	s3 =	simm.s32 $0x14  }
0x264: {  	s18 =	simm.s32 $0x200;
	[sflag:s3] =	ssyncadd.s32 $0xFFFFFE80;
	s3 =	simm.s32 $0x280  }
0x265: {  	_ =	sfence.sel $0x180000  }
0x266: {  	[bflag:$0x0] =	sbarrier.arrive $0xFFFF  }
0x267: {  	_ =	strace $0x90000047  }
0x268: {  	s0 =	stileid.u32;
	[bflag:$0x2] =	sbarrier.arrive $0xFFFF  }
0x269: {  	p0 =	sne.s32 s0, $0x0;
	s0 =	rddreg [dreg:$0x4]  }
0x26a: {  	s0 =	sadd.s32 @!p0 $0x100000, s0  }
0x26b: {  	[sflag:s0] =	ssyncadd.tile.s32 @!p0 $0x1;
	_ =	shalt  }
.Lfunc_end2:
_tile_overlayer_lowered:
.L_overlay_start_2:
0x26c: {  	(tag) =	ssettag $0x2  }
0x26d: {  	s0 =	rddreg [dreg:$0x0];
	s2 =	stileid.u32  }
0x26e: {  	s1 =	rddreg [dreg:$0x1];
	p0 =	sne.s32 s2, $0x0  }
0x26f: {  	s3 =	rddreg [dreg:$0x2];
	[bflag:$0x3] =	sbarrier.arrive $0xFFFF;
	s2 =	simm.s32 @!p0 $0x1C14  }
0x270: {  	[timem:s3], [sflag:s2] =	dma.local @!p0 [hbm:s0], s1  }
0x271: {  	s0 =	simm.s32 @!p0 $0x14  }
0x272: {  	_ =	swait.ge @!p0 [sflag:s0], s1  }
0x273: {  	s1 =	ssub.s32 @!p0 $0x0, s1;
	[sflag:s0] =	ssyncset.done @!p0 $0x0  }
0x274: {  	[sflag:s0] =	ssyncadd.s32 @!p0 s1  }
0x275: {  	[bflag:$0x3] =	sbarrier.arrive $0xFFFF  }
0x276: {  	_ =	shalt  }

</sc_bundles>
